<compile_context>
chip_gen: v7x
topology: tpu7x:2x2x1
jax: 0.10.2.dev20260603
libtpu: 0.0.44.dev20260713+nightly
codegen_flags: <defaults>
</compile_context>

<pallas_src>
import functools

import jax
import jax.numpy as jnp
from jax import lax
from jax.experimental import pallas as pl
from jax.experimental.pallas import tpu as pltpu
from jax.experimental.pallas import tpu_sc as plsc

B, N, H = 16, 256, 16
NBOND = 20
NDIST = 512
E_TOTAL = B * N * N
PLANE = N * N
HW = H // 2


def _build_sc_kernel():
    info = plsc.get_sparse_core_info()
    NC, NS, L = info.num_cores, info.num_subcores, info.num_lanes
    NW = NC * NS
    per_w = E_TOTAL // NW
    CH = 2048
    CHR = CH // N
    n_chunks = per_w // CH
    halves = PLANE // per_w

    mesh = plsc.VectorSubcoreMesh(core_axis_name="c", subcore_axis_name="s")

    @functools.partial(
        pl.kernel,
        mesh=mesh,
        out_type=jax.ShapeDtypeStruct((B, H, N, N), jnp.float32),
        compiler_params=pltpu.CompilerParams(needs_layout_passes=False),
        scratch_types=[
            pltpu.VMEM((NBOND * H,), jnp.float32),
            pltpu.VMEM((NDIST * H,), jnp.float32),
            pltpu.VMEM((NBOND * (HW + 1),), jnp.int32),
            pltpu.VMEM((NDIST * (HW + 1),), jnp.int32),
            pltpu.VMEM((CHR, N), jnp.int32),
            pltpu.VMEM((CHR, N), jnp.int32),
            pltpu.VMEM((CHR, N), jnp.int32),
            pltpu.VMEM((CHR, N), jnp.int32),
            pltpu.VMEM((H, CHR, N), jnp.float32),
            pltpu.VMEM((H, CHR, N), jnp.float32),
            pltpu.SemaphoreType.DMA,
            pltpu.SemaphoreType.DMA,
            pltpu.SemaphoreType.DMA,
            pltpu.SemaphoreType.DMA,
        ],
    )
    def sc_kernel(adj_hbm, dist_hbm, et_hbm, dt_hbm, out_hbm,
                  et_v, dt_v, et8_v, dt8_v,
                  adj_v0, adj_v1, dist_v0, dist_v1,
                  stage0, stage1, si0, si1, so0, so1):
        wid = lax.axis_index("s") * NC + lax.axis_index("c")
        b = wid // halves
        half = wid % halves
        row_base = half * (per_w // N)
        adj_b = (adj_v0, adj_v1)
        dist_b = (dist_v0, dist_v1)
        stage_b = (stage0, stage1)
        sem_i = (si0, si1)
        sem_o = (so0, so1)

        def issue_idx(ci, s):
            gr = row_base + ci * CHR
            pltpu.async_copy(adj_hbm.at[b, pl.ds(gr, CHR), pl.ds(0, N)],
                             adj_b[s], sem_i[s])
            pltpu.async_copy(dist_hbm.at[b, pl.ds(gr, CHR), pl.ds(0, N)],
                             dist_b[s], sem_i[s])

        def wait_idx(s):
            pltpu.make_async_copy(adj_hbm.at[0, pl.ds(0, CHR), pl.ds(0, N)],
                                  adj_b[s], sem_i[s]).wait()
            pltpu.make_async_copy(dist_hbm.at[0, pl.ds(0, CHR), pl.ds(0, N)],
                                  dist_b[s], sem_i[s]).wait()

        def issue_out(ci, s):
            r0 = row_base + ci * CHR
            pltpu.async_copy(
                stage_b[s],
                out_hbm.at[b, pl.ds(0, H), pl.ds(r0, CHR), pl.ds(0, N)],
                sem_o[s])

        def wait_out(s):
            pltpu.make_async_copy(
                stage_b[s],
                out_hbm.at[0, pl.ds(0, H), pl.ds(0, CHR), pl.ds(0, N)],
                sem_o[s]).wait()

        issue_idx(0, 0)
        issue_idx(1, 1)
        pltpu.sync_copy(et_hbm, et_v)
        pltpu.sync_copy(dt_hbm, dt_v)

        lanes = lax.iota(jnp.int32, L)

        def pack_table(src_v, dst_v, n_words):
            @plsc.parallel_loop(0, n_words // L, unroll=2)
            def pack_body(j):
                widx = j * L + lanes
                lo = plsc.load_gather(src_v, [widx * 2])
                hi = plsc.load_gather(src_v, [widx * 2 + 1])
                pair = plsc.pack(lo, hi, format=plsc.PackFormat.INTERLEAVED)
                didx = (widx >> 3) * 9 + (widx & 7)
                plsc.store_scatter(dst_v, [didx], plsc.bitcast(pair, jnp.int32))

        pack_table(et_v, et8_v, NBOND * HW)
        pack_table(dt_v, dt8_v, NDIST * HW)

        MASK_HI = jnp.int32(-65536)
        BLK = N // L

        def compute(s):
            asv = adj_b[s]
            dsv = dist_b[s]
            stg = stage_b[s]

            @plsc.parallel_loop(0, CH // L, unroll=2)
            def vec_body(i):
                r = i // BLK
                c = (i % BLK) * L
                av = asv[r, pl.ds(c, L)]
                dv = dsv[r, pl.ds(c, L)]
                a8 = (av << 3) + av
                d8 = (dv << 3) + dv
                ewords = [plsc.load_gather(et8_v, [a8 + w]) for w in range(HW)]
                dwords = [plsc.load_gather(dt8_v, [d8 + w]) for w in range(HW)]
                for w in range(HW):
                    ew, dw = ewords[w], dwords[w]
                    stg[2 * w, r, pl.ds(c, L)] = (
                        plsc.bitcast(ew << 16, jnp.float32)
                        + plsc.bitcast(dw << 16, jnp.float32))
                    stg[2 * w + 1, r, pl.ds(c, L)] = (
                        plsc.bitcast(ew & MASK_HI, jnp.float32)
                        + plsc.bitcast(dw & MASK_HI, jnp.float32))

        for s in (0, 1):
            wait_idx(s)
            compute(s)
            issue_out(s, s)
            issue_idx(s + 2, s)

        def pair_body(p, carry):
            for s in (0, 1):
                ci = 2 * p + s
                wait_idx(s)
                wait_out(s)
                compute(s)
                issue_out(ci, s)
                issue_idx(ci + 2, s)
            return carry

        lax.fori_loop(1, n_chunks // 2 - 1, pair_body, 0, unroll=False)

        for s in (0, 1):
            ci = n_chunks - 2 + s
            wait_idx(s)
            wait_out(s)
            compute(s)
            issue_out(ci, s)
        for s in (0, 1):
            wait_out(s)

    return sc_kernel


def kernel(adj, distance, edge_table, dist_table):
    sc = _build_sc_kernel()
    return sc(adj, distance,
              edge_table.reshape(-1), dist_table.reshape(-1))

# --- scband reference (transcript-rebuilt; emitter-appended) ---
"""Pipeline reference for scband-attention-bias-90065464197255 (READ-ONLY COPY).

The authoritative reference and input builder live on the scoring server;
editing this copy changes nothing except your own understanding.
"""

import jax, jax.numpy as jnp
import numpy as np

B, N, H = 16, 256, 16
MAX_BOND_TYPE = 20
MAX_DISTANCE = 512


def setup_inputs(seed: int = 0) -> dict:
    key = jax.random.key(seed)
    k1, k2, k3, k4 = jax.random.split(key, 4)
    adj = jax.random.randint(k1, (B, N, N), 0, MAX_BOND_TYPE, dtype=jnp.int64 if jax.config.jax_enable_x64 else jnp.int32).astype(jnp.int32)
    distance = jax.random.randint(k2, (B, N, N), 0, MAX_DISTANCE, dtype=jnp.int32)
    edge_table = jax.random.normal(k3, (MAX_BOND_TYPE, H), dtype=jnp.float32)
    # nn.Embedding(padding_idx=0): row 0 is zero
    edge_table = edge_table.at[0].set(0.0)
    dist_table = jax.random.normal(k4, (MAX_DISTANCE, H), dtype=jnp.float32)
    return {"adj": adj, "distance": distance, "edge_table": edge_table, "dist_table": dist_table}


def reference(adj, distance, edge_table, dist_table):
    # x1 = edge_encode(adj).permute(0, 3, 1, 2)
    x1 = jnp.take(edge_table, adj, axis=0)            # [B, N, N, H]
    x1 = jnp.transpose(x1, (0, 3, 1, 2))              # [B, H, N, N]
    # x2 = distance_encode(distance).permute(0, 3, 1, 2)
    x2 = jnp.take(dist_table, distance, axis=0)       # [B, N, N, H]
    x2 = jnp.transpose(x2, (0, 3, 1, 2))              # [B, H, N, N]
    return x1 + x2

if __name__ == "__main__":
    import jax
    _d = setup_inputs()
    print(jax.jit(kernel)(*tuple(_d.values())))

</pallas_src>

<mosaic_0001>
#map = affine_map<(d0, d1) -> (0, 0, 0)>
#map1 = affine_map<(d0, d1) -> (0)>
#map2 = affine_map<(d0, d1) -> (0, 0, 0, 0)>
module attributes {stable_mosaic.version = 14 : i64} {
  func.func @sc_kernel(%arg0: i32, %arg1: i32, %arg2: memref<16x256x256xi32, #tpu.memory_space<hbm>>, %arg3: memref<16x256x256xi32, #tpu.memory_space<hbm>>, %arg4: memref<320xf32, #tpu.memory_space<hbm>>, %arg5: memref<8192xf32, #tpu.memory_space<hbm>>, %arg6: memref<16x16x256x256xf32, #tpu.memory_space<hbm>>, %arg7: memref<320xf32, #tpu.memory_space<vmem>>, %arg8: memref<8192xf32, #tpu.memory_space<vmem>>, %arg9: memref<180xi32, #tpu.memory_space<vmem>>, %arg10: memref<4608xi32, #tpu.memory_space<vmem>>, %arg11: memref<8x256xi32, #tpu.memory_space<vmem>>, %arg12: memref<8x256xi32, #tpu.memory_space<vmem>>, %arg13: memref<8x256xi32, #tpu.memory_space<vmem>>, %arg14: memref<8x256xi32, #tpu.memory_space<vmem>>, %arg15: memref<16x8x256xf32, #tpu.memory_space<vmem>>, %arg16: memref<16x8x256xf32, #tpu.memory_space<vmem>>, %arg17: memref<!tpu.dma_semaphore, #tpu.memory_space<semaphore_mem>>, %arg18: memref<!tpu.dma_semaphore, #tpu.memory_space<semaphore_mem>>, %arg19: memref<!tpu.dma_semaphore, #tpu.memory_space<semaphore_mem>>, %arg20: memref<!tpu.dma_semaphore, #tpu.memory_space<semaphore_mem>>) attributes {dimension_semantics = [#tpu.dimension_semantics<core_parallel>, #tpu.dimension_semantics<subcore_parallel>], iteration_bounds = array<i64: 2, 16>, scalar_prefetch = 0 : i64, scratch_operands = 14 : i64, tpu.core_type = #tpu.core_type<sc_vector_subcore>, window_params = [{transform_indices = #map}, {transform_indices = #map}, {transform_indices = #map1}, {transform_indices = #map1}, {transform_indices = #map2}]} {
    %mul3A = arith.constant 2 : i32
    %mul3A_0 = arith.muli %arg1, %mul3A : i32
    %add3A = arith.addi %mul3A_0, %arg0 : i32
    %jit3A = arith.constant 2 : i32
    %div3A = arith.divsi %add3A, %jit3A : i32
    %sign3A = arith.constant 0 : i32
    %sign3A_1 = arith.cmpi sgt, %add3A, %sign3A : i32
    %sign3A_2 = arith.extui %sign3A_1 : i1 to i32
    %sign3A_3 = arith.constant 0 : i32
    %sign3A_4 = arith.cmpi slt, %add3A, %sign3A_3 : i32
    %sign3A_5 = arith.extui %sign3A_4 : i1 to i32
    %sign3A_6 = arith.subi %sign3A_2, %sign3A_5 : i32
    %sign3A_7 = arith.constant 0 : i32
    %sign3A_8 = arith.cmpi sgt, %jit3A, %sign3A_7 : i32
    %sign3A_9 = arith.extui %sign3A_8 : i1 to i32
    %sign3A_10 = arith.constant 0 : i32
    %sign3A_11 = arith.cmpi slt, %jit3A, %sign3A_10 : i32
    %sign3A_12 = arith.extui %sign3A_11 : i1 to i32
    %sign3A_13 = arith.subi %sign3A_9, %sign3A_12 : i32
    %ne3A = arith.cmpi ne, %sign3A_6, %sign3A_13 : i32
    %rem3A = arith.remsi %add3A, %jit3A : i32
    %ne3A_14 = arith.constant 0 : i32
    %ne3A_15 = arith.cmpi ne, %rem3A, %ne3A_14 : i32
    %and3A = arith.andi %ne3A, %ne3A_15 : i1
    %sub3A = arith.constant 1 : i32
    %sub3A_16 = arith.subi %div3A, %sub3A : i32
    %select_n3A = arith.select %and3A, %sub3A_16, %div3A : i32
    %jit3A_17 = arith.constant 2 : i32
    %eq3A = arith.constant 0 : i32
    %eq3A_18 = arith.cmpi eq, %jit3A_17, %eq3A : i32
    %jit3A_19 = arith.constant 1 : i32
    %select_n3A_20 = arith.select %eq3A_18, %jit3A_19, %jit3A_17 : i32
    %rem3A_21 = arith.remsi %add3A, %select_n3A_20 : i32
    %ne3A_22 = arith.constant 0 : i32
    %ne3A_23 = arith.cmpi ne, %rem3A_21, %ne3A_22 : i32
    %lt3A = arith.constant 0 : i32
    %lt3A_24 = arith.cmpi slt, %rem3A_21, %lt3A : i32
    %lt3A_25 = arith.constant 0 : i32
    %lt3A_26 = arith.cmpi slt, %select_n3A_20, %lt3A_25 : i32
    %ne3A_27 = arith.xori %lt3A_24, %lt3A_26 : i1
    %and3A_28 = arith.andi %ne3A_27, %ne3A_23 : i1
    %add3A_29 = arith.addi %rem3A_21, %select_n3A_20 : i32
    %select_n3A_30 = arith.select %and3A_28, %add3A_29, %rem3A_21 : i32
    %mul3A_31 = arith.constant 128 : i32
    %mul3A_32 = arith.muli %select_n3A_30, %mul3A_31 : i32
    %add3A_33 = arith.constant 0 : i32
    %add3A_34 = arith.addi %mul3A_32, %add3A_33 : i32
    %dma_start3A = arith.constant 0 : i32
    %dma_start3A_35 = tpu.memref_slice %arg2[%select_n3A, %add3A_34, %dma_start3A] : memref<16x256x256xi32, #tpu.memory_space<hbm>> -> memref<1x8x256xi32, #tpu.memory_space<hbm>>
    %dma_start3A_36 = tpu.memref_squeeze %dma_start3A_35 : memref<1x8x256xi32, #tpu.memory_space<hbm>> -> memref<8x256xi32, #tpu.memory_space<hbm>>
    %dma_start3A_37 = arith.constant 0 : i32
    %dma_start3A_38 = tpu.memref_slice %arg2[%select_n3A, %add3A_34, %dma_start3A_37] : memref<16x256x256xi32, #tpu.memory_space<hbm>> -> memref<1x8x256xi32, #tpu.memory_space<hbm>>
    %dma_start3A_39 = tpu.memref_squeeze %dma_start3A_38 : memref<1x8x256xi32, #tpu.memory_space<hbm>> -> memref<8x256xi32, #tpu.memory_space<hbm>>
    tpu.enqueue_dma source(%dma_start3A_39 : memref<8x256xi32, #tpu.memory_space<hbm>>) target(%arg11 : memref<8x256xi32, #tpu.memory_space<vmem>>) target_semaphore(%arg17 : memref<!tpu.dma_semaphore, #tpu.memory_space<semaphore_mem>>)
    %dma_start3A_40 = arith.constant 0 : i32
    %dma_start3A_41 = tpu.memref_slice %arg3[%select_n3A, %add3A_34, %dma_start3A_40] : memref<16x256x256xi32, #tpu.memory_space<hbm>> -> memref<1x8x256xi32, #tpu.memory_space<hbm>>
    %dma_start3A_42 = tpu.memref_squeeze %dma_start3A_41 : memref<1x8x256xi32, #tpu.memory_space<hbm>> -> memref<8x256xi32, #tpu.memory_space<hbm>>
    %dma_start3A_43 = arith.constant 0 : i32
    %dma_start3A_44 = tpu.memref_slice %arg3[%select_n3A, %add3A_34, %dma_start3A_43] : memref<16x256x256xi32, #tpu.memory_space<hbm>> -> memref<1x8x256xi32, #tpu.memory_space<hbm>>
    %dma_start3A_45 = tpu.memref_squeeze %dma_start3A_44 : memref<1x8x256xi32, #tpu.memory_space<hbm>> -> memref<8x256xi32, #tpu.memory_space<hbm>>
    tpu.enqueue_dma source(%dma_start3A_45 : memref<8x256xi32, #tpu.memory_space<hbm>>) target(%arg13 : memref<8x256xi32, #tpu.memory_space<vmem>>) target_semaphore(%arg17 : memref<!tpu.dma_semaphore, #tpu.memory_space<semaphore_mem>>)
    %add3A_46 = arith.constant 8 : i32
    %add3A_47 = arith.addi %mul3A_32, %add3A_46 : i32
    %dma_start3A_48 = arith.constant 0 : i32
    %dma_start3A_49 = tpu.memref_slice %arg2[%select_n3A, %add3A_47, %dma_start3A_48] : memref<16x256x256xi32, #tpu.memory_space<hbm>> -> memref<1x8x256xi32, #tpu.memory_space<hbm>>
    %dma_start3A_50 = tpu.memref_squeeze %dma_start3A_49 : memref<1x8x256xi32, #tpu.memory_space<hbm>> -> memref<8x256xi32, #tpu.memory_space<hbm>>
    %dma_start3A_51 = arith.constant 0 : i32
    %dma_start3A_52 = tpu.memref_slice %arg2[%select_n3A, %add3A_47, %dma_start3A_51] : memref<16x256x256xi32, #tpu.memory_space<hbm>> -> memref<1x8x256xi32, #tpu.memory_space<hbm>>
    %dma_start3A_53 = tpu.memref_squeeze %dma_start3A_52 : memref<1x8x256xi32, #tpu.memory_space<hbm>> -> memref<8x256xi32, #tpu.memory_space<hbm>>
    tpu.enqueue_dma source(%dma_start3A_53 : memref<8x256xi32, #tpu.memory_space<hbm>>) target(%arg12 : memref<8x256xi32, #tpu.memory_space<vmem>>) target_semaphore(%arg18 : memref<!tpu.dma_semaphore, #tpu.memory_space<semaphore_mem>>)
    %dma_start3A_54 = arith.constant 0 : i32
    %dma_start3A_55 = tpu.memref_slice %arg3[%select_n3A, %add3A_47, %dma_start3A_54] : memref<16x256x256xi32, #tpu.memory_space<hbm>> -> memref<1x8x256xi32, #tpu.memory_space<hbm>>
    %dma_start3A_56 = tpu.memref_squeeze %dma_start3A_55 : memref<1x8x256xi32, #tpu.memory_space<hbm>> -> memref<8x256xi32, #tpu.memory_space<hbm>>
    %dma_start3A_57 = arith.constant 0 : i32
    %dma_start3A_58 = tpu.memref_slice %arg3[%select_n3A, %add3A_47, %dma_start3A_57] : memref<16x256x256xi32, #tpu.memory_space<hbm>> -> memref<1x8x256xi32, #tpu.memory_space<hbm>>
    %dma_start3A_59 = tpu.memref_squeeze %dma_start3A_58 : memref<1x8x256xi32, #tpu.memory_space<hbm>> -> memref<8x256xi32, #tpu.memory_space<hbm>>
    tpu.enqueue_dma source(%dma_start3A_59 : memref<8x256xi32, #tpu.memory_space<hbm>>) target(%arg14 : memref<8x256xi32, #tpu.memory_space<vmem>>) target_semaphore(%arg18 : memref<!tpu.dma_semaphore, #tpu.memory_space<semaphore_mem>>)
    "tpu.region"() ({
      %run_scoped3A = tpu.sem_alloc : memref<!tpu.dma_semaphore, #tpu.memory_space<semaphore_mem>>
      tpu.enqueue_dma source(%arg4 : memref<320xf32, #tpu.memory_space<hbm>>) target(%arg7 : memref<320xf32, #tpu.memory_space<vmem>>) target_semaphore(%run_scoped3A : memref<!tpu.dma_semaphore, #tpu.memory_space<semaphore_mem>>)
      tpu.wait_dma2 semaphore(%run_scoped3A : memref<!tpu.dma_semaphore, #tpu.memory_space<semaphore_mem>>) src(%arg4 : memref<320xf32, #tpu.memory_space<hbm>>) dst(%arg7 : memref<320xf32, #tpu.memory_space<vmem>>)
      tpu.yield
    }) : () -> ()
    "tpu.region"() ({
      %run_scoped3A = tpu.sem_alloc : memref<!tpu.dma_semaphore, #tpu.memory_space<semaphore_mem>>
      tpu.enqueue_dma source(%arg5 : memref<8192xf32, #tpu.memory_space<hbm>>) target(%arg8 : memref<8192xf32, #tpu.memory_space<vmem>>) target_semaphore(%run_scoped3A : memref<!tpu.dma_semaphore, #tpu.memory_space<semaphore_mem>>)
      tpu.wait_dma2 semaphore(%run_scoped3A : memref<!tpu.dma_semaphore, #tpu.memory_space<semaphore_mem>>) src(%arg5 : memref<8192xf32, #tpu.memory_space<hbm>>) dst(%arg8 : memref<8192xf32, #tpu.memory_space<vmem>>)
      tpu.yield
    }) : () -> ()
    %iota3A = tpu.iota {dimensions = array<i32: 0>} : vector<16xi32>
    %parallel_loop3A = arith.constant 0 : i32
    %parallel_loop3A_60 = arith.constant 10 : i32
    %parallel_loop3A_61 = arith.constant 1 : i32
    scf.for %parallel_loop3A_270 = %parallel_loop3A to %parallel_loop3A_60 step %parallel_loop3A_61  : i32 {
      %parallel_loop3A_271 = arith.constant 16 : i32
      %parallel_loop3A_272 = arith.muli %parallel_loop3A_270, %parallel_loop3A_271 : i32
      %parallel_loop3A_273 = vector.broadcast %parallel_loop3A_272 : i32 to vector<16xi32>
      %parallel_loop3A_274 = arith.addi %parallel_loop3A_273, %iota3A : vector<16xi32>
      %parallel_loop3A_275 = arith.constant 2 : i32
      %parallel_loop3A_276 = vector.broadcast %parallel_loop3A_275 : i32 to vector<16xi32>
      %parallel_loop3A_277 = arith.muli %parallel_loop3A_274, %parallel_loop3A_276 : vector<16xi32>
      %parallel_loop3A_278 = tpu.vector_load_idx %arg7[%parallel_loop3A_277] : memref<320xf32, #tpu.memory_space<vmem>>[vector<16xi32>], vector<16xf32>,
      %parallel_loop3A_279 = arith.constant 2 : i32
      %parallel_loop3A_280 = vector.broadcast %parallel_loop3A_279 : i32 to vector<16xi32>
      %parallel_loop3A_281 = arith.muli %parallel_loop3A_274, %parallel_loop3A_280 : vector<16xi32>
      %parallel_loop3A_282 = arith.constant 1 : i32
      %parallel_loop3A_283 = vector.broadcast %parallel_loop3A_282 : i32 to vector<16xi32>
      %parallel_loop3A_284 = arith.addi %parallel_loop3A_281, %parallel_loop3A_283 : vector<16xi32>
      %parallel_loop3A_285 = tpu.vector_load_idx %arg7[%parallel_loop3A_284] : memref<320xf32, #tpu.memory_space<vmem>>[vector<16xi32>], vector<16xf32>,
      %parallel_loop3A_286 = tpu.pack_subelements %parallel_loop3A_278, %parallel_loop3A_285 {pack_format = #tpu.pack_format<interleaved>, positions = array<i32: 0, 1>} : vector<16xf32>, vector<16xf32> -> vector<32xbf16>
      %parallel_loop3A_287 = arith.constant 3 : i32
      %parallel_loop3A_288 = vector.broadcast %parallel_loop3A_287 : i32 to vector<16xi32>
      %parallel_loop3A_289 = arith.shrsi %parallel_loop3A_274, %parallel_loop3A_288 : vector<16xi32>
      %parallel_loop3A_290 = arith.constant 9 : i32
      %parallel_loop3A_291 = vector.broadcast %parallel_loop3A_290 : i32 to vector<16xi32>
      %parallel_loop3A_292 = arith.muli %parallel_loop3A_289, %parallel_loop3A_291 : vector<16xi32>
      %parallel_loop3A_293 = arith.constant 7 : i32
      %parallel_loop3A_294 = vector.broadcast %parallel_loop3A_293 : i32 to vector<16xi32>
      %parallel_loop3A_295 = arith.andi %parallel_loop3A_274, %parallel_loop3A_294 : vector<16xi32>
      %parallel_loop3A_296 = arith.addi %parallel_loop3A_292, %parallel_loop3A_295 : vector<16xi32>
      %parallel_loop3A_297 = vector.bitcast %parallel_loop3A_286 : vector<32xbf16> to vector<16xi32>
      tpu.vector_store_idx %arg9[%parallel_loop3A_296], %parallel_loop3A_297 : memref<180xi32, #tpu.memory_space<vmem>>[vector<16xi32>], vector<16xi32>,
    } {sc.loop_unroll_factor = 2 : i64, sc.parallel_access}
    %parallel_loop3A_62 = arith.constant 0 : i32
    %parallel_loop3A_63 = arith.constant 256 : i32
    %parallel_loop3A_64 = arith.constant 1 : i32
    scf.for %parallel_loop3A_270 = %parallel_loop3A_62 to %parallel_loop3A_63 step %parallel_loop3A_64  : i32 {
      %parallel_loop3A_271 = arith.constant 16 : i32
      %parallel_loop3A_272 = arith.muli %parallel_loop3A_270, %parallel_loop3A_271 : i32
      %parallel_loop3A_273 = vector.broadcast %parallel_loop3A_272 : i32 to vector<16xi32>
      %parallel_loop3A_274 = arith.addi %parallel_loop3A_273, %iota3A : vector<16xi32>
      %parallel_loop3A_275 = arith.constant 2 : i32
      %parallel_loop3A_276 = vector.broadcast %parallel_loop3A_275 : i32 to vector<16xi32>
      %parallel_loop3A_277 = arith.muli %parallel_loop3A_274, %parallel_loop3A_276 : vector<16xi32>
      %parallel_loop3A_278 = tpu.vector_load_idx %arg8[%parallel_loop3A_277] : memref<8192xf32, #tpu.memory_space<vmem>>[vector<16xi32>], vector<16xf32>,
      %parallel_loop3A_279 = arith.constant 2 : i32
      %parallel_loop3A_280 = vector.broadcast %parallel_loop3A_279 : i32 to vector<16xi32>
      %parallel_loop3A_281 = arith.muli %parallel_loop3A_274, %parallel_loop3A_280 : vector<16xi32>
      %parallel_loop3A_282 = arith.constant 1 : i32
      %parallel_loop3A_283 = vector.broadcast %parallel_loop3A_282 : i32 to vector<16xi32>
      %parallel_loop3A_284 = arith.addi %parallel_loop3A_281, %parallel_loop3A_283 : vector<16xi32>
      %parallel_loop3A_285 = tpu.vector_load_idx %arg8[%parallel_loop3A_284] : memref<8192xf32, #tpu.memory_space<vmem>>[vector<16xi32>], vector<16xf32>,
      %parallel_loop3A_286 = tpu.pack_subelements %parallel_loop3A_278, %parallel_loop3A_285 {pack_format = #tpu.pack_format<interleaved>, positions = array<i32: 0, 1>} : vector<16xf32>, vector<16xf32> -> vector<32xbf16>
      %parallel_loop3A_287 = arith.constant 3 : i32
      %parallel_loop3A_288 = vector.broadcast %parallel_loop3A_287 : i32 to vector<16xi32>
      %parallel_loop3A_289 = arith.shrsi %parallel_loop3A_274, %parallel_loop3A_288 : vector<16xi32>
      %parallel_loop3A_290 = arith.constant 9 : i32
      %parallel_loop3A_291 = vector.broadcast %parallel_loop3A_290 : i32 to vector<16xi32>
      %parallel_loop3A_292 = arith.muli %parallel_loop3A_289, %parallel_loop3A_291 : vector<16xi32>
      %parallel_loop3A_293 = arith.constant 7 : i32
      %parallel_loop3A_294 = vector.broadcast %parallel_loop3A_293 : i32 to vector<16xi32>
      %parallel_loop3A_295 = arith.andi %parallel_loop3A_274, %parallel_loop3A_294 : vector<16xi32>
      %parallel_loop3A_296 = arith.addi %parallel_loop3A_292, %parallel_loop3A_295 : vector<16xi32>
      %parallel_loop3A_297 = vector.bitcast %parallel_loop3A_286 : vector<32xbf16> to vector<16xi32>
      tpu.vector_store_idx %arg10[%parallel_loop3A_296], %parallel_loop3A_297 : memref<4608xi32, #tpu.memory_space<vmem>>[vector<16xi32>], vector<16xi32>,
    } {sc.loop_unroll_factor = 2 : i64, sc.parallel_access}
    %dma_wait3A = arith.constant 0 : i32
    %dma_wait3A_65 = arith.constant 0 : i32
    %dma_wait3A_66 = arith.constant 0 : i32
    %dma_wait3A_67 = tpu.memref_slice %arg2[%dma_wait3A, %dma_wait3A_65, %dma_wait3A_66] : memref<16x256x256xi32, #tpu.memory_space<hbm>> -> memref<1x8x256xi32, #tpu.memory_space<hbm>>
    %dma_wait3A_68 = tpu.memref_squeeze %dma_wait3A_67 : memref<1x8x256xi32, #tpu.memory_space<hbm>> -> memref<8x256xi32, #tpu.memory_space<hbm>>
    %dma_wait3A_69 = arith.constant 0 : i32
    %dma_wait3A_70 = arith.constant 0 : i32
    %dma_wait3A_71 = tpu.memref_slice %arg2[%dma_wait3A, %dma_wait3A_69, %dma_wait3A_70] : memref<16x256x256xi32, #tpu.memory_space<hbm>> -> memref<1x8x256xi32, #tpu.memory_space<hbm>>
    %dma_wait3A_72 = tpu.memref_squeeze %dma_wait3A_71 : memref<1x8x256xi32, #tpu.memory_space<hbm>> -> memref<8x256xi32, #tpu.memory_space<hbm>>
    tpu.wait_dma2 semaphore(%arg17 : memref<!tpu.dma_semaphore, #tpu.memory_space<semaphore_mem>>) src(%dma_wait3A_72 : memref<8x256xi32, #tpu.memory_space<hbm>>) dst(%arg11 : memref<8x256xi32, #tpu.memory_space<vmem>>)
    %dma_wait3A_73 = arith.constant 0 : i32
    %dma_wait3A_74 = arith.constant 0 : i32
    %dma_wait3A_75 = arith.constant 0 : i32
    %dma_wait3A_76 = tpu.memref_slice %arg3[%dma_wait3A_73, %dma_wait3A_74, %dma_wait3A_75] : memref<16x256x256xi32, #tpu.memory_space<hbm>> -> memref<1x8x256xi32, #tpu.memory_space<hbm>>
    %dma_wait3A_77 = tpu.memref_squeeze %dma_wait3A_76 : memref<1x8x256xi32, #tpu.memory_space<hbm>> -> memref<8x256xi32, #tpu.memory_space<hbm>>
    %dma_wait3A_78 = arith.constant 0 : i32
    %dma_wait3A_79 = arith.constant 0 : i32
    %dma_wait3A_80 = tpu.memref_slice %arg3[%dma_wait3A_73, %dma_wait3A_78, %dma_wait3A_79] : memref<16x256x256xi32, #tpu.memory_space<hbm>> -> memref<1x8x256xi32, #tpu.memory_space<hbm>>
    %dma_wait3A_81 = tpu.memref_squeeze %dma_wait3A_80 : memref<1x8x256xi32, #tpu.memory_space<hbm>> -> memref<8x256xi32, #tpu.memory_space<hbm>>
    tpu.wait_dma2 semaphore(%arg17 : memref<!tpu.dma_semaphore, #tpu.memory_space<semaphore_mem>>) src(%dma_wait3A_81 : memref<8x256xi32, #tpu.memory_space<hbm>>) dst(%arg13 : memref<8x256xi32, #tpu.memory_space<vmem>>)
    %parallel_loop3A_82 = arith.constant 0 : i32
    %parallel_loop3A_83 = arith.constant 128 : i32
    %parallel_loop3A_84 = arith.constant 1 : i32
    %parallel_loop3A_85 = arith.constant -65536 : i32
    scf.for %parallel_loop3A_270 = %parallel_loop3A_82 to %parallel_loop3A_83 step %parallel_loop3A_84  : i32 {
      %parallel_loop3A_271 = arith.constant 16 : i32
      %parallel_loop3A_272 = arith.divsi %parallel_loop3A_270, %parallel_loop3A_271 : i32
      %parallel_loop3A_273 = arith.constant 0 : i32
      %parallel_loop3A_274 = arith.cmpi sgt, %parallel_loop3A_270, %parallel_loop3A_273 : i32
      %parallel_loop3A_275 = arith.extui %parallel_loop3A_274 : i1 to i32
      %parallel_loop3A_276 = arith.constant 0 : i32
      %parallel_loop3A_277 = arith.cmpi slt, %parallel_loop3A_270, %parallel_loop3A_276 : i32
      %parallel_loop3A_278 = arith.extui %parallel_loop3A_277 : i1 to i32
      %parallel_loop3A_279 = arith.subi %parallel_loop3A_275, %parallel_loop3A_278 : i32
      %parallel_loop3A_280 = arith.constant 0 : i32
      %parallel_loop3A_281 = arith.cmpi sgt, %parallel_loop3A_271, %parallel_loop3A_280 : i32
      %parallel_loop3A_282 = arith.extui %parallel_loop3A_281 : i1 to i32
      %parallel_loop3A_283 = arith.constant 0 : i32
      %parallel_loop3A_284 = arith.cmpi slt, %parallel_loop3A_271, %parallel_loop3A_283 : i32
      %parallel_loop3A_285 = arith.extui %parallel_loop3A_284 : i1 to i32
      %parallel_loop3A_286 = arith.subi %parallel_loop3A_282, %parallel_loop3A_285 : i32
      %parallel_loop3A_287 = arith.cmpi ne, %parallel_loop3A_279, %parallel_loop3A_286 : i32
      %parallel_loop3A_288 = arith.remsi %parallel_loop3A_270, %parallel_loop3A_271 : i32
      %parallel_loop3A_289 = arith.constant 0 : i32
      %parallel_loop3A_290 = arith.cmpi ne, %parallel_loop3A_288, %parallel_loop3A_289 : i32
      %parallel_loop3A_291 = arith.andi %parallel_loop3A_287, %parallel_loop3A_290 : i1
      %parallel_loop3A_292 = arith.constant 1 : i32
      %parallel_loop3A_293 = arith.subi %parallel_loop3A_272, %parallel_loop3A_292 : i32
      %parallel_loop3A_294 = arith.select %parallel_loop3A_291, %parallel_loop3A_293, %parallel_loop3A_272 : i32
      %parallel_loop3A_295 = arith.constant 16 : i32
      %parallel_loop3A_296 = arith.constant 0 : i32
      %parallel_loop3A_297 = arith.cmpi eq, %parallel_loop3A_295, %parallel_loop3A_296 : i32
      %parallel_loop3A_298 = arith.constant 1 : i32
      %parallel_loop3A_299 = arith.select %parallel_loop3A_297, %parallel_loop3A_298, %parallel_loop3A_295 : i32
      %parallel_loop3A_300 = arith.remsi %parallel_loop3A_270, %parallel_loop3A_299 : i32
      %parallel_loop3A_301 = arith.constant 0 : i32
      %parallel_loop3A_302 = arith.cmpi ne, %parallel_loop3A_300, %parallel_loop3A_301 : i32
      %parallel_loop3A_303 = arith.constant 0 : i32
      %parallel_loop3A_304 = arith.cmpi slt, %parallel_loop3A_300, %parallel_loop3A_303 : i32
      %parallel_loop3A_305 = arith.constant 0 : i32
      %parallel_loop3A_306 = arith.cmpi slt, %parallel_loop3A_299, %parallel_loop3A_305 : i32
      %parallel_loop3A_307 = arith.xori %parallel_loop3A_304, %parallel_loop3A_306 : i1
      %parallel_loop3A_308 = arith.andi %parallel_loop3A_307, %parallel_loop3A_302 : i1
      %parallel_loop3A_309 = arith.addi %parallel_loop3A_300, %parallel_loop3A_299 : i32
      %parallel_loop3A_310 = arith.select %parallel_loop3A_308, %parallel_loop3A_309, %parallel_loop3A_300 : i32
      %parallel_loop3A_311 = arith.constant 16 : i32
      %parallel_loop3A_312 = arith.muli %parallel_loop3A_310, %parallel_loop3A_311 : i32
      %parallel_loop3A_313 = arith.index_cast %parallel_loop3A_294 : i32 to index
      %parallel_loop3A_314 = arith.index_cast %parallel_loop3A_312 : i32 to index
      %parallel_loop3A_315 = tpu.vector_load %arg11[%parallel_loop3A_313, %parallel_loop3A_314] {strides = array<i32>} : memref<8x256xi32, #tpu.memory_space<vmem>>, vector<16xi32>,
      %parallel_loop3A_316 = arith.index_cast %parallel_loop3A_294 : i32 to index
      %parallel_loop3A_317 = arith.index_cast %parallel_loop3A_312 : i32 to index
      %parallel_loop3A_318 = tpu.vector_load %arg13[%parallel_loop3A_316, %parallel_loop3A_317] {strides = array<i32>} : memref<8x256xi32, #tpu.memory_space<vmem>>, vector<16xi32>,
      %parallel_loop3A_319 = arith.constant 3 : i32
      %parallel_loop3A_320 = vector.broadcast %parallel_loop3A_319 : i32 to vector<16xi32>
      %parallel_loop3A_321 = arith.shli %parallel_loop3A_315, %parallel_loop3A_320 : vector<16xi32>
      %parallel_loop3A_322 = arith.addi %parallel_loop3A_321, %parallel_loop3A_315 : vector<16xi32>
      %parallel_loop3A_323 = arith.constant 3 : i32
      %parallel_loop3A_324 = vector.broadcast %parallel_loop3A_323 : i32 to vector<16xi32>
      %parallel_loop3A_325 = arith.shli %parallel_loop3A_318, %parallel_loop3A_324 : vector<16xi32>
      %parallel_loop3A_326 = arith.addi %parallel_loop3A_325, %parallel_loop3A_318 : vector<16xi32>
      %parallel_loop3A_327 = arith.constant 0 : i32
      %parallel_loop3A_328 = vector.broadcast %parallel_loop3A_327 : i32 to vector<16xi32>
      %parallel_loop3A_329 = arith.addi %parallel_loop3A_322, %parallel_loop3A_328 : vector<16xi32>
      %parallel_loop3A_330 = tpu.vector_load_idx %arg9[%parallel_loop3A_329] : memref<180xi32, #tpu.memory_space<vmem>>[vector<16xi32>], vector<16xi32>,
      %parallel_loop3A_331 = arith.constant 1 : i32
      %parallel_loop3A_332 = vector.broadcast %parallel_loop3A_331 : i32 to vector<16xi32>
      %parallel_loop3A_333 = arith.addi %parallel_loop3A_322, %parallel_loop3A_332 : vector<16xi32>
      %parallel_loop3A_334 = tpu.vector_load_idx %arg9[%parallel_loop3A_333] : memref<180xi32, #tpu.memory_space<vmem>>[vector<16xi32>], vector<16xi32>,
      %parallel_loop3A_335 = arith.constant 2 : i32
      %parallel_loop3A_336 = vector.broadcast %parallel_loop3A_335 : i32 to vector<16xi32>
      %parallel_loop3A_337 = arith.addi %parallel_loop3A_322, %parallel_loop3A_336 : vector<16xi32>
      %parallel_loop3A_338 = tpu.vector_load_idx %arg9[%parallel_loop3A_337] : memref<180xi32, #tpu.memory_space<vmem>>[vector<16xi32>], vector<16xi32>,
      %parallel_loop3A_339 = arith.constant 3 : i32
      %parallel_loop3A_340 = vector.broadcast %parallel_loop3A_339 : i32 to vector<16xi32>
      %parallel_loop3A_341 = arith.addi %parallel_loop3A_322, %parallel_loop3A_340 : vector<16xi32>
      %parallel_loop3A_342 = tpu.vector_load_idx %arg9[%parallel_loop3A_341] : memref<180xi32, #tpu.memory_space<vmem>>[vector<16xi32>], vector<16xi32>,
      %parallel_loop3A_343 = arith.constant 4 : i32
      %parallel_loop3A_344 = vector.broadcast %parallel_loop3A_343 : i32 to vector<16xi32>
      %parallel_loop3A_345 = arith.addi %parallel_loop3A_322, %parallel_loop3A_344 : vector<16xi32>
      %parallel_loop3A_346 = tpu.vector_load_idx %arg9[%parallel_loop3A_345] : memref<180xi32, #tpu.memory_space<vmem>>[vector<16xi32>], vector<16xi32>,
      %parallel_loop3A_347 = arith.constant 5 : i32
      %parallel_loop3A_348 = vector.broadcast %parallel_loop3A_347 : i32 to vector<16xi32>
      %parallel_loop3A_349 = arith.addi %parallel_loop3A_322, %parallel_loop3A_348 : vector<16xi32>
      %parallel_loop3A_350 = tpu.vector_load_idx %arg9[%parallel_loop3A_349] : memref<180xi32, #tpu.memory_space<vmem>>[vector<16xi32>], vector<16xi32>,
      %parallel_loop3A_351 = arith.constant 6 : i32
      %parallel_loop3A_352 = vector.broadcast %parallel_loop3A_351 : i32 to vector<16xi32>
      %parallel_loop3A_353 = arith.addi %parallel_loop3A_322, %parallel_loop3A_352 : vector<16xi32>
      %parallel_loop3A_354 = tpu.vector_load_idx %arg9[%parallel_loop3A_353] : memref<180xi32, #tpu.memory_space<vmem>>[vector<16xi32>], vector<16xi32>,
      %parallel_loop3A_355 = arith.constant 7 : i32
      %parallel_loop3A_356 = vector.broadcast %parallel_loop3A_355 : i32 to vector<16xi32>
      %parallel_loop3A_357 = arith.addi %parallel_loop3A_322, %parallel_loop3A_356 : vector<16xi32>
      %parallel_loop3A_358 = tpu.vector_load_idx %arg9[%parallel_loop3A_357] : memref<180xi32, #tpu.memory_space<vmem>>[vector<16xi32>], vector<16xi32>,
      %parallel_loop3A_359 = arith.constant 0 : i32
      %parallel_loop3A_360 = vector.broadcast %parallel_loop3A_359 : i32 to vector<16xi32>
      %parallel_loop3A_361 = arith.addi %parallel_loop3A_326, %parallel_loop3A_360 : vector<16xi32>
      %parallel_loop3A_362 = tpu.vector_load_idx %arg10[%parallel_loop3A_361] : memref<4608xi32, #tpu.memory_space<vmem>>[vector<16xi32>], vector<16xi32>,
      %parallel_loop3A_363 = arith.constant 1 : i32
      %parallel_loop3A_364 = vector.broadcast %parallel_loop3A_363 : i32 to vector<16xi32>
      %parallel_loop3A_365 = arith.addi %parallel_loop3A_326, %parallel_loop3A_364 : vector<16xi32>
      %parallel_loop3A_366 = tpu.vector_load_idx %arg10[%parallel_loop3A_365] : memref<4608xi32, #tpu.memory_space<vmem>>[vector<16xi32>], vector<16xi32>,
      %parallel_loop3A_367 = arith.constant 2 : i32
      %parallel_loop3A_368 = vector.broadcast %parallel_loop3A_367 : i32 to vector<16xi32>
      %parallel_loop3A_369 = arith.addi %parallel_loop3A_326, %parallel_loop3A_368 : vector<16xi32>
      %parallel_loop3A_370 = tpu.vector_load_idx %arg10[%parallel_loop3A_369] : memref<4608xi32, #tpu.memory_space<vmem>>[vector<16xi32>], vector<16xi32>,
      %parallel_loop3A_371 = arith.constant 3 : i32
      %parallel_loop3A_372 = vector.broadcast %parallel_loop3A_371 : i32 to vector<16xi32>
      %parallel_loop3A_373 = arith.addi %parallel_loop3A_326, %parallel_loop3A_372 : vector<16xi32>
      %parallel_loop3A_374 = tpu.vector_load_idx %arg10[%parallel_loop3A_373] : memref<4608xi32, #tpu.memory_space<vmem>>[vector<16xi32>], vector<16xi32>,
      %parallel_loop3A_375 = arith.constant 4 : i32
      %parallel_loop3A_376 = vector.broadcast %parallel_loop3A_375 : i32 to vector<16xi32>
      %parallel_loop3A_377 = arith.addi %parallel_loop3A_326, %parallel_loop3A_376 : vector<16xi32>
      %parallel_loop3A_378 = tpu.vector_load_idx %arg10[%parallel_loop3A_377] : memref<4608xi32, #tpu.memory_space<vmem>>[vector<16xi32>], vector<16xi32>,
      %parallel_loop3A_379 = arith.constant 5 : i32
      %parallel_loop3A_380 = vector.broadcast %parallel_loop3A_379 : i32 to vector<16xi32>
      %parallel_loop3A_381 = arith.addi %parallel_loop3A_326, %parallel_loop3A_380 : vector<16xi32>
      %parallel_loop3A_382 = tpu.vector_load_idx %arg10[%parallel_loop3A_381] : memref<4608xi32, #tpu.memory_space<vmem>>[vector<16xi32>], vector<16xi32>,
      %parallel_loop3A_383 = arith.constant 6 : i32
      %parallel_loop3A_384 = vector.broadcast %parallel_loop3A_383 : i32 to vector<16xi32>
      %parallel_loop3A_385 = arith.addi %parallel_loop3A_326, %parallel_loop3A_384 : vector<16xi32>
      %parallel_loop3A_386 = tpu.vector_load_idx %arg10[%parallel_loop3A_385] : memref<4608xi32, #tpu.memory_space<vmem>>[vector<16xi32>], vector<16xi32>,
      %parallel_loop3A_387 = arith.constant 7 : i32
      %parallel_loop3A_388 = vector.broadcast %parallel_loop3A_387 : i32 to vector<16xi32>
      %parallel_loop3A_389 = arith.addi %parallel_loop3A_326, %parallel_loop3A_388 : vector<16xi32>
      %parallel_loop3A_390 = tpu.vector_load_idx %arg10[%parallel_loop3A_389] : memref<4608xi32, #tpu.memory_space<vmem>>[vector<16xi32>], vector<16xi32>,
      %parallel_loop3A_391 = arith.constant 16 : i32
      %parallel_loop3A_392 = vector.broadcast %parallel_loop3A_391 : i32 to vector<16xi32>
      %parallel_loop3A_393 = arith.shli %parallel_loop3A_330, %parallel_loop3A_392 : vector<16xi32>
      %parallel_loop3A_394 = vector.bitcast %parallel_loop3A_393 : vector<16xi32> to vector<16xf32>
      %parallel_loop3A_395 = arith.constant 16 : i32
      %parallel_loop3A_396 = vector.broadcast %parallel_loop3A_395 : i32 to vector<16xi32>
      %parallel_loop3A_397 = arith.shli %parallel_loop3A_362, %parallel_loop3A_396 : vector<16xi32>
      %parallel_loop3A_398 = vector.bitcast %parallel_loop3A_397 : vector<16xi32> to vector<16xf32>
      %parallel_loop3A_399 = arith.addf %parallel_loop3A_394, %parallel_loop3A_398 : vector<16xf32>
      %parallel_loop3A_400 = arith.constant 0 : i32
      %parallel_loop3A_401 = arith.index_cast %parallel_loop3A_400 : i32 to index
      %parallel_loop3A_402 = arith.index_cast %parallel_loop3A_294 : i32 to index
      %parallel_loop3A_403 = arith.index_cast %parallel_loop3A_312 : i32 to index
      %parallel_loop3A_404 = tpu.vector_load %arg15[%parallel_loop3A_401, %parallel_loop3A_402, %parallel_loop3A_403] {strides = array<i32>} : memref<16x8x256xf32, #tpu.memory_space<vmem>>, vector<16xf32>,
      tpu.vector_store %arg15[%parallel_loop3A_401, %parallel_loop3A_402, %parallel_loop3A_403], %parallel_loop3A_399 {strides = array<i32>} : memref<16x8x256xf32, #tpu.memory_space<vmem>>, vector<16xf32>,
      %parallel_loop3A_405 = vector.broadcast %parallel_loop3A_85 : i32 to vector<16xi32>
      %parallel_loop3A_406 = arith.andi %parallel_loop3A_330, %parallel_loop3A_405 : vector<16xi32>
      %parallel_loop3A_407 = vector.bitcast %parallel_loop3A_406 : vector<16xi32> to vector<16xf32>
      %parallel_loop3A_408 = vector.broadcast %parallel_loop3A_85 : i32 to vector<16xi32>
      %parallel_loop3A_409 = arith.andi %parallel_loop3A_362, %parallel_loop3A_408 : vector<16xi32>
      %parallel_loop3A_410 = vector.bitcast %parallel_loop3A_409 : vector<16xi32> to vector<16xf32>
      %parallel_loop3A_411 = arith.addf %parallel_loop3A_407, %parallel_loop3A_410 : vector<16xf32>
      %parallel_loop3A_412 = arith.constant 1 : i32
      %parallel_loop3A_413 = arith.index_cast %parallel_loop3A_412 : i32 to index
      %parallel_loop3A_414 = arith.index_cast %parallel_loop3A_294 : i32 to index
      %parallel_loop3A_415 = arith.index_cast %parallel_loop3A_312 : i32 to index
      %parallel_loop3A_416 = tpu.vector_load %arg15[%parallel_loop3A_413, %parallel_loop3A_414, %parallel_loop3A_415] {strides = array<i32>} : memref<16x8x256xf32, #tpu.memory_space<vmem>>, vector<16xf32>,
      tpu.vector_store %arg15[%parallel_loop3A_413, %parallel_loop3A_414, %parallel_loop3A_415], %parallel_loop3A_411 {strides = array<i32>} : memref<16x8x256xf32, #tpu.memory_space<vmem>>, vector<16xf32>,
      %parallel_loop3A_417 = arith.constant 16 : i32
      %parallel_loop3A_418 = vector.broadcast %parallel_loop3A_417 : i32 to vector<16xi32>
      %parallel_loop3A_419 = arith.shli %parallel_loop3A_334, %parallel_loop3A_418 : vector<16xi32>
      %parallel_loop3A_420 = vector.bitcast %parallel_loop3A_419 : vector<16xi32> to vector<16xf32>
      %parallel_loop3A_421 = arith.constant 16 : i32
      %parallel_loop3A_422 = vector.broadcast %parallel_loop3A_421 : i32 to vector<16xi32>
      %parallel_loop3A_423 = arith.shli %parallel_loop3A_366, %parallel_loop3A_422 : vector<16xi32>
      %parallel_loop3A_424 = vector.bitcast %parallel_loop3A_423 : vector<16xi32> to vector<16xf32>
      %parallel_loop3A_425 = arith.addf %parallel_loop3A_420, %parallel_loop3A_424 : vector<16xf32>
      %parallel_loop3A_426 = arith.constant 2 : i32
      %parallel_loop3A_427 = arith.index_cast %parallel_loop3A_426 : i32 to index
      %parallel_loop3A_428 = arith.index_cast %parallel_loop3A_294 : i32 to index
      %parallel_loop3A_429 = arith.index_cast %parallel_loop3A_312 : i32 to index
      %parallel_loop3A_430 = tpu.vector_load %arg15[%parallel_loop3A_427, %parallel_loop3A_428, %parallel_loop3A_429] {strides = array<i32>} : memref<16x8x256xf32, #tpu.memory_space<vmem>>, vector<16xf32>,
      tpu.vector_store %arg15[%parallel_loop3A_427, %parallel_loop3A_428, %parallel_loop3A_429], %parallel_loop3A_425 {strides = array<i32>} : memref<16x8x256xf32, #tpu.memory_space<vmem>>, vector<16xf32>,
      %parallel_loop3A_431 = vector.broadcast %parallel_loop3A_85 : i32 to vector<16xi32>
      %parallel_loop3A_432 = arith.andi %parallel_loop3A_334, %parallel_loop3A_431 : vector<16xi32>
      %parallel_loop3A_433 = vector.bitcast %parallel_loop3A_432 : vector<16xi32> to vector<16xf32>
      %parallel_loop3A_434 = vector.broadcast %parallel_loop3A_85 : i32 to vector<16xi32>
      %parallel_loop3A_435 = arith.andi %parallel_loop3A_366, %parallel_loop3A_434 : vector<16xi32>
      %parallel_loop3A_436 = vector.bitcast %parallel_loop3A_435 : vector<16xi32> to vector<16xf32>
      %parallel_loop3A_437 = arith.addf %parallel_loop3A_433, %parallel_loop3A_436 : vector<16xf32>
      %parallel_loop3A_438 = arith.constant 3 : i32
      %parallel_loop3A_439 = arith.index_cast %parallel_loop3A_438 : i32 to index
      %parallel_loop3A_440 = arith.index_cast %parallel_loop3A_294 : i32 to index
      %parallel_loop3A_441 = arith.index_cast %parallel_loop3A_312 : i32 to index
      %parallel_loop3A_442 = tpu.vector_load %arg15[%parallel_loop3A_439, %parallel_loop3A_440, %parallel_loop3A_441] {strides = array<i32>} : memref<16x8x256xf32, #tpu.memory_space<vmem>>, vector<16xf32>,
      tpu.vector_store %arg15[%parallel_loop3A_439, %parallel_loop3A_440, %parallel_loop3A_441], %parallel_loop3A_437 {strides = array<i32>} : memref<16x8x256xf32, #tpu.memory_space<vmem>>, vector<16xf32>,
      %parallel_loop3A_443 = arith.constant 16 : i32
      %parallel_loop3A_444 = vector.broadcast %parallel_loop3A_443 : i32 to vector<16xi32>
      %parallel_loop3A_445 = arith.shli %parallel_loop3A_338, %parallel_loop3A_444 : vector<16xi32>
      %parallel_loop3A_446 = vector.bitcast %parallel_loop3A_445 : vector<16xi32> to vector<16xf32>
      %parallel_loop3A_447 = arith.constant 16 : i32
      %parallel_loop3A_448 = vector.broadcast %parallel_loop3A_447 : i32 to vector<16xi32>
      %parallel_loop3A_449 = arith.shli %parallel_loop3A_370, %parallel_loop3A_448 : vector<16xi32>
      %parallel_loop3A_450 = vector.bitcast %parallel_loop3A_449 : vector<16xi32> to vector<16xf32>
      %parallel_loop3A_451 = arith.addf %parallel_loop3A_446, %parallel_loop3A_450 : vector<16xf32>
      %parallel_loop3A_452 = arith.constant 4 : i32
      %parallel_loop3A_453 = arith.index_cast %parallel_loop3A_452 : i32 to index
      %parallel_loop3A_454 = arith.index_cast %parallel_loop3A_294 : i32 to index
      %parallel_loop3A_455 = arith.index_cast %parallel_loop3A_312 : i32 to index
      %parallel_loop3A_456 = tpu.vector_load %arg15[%parallel_loop3A_453, %parallel_loop3A_454, %parallel_loop3A_455] {strides = array<i32>} : memref<16x8x256xf32, #tpu.memory_space<vmem>>, vector<16xf32>,
      tpu.vector_store %arg15[%parallel_loop3A_453, %parallel_loop3A_454, %parallel_loop3A_455], %parallel_loop3A_451 {strides = array<i32>} : memref<16x8x256xf32, #tpu.memory_space<vmem>>, vector<16xf32>,
      %parallel_loop3A_457 = vector.broadcast %parallel_loop3A_85 : i32 to vector<16xi32>
      %parallel_loop3A_458 = arith.andi %parallel_loop3A_338, %parallel_loop3A_457 : vector<16xi32>
      %parallel_loop3A_459 = vector.bitcast %parallel_loop3A_458 : vector<16xi32> to vector<16xf32>
      %parallel_loop3A_460 = vector.broadcast %parallel_loop3A_85 : i32 to vector<16xi32>
      %parallel_loop3A_461 = arith.andi %parallel_loop3A_370, %parallel_loop3A_460 : vector<16xi32>
      %parallel_loop3A_462 = vector.bitcast %parallel_loop3A_461 : vector<16xi32> to vector<16xf32>
      %parallel_loop3A_463 = arith.addf %parallel_loop3A_459, %parallel_loop3A_462 : vector<16xf32>
      %parallel_loop3A_464 = arith.constant 5 : i32
      %parallel_loop3A_465 = arith.index_cast %parallel_loop3A_464 : i32 to index
      %parallel_loop3A_466 = arith.index_cast %parallel_loop3A_294 : i32 to index
      %parallel_loop3A_467 = arith.index_cast %parallel_loop3A_312 : i32 to index
      %parallel_loop3A_468 = tpu.vector_load %arg15[%parallel_loop3A_465, %parallel_loop3A_466, %parallel_loop3A_467] {strides = array<i32>} : memref<16x8x256xf32, #tpu.memory_space<vmem>>, vector<16xf32>,
      tpu.vector_store %arg15[%parallel_loop3A_465, %parallel_loop3A_466, %parallel_loop3A_467], %parallel_loop3A_463 {strides = array<i32>} : memref<16x8x256xf32, #tpu.memory_space<vmem>>, vector<16xf32>,
      %parallel_loop3A_469 = arith.constant 16 : i32
      %parallel_loop3A_470 = vector.broadcast %parallel_loop3A_469 : i32 to vector<16xi32>
      %parallel_loop3A_471 = arith.shli %parallel_loop3A_342, %parallel_loop3A_470 : vector<16xi32>
      %parallel_loop3A_472 = vector.bitcast %parallel_loop3A_471 : vector<16xi32> to vector<16xf32>
      %parallel_loop3A_473 = arith.constant 16 : i32
      %parallel_loop3A_474 = vector.broadcast %parallel_loop3A_473 : i32 to vector<16xi32>
      %parallel_loop3A_475 = arith.shli %parallel_loop3A_374, %parallel_loop3A_474 : vector<16xi32>
      %parallel_loop3A_476 = vector.bitcast %parallel_loop3A_475 : vector<16xi32> to vector<16xf32>
      %parallel_loop3A_477 = arith.addf %parallel_loop3A_472, %parallel_loop3A_476 : vector<16xf32>
      %parallel_loop3A_478 = arith.constant 6 : i32
      %parallel_loop3A_479 = arith.index_cast %parallel_loop3A_478 : i32 to index
      %parallel_loop3A_480 = arith.index_cast %parallel_loop3A_294 : i32 to index
      %parallel_loop3A_481 = arith.index_cast %parallel_loop3A_312 : i32 to index
      %parallel_loop3A_482 = tpu.vector_load %arg15[%parallel_loop3A_479, %parallel_loop3A_480, %parallel_loop3A_481] {strides = array<i32>} : memref<16x8x256xf32, #tpu.memory_space<vmem>>, vector<16xf32>,
      tpu.vector_store %arg15[%parallel_loop3A_479, %parallel_loop3A_480, %parallel_loop3A_481], %parallel_loop3A_477 {strides = array<i32>} : memref<16x8x256xf32, #tpu.memory_space<vmem>>, vector<16xf32>,
      %parallel_loop3A_483 = vector.broadcast %parallel_loop3A_85 : i32 to vector<16xi32>
      %parallel_loop3A_484 = arith.andi %parallel_loop3A_342, %parallel_loop3A_483 : vector<16xi32>
      %parallel_loop3A_485 = vector.bitcast %parallel_loop3A_484 : vector<16xi32> to vector<16xf32>
      %parallel_loop3A_486 = vector.broadcast %parallel_loop3A_85 : i32 to vector<16xi32>
      %parallel_loop3A_487 = arith.andi %parallel_loop3A_374, %parallel_loop3A_486 : vector<16xi32>
      %parallel_loop3A_488 = vector.bitcast %parallel_loop3A_487 : vector<16xi32> to vector<16xf32>
      %parallel_loop3A_489 = arith.addf %parallel_loop3A_485, %parallel_loop3A_488 : vector<16xf32>
      %parallel_loop3A_490 = arith.constant 7 : i32
      %parallel_loop3A_491 = arith.index_cast %parallel_loop3A_490 : i32 to index
      %parallel_loop3A_492 = arith.index_cast %parallel_loop3A_294 : i32 to index
      %parallel_loop3A_493 = arith.index_cast %parallel_loop3A_312 : i32 to index
      %parallel_loop3A_494 = tpu.vector_load %arg15[%parallel_loop3A_491, %parallel_loop3A_492, %parallel_loop3A_493] {strides = array<i32>} : memref<16x8x256xf32, #tpu.memory_space<vmem>>, vector<16xf32>,
      tpu.vector_store %arg15[%parallel_loop3A_491, %parallel_loop3A_492, %parallel_loop3A_493], %parallel_loop3A_489 {strides = array<i32>} : memref<16x8x256xf32, #tpu.memory_space<vmem>>, vector<16xf32>,
      %parallel_loop3A_495 = arith.constant 16 : i32
      %parallel_loop3A_496 = vector.broadcast %parallel_loop3A_495 : i32 to vector<16xi32>
      %parallel_loop3A_497 = arith.shli %parallel_loop3A_346, %parallel_loop3A_496 : vector<16xi32>
      %parallel_loop3A_498 = vector.bitcast %parallel_loop3A_497 : vector<16xi32> to vector<16xf32>
      %parallel_loop3A_499 = arith.constant 16 : i32
      %parallel_loop3A_500 = vector.broadcast %parallel_loop3A_499 : i32 to vector<16xi32>
      %parallel_loop3A_501 = arith.shli %parallel_loop3A_378, %parallel_loop3A_500 : vector<16xi32>
      %parallel_loop3A_502 = vector.bitcast %parallel_loop3A_501 : vector<16xi32> to vector<16xf32>
      %parallel_loop3A_503 = arith.addf %parallel_loop3A_498, %parallel_loop3A_502 : vector<16xf32>
      %parallel_loop3A_504 = arith.constant 8 : i32
      %parallel_loop3A_505 = arith.index_cast %parallel_loop3A_504 : i32 to index
      %parallel_loop3A_506 = arith.index_cast %parallel_loop3A_294 : i32 to index
      %parallel_loop3A_507 = arith.index_cast %parallel_loop3A_312 : i32 to index
      %parallel_loop3A_508 = tpu.vector_load %arg15[%parallel_loop3A_505, %parallel_loop3A_506, %parallel_loop3A_507] {strides = array<i32>} : memref<16x8x256xf32, #tpu.memory_space<vmem>>, vector<16xf32>,
      tpu.vector_store %arg15[%parallel_loop3A_505, %parallel_loop3A_506, %parallel_loop3A_507], %parallel_loop3A_503 {strides = array<i32>} : memref<16x8x256xf32, #tpu.memory_space<vmem>>, vector<16xf32>,
      %parallel_loop3A_509 = vector.broadcast %parallel_loop3A_85 : i32 to vector<16xi32>
      %parallel_loop3A_510 = arith.andi %parallel_loop3A_346, %parallel_loop3A_509 : vector<16xi32>
      %parallel_loop3A_511 = vector.bitcast %parallel_loop3A_510 : vector<16xi32> to vector<16xf32>
      %parallel_loop3A_512 = vector.broadcast %parallel_loop3A_85 : i32 to vector<16xi32>
      %parallel_loop3A_513 = arith.andi %parallel_loop3A_378, %parallel_loop3A_512 : vector<16xi32>
      %parallel_loop3A_514 = vector.bitcast %parallel_loop3A_513 : vector<16xi32> to vector<16xf32>
      %parallel_loop3A_515 = arith.addf %parallel_loop3A_511, %parallel_loop3A_514 : vector<16xf32>
      %parallel_loop3A_516 = arith.constant 9 : i32
      %parallel_loop3A_517 = arith.index_cast %parallel_loop3A_516 : i32 to index
      %parallel_loop3A_518 = arith.index_cast %parallel_loop3A_294 : i32 to index
      %parallel_loop3A_519 = arith.index_cast %parallel_loop3A_312 : i32 to index
      %parallel_loop3A_520 = tpu.vector_load %arg15[%parallel_loop3A_517, %parallel_loop3A_518, %parallel_loop3A_519] {strides = array<i32>} : memref<16x8x256xf32, #tpu.memory_space<vmem>>, vector<16xf32>,
      tpu.vector_store %arg15[%parallel_loop3A_517, %parallel_loop3A_518, %parallel_loop3A_519], %parallel_loop3A_515 {strides = array<i32>} : memref<16x8x256xf32, #tpu.memory_space<vmem>>, vector<16xf32>,
      %parallel_loop3A_521 = arith.constant 16 : i32
      %parallel_loop3A_522 = vector.broadcast %parallel_loop3A_521 : i32 to vector<16xi32>
      %parallel_loop3A_523 = arith.shli %parallel_loop3A_350, %parallel_loop3A_522 : vector<16xi32>
      %parallel_loop3A_524 = vector.bitcast %parallel_loop3A_523 : vector<16xi32> to vector<16xf32>
      %parallel_loop3A_525 = arith.constant 16 : i32
      %parallel_loop3A_526 = vector.broadcast %parallel_loop3A_525 : i32 to vector<16xi32>
      %parallel_loop3A_527 = arith.shli %parallel_loop3A_382, %parallel_loop3A_526 : vector<16xi32>
      %parallel_loop3A_528 = vector.bitcast %parallel_loop3A_527 : vector<16xi32> to vector<16xf32>
      %parallel_loop3A_529 = arith.addf %parallel_loop3A_524, %parallel_loop3A_528 : vector<16xf32>
      %parallel_loop3A_530 = arith.constant 10 : i32
      %parallel_loop3A_531 = arith.index_cast %parallel_loop3A_530 : i32 to index
      %parallel_loop3A_532 = arith.index_cast %parallel_loop3A_294 : i32 to index
      %parallel_loop3A_533 = arith.index_cast %parallel_loop3A_312 : i32 to index
      %parallel_loop3A_534 = tpu.vector_load %arg15[%parallel_loop3A_531, %parallel_loop3A_532, %parallel_loop3A_533] {strides = array<i32>} : memref<16x8x256xf32, #tpu.memory_space<vmem>>, vector<16xf32>,
      tpu.vector_store %arg15[%parallel_loop3A_531, %parallel_loop3A_532, %parallel_loop3A_533], %parallel_loop3A_529 {strides = array<i32>} : memref<16x8x256xf32, #tpu.memory_space<vmem>>, vector<16xf32>,
      %parallel_loop3A_535 = vector.broadcast %parallel_loop3A_85 : i32 to vector<16xi32>
      %parallel_loop3A_536 = arith.andi %parallel_loop3A_350, %parallel_loop3A_535 : vector<16xi32>
      %parallel_loop3A_537 = vector.bitcast %parallel_loop3A_536 : vector<16xi32> to vector<16xf32>
      %parallel_loop3A_538 = vector.broadcast %parallel_loop3A_85 : i32 to vector<16xi32>
      %parallel_loop3A_539 = arith.andi %parallel_loop3A_382, %parallel_loop3A_538 : vector<16xi32>
      %parallel_loop3A_540 = vector.bitcast %parallel_loop3A_539 : vector<16xi32> to vector<16xf32>
      %parallel_loop3A_541 = arith.addf %parallel_loop3A_537, %parallel_loop3A_540 : vector<16xf32>
      %parallel_loop3A_542 = arith.constant 11 : i32
      %parallel_loop3A_543 = arith.index_cast %parallel_loop3A_542 : i32 to index
      %parallel_loop3A_544 = arith.index_cast %parallel_loop3A_294 : i32 to index
      %parallel_loop3A_545 = arith.index_cast %parallel_loop3A_312 : i32 to index
      %parallel_loop3A_546 = tpu.vector_load %arg15[%parallel_loop3A_543, %parallel_loop3A_544, %parallel_loop3A_545] {strides = array<i32>} : memref<16x8x256xf32, #tpu.memory_space<vmem>>, vector<16xf32>,
      tpu.vector_store %arg15[%parallel_loop3A_543, %parallel_loop3A_544, %parallel_loop3A_545], %parallel_loop3A_541 {strides = array<i32>} : memref<16x8x256xf32, #tpu.memory_space<vmem>>, vector<16xf32>,
      %parallel_loop3A_547 = arith.constant 16 : i32
      %parallel_loop3A_548 = vector.broadcast %parallel_loop3A_547 : i32 to vector<16xi32>
      %parallel_loop3A_549 = arith.shli %parallel_loop3A_354, %parallel_loop3A_548 : vector<16xi32>
      %parallel_loop3A_550 = vector.bitcast %parallel_loop3A_549 : vector<16xi32> to vector<16xf32>
      %parallel_loop3A_551 = arith.constant 16 : i32
      %parallel_loop3A_552 = vector.broadcast %parallel_loop3A_551 : i32 to vector<16xi32>
      %parallel_loop3A_553 = arith.shli %parallel_loop3A_386, %parallel_loop3A_552 : vector<16xi32>
      %parallel_loop3A_554 = vector.bitcast %parallel_loop3A_553 : vector<16xi32> to vector<16xf32>
      %parallel_loop3A_555 = arith.addf %parallel_loop3A_550, %parallel_loop3A_554 : vector<16xf32>
      %parallel_loop3A_556 = arith.constant 12 : i32
      %parallel_loop3A_557 = arith.index_cast %parallel_loop3A_556 : i32 to index
      %parallel_loop3A_558 = arith.index_cast %parallel_loop3A_294 : i32 to index
      %parallel_loop3A_559 = arith.index_cast %parallel_loop3A_312 : i32 to index
      %parallel_loop3A_560 = tpu.vector_load %arg15[%parallel_loop3A_557, %parallel_loop3A_558, %parallel_loop3A_559] {strides = array<i32>} : memref<16x8x256xf32, #tpu.memory_space<vmem>>, vector<16xf32>,
      tpu.vector_store %arg15[%parallel_loop3A_557, %parallel_loop3A_558, %parallel_loop3A_559], %parallel_loop3A_555 {strides = array<i32>} : memref<16x8x256xf32, #tpu.memory_space<vmem>>, vector<16xf32>,
      %parallel_loop3A_561 = vector.broadcast %parallel_loop3A_85 : i32 to vector<16xi32>
      %parallel_loop3A_562 = arith.andi %parallel_loop3A_354, %parallel_loop3A_561 : vector<16xi32>
      %parallel_loop3A_563 = vector.bitcast %parallel_loop3A_562 : vector<16xi32> to vector<16xf32>
      %parallel_loop3A_564 = vector.broadcast %parallel_loop3A_85 : i32 to vector<16xi32>
      %parallel_loop3A_565 = arith.andi %parallel_loop3A_386, %parallel_loop3A_564 : vector<16xi32>
      %parallel_loop3A_566 = vector.bitcast %parallel_loop3A_565 : vector<16xi32> to vector<16xf32>
      %parallel_loop3A_567 = arith.addf %parallel_loop3A_563, %parallel_loop3A_566 : vector<16xf32>
      %parallel_loop3A_568 = arith.constant 13 : i32
      %parallel_loop3A_569 = arith.index_cast %parallel_loop3A_568 : i32 to index
      %parallel_loop3A_570 = arith.index_cast %parallel_loop3A_294 : i32 to index
      %parallel_loop3A_571 = arith.index_cast %parallel_loop3A_312 : i32 to index
      %parallel_loop3A_572 = tpu.vector_load %arg15[%parallel_loop3A_569, %parallel_loop3A_570, %parallel_loop3A_571] {strides = array<i32>} : memref<16x8x256xf32, #tpu.memory_space<vmem>>, vector<16xf32>,
      tpu.vector_store %arg15[%parallel_loop3A_569, %parallel_loop3A_570, %parallel_loop3A_571], %parallel_loop3A_567 {strides = array<i32>} : memref<16x8x256xf32, #tpu.memory_space<vmem>>, vector<16xf32>,
      %parallel_loop3A_573 = arith.constant 16 : i32
      %parallel_loop3A_574 = vector.broadcast %parallel_loop3A_573 : i32 to vector<16xi32>
      %parallel_loop3A_575 = arith.shli %parallel_loop3A_358, %parallel_loop3A_574 : vector<16xi32>
      %parallel_loop3A_576 = vector.bitcast %parallel_loop3A_575 : vector<16xi32> to vector<16xf32>
      %parallel_loop3A_577 = arith.constant 16 : i32
      %parallel_loop3A_578 = vector.broadcast %parallel_loop3A_577 : i32 to vector<16xi32>
      %parallel_loop3A_579 = arith.shli %parallel_loop3A_390, %parallel_loop3A_578 : vector<16xi32>
      %parallel_loop3A_580 = vector.bitcast %parallel_loop3A_579 : vector<16xi32> to vector<16xf32>
      %parallel_loop3A_581 = arith.addf %parallel_loop3A_576, %parallel_loop3A_580 : vector<16xf32>
      %parallel_loop3A_582 = arith.constant 14 : i32
      %parallel_loop3A_583 = arith.index_cast %parallel_loop3A_582 : i32 to index
      %parallel_loop3A_584 = arith.index_cast %parallel_loop3A_294 : i32 to index
      %parallel_loop3A_585 = arith.index_cast %parallel_loop3A_312 : i32 to index
      %parallel_loop3A_586 = tpu.vector_load %arg15[%parallel_loop3A_583, %parallel_loop3A_584, %parallel_loop3A_585] {strides = array<i32>} : memref<16x8x256xf32, #tpu.memory_space<vmem>>, vector<16xf32>,
      tpu.vector_store %arg15[%parallel_loop3A_583, %parallel_loop3A_584, %parallel_loop3A_585], %parallel_loop3A_581 {strides = array<i32>} : memref<16x8x256xf32, #tpu.memory_space<vmem>>, vector<16xf32>,
      %parallel_loop3A_587 = vector.broadcast %parallel_loop3A_85 : i32 to vector<16xi32>
      %parallel_loop3A_588 = arith.andi %parallel_loop3A_358, %parallel_loop3A_587 : vector<16xi32>
      %parallel_loop3A_589 = vector.bitcast %parallel_loop3A_588 : vector<16xi32> to vector<16xf32>
      %parallel_loop3A_590 = vector.broadcast %parallel_loop3A_85 : i32 to vector<16xi32>
      %parallel_loop3A_591 = arith.andi %parallel_loop3A_390, %parallel_loop3A_590 : vector<16xi32>
      %parallel_loop3A_592 = vector.bitcast %parallel_loop3A_591 : vector<16xi32> to vector<16xf32>
      %parallel_loop3A_593 = arith.addf %parallel_loop3A_589, %parallel_loop3A_592 : vector<16xf32>
      %parallel_loop3A_594 = arith.constant 15 : i32
      %parallel_loop3A_595 = arith.index_cast %parallel_loop3A_594 : i32 to index
      %parallel_loop3A_596 = arith.index_cast %parallel_loop3A_294 : i32 to index
      %parallel_loop3A_597 = arith.index_cast %parallel_loop3A_312 : i32 to index
      %parallel_loop3A_598 = tpu.vector_load %arg15[%parallel_loop3A_595, %parallel_loop3A_596, %parallel_loop3A_597] {strides = array<i32>} : memref<16x8x256xf32, #tpu.memory_space<vmem>>, vector<16xf32>,
      tpu.vector_store %arg15[%parallel_loop3A_595, %parallel_loop3A_596, %parallel_loop3A_597], %parallel_loop3A_593 {strides = array<i32>} : memref<16x8x256xf32, #tpu.memory_space<vmem>>, vector<16xf32>,
    } {sc.loop_unroll_factor = 2 : i64, sc.parallel_access}
    %add3A_86 = arith.constant 0 : i32
    %add3A_87 = arith.addi %mul3A_32, %add3A_86 : i32
    %dma_start3A_88 = arith.constant 0 : i32
    %dma_start3A_89 = arith.constant 0 : i32
    %dma_start3A_90 = tpu.memref_slice %arg6[%select_n3A, %dma_start3A_88, %add3A_87, %dma_start3A_89] : memref<16x16x256x256xf32, #tpu.memory_space<hbm>> -> memref<1x16x8x256xf32, #tpu.memory_space<hbm>>
    %dma_start3A_91 = tpu.memref_squeeze %dma_start3A_90 : memref<1x16x8x256xf32, #tpu.memory_space<hbm>> -> memref<16x8x256xf32, #tpu.memory_space<hbm>>
    %dma_start3A_92 = arith.constant 0 : i32
    %dma_start3A_93 = arith.constant 0 : i32
    %dma_start3A_94 = tpu.memref_slice %arg6[%select_n3A, %dma_start3A_92, %add3A_87, %dma_start3A_93] : memref<16x16x256x256xf32, #tpu.memory_space<hbm>> -> memref<1x16x8x256xf32, #tpu.memory_space<hbm>>
    %dma_start3A_95 = tpu.memref_squeeze %dma_start3A_94 : memref<1x16x8x256xf32, #tpu.memory_space<hbm>> -> memref<16x8x256xf32, #tpu.memory_space<hbm>>
    tpu.enqueue_dma source(%arg15 : memref<16x8x256xf32, #tpu.memory_space<vmem>>) target(%dma_start3A_95 : memref<16x8x256xf32, #tpu.memory_space<hbm>>) target_semaphore(%arg19 : memref<!tpu.dma_semaphore, #tpu.memory_space<semaphore_mem>>)
    %add3A_96 = arith.constant 16 : i32
    %add3A_97 = arith.addi %mul3A_32, %add3A_96 : i32
    %dma_start3A_98 = arith.constant 0 : i32
    %dma_start3A_99 = tpu.memref_slice %arg2[%select_n3A, %add3A_97, %dma_start3A_98] : memref<16x256x256xi32, #tpu.memory_space<hbm>> -> memref<1x8x256xi32, #tpu.memory_space<hbm>>
    %dma_start3A_100 = tpu.memref_squeeze %dma_start3A_99 : memref<1x8x256xi32, #tpu.memory_space<hbm>> -> memref<8x256xi32, #tpu.memory_space<hbm>>
    %dma_start3A_101 = arith.constant 0 : i32
    %dma_start3A_102 = tpu.memref_slice %arg2[%select_n3A, %add3A_97, %dma_start3A_101] : memref<16x256x256xi32, #tpu.memory_space<hbm>> -> memref<1x8x256xi32, #tpu.memory_space<hbm>>
    %dma_start3A_103 = tpu.memref_squeeze %dma_start3A_102 : memref<1x8x256xi32, #tpu.memory_space<hbm>> -> memref<8x256xi32, #tpu.memory_space<hbm>>
    tpu.enqueue_dma source(%dma_start3A_103 : memref<8x256xi32, #tpu.memory_space<hbm>>) target(%arg11 : memref<8x256xi32, #tpu.memory_space<vmem>>) target_semaphore(%arg17 : memref<!tpu.dma_semaphore, #tpu.memory_space<semaphore_mem>>)
    %dma_start3A_104 = arith.constant 0 : i32
    %dma_start3A_105 = tpu.memref_slice %arg3[%select_n3A, %add3A_97, %dma_start3A_104] : memref<16x256x256xi32, #tpu.memory_space<hbm>> -> memref<1x8x256xi32, #tpu.memory_space<hbm>>
    %dma_start3A_106 = tpu.memref_squeeze %dma_start3A_105 : memref<1x8x256xi32, #tpu.memory_space<hbm>> -> memref<8x256xi32, #tpu.memory_space<hbm>>
    %dma_start3A_107 = arith.constant 0 : i32
    %dma_start3A_108 = tpu.memref_slice %arg3[%select_n3A, %add3A_97, %dma_start3A_107] : memref<16x256x256xi32, #tpu.memory_space<hbm>> -> memref<1x8x256xi32, #tpu.memory_space<hbm>>
    %dma_start3A_109 = tpu.memref_squeeze %dma_start3A_108 : memref<1x8x256xi32, #tpu.memory_space<hbm>> -> memref<8x256xi32, #tpu.memory_space<hbm>>
    tpu.enqueue_dma source(%dma_start3A_109 : memref<8x256xi32, #tpu.memory_space<hbm>>) target(%arg13 : memref<8x256xi32, #tpu.memory_space<vmem>>) target_semaphore(%arg17 : memref<!tpu.dma_semaphore, #tpu.memory_space<semaphore_mem>>)
    %dma_wait3A_110 = arith.constant 0 : i32
    %dma_wait3A_111 = arith.constant 0 : i32
    %dma_wait3A_112 = arith.constant 0 : i32
    %dma_wait3A_113 = tpu.memref_slice %arg2[%dma_wait3A_110, %dma_wait3A_111, %dma_wait3A_112] : memref<16x256x256xi32, #tpu.memory_space<hbm>> -> memref<1x8x256xi32, #tpu.memory_space<hbm>>
    %dma_wait3A_114 = tpu.memref_squeeze %dma_wait3A_113 : memref<1x8x256xi32, #tpu.memory_space<hbm>> -> memref<8x256xi32, #tpu.memory_space<hbm>>
    %dma_wait3A_115 = arith.constant 0 : i32
    %dma_wait3A_116 = arith.constant 0 : i32
    %dma_wait3A_117 = tpu.memref_slice %arg2[%dma_wait3A_110, %dma_wait3A_115, %dma_wait3A_116] : memref<16x256x256xi32, #tpu.memory_space<hbm>> -> memref<1x8x256xi32, #tpu.memory_space<hbm>>
    %dma_wait3A_118 = tpu.memref_squeeze %dma_wait3A_117 : memref<1x8x256xi32, #tpu.memory_space<hbm>> -> memref<8x256xi32, #tpu.memory_space<hbm>>
    tpu.wait_dma2 semaphore(%arg18 : memref<!tpu.dma_semaphore, #tpu.memory_space<semaphore_mem>>) src(%dma_wait3A_118 : memref<8x256xi32, #tpu.memory_space<hbm>>) dst(%arg12 : memref<8x256xi32, #tpu.memory_space<vmem>>)
    %dma_wait3A_119 = arith.constant 0 : i32
    %dma_wait3A_120 = arith.constant 0 : i32
    %dma_wait3A_121 = arith.constant 0 : i32
    %dma_wait3A_122 = tpu.memref_slice %arg3[%dma_wait3A_119, %dma_wait3A_120, %dma_wait3A_121] : memref<16x256x256xi32, #tpu.memory_space<hbm>> -> memref<1x8x256xi32, #tpu.memory_space<hbm>>
    %dma_wait3A_123 = tpu.memref_squeeze %dma_wait3A_122 : memref<1x8x256xi32, #tpu.memory_space<hbm>> -> memref<8x256xi32, #tpu.memory_space<hbm>>
    %dma_wait3A_124 = arith.constant 0 : i32
    %dma_wait3A_125 = arith.constant 0 : i32
    %dma_wait3A_126 = tpu.memref_slice %arg3[%dma_wait3A_119, %dma_wait3A_124, %dma_wait3A_125] : memref<16x256x256xi32, #tpu.memory_space<hbm>> -> memref<1x8x256xi32, #tpu.memory_space<hbm>>
    %dma_wait3A_127 = tpu.memref_squeeze %dma_wait3A_126 : memref<1x8x256xi32, #tpu.memory_space<hbm>> -> memref<8x256xi32, #tpu.memory_space<hbm>>
    tpu.wait_dma2 semaphore(%arg18 : memref<!tpu.dma_semaphore, #tpu.memory_space<semaphore_mem>>) src(%dma_wait3A_127 : memref<8x256xi32, #tpu.memory_space<hbm>>) dst(%arg14 : memref<8x256xi32, #tpu.memory_space<vmem>>)
    %parallel_loop3A_128 = arith.constant 0 : i32
    %parallel_loop3A_129 = arith.constant 128 : i32
    %parallel_loop3A_130 = arith.constant 1 : i32
    %parallel_loop3A_131 = arith.constant -65536 : i32
    scf.for %parallel_loop3A_270 = %parallel_loop3A_128 to %parallel_loop3A_129 step %parallel_loop3A_130  : i32 {
      %parallel_loop3A_271 = arith.constant 16 : i32
      %parallel_loop3A_272 = arith.divsi %parallel_loop3A_270, %parallel_loop3A_271 : i32
      %parallel_loop3A_273 = arith.constant 0 : i32
      %parallel_loop3A_274 = arith.cmpi sgt, %parallel_loop3A_270, %parallel_loop3A_273 : i32
      %parallel_loop3A_275 = arith.extui %parallel_loop3A_274 : i1 to i32
      %parallel_loop3A_276 = arith.constant 0 : i32
      %parallel_loop3A_277 = arith.cmpi slt, %parallel_loop3A_270, %parallel_loop3A_276 : i32
      %parallel_loop3A_278 = arith.extui %parallel_loop3A_277 : i1 to i32
      %parallel_loop3A_279 = arith.subi %parallel_loop3A_275, %parallel_loop3A_278 : i32
      %parallel_loop3A_280 = arith.constant 0 : i32
      %parallel_loop3A_281 = arith.cmpi sgt, %parallel_loop3A_271, %parallel_loop3A_280 : i32
      %parallel_loop3A_282 = arith.extui %parallel_loop3A_281 : i1 to i32
      %parallel_loop3A_283 = arith.constant 0 : i32
      %parallel_loop3A_284 = arith.cmpi slt, %parallel_loop3A_271, %parallel_loop3A_283 : i32
      %parallel_loop3A_285 = arith.extui %parallel_loop3A_284 : i1 to i32
      %parallel_loop3A_286 = arith.subi %parallel_loop3A_282, %parallel_loop3A_285 : i32
      %parallel_loop3A_287 = arith.cmpi ne, %parallel_loop3A_279, %parallel_loop3A_286 : i32
      %parallel_loop3A_288 = arith.remsi %parallel_loop3A_270, %parallel_loop3A_271 : i32
      %parallel_loop3A_289 = arith.constant 0 : i32
      %parallel_loop3A_290 = arith.cmpi ne, %parallel_loop3A_288, %parallel_loop3A_289 : i32
      %parallel_loop3A_291 = arith.andi %parallel_loop3A_287, %parallel_loop3A_290 : i1
      %parallel_loop3A_292 = arith.constant 1 : i32
      %parallel_loop3A_293 = arith.subi %parallel_loop3A_272, %parallel_loop3A_292 : i32
      %parallel_loop3A_294 = arith.select %parallel_loop3A_291, %parallel_loop3A_293, %parallel_loop3A_272 : i32
      %parallel_loop3A_295 = arith.constant 16 : i32
      %parallel_loop3A_296 = arith.constant 0 : i32
      %parallel_loop3A_297 = arith.cmpi eq, %parallel_loop3A_295, %parallel_loop3A_296 : i32
      %parallel_loop3A_298 = arith.constant 1 : i32
      %parallel_loop3A_299 = arith.select %parallel_loop3A_297, %parallel_loop3A_298, %parallel_loop3A_295 : i32
      %parallel_loop3A_300 = arith.remsi %parallel_loop3A_270, %parallel_loop3A_299 : i32
      %parallel_loop3A_301 = arith.constant 0 : i32
      %parallel_loop3A_302 = arith.cmpi ne, %parallel_loop3A_300, %parallel_loop3A_301 : i32
      %parallel_loop3A_303 = arith.constant 0 : i32
      %parallel_loop3A_304 = arith.cmpi slt, %parallel_loop3A_300, %parallel_loop3A_303 : i32
      %parallel_loop3A_305 = arith.constant 0 : i32
      %parallel_loop3A_306 = arith.cmpi slt, %parallel_loop3A_299, %parallel_loop3A_305 : i32
      %parallel_loop3A_307 = arith.xori %parallel_loop3A_304, %parallel_loop3A_306 : i1
      %parallel_loop3A_308 = arith.andi %parallel_loop3A_307, %parallel_loop3A_302 : i1
      %parallel_loop3A_309 = arith.addi %parallel_loop3A_300, %parallel_loop3A_299 : i32
      %parallel_loop3A_310 = arith.select %parallel_loop3A_308, %parallel_loop3A_309, %parallel_loop3A_300 : i32
      %parallel_loop3A_311 = arith.constant 16 : i32
      %parallel_loop3A_312 = arith.muli %parallel_loop3A_310, %parallel_loop3A_311 : i32
      %parallel_loop3A_313 = arith.index_cast %parallel_loop3A_294 : i32 to index
      %parallel_loop3A_314 = arith.index_cast %parallel_loop3A_312 : i32 to index
      %parallel_loop3A_315 = tpu.vector_load %arg12[%parallel_loop3A_313, %parallel_loop3A_314] {strides = array<i32>} : memref<8x256xi32, #tpu.memory_space<vmem>>, vector<16xi32>,
      %parallel_loop3A_316 = arith.index_cast %parallel_loop3A_294 : i32 to index
      %parallel_loop3A_317 = arith.index_cast %parallel_loop3A_312 : i32 to index
      %parallel_loop3A_318 = tpu.vector_load %arg14[%parallel_loop3A_316, %parallel_loop3A_317] {strides = array<i32>} : memref<8x256xi32, #tpu.memory_space<vmem>>, vector<16xi32>,
      %parallel_loop3A_319 = arith.constant 3 : i32
      %parallel_loop3A_320 = vector.broadcast %parallel_loop3A_319 : i32 to vector<16xi32>
      %parallel_loop3A_321 = arith.shli %parallel_loop3A_315, %parallel_loop3A_320 : vector<16xi32>
      %parallel_loop3A_322 = arith.addi %parallel_loop3A_321, %parallel_loop3A_315 : vector<16xi32>
      %parallel_loop3A_323 = arith.constant 3 : i32
      %parallel_loop3A_324 = vector.broadcast %parallel_loop3A_323 : i32 to vector<16xi32>
      %parallel_loop3A_325 = arith.shli %parallel_loop3A_318, %parallel_loop3A_324 : vector<16xi32>
      %parallel_loop3A_326 = arith.addi %parallel_loop3A_325, %parallel_loop3A_318 : vector<16xi32>
      %parallel_loop3A_327 = arith.constant 0 : i32
      %parallel_loop3A_328 = vector.broadcast %parallel_loop3A_327 : i32 to vector<16xi32>
      %parallel_loop3A_329 = arith.addi %parallel_loop3A_322, %parallel_loop3A_328 : vector<16xi32>
      %parallel_loop3A_330 = tpu.vector_load_idx %arg9[%parallel_loop3A_329] : memref<180xi32, #tpu.memory_space<vmem>>[vector<16xi32>], vector<16xi32>,
      %parallel_loop3A_331 = arith.constant 1 : i32
      %parallel_loop3A_332 = vector.broadcast %parallel_loop3A_331 : i32 to vector<16xi32>
      %parallel_loop3A_333 = arith.addi %parallel_loop3A_322, %parallel_loop3A_332 : vector<16xi32>
      %parallel_loop3A_334 = tpu.vector_load_idx %arg9[%parallel_loop3A_333] : memref<180xi32, #tpu.memory_space<vmem>>[vector<16xi32>], vector<16xi32>,
      %parallel_loop3A_335 = arith.constant 2 : i32
      %parallel_loop3A_336 = vector.broadcast %parallel_loop3A_335 : i32 to vector<16xi32>
      %parallel_loop3A_337 = arith.addi %parallel_loop3A_322, %parallel_loop3A_336 : vector<16xi32>
      %parallel_loop3A_338 = tpu.vector_load_idx %arg9[%parallel_loop3A_337] : memref<180xi32, #tpu.memory_space<vmem>>[vector<16xi32>], vector<16xi32>,
      %parallel_loop3A_339 = arith.constant 3 : i32
      %parallel_loop3A_340 = vector.broadcast %parallel_loop3A_339 : i32 to vector<16xi32>
      %parallel_loop3A_341 = arith.addi %parallel_loop3A_322, %parallel_loop3A_340 : vector<16xi32>
      %parallel_loop3A_342 = tpu.vector_load_idx %arg9[%parallel_loop3A_341] : memref<180xi32, #tpu.memory_space<vmem>>[vector<16xi32>], vector<16xi32>,
      %parallel_loop3A_343 = arith.constant 4 : i32
      %parallel_loop3A_344 = vector.broadcast %parallel_loop3A_343 : i32 to vector<16xi32>
      %parallel_loop3A_345 = arith.addi %parallel_loop3A_322, %parallel_loop3A_344 : vector<16xi32>
      %parallel_loop3A_346 = tpu.vector_load_idx %arg9[%parallel_loop3A_345] : memref<180xi32, #tpu.memory_space<vmem>>[vector<16xi32>], vector<16xi32>,
      %parallel_loop3A_347 = arith.constant 5 : i32
      %parallel_loop3A_348 = vector.broadcast %parallel_loop3A_347 : i32 to vector<16xi32>
      %parallel_loop3A_349 = arith.addi %parallel_loop3A_322, %parallel_loop3A_348 : vector<16xi32>
      %parallel_loop3A_350 = tpu.vector_load_idx %arg9[%parallel_loop3A_349] : memref<180xi32, #tpu.memory_space<vmem>>[vector<16xi32>], vector<16xi32>,
      %parallel_loop3A_351 = arith.constant 6 : i32
      %parallel_loop3A_352 = vector.broadcast %parallel_loop3A_351 : i32 to vector<16xi32>
      %parallel_loop3A_353 = arith.addi %parallel_loop3A_322, %parallel_loop3A_352 : vector<16xi32>
      %parallel_loop3A_354 = tpu.vector_load_idx %arg9[%parallel_loop3A_353] : memref<180xi32, #tpu.memory_space<vmem>>[vector<16xi32>], vector<16xi32>,
      %parallel_loop3A_355 = arith.constant 7 : i32
      %parallel_loop3A_356 = vector.broadcast %parallel_loop3A_355 : i32 to vector<16xi32>
      %parallel_loop3A_357 = arith.addi %parallel_loop3A_322, %parallel_loop3A_356 : vector<16xi32>
      %parallel_loop3A_358 = tpu.vector_load_idx %arg9[%parallel_loop3A_357] : memref<180xi32, #tpu.memory_space<vmem>>[vector<16xi32>], vector<16xi32>,
      %parallel_loop3A_359 = arith.constant 0 : i32
      %parallel_loop3A_360 = vector.broadcast %parallel_loop3A_359 : i32 to vector<16xi32>
      %parallel_loop3A_361 = arith.addi %parallel_loop3A_326, %parallel_loop3A_360 : vector<16xi32>
      %parallel_loop3A_362 = tpu.vector_load_idx %arg10[%parallel_loop3A_361] : memref<4608xi32, #tpu.memory_space<vmem>>[vector<16xi32>], vector<16xi32>,
      %parallel_loop3A_363 = arith.constant 1 : i32
      %parallel_loop3A_364 = vector.broadcast %parallel_loop3A_363 : i32 to vector<16xi32>
      %parallel_loop3A_365 = arith.addi %parallel_loop3A_326, %parallel_loop3A_364 : vector<16xi32>
      %parallel_loop3A_366 = tpu.vector_load_idx %arg10[%parallel_loop3A_365] : memref<4608xi32, #tpu.memory_space<vmem>>[vector<16xi32>], vector<16xi32>,
      %parallel_loop3A_367 = arith.constant 2 : i32
      %parallel_loop3A_368 = vector.broadcast %parallel_loop3A_367 : i32 to vector<16xi32>
      %parallel_loop3A_369 = arith.addi %parallel_loop3A_326, %parallel_loop3A_368 : vector<16xi32>
      %parallel_loop3A_370 = tpu.vector_load_idx %arg10[%parallel_loop3A_369] : memref<4608xi32, #tpu.memory_space<vmem>>[vector<16xi32>], vector<16xi32>,
      %parallel_loop3A_371 = arith.constant 3 : i32
      %parallel_loop3A_372 = vector.broadcast %parallel_loop3A_371 : i32 to vector<16xi32>
      %parallel_loop3A_373 = arith.addi %parallel_loop3A_326, %parallel_loop3A_372 : vector<16xi32>
      %parallel_loop3A_374 = tpu.vector_load_idx %arg10[%parallel_loop3A_373] : memref<4608xi32, #tpu.memory_space<vmem>>[vector<16xi32>], vector<16xi32>,
      %parallel_loop3A_375 = arith.constant 4 : i32
      %parallel_loop3A_376 = vector.broadcast %parallel_loop3A_375 : i32 to vector<16xi32>
      %parallel_loop3A_377 = arith.addi %parallel_loop3A_326, %parallel_loop3A_376 : vector<16xi32>
      %parallel_loop3A_378 = tpu.vector_load_idx %arg10[%parallel_loop3A_377] : memref<4608xi32, #tpu.memory_space<vmem>>[vector<16xi32>], vector<16xi32>,
      %parallel_loop3A_379 = arith.constant 5 : i32
      %parallel_loop3A_380 = vector.broadcast %parallel_loop3A_379 : i32 to vector<16xi32>
      %parallel_loop3A_381 = arith.addi %parallel_loop3A_326, %parallel_loop3A_380 : vector<16xi32>
      %parallel_loop3A_382 = tpu.vector_load_idx %arg10[%parallel_loop3A_381] : memref<4608xi32, #tpu.memory_space<vmem>>[vector<16xi32>], vector<16xi32>,
      %parallel_loop3A_383 = arith.constant 6 : i32
      %parallel_loop3A_384 = vector.broadcast %parallel_loop3A_383 : i32 to vector<16xi32>
      %parallel_loop3A_385 = arith.addi %parallel_loop3A_326, %parallel_loop3A_384 : vector<16xi32>
      %parallel_loop3A_386 = tpu.vector_load_idx %arg10[%parallel_loop3A_385] : memref<4608xi32, #tpu.memory_space<vmem>>[vector<16xi32>], vector<16xi32>,
      %parallel_loop3A_387 = arith.constant 7 : i32
      %parallel_loop3A_388 = vector.broadcast %parallel_loop3A_387 : i32 to vector<16xi32>
      %parallel_loop3A_389 = arith.addi %parallel_loop3A_326, %parallel_loop3A_388 : vector<16xi32>
      %parallel_loop3A_390 = tpu.vector_load_idx %arg10[%parallel_loop3A_389] : memref<4608xi32, #tpu.memory_space<vmem>>[vector<16xi32>], vector<16xi32>,
      %parallel_loop3A_391 = arith.constant 16 : i32
      %parallel_loop3A_392 = vector.broadcast %parallel_loop3A_391 : i32 to vector<16xi32>
      %parallel_loop3A_393 = arith.shli %parallel_loop3A_330, %parallel_loop3A_392 : vector<16xi32>
      %parallel_loop3A_394 = vector.bitcast %parallel_loop3A_393 : vector<16xi32> to vector<16xf32>
      %parallel_loop3A_395 = arith.constant 16 : i32
      %parallel_loop3A_396 = vector.broadcast %parallel_loop3A_395 : i32 to vector<16xi32>
      %parallel_loop3A_397 = arith.shli %parallel_loop3A_362, %parallel_loop3A_396 : vector<16xi32>
      %parallel_loop3A_398 = vector.bitcast %parallel_loop3A_397 : vector<16xi32> to vector<16xf32>
      %parallel_loop3A_399 = arith.addf %parallel_loop3A_394, %parallel_loop3A_398 : vector<16xf32>
      %parallel_loop3A_400 = arith.constant 0 : i32
      %parallel_loop3A_401 = arith.index_cast %parallel_loop3A_400 : i32 to index
      %parallel_loop3A_402 = arith.index_cast %parallel_loop3A_294 : i32 to index
      %parallel_loop3A_403 = arith.index_cast %parallel_loop3A_312 : i32 to index
      %parallel_loop3A_404 = tpu.vector_load %arg16[%parallel_loop3A_401, %parallel_loop3A_402, %parallel_loop3A_403] {strides = array<i32>} : memref<16x8x256xf32, #tpu.memory_space<vmem>>, vector<16xf32>,
      tpu.vector_store %arg16[%parallel_loop3A_401, %parallel_loop3A_402, %parallel_loop3A_403], %parallel_loop3A_399 {strides = array<i32>} : memref<16x8x256xf32, #tpu.memory_space<vmem>>, vector<16xf32>,
      %parallel_loop3A_405 = vector.broadcast %parallel_loop3A_131 : i32 to vector<16xi32>
      %parallel_loop3A_406 = arith.andi %parallel_loop3A_330, %parallel_loop3A_405 : vector<16xi32>
      %parallel_loop3A_407 = vector.bitcast %parallel_loop3A_406 : vector<16xi32> to vector<16xf32>
      %parallel_loop3A_408 = vector.broadcast %parallel_loop3A_131 : i32 to vector<16xi32>
      %parallel_loop3A_409 = arith.andi %parallel_loop3A_362, %parallel_loop3A_408 : vector<16xi32>
      %parallel_loop3A_410 = vector.bitcast %parallel_loop3A_409 : vector<16xi32> to vector<16xf32>
      %parallel_loop3A_411 = arith.addf %parallel_loop3A_407, %parallel_loop3A_410 : vector<16xf32>
      %parallel_loop3A_412 = arith.constant 1 : i32
      %parallel_loop3A_413 = arith.index_cast %parallel_loop3A_412 : i32 to index
      %parallel_loop3A_414 = arith.index_cast %parallel_loop3A_294 : i32 to index
      %parallel_loop3A_415 = arith.index_cast %parallel_loop3A_312 : i32 to index
      %parallel_loop3A_416 = tpu.vector_load %arg16[%parallel_loop3A_413, %parallel_loop3A_414, %parallel_loop3A_415] {strides = array<i32>} : memref<16x8x256xf32, #tpu.memory_space<vmem>>, vector<16xf32>,
      tpu.vector_store %arg16[%parallel_loop3A_413, %parallel_loop3A_414, %parallel_loop3A_415], %parallel_loop3A_411 {strides = array<i32>} : memref<16x8x256xf32, #tpu.memory_space<vmem>>, vector<16xf32>,
      %parallel_loop3A_417 = arith.constant 16 : i32
      %parallel_loop3A_418 = vector.broadcast %parallel_loop3A_417 : i32 to vector<16xi32>
      %parallel_loop3A_419 = arith.shli %parallel_loop3A_334, %parallel_loop3A_418 : vector<16xi32>
      %parallel_loop3A_420 = vector.bitcast %parallel_loop3A_419 : vector<16xi32> to vector<16xf32>
      %parallel_loop3A_421 = arith.constant 16 : i32
      %parallel_loop3A_422 = vector.broadcast %parallel_loop3A_421 : i32 to vector<16xi32>
      %parallel_loop3A_423 = arith.shli %parallel_loop3A_366, %parallel_loop3A_422 : vector<16xi32>
      %parallel_loop3A_424 = vector.bitcast %parallel_loop3A_423 : vector<16xi32> to vector<16xf32>
      %parallel_loop3A_425 = arith.addf %parallel_loop3A_420, %parallel_loop3A_424 : vector<16xf32>
      %parallel_loop3A_426 = arith.constant 2 : i32
      %parallel_loop3A_427 = arith.index_cast %parallel_loop3A_426 : i32 to index
      %parallel_loop3A_428 = arith.index_cast %parallel_loop3A_294 : i32 to index
      %parallel_loop3A_429 = arith.index_cast %parallel_loop3A_312 : i32 to index
      %parallel_loop3A_430 = tpu.vector_load %arg16[%parallel_loop3A_427, %parallel_loop3A_428, %parallel_loop3A_429] {strides = array<i32>} : memref<16x8x256xf32, #tpu.memory_space<vmem>>, vector<16xf32>,
      tpu.vector_store %arg16[%parallel_loop3A_427, %parallel_loop3A_428, %parallel_loop3A_429], %parallel_loop3A_425 {strides = array<i32>} : memref<16x8x256xf32, #tpu.memory_space<vmem>>, vector<16xf32>,
      %parallel_loop3A_431 = vector.broadcast %parallel_loop3A_131 : i32 to vector<16xi32>
      %parallel_loop3A_432 = arith.andi %parallel_loop3A_334, %parallel_loop3A_431 : vector<16xi32>
      %parallel_loop3A_433 = vector.bitcast %parallel_loop3A_432 : vector<16xi32> to vector<16xf32>
      %parallel_loop3A_434 = vector.broadcast %parallel_loop3A_131 : i32 to vector<16xi32>
      %parallel_loop3A_435 = arith.andi %parallel_loop3A_366, %parallel_loop3A_434 : vector<16xi32>
      %parallel_loop3A_436 = vector.bitcast %parallel_loop3A_435 : vector<16xi32> to vector<16xf32>
      %parallel_loop3A_437 = arith.addf %parallel_loop3A_433, %parallel_loop3A_436 : vector<16xf32>
      %parallel_loop3A_438 = arith.constant 3 : i32
      %parallel_loop3A_439 = arith.index_cast %parallel_loop3A_438 : i32 to index
      %parallel_loop3A_440 = arith.index_cast %parallel_loop3A_294 : i32 to index
      %parallel_loop3A_441 = arith.index_cast %parallel_loop3A_312 : i32 to index
      %parallel_loop3A_442 = tpu.vector_load %arg16[%parallel_loop3A_439, %parallel_loop3A_440, %parallel_loop3A_441] {strides = array<i32>} : memref<16x8x256xf32, #tpu.memory_space<vmem>>, vector<16xf32>,
      tpu.vector_store %arg16[%parallel_loop3A_439, %parallel_loop3A_440, %parallel_loop3A_441], %parallel_loop3A_437 {strides = array<i32>} : memref<16x8x256xf32, #tpu.memory_space<vmem>>, vector<16xf32>,
      %parallel_loop3A_443 = arith.constant 16 : i32
      %parallel_loop3A_444 = vector.broadcast %parallel_loop3A_443 : i32 to vector<16xi32>
      %parallel_loop3A_445 = arith.shli %parallel_loop3A_338, %parallel_loop3A_444 : vector<16xi32>
      %parallel_loop3A_446 = vector.bitcast %parallel_loop3A_445 : vector<16xi32> to vector<16xf32>
      %parallel_loop3A_447 = arith.constant 16 : i32
      %parallel_loop3A_448 = vector.broadcast %parallel_loop3A_447 : i32 to vector<16xi32>
      %parallel_loop3A_449 = arith.shli %parallel_loop3A_370, %parallel_loop3A_448 : vector<16xi32>
      %parallel_loop3A_450 = vector.bitcast %parallel_loop3A_449 : vector<16xi32> to vector<16xf32>
      %parallel_loop3A_451 = arith.addf %parallel_loop3A_446, %parallel_loop3A_450 : vector<16xf32>
      %parallel_loop3A_452 = arith.constant 4 : i32
      %parallel_loop3A_453 = arith.index_cast %parallel_loop3A_452 : i32 to index
      %parallel_loop3A_454 = arith.index_cast %parallel_loop3A_294 : i32 to index
      %parallel_loop3A_455 = arith.index_cast %parallel_loop3A_312 : i32 to index
      %parallel_loop3A_456 = tpu.vector_load %arg16[%parallel_loop3A_453, %parallel_loop3A_454, %parallel_loop3A_455] {strides = array<i32>} : memref<16x8x256xf32, #tpu.memory_space<vmem>>, vector<16xf32>,
      tpu.vector_store %arg16[%parallel_loop3A_453, %parallel_loop3A_454, %parallel_loop3A_455], %parallel_loop3A_451 {strides = array<i32>} : memref<16x8x256xf32, #tpu.memory_space<vmem>>, vector<16xf32>,
      %parallel_loop3A_457 = vector.broadcast %parallel_loop3A_131 : i32 to vector<16xi32>
      %parallel_loop3A_458 = arith.andi %parallel_loop3A_338, %parallel_loop3A_457 : vector<16xi32>
      %parallel_loop3A_459 = vector.bitcast %parallel_loop3A_458 : vector<16xi32> to vector<16xf32>
      %parallel_loop3A_460 = vector.broadcast %parallel_loop3A_131 : i32 to vector<16xi32>
      %parallel_loop3A_461 = arith.andi %parallel_loop3A_370, %parallel_loop3A_460 : vector<16xi32>
      %parallel_loop3A_462 = vector.bitcast %parallel_loop3A_461 : vector<16xi32> to vector<16xf32>
      %parallel_loop3A_463 = arith.addf %parallel_loop3A_459, %parallel_loop3A_462 : vector<16xf32>
      %parallel_loop3A_464 = arith.constant 5 : i32
      %parallel_loop3A_465 = arith.index_cast %parallel_loop3A_464 : i32 to index
      %parallel_loop3A_466 = arith.index_cast %parallel_loop3A_294 : i32 to index
      %parallel_loop3A_467 = arith.index_cast %parallel_loop3A_312 : i32 to index
      %parallel_loop3A_468 = tpu.vector_load %arg16[%parallel_loop3A_465, %parallel_loop3A_466, %parallel_loop3A_467] {strides = array<i32>} : memref<16x8x256xf32, #tpu.memory_space<vmem>>, vector<16xf32>,
      tpu.vector_store %arg16[%parallel_loop3A_465, %parallel_loop3A_466, %parallel_loop3A_467], %parallel_loop3A_463 {strides = array<i32>} : memref<16x8x256xf32, #tpu.memory_space<vmem>>, vector<16xf32>,
      %parallel_loop3A_469 = arith.constant 16 : i32
      %parallel_loop3A_470 = vector.broadcast %parallel_loop3A_469 : i32 to vector<16xi32>
      %parallel_loop3A_471 = arith.shli %parallel_loop3A_342, %parallel_loop3A_470 : vector<16xi32>
      %parallel_loop3A_472 = vector.bitcast %parallel_loop3A_471 : vector<16xi32> to vector<16xf32>
      %parallel_loop3A_473 = arith.constant 16 : i32
      %parallel_loop3A_474 = vector.broadcast %parallel_loop3A_473 : i32 to vector<16xi32>
      %parallel_loop3A_475 = arith.shli %parallel_loop3A_374, %parallel_loop3A_474 : vector<16xi32>
      %parallel_loop3A_476 = vector.bitcast %parallel_loop3A_475 : vector<16xi32> to vector<16xf32>
      %parallel_loop3A_477 = arith.addf %parallel_loop3A_472, %parallel_loop3A_476 : vector<16xf32>
      %parallel_loop3A_478 = arith.constant 6 : i32
      %parallel_loop3A_479 = arith.index_cast %parallel_loop3A_478 : i32 to index
      %parallel_loop3A_480 = arith.index_cast %parallel_loop3A_294 : i32 to index
      %parallel_loop3A_481 = arith.index_cast %parallel_loop3A_312 : i32 to index
      %parallel_loop3A_482 = tpu.vector_load %arg16[%parallel_loop3A_479, %parallel_loop3A_480, %parallel_loop3A_481] {strides = array<i32>} : memref<16x8x256xf32, #tpu.memory_space<vmem>>, vector<16xf32>,
      tpu.vector_store %arg16[%parallel_loop3A_479, %parallel_loop3A_480, %parallel_loop3A_481], %parallel_loop3A_477 {strides = array<i32>} : memref<16x8x256xf32, #tpu.memory_space<vmem>>, vector<16xf32>,
      %parallel_loop3A_483 = vector.broadcast %parallel_loop3A_131 : i32 to vector<16xi32>
      %parallel_loop3A_484 = arith.andi %parallel_loop3A_342, %parallel_loop3A_483 : vector<16xi32>
      %parallel_loop3A_485 = vector.bitcast %parallel_loop3A_484 : vector<16xi32> to vector<16xf32>
      %parallel_loop3A_486 = vector.broadcast %parallel_loop3A_131 : i32 to vector<16xi32>
      %parallel_loop3A_487 = arith.andi %parallel_loop3A_374, %parallel_loop3A_486 : vector<16xi32>
      %parallel_loop3A_488 = vector.bitcast %parallel_loop3A_487 : vector<16xi32> to vector<16xf32>
      %parallel_loop3A_489 = arith.addf %parallel_loop3A_485, %parallel_loop3A_488 : vector<16xf32>
      %parallel_loop3A_490 = arith.constant 7 : i32
      %parallel_loop3A_491 = arith.index_cast %parallel_loop3A_490 : i32 to index
      %parallel_loop3A_492 = arith.index_cast %parallel_loop3A_294 : i32 to index
      %parallel_loop3A_493 = arith.index_cast %parallel_loop3A_312 : i32 to index
      %parallel_loop3A_494 = tpu.vector_load %arg16[%parallel_loop3A_491, %parallel_loop3A_492, %parallel_loop3A_493] {strides = array<i32>} : memref<16x8x256xf32, #tpu.memory_space<vmem>>, vector<16xf32>,
      tpu.vector_store %arg16[%parallel_loop3A_491, %parallel_loop3A_492, %parallel_loop3A_493], %parallel_loop3A_489 {strides = array<i32>} : memref<16x8x256xf32, #tpu.memory_space<vmem>>, vector<16xf32>,
      %parallel_loop3A_495 = arith.constant 16 : i32
      %parallel_loop3A_496 = vector.broadcast %parallel_loop3A_495 : i32 to vector<16xi32>
      %parallel_loop3A_497 = arith.shli %parallel_loop3A_346, %parallel_loop3A_496 : vector<16xi32>
      %parallel_loop3A_498 = vector.bitcast %parallel_loop3A_497 : vector<16xi32> to vector<16xf32>
      %parallel_loop3A_499 = arith.constant 16 : i32
      %parallel_loop3A_500 = vector.broadcast %parallel_loop3A_499 : i32 to vector<16xi32>
      %parallel_loop3A_501 = arith.shli %parallel_loop3A_378, %parallel_loop3A_500 : vector<16xi32>
      %parallel_loop3A_502 = vector.bitcast %parallel_loop3A_501 : vector<16xi32> to vector<16xf32>
      %parallel_loop3A_503 = arith.addf %parallel_loop3A_498, %parallel_loop3A_502 : vector<16xf32>
      %parallel_loop3A_504 = arith.constant 8 : i32
      %parallel_loop3A_505 = arith.index_cast %parallel_loop3A_504 : i32 to index
      %parallel_loop3A_506 = arith.index_cast %parallel_loop3A_294 : i32 to index
      %parallel_loop3A_507 = arith.index_cast %parallel_loop3A_312 : i32 to index
      %parallel_loop3A_508 = tpu.vector_load %arg16[%parallel_loop3A_505, %parallel_loop3A_506, %parallel_loop3A_507] {strides = array<i32>} : memref<16x8x256xf32, #tpu.memory_space<vmem>>, vector<16xf32>,
      tpu.vector_store %arg16[%parallel_loop3A_505, %parallel_loop3A_506, %parallel_loop3A_507], %parallel_loop3A_503 {strides = array<i32>} : memref<16x8x256xf32, #tpu.memory_space<vmem>>, vector<16xf32>,
      %parallel_loop3A_509 = vector.broadcast %parallel_loop3A_131 : i32 to vector<16xi32>
      %parallel_loop3A_510 = arith.andi %parallel_loop3A_346, %parallel_loop3A_509 : vector<16xi32>
      %parallel_loop3A_511 = vector.bitcast %parallel_loop3A_510 : vector<16xi32> to vector<16xf32>
      %parallel_loop3A_512 = vector.broadcast %parallel_loop3A_131 : i32 to vector<16xi32>
      %parallel_loop3A_513 = arith.andi %parallel_loop3A_378, %parallel_loop3A_512 : vector<16xi32>
      %parallel_loop3A_514 = vector.bitcast %parallel_loop3A_513 : vector<16xi32> to vector<16xf32>
      %parallel_loop3A_515 = arith.addf %parallel_loop3A_511, %parallel_loop3A_514 : vector<16xf32>
      %parallel_loop3A_516 = arith.constant 9 : i32
      %parallel_loop3A_517 = arith.index_cast %parallel_loop3A_516 : i32 to index
      %parallel_loop3A_518 = arith.index_cast %parallel_loop3A_294 : i32 to index
      %parallel_loop3A_519 = arith.index_cast %parallel_loop3A_312 : i32 to index
      %parallel_loop3A_520 = tpu.vector_load %arg16[%parallel_loop3A_517, %parallel_loop3A_518, %parallel_loop3A_519] {strides = array<i32>} : memref<16x8x256xf32, #tpu.memory_space<vmem>>, vector<16xf32>,
      tpu.vector_store %arg16[%parallel_loop3A_517, %parallel_loop3A_518, %parallel_loop3A_519], %parallel_loop3A_515 {strides = array<i32>} : memref<16x8x256xf32, #tpu.memory_space<vmem>>, vector<16xf32>,
      %parallel_loop3A_521 = arith.constant 16 : i32
      %parallel_loop3A_522 = vector.broadcast %parallel_loop3A_521 : i32 to vector<16xi32>
      %parallel_loop3A_523 = arith.shli %parallel_loop3A_350, %parallel_loop3A_522 : vector<16xi32>
      %parallel_loop3A_524 = vector.bitcast %parallel_loop3A_523 : vector<16xi32> to vector<16xf32>
      %parallel_loop3A_525 = arith.constant 16 : i32
      %parallel_loop3A_526 = vector.broadcast %parallel_loop3A_525 : i32 to vector<16xi32>
      %parallel_loop3A_527 = arith.shli %parallel_loop3A_382, %parallel_loop3A_526 : vector<16xi32>
      %parallel_loop3A_528 = vector.bitcast %parallel_loop3A_527 : vector<16xi32> to vector<16xf32>
      %parallel_loop3A_529 = arith.addf %parallel_loop3A_524, %parallel_loop3A_528 : vector<16xf32>
      %parallel_loop3A_530 = arith.constant 10 : i32
      %parallel_loop3A_531 = arith.index_cast %parallel_loop3A_530 : i32 to index
      %parallel_loop3A_532 = arith.index_cast %parallel_loop3A_294 : i32 to index
      %parallel_loop3A_533 = arith.index_cast %parallel_loop3A_312 : i32 to index
      %parallel_loop3A_534 = tpu.vector_load %arg16[%parallel_loop3A_531, %parallel_loop3A_532, %parallel_loop3A_533] {strides = array<i32>} : memref<16x8x256xf32, #tpu.memory_space<vmem>>, vector<16xf32>,
      tpu.vector_store %arg16[%parallel_loop3A_531, %parallel_loop3A_532, %parallel_loop3A_533], %parallel_loop3A_529 {strides = array<i32>} : memref<16x8x256xf32, #tpu.memory_space<vmem>>, vector<16xf32>,
      %parallel_loop3A_535 = vector.broadcast %parallel_loop3A_131 : i32 to vector<16xi32>
      %parallel_loop3A_536 = arith.andi %parallel_loop3A_350, %parallel_loop3A_535 : vector<16xi32>
      %parallel_loop3A_537 = vector.bitcast %parallel_loop3A_536 : vector<16xi32> to vector<16xf32>
      %parallel_loop3A_538 = vector.broadcast %parallel_loop3A_131 : i32 to vector<16xi32>
      %parallel_loop3A_539 = arith.andi %parallel_loop3A_382, %parallel_loop3A_538 : vector<16xi32>
      %parallel_loop3A_540 = vector.bitcast %parallel_loop3A_539 : vector<16xi32> to vector<16xf32>
      %parallel_loop3A_541 = arith.addf %parallel_loop3A_537, %parallel_loop3A_540 : vector<16xf32>
      %parallel_loop3A_542 = arith.constant 11 : i32
      %parallel_loop3A_543 = arith.index_cast %parallel_loop3A_542 : i32 to index
      %parallel_loop3A_544 = arith.index_cast %parallel_loop3A_294 : i32 to index
      %parallel_loop3A_545 = arith.index_cast %parallel_loop3A_312 : i32 to index
      %parallel_loop3A_546 = tpu.vector_load %arg16[%parallel_loop3A_543, %parallel_loop3A_544, %parallel_loop3A_545] {strides = array<i32>} : memref<16x8x256xf32, #tpu.memory_space<vmem>>, vector<16xf32>,
      tpu.vector_store %arg16[%parallel_loop3A_543, %parallel_loop3A_544, %parallel_loop3A_545], %parallel_loop3A_541 {strides = array<i32>} : memref<16x8x256xf32, #tpu.memory_space<vmem>>, vector<16xf32>,
      %parallel_loop3A_547 = arith.constant 16 : i32
      %parallel_loop3A_548 = vector.broadcast %parallel_loop3A_547 : i32 to vector<16xi32>
      %parallel_loop3A_549 = arith.shli %parallel_loop3A_354, %parallel_loop3A_548 : vector<16xi32>
      %parallel_loop3A_550 = vector.bitcast %parallel_loop3A_549 : vector<16xi32> to vector<16xf32>
      %parallel_loop3A_551 = arith.constant 16 : i32
      %parallel_loop3A_552 = vector.broadcast %parallel_loop3A_551 : i32 to vector<16xi32>
      %parallel_loop3A_553 = arith.shli %parallel_loop3A_386, %parallel_loop3A_552 : vector<16xi32>
      %parallel_loop3A_554 = vector.bitcast %parallel_loop3A_553 : vector<16xi32> to vector<16xf32>
      %parallel_loop3A_555 = arith.addf %parallel_loop3A_550, %parallel_loop3A_554 : vector<16xf32>
      %parallel_loop3A_556 = arith.constant 12 : i32
      %parallel_loop3A_557 = arith.index_cast %parallel_loop3A_556 : i32 to index
      %parallel_loop3A_558 = arith.index_cast %parallel_loop3A_294 : i32 to index
      %parallel_loop3A_559 = arith.index_cast %parallel_loop3A_312 : i32 to index
      %parallel_loop3A_560 = tpu.vector_load %arg16[%parallel_loop3A_557, %parallel_loop3A_558, %parallel_loop3A_559] {strides = array<i32>} : memref<16x8x256xf32, #tpu.memory_space<vmem>>, vector<16xf32>,
      tpu.vector_store %arg16[%parallel_loop3A_557, %parallel_loop3A_558, %parallel_loop3A_559], %parallel_loop3A_555 {strides = array<i32>} : memref<16x8x256xf32, #tpu.memory_space<vmem>>, vector<16xf32>,
      %parallel_loop3A_561 = vector.broadcast %parallel_loop3A_131 : i32 to vector<16xi32>
      %parallel_loop3A_562 = arith.andi %parallel_loop3A_354, %parallel_loop3A_561 : vector<16xi32>
      %parallel_loop3A_563 = vector.bitcast %parallel_loop3A_562 : vector<16xi32> to vector<16xf32>
      %parallel_loop3A_564 = vector.broadcast %parallel_loop3A_131 : i32 to vector<16xi32>
      %parallel_loop3A_565 = arith.andi %parallel_loop3A_386, %parallel_loop3A_564 : vector<16xi32>
      %parallel_loop3A_566 = vector.bitcast %parallel_loop3A_565 : vector<16xi32> to vector<16xf32>
      %parallel_loop3A_567 = arith.addf %parallel_loop3A_563, %parallel_loop3A_566 : vector<16xf32>
      %parallel_loop3A_568 = arith.constant 13 : i32
      %parallel_loop3A_569 = arith.index_cast %parallel_loop3A_568 : i32 to index
      %parallel_loop3A_570 = arith.index_cast %parallel_loop3A_294 : i32 to index
      %parallel_loop3A_571 = arith.index_cast %parallel_loop3A_312 : i32 to index
      %parallel_loop3A_572 = tpu.vector_load %arg16[%parallel_loop3A_569, %parallel_loop3A_570, %parallel_loop3A_571] {strides = array<i32>} : memref<16x8x256xf32, #tpu.memory_space<vmem>>, vector<16xf32>,
      tpu.vector_store %arg16[%parallel_loop3A_569, %parallel_loop3A_570, %parallel_loop3A_571], %parallel_loop3A_567 {strides = array<i32>} : memref<16x8x256xf32, #tpu.memory_space<vmem>>, vector<16xf32>,
      %parallel_loop3A_573 = arith.constant 16 : i32
      %parallel_loop3A_574 = vector.broadcast %parallel_loop3A_573 : i32 to vector<16xi32>
      %parallel_loop3A_575 = arith.shli %parallel_loop3A_358, %parallel_loop3A_574 : vector<16xi32>
      %parallel_loop3A_576 = vector.bitcast %parallel_loop3A_575 : vector<16xi32> to vector<16xf32>
      %parallel_loop3A_577 = arith.constant 16 : i32
      %parallel_loop3A_578 = vector.broadcast %parallel_loop3A_577 : i32 to vector<16xi32>
      %parallel_loop3A_579 = arith.shli %parallel_loop3A_390, %parallel_loop3A_578 : vector<16xi32>
      %parallel_loop3A_580 = vector.bitcast %parallel_loop3A_579 : vector<16xi32> to vector<16xf32>
      %parallel_loop3A_581 = arith.addf %parallel_loop3A_576, %parallel_loop3A_580 : vector<16xf32>
      %parallel_loop3A_582 = arith.constant 14 : i32
      %parallel_loop3A_583 = arith.index_cast %parallel_loop3A_582 : i32 to index
      %parallel_loop3A_584 = arith.index_cast %parallel_loop3A_294 : i32 to index
      %parallel_loop3A_585 = arith.index_cast %parallel_loop3A_312 : i32 to index
      %parallel_loop3A_586 = tpu.vector_load %arg16[%parallel_loop3A_583, %parallel_loop3A_584, %parallel_loop3A_585] {strides = array<i32>} : memref<16x8x256xf32, #tpu.memory_space<vmem>>, vector<16xf32>,
      tpu.vector_store %arg16[%parallel_loop3A_583, %parallel_loop3A_584, %parallel_loop3A_585], %parallel_loop3A_581 {strides = array<i32>} : memref<16x8x256xf32, #tpu.memory_space<vmem>>, vector<16xf32>,
      %parallel_loop3A_587 = vector.broadcast %parallel_loop3A_131 : i32 to vector<16xi32>
      %parallel_loop3A_588 = arith.andi %parallel_loop3A_358, %parallel_loop3A_587 : vector<16xi32>
      %parallel_loop3A_589 = vector.bitcast %parallel_loop3A_588 : vector<16xi32> to vector<16xf32>
      %parallel_loop3A_590 = vector.broadcast %parallel_loop3A_131 : i32 to vector<16xi32>
      %parallel_loop3A_591 = arith.andi %parallel_loop3A_390, %parallel_loop3A_590 : vector<16xi32>
      %parallel_loop3A_592 = vector.bitcast %parallel_loop3A_591 : vector<16xi32> to vector<16xf32>
      %parallel_loop3A_593 = arith.addf %parallel_loop3A_589, %parallel_loop3A_592 : vector<16xf32>
      %parallel_loop3A_594 = arith.constant 15 : i32
      %parallel_loop3A_595 = arith.index_cast %parallel_loop3A_594 : i32 to index
      %parallel_loop3A_596 = arith.index_cast %parallel_loop3A_294 : i32 to index
      %parallel_loop3A_597 = arith.index_cast %parallel_loop3A_312 : i32 to index
      %parallel_loop3A_598 = tpu.vector_load %arg16[%parallel_loop3A_595, %parallel_loop3A_596, %parallel_loop3A_597] {strides = array<i32>} : memref<16x8x256xf32, #tpu.memory_space<vmem>>, vector<16xf32>,
      tpu.vector_store %arg16[%parallel_loop3A_595, %parallel_loop3A_596, %parallel_loop3A_597], %parallel_loop3A_593 {strides = array<i32>} : memref<16x8x256xf32, #tpu.memory_space<vmem>>, vector<16xf32>,
    } {sc.loop_unroll_factor = 2 : i64, sc.parallel_access}
    %add3A_132 = arith.constant 8 : i32
    %add3A_133 = arith.addi %mul3A_32, %add3A_132 : i32
    %dma_start3A_134 = arith.constant 0 : i32
    %dma_start3A_135 = arith.constant 0 : i32
    %dma_start3A_136 = tpu.memref_slice %arg6[%select_n3A, %dma_start3A_134, %add3A_133, %dma_start3A_135] : memref<16x16x256x256xf32, #tpu.memory_space<hbm>> -> memref<1x16x8x256xf32, #tpu.memory_space<hbm>>
    %dma_start3A_137 = tpu.memref_squeeze %dma_start3A_136 : memref<1x16x8x256xf32, #tpu.memory_space<hbm>> -> memref<16x8x256xf32, #tpu.memory_space<hbm>>
    %dma_start3A_138 = arith.constant 0 : i32
    %dma_start3A_139 = arith.constant 0 : i32
    %dma_start3A_140 = tpu.memref_slice %arg6[%select_n3A, %dma_start3A_138, %add3A_133, %dma_start3A_139] : memref<16x16x256x256xf32, #tpu.memory_space<hbm>> -> memref<1x16x8x256xf32, #tpu.memory_space<hbm>>
    %dma_start3A_141 = tpu.memref_squeeze %dma_start3A_140 : memref<1x16x8x256xf32, #tpu.memory_space<hbm>> -> memref<16x8x256xf32, #tpu.memory_space<hbm>>
    tpu.enqueue_dma source(%arg16 : memref<16x8x256xf32, #tpu.memory_space<vmem>>) target(%dma_start3A_141 : memref<16x8x256xf32, #tpu.memory_space<hbm>>) target_semaphore(%arg20 : memref<!tpu.dma_semaphore, #tpu.memory_space<semaphore_mem>>)
    %add3A_142 = arith.constant 24 : i32
    %add3A_143 = arith.addi %mul3A_32, %add3A_142 : i32
    %dma_start3A_144 = arith.constant 0 : i32
    %dma_start3A_145 = tpu.memref_slice %arg2[%select_n3A, %add3A_143, %dma_start3A_144] : memref<16x256x256xi32, #tpu.memory_space<hbm>> -> memref<1x8x256xi32, #tpu.memory_space<hbm>>
    %dma_start3A_146 = tpu.memref_squeeze %dma_start3A_145 : memref<1x8x256xi32, #tpu.memory_space<hbm>> -> memref<8x256xi32, #tpu.memory_space<hbm>>
    %dma_start3A_147 = arith.constant 0 : i32
    %dma_start3A_148 = tpu.memref_slice %arg2[%select_n3A, %add3A_143, %dma_start3A_147] : memref<16x256x256xi32, #tpu.memory_space<hbm>> -> memref<1x8x256xi32, #tpu.memory_space<hbm>>
    %dma_start3A_149 = tpu.memref_squeeze %dma_start3A_148 : memref<1x8x256xi32, #tpu.memory_space<hbm>> -> memref<8x256xi32, #tpu.memory_space<hbm>>
    tpu.enqueue_dma source(%dma_start3A_149 : memref<8x256xi32, #tpu.memory_space<hbm>>) target(%arg12 : memref<8x256xi32, #tpu.memory_space<vmem>>) target_semaphore(%arg18 : memref<!tpu.dma_semaphore, #tpu.memory_space<semaphore_mem>>)
    %dma_start3A_150 = arith.constant 0 : i32
    %dma_start3A_151 = tpu.memref_slice %arg3[%select_n3A, %add3A_143, %dma_start3A_150] : memref<16x256x256xi32, #tpu.memory_space<hbm>> -> memref<1x8x256xi32, #tpu.memory_space<hbm>>
    %dma_start3A_152 = tpu.memref_squeeze %dma_start3A_151 : memref<1x8x256xi32, #tpu.memory_space<hbm>> -> memref<8x256xi32, #tpu.memory_space<hbm>>
    %dma_start3A_153 = arith.constant 0 : i32
    %dma_start3A_154 = tpu.memref_slice %arg3[%select_n3A, %add3A_143, %dma_start3A_153] : memref<16x256x256xi32, #tpu.memory_space<hbm>> -> memref<1x8x256xi32, #tpu.memory_space<hbm>>
    %dma_start3A_155 = tpu.memref_squeeze %dma_start3A_154 : memref<1x8x256xi32, #tpu.memory_space<hbm>> -> memref<8x256xi32, #tpu.memory_space<hbm>>
    tpu.enqueue_dma source(%dma_start3A_155 : memref<8x256xi32, #tpu.memory_space<hbm>>) target(%arg14 : memref<8x256xi32, #tpu.memory_space<vmem>>) target_semaphore(%arg18 : memref<!tpu.dma_semaphore, #tpu.memory_space<semaphore_mem>>)
    %scan3A = arith.constant 0 : i32
    %scan3A_156 = arith.constant -65536 : i32
    %scan3A_157 = arith.constant 1 : i32
    %scan3A_158 = arith.constant 6 : i32
    %scan3A_159 = arith.addi %scan3A_157, %scan3A_158 : i32
    %scan3A_160 = arith.constant 1 : i32
    scf.for %scan3A_270 = %scan3A_157 to %scan3A_159 step %scan3A_160  : i32 {
      %mul3A_271 = arith.constant 2 : i32
      %mul3A_272 = arith.muli %mul3A_271, %scan3A_270 : i32
      %add3A_273 = arith.constant 0 : i32
      %add3A_274 = arith.addi %mul3A_272, %add3A_273 : i32
      %dma_wait3A_275 = arith.constant 0 : i32
      %dma_wait3A_276 = arith.constant 0 : i32
      %dma_wait3A_277 = arith.constant 0 : i32
      %dma_wait3A_278 = tpu.memref_slice %arg2[%dma_wait3A_275, %dma_wait3A_276, %dma_wait3A_277] : memref<16x256x256xi32, #tpu.memory_space<hbm>> -> memref<1x8x256xi32, #tpu.memory_space<hbm>>
      %dma_wait3A_279 = tpu.memref_squeeze %dma_wait3A_278 : memref<1x8x256xi32, #tpu.memory_space<hbm>> -> memref<8x256xi32, #tpu.memory_space<hbm>>
      %dma_wait3A_280 = arith.constant 0 : i32
      %dma_wait3A_281 = arith.constant 0 : i32
      %dma_wait3A_282 = tpu.memref_slice %arg2[%dma_wait3A_275, %dma_wait3A_280, %dma_wait3A_281] : memref<16x256x256xi32, #tpu.memory_space<hbm>> -> memref<1x8x256xi32, #tpu.memory_space<hbm>>
      %dma_wait3A_283 = tpu.memref_squeeze %dma_wait3A_282 : memref<1x8x256xi32, #tpu.memory_space<hbm>> -> memref<8x256xi32, #tpu.memory_space<hbm>>
      tpu.wait_dma2 semaphore(%arg17 : memref<!tpu.dma_semaphore, #tpu.memory_space<semaphore_mem>>) src(%dma_wait3A_283 : memref<8x256xi32, #tpu.memory_space<hbm>>) dst(%arg11 : memref<8x256xi32, #tpu.memory_space<vmem>>)
      %dma_wait3A_284 = arith.constant 0 : i32
      %dma_wait3A_285 = arith.constant 0 : i32
      %dma_wait3A_286 = arith.constant 0 : i32
      %dma_wait3A_287 = tpu.memref_slice %arg3[%dma_wait3A_284, %dma_wait3A_285, %dma_wait3A_286] : memref<16x256x256xi32, #tpu.memory_space<hbm>> -> memref<1x8x256xi32, #tpu.memory_space<hbm>>
      %dma_wait3A_288 = tpu.memref_squeeze %dma_wait3A_287 : memref<1x8x256xi32, #tpu.memory_space<hbm>> -> memref<8x256xi32, #tpu.memory_space<hbm>>
      %dma_wait3A_289 = arith.constant 0 : i32
      %dma_wait3A_290 = arith.constant 0 : i32
      %dma_wait3A_291 = tpu.memref_slice %arg3[%dma_wait3A_284, %dma_wait3A_289, %dma_wait3A_290] : memref<16x256x256xi32, #tpu.memory_space<hbm>> -> memref<1x8x256xi32, #tpu.memory_space<hbm>>
      %dma_wait3A_292 = tpu.memref_squeeze %dma_wait3A_291 : memref<1x8x256xi32, #tpu.memory_space<hbm>> -> memref<8x256xi32, #tpu.memory_space<hbm>>
      tpu.wait_dma2 semaphore(%arg17 : memref<!tpu.dma_semaphore, #tpu.memory_space<semaphore_mem>>) src(%dma_wait3A_292 : memref<8x256xi32, #tpu.memory_space<hbm>>) dst(%arg13 : memref<8x256xi32, #tpu.memory_space<vmem>>)
      %dma_wait3A_293 = arith.constant 0 : i32
      %dma_wait3A_294 = arith.constant 0 : i32
      %dma_wait3A_295 = arith.constant 0 : i32
      %dma_wait3A_296 = arith.constant 0 : i32
      %dma_wait3A_297 = tpu.memref_slice %arg6[%dma_wait3A_293, %dma_wait3A_294, %dma_wait3A_295, %dma_wait3A_296] : memref<16x16x256x256xf32, #tpu.memory_space<hbm>> -> memref<1x16x8x256xf32, #tpu.memory_space<hbm>>
      %dma_wait3A_298 = tpu.memref_squeeze %dma_wait3A_297 : memref<1x16x8x256xf32, #tpu.memory_space<hbm>> -> memref<16x8x256xf32, #tpu.memory_space<hbm>>
      %dma_wait3A_299 = arith.constant 0 : i32
      %dma_wait3A_300 = arith.constant 0 : i32
      %dma_wait3A_301 = arith.constant 0 : i32
      %dma_wait3A_302 = tpu.memref_slice %arg6[%dma_wait3A_293, %dma_wait3A_299, %dma_wait3A_300, %dma_wait3A_301] : memref<16x16x256x256xf32, #tpu.memory_space<hbm>> -> memref<1x16x8x256xf32, #tpu.memory_space<hbm>>
      %dma_wait3A_303 = tpu.memref_squeeze %dma_wait3A_302 : memref<1x16x8x256xf32, #tpu.memory_space<hbm>> -> memref<16x8x256xf32, #tpu.memory_space<hbm>>
      tpu.wait_dma2 semaphore(%arg19 : memref<!tpu.dma_semaphore, #tpu.memory_space<semaphore_mem>>) src(%arg15 : memref<16x8x256xf32, #tpu.memory_space<vmem>>) dst(%dma_wait3A_303 : memref<16x8x256xf32, #tpu.memory_space<hbm>>)
      %parallel_loop3A_304 = arith.constant 0 : i32
      %parallel_loop3A_305 = arith.constant 128 : i32
      %parallel_loop3A_306 = arith.constant 1 : i32
      scf.for %parallel_loop3A_399 = %parallel_loop3A_304 to %parallel_loop3A_305 step %parallel_loop3A_306  : i32 {
        %parallel_loop3A_400 = arith.constant 16 : i32
        %parallel_loop3A_401 = arith.divsi %parallel_loop3A_399, %parallel_loop3A_400 : i32
        %parallel_loop3A_402 = arith.constant 0 : i32
        %parallel_loop3A_403 = arith.cmpi sgt, %parallel_loop3A_399, %parallel_loop3A_402 : i32
        %parallel_loop3A_404 = arith.extui %parallel_loop3A_403 : i1 to i32
        %parallel_loop3A_405 = arith.constant 0 : i32
        %parallel_loop3A_406 = arith.cmpi slt, %parallel_loop3A_399, %parallel_loop3A_405 : i32
        %parallel_loop3A_407 = arith.extui %parallel_loop3A_406 : i1 to i32
        %parallel_loop3A_408 = arith.subi %parallel_loop3A_404, %parallel_loop3A_407 : i32
        %parallel_loop3A_409 = arith.constant 0 : i32
        %parallel_loop3A_410 = arith.cmpi sgt, %parallel_loop3A_400, %parallel_loop3A_409 : i32
        %parallel_loop3A_411 = arith.extui %parallel_loop3A_410 : i1 to i32
        %parallel_loop3A_412 = arith.constant 0 : i32
        %parallel_loop3A_413 = arith.cmpi slt, %parallel_loop3A_400, %parallel_loop3A_412 : i32
        %parallel_loop3A_414 = arith.extui %parallel_loop3A_413 : i1 to i32
        %parallel_loop3A_415 = arith.subi %parallel_loop3A_411, %parallel_loop3A_414 : i32
        %parallel_loop3A_416 = arith.cmpi ne, %parallel_loop3A_408, %parallel_loop3A_415 : i32
        %parallel_loop3A_417 = arith.remsi %parallel_loop3A_399, %parallel_loop3A_400 : i32
        %parallel_loop3A_418 = arith.constant 0 : i32
        %parallel_loop3A_419 = arith.cmpi ne, %parallel_loop3A_417, %parallel_loop3A_418 : i32
        %parallel_loop3A_420 = arith.andi %parallel_loop3A_416, %parallel_loop3A_419 : i1
        %parallel_loop3A_421 = arith.constant 1 : i32
        %parallel_loop3A_422 = arith.subi %parallel_loop3A_401, %parallel_loop3A_421 : i32
        %parallel_loop3A_423 = arith.select %parallel_loop3A_420, %parallel_loop3A_422, %parallel_loop3A_401 : i32
        %parallel_loop3A_424 = arith.constant 16 : i32
        %parallel_loop3A_425 = arith.constant 0 : i32
        %parallel_loop3A_426 = arith.cmpi eq, %parallel_loop3A_424, %parallel_loop3A_425 : i32
        %parallel_loop3A_427 = arith.constant 1 : i32
        %parallel_loop3A_428 = arith.select %parallel_loop3A_426, %parallel_loop3A_427, %parallel_loop3A_424 : i32
        %parallel_loop3A_429 = arith.remsi %parallel_loop3A_399, %parallel_loop3A_428 : i32
        %parallel_loop3A_430 = arith.constant 0 : i32
        %parallel_loop3A_431 = arith.cmpi ne, %parallel_loop3A_429, %parallel_loop3A_430 : i32
        %parallel_loop3A_432 = arith.constant 0 : i32
        %parallel_loop3A_433 = arith.cmpi slt, %parallel_loop3A_429, %parallel_loop3A_432 : i32
        %parallel_loop3A_434 = arith.constant 0 : i32
        %parallel_loop3A_435 = arith.cmpi slt, %parallel_loop3A_428, %parallel_loop3A_434 : i32
        %parallel_loop3A_436 = arith.xori %parallel_loop3A_433, %parallel_loop3A_435 : i1
        %parallel_loop3A_437 = arith.andi %parallel_loop3A_436, %parallel_loop3A_431 : i1
        %parallel_loop3A_438 = arith.addi %parallel_loop3A_429, %parallel_loop3A_428 : i32
        %parallel_loop3A_439 = arith.select %parallel_loop3A_437, %parallel_loop3A_438, %parallel_loop3A_429 : i32
        %parallel_loop3A_440 = arith.constant 16 : i32
        %parallel_loop3A_441 = arith.muli %parallel_loop3A_439, %parallel_loop3A_440 : i32
        %parallel_loop3A_442 = arith.index_cast %parallel_loop3A_423 : i32 to index
        %parallel_loop3A_443 = arith.index_cast %parallel_loop3A_441 : i32 to index
        %parallel_loop3A_444 = tpu.vector_load %arg11[%parallel_loop3A_442, %parallel_loop3A_443] {strides = array<i32>} : memref<8x256xi32, #tpu.memory_space<vmem>>, vector<16xi32>,
        %parallel_loop3A_445 = arith.index_cast %parallel_loop3A_423 : i32 to index
        %parallel_loop3A_446 = arith.index_cast %parallel_loop3A_441 : i32 to index
        %parallel_loop3A_447 = tpu.vector_load %arg13[%parallel_loop3A_445, %parallel_loop3A_446] {strides = array<i32>} : memref<8x256xi32, #tpu.memory_space<vmem>>, vector<16xi32>,
        %parallel_loop3A_448 = arith.constant 3 : i32
        %parallel_loop3A_449 = vector.broadcast %parallel_loop3A_448 : i32 to vector<16xi32>
        %parallel_loop3A_450 = arith.shli %parallel_loop3A_444, %parallel_loop3A_449 : vector<16xi32>
        %parallel_loop3A_451 = arith.addi %parallel_loop3A_450, %parallel_loop3A_444 : vector<16xi32>
        %parallel_loop3A_452 = arith.constant 3 : i32
        %parallel_loop3A_453 = vector.broadcast %parallel_loop3A_452 : i32 to vector<16xi32>
        %parallel_loop3A_454 = arith.shli %parallel_loop3A_447, %parallel_loop3A_453 : vector<16xi32>
        %parallel_loop3A_455 = arith.addi %parallel_loop3A_454, %parallel_loop3A_447 : vector<16xi32>
        %parallel_loop3A_456 = arith.constant 0 : i32
        %parallel_loop3A_457 = vector.broadcast %parallel_loop3A_456 : i32 to vector<16xi32>
        %parallel_loop3A_458 = arith.addi %parallel_loop3A_451, %parallel_loop3A_457 : vector<16xi32>
        %parallel_loop3A_459 = tpu.vector_load_idx %arg9[%parallel_loop3A_458] : memref<180xi32, #tpu.memory_space<vmem>>[vector<16xi32>], vector<16xi32>,
        %parallel_loop3A_460 = arith.constant 1 : i32
        %parallel_loop3A_461 = vector.broadcast %parallel_loop3A_460 : i32 to vector<16xi32>
        %parallel_loop3A_462 = arith.addi %parallel_loop3A_451, %parallel_loop3A_461 : vector<16xi32>
        %parallel_loop3A_463 = tpu.vector_load_idx %arg9[%parallel_loop3A_462] : memref<180xi32, #tpu.memory_space<vmem>>[vector<16xi32>], vector<16xi32>,
        %parallel_loop3A_464 = arith.constant 2 : i32
        %parallel_loop3A_465 = vector.broadcast %parallel_loop3A_464 : i32 to vector<16xi32>
        %parallel_loop3A_466 = arith.addi %parallel_loop3A_451, %parallel_loop3A_465 : vector<16xi32>
        %parallel_loop3A_467 = tpu.vector_load_idx %arg9[%parallel_loop3A_466] : memref<180xi32, #tpu.memory_space<vmem>>[vector<16xi32>], vector<16xi32>,
        %parallel_loop3A_468 = arith.constant 3 : i32
        %parallel_loop3A_469 = vector.broadcast %parallel_loop3A_468 : i32 to vector<16xi32>
        %parallel_loop3A_470 = arith.addi %parallel_loop3A_451, %parallel_loop3A_469 : vector<16xi32>
        %parallel_loop3A_471 = tpu.vector_load_idx %arg9[%parallel_loop3A_470] : memref<180xi32, #tpu.memory_space<vmem>>[vector<16xi32>], vector<16xi32>,
        %parallel_loop3A_472 = arith.constant 4 : i32
        %parallel_loop3A_473 = vector.broadcast %parallel_loop3A_472 : i32 to vector<16xi32>
        %parallel_loop3A_474 = arith.addi %parallel_loop3A_451, %parallel_loop3A_473 : vector<16xi32>
        %parallel_loop3A_475 = tpu.vector_load_idx %arg9[%parallel_loop3A_474] : memref<180xi32, #tpu.memory_space<vmem>>[vector<16xi32>], vector<16xi32>,
        %parallel_loop3A_476 = arith.constant 5 : i32
        %parallel_loop3A_477 = vector.broadcast %parallel_loop3A_476 : i32 to vector<16xi32>
        %parallel_loop3A_478 = arith.addi %parallel_loop3A_451, %parallel_loop3A_477 : vector<16xi32>
        %parallel_loop3A_479 = tpu.vector_load_idx %arg9[%parallel_loop3A_478] : memref<180xi32, #tpu.memory_space<vmem>>[vector<16xi32>], vector<16xi32>,
        %parallel_loop3A_480 = arith.constant 6 : i32
        %parallel_loop3A_481 = vector.broadcast %parallel_loop3A_480 : i32 to vector<16xi32>
        %parallel_loop3A_482 = arith.addi %parallel_loop3A_451, %parallel_loop3A_481 : vector<16xi32>
        %parallel_loop3A_483 = tpu.vector_load_idx %arg9[%parallel_loop3A_482] : memref<180xi32, #tpu.memory_space<vmem>>[vector<16xi32>], vector<16xi32>,
        %parallel_loop3A_484 = arith.constant 7 : i32
        %parallel_loop3A_485 = vector.broadcast %parallel_loop3A_484 : i32 to vector<16xi32>
        %parallel_loop3A_486 = arith.addi %parallel_loop3A_451, %parallel_loop3A_485 : vector<16xi32>
        %parallel_loop3A_487 = tpu.vector_load_idx %arg9[%parallel_loop3A_486] : memref<180xi32, #tpu.memory_space<vmem>>[vector<16xi32>], vector<16xi32>,
        %parallel_loop3A_488 = arith.constant 0 : i32
        %parallel_loop3A_489 = vector.broadcast %parallel_loop3A_488 : i32 to vector<16xi32>
        %parallel_loop3A_490 = arith.addi %parallel_loop3A_455, %parallel_loop3A_489 : vector<16xi32>
        %parallel_loop3A_491 = tpu.vector_load_idx %arg10[%parallel_loop3A_490] : memref<4608xi32, #tpu.memory_space<vmem>>[vector<16xi32>], vector<16xi32>,
        %parallel_loop3A_492 = arith.constant 1 : i32
        %parallel_loop3A_493 = vector.broadcast %parallel_loop3A_492 : i32 to vector<16xi32>
        %parallel_loop3A_494 = arith.addi %parallel_loop3A_455, %parallel_loop3A_493 : vector<16xi32>
        %parallel_loop3A_495 = tpu.vector_load_idx %arg10[%parallel_loop3A_494] : memref<4608xi32, #tpu.memory_space<vmem>>[vector<16xi32>], vector<16xi32>,
        %parallel_loop3A_496 = arith.constant 2 : i32
        %parallel_loop3A_497 = vector.broadcast %parallel_loop3A_496 : i32 to vector<16xi32>
        %parallel_loop3A_498 = arith.addi %parallel_loop3A_455, %parallel_loop3A_497 : vector<16xi32>
        %parallel_loop3A_499 = tpu.vector_load_idx %arg10[%parallel_loop3A_498] : memref<4608xi32, #tpu.memory_space<vmem>>[vector<16xi32>], vector<16xi32>,
        %parallel_loop3A_500 = arith.constant 3 : i32
        %parallel_loop3A_501 = vector.broadcast %parallel_loop3A_500 : i32 to vector<16xi32>
        %parallel_loop3A_502 = arith.addi %parallel_loop3A_455, %parallel_loop3A_501 : vector<16xi32>
        %parallel_loop3A_503 = tpu.vector_load_idx %arg10[%parallel_loop3A_502] : memref<4608xi32, #tpu.memory_space<vmem>>[vector<16xi32>], vector<16xi32>,
        %parallel_loop3A_504 = arith.constant 4 : i32
        %parallel_loop3A_505 = vector.broadcast %parallel_loop3A_504 : i32 to vector<16xi32>
        %parallel_loop3A_506 = arith.addi %parallel_loop3A_455, %parallel_loop3A_505 : vector<16xi32>
        %parallel_loop3A_507 = tpu.vector_load_idx %arg10[%parallel_loop3A_506] : memref<4608xi32, #tpu.memory_space<vmem>>[vector<16xi32>], vector<16xi32>,
        %parallel_loop3A_508 = arith.constant 5 : i32
        %parallel_loop3A_509 = vector.broadcast %parallel_loop3A_508 : i32 to vector<16xi32>
        %parallel_loop3A_510 = arith.addi %parallel_loop3A_455, %parallel_loop3A_509 : vector<16xi32>
        %parallel_loop3A_511 = tpu.vector_load_idx %arg10[%parallel_loop3A_510] : memref<4608xi32, #tpu.memory_space<vmem>>[vector<16xi32>], vector<16xi32>,
        %parallel_loop3A_512 = arith.constant 6 : i32
        %parallel_loop3A_513 = vector.broadcast %parallel_loop3A_512 : i32 to vector<16xi32>
        %parallel_loop3A_514 = arith.addi %parallel_loop3A_455, %parallel_loop3A_513 : vector<16xi32>
        %parallel_loop3A_515 = tpu.vector_load_idx %arg10[%parallel_loop3A_514] : memref<4608xi32, #tpu.memory_space<vmem>>[vector<16xi32>], vector<16xi32>,
        %parallel_loop3A_516 = arith.constant 7 : i32
        %parallel_loop3A_517 = vector.broadcast %parallel_loop3A_516 : i32 to vector<16xi32>
        %parallel_loop3A_518 = arith.addi %parallel_loop3A_455, %parallel_loop3A_517 : vector<16xi32>
        %parallel_loop3A_519 = tpu.vector_load_idx %arg10[%parallel_loop3A_518] : memref<4608xi32, #tpu.memory_space<vmem>>[vector<16xi32>], vector<16xi32>,
        %parallel_loop3A_520 = arith.constant 16 : i32
        %parallel_loop3A_521 = vector.broadcast %parallel_loop3A_520 : i32 to vector<16xi32>
        %parallel_loop3A_522 = arith.shli %parallel_loop3A_459, %parallel_loop3A_521 : vector<16xi32>
        %parallel_loop3A_523 = vector.bitcast %parallel_loop3A_522 : vector<16xi32> to vector<16xf32>
        %parallel_loop3A_524 = arith.constant 16 : i32
        %parallel_loop3A_525 = vector.broadcast %parallel_loop3A_524 : i32 to vector<16xi32>
        %parallel_loop3A_526 = arith.shli %parallel_loop3A_491, %parallel_loop3A_525 : vector<16xi32>
        %parallel_loop3A_527 = vector.bitcast %parallel_loop3A_526 : vector<16xi32> to vector<16xf32>
        %parallel_loop3A_528 = arith.addf %parallel_loop3A_523, %parallel_loop3A_527 : vector<16xf32>
        %parallel_loop3A_529 = arith.constant 0 : i32
        %parallel_loop3A_530 = arith.index_cast %parallel_loop3A_529 : i32 to index
        %parallel_loop3A_531 = arith.index_cast %parallel_loop3A_423 : i32 to index
        %parallel_loop3A_532 = arith.index_cast %parallel_loop3A_441 : i32 to index
        %parallel_loop3A_533 = tpu.vector_load %arg15[%parallel_loop3A_530, %parallel_loop3A_531, %parallel_loop3A_532] {strides = array<i32>} : memref<16x8x256xf32, #tpu.memory_space<vmem>>, vector<16xf32>,
        tpu.vector_store %arg15[%parallel_loop3A_530, %parallel_loop3A_531, %parallel_loop3A_532], %parallel_loop3A_528 {strides = array<i32>} : memref<16x8x256xf32, #tpu.memory_space<vmem>>, vector<16xf32>,
        %parallel_loop3A_534 = vector.broadcast %scan3A_156 : i32 to vector<16xi32>
        %parallel_loop3A_535 = arith.andi %parallel_loop3A_459, %parallel_loop3A_534 : vector<16xi32>
        %parallel_loop3A_536 = vector.bitcast %parallel_loop3A_535 : vector<16xi32> to vector<16xf32>
        %parallel_loop3A_537 = vector.broadcast %scan3A_156 : i32 to vector<16xi32>
        %parallel_loop3A_538 = arith.andi %parallel_loop3A_491, %parallel_loop3A_537 : vector<16xi32>
        %parallel_loop3A_539 = vector.bitcast %parallel_loop3A_538 : vector<16xi32> to vector<16xf32>
        %parallel_loop3A_540 = arith.addf %parallel_loop3A_536, %parallel_loop3A_539 : vector<16xf32>
        %parallel_loop3A_541 = arith.constant 1 : i32
        %parallel_loop3A_542 = arith.index_cast %parallel_loop3A_541 : i32 to index
        %parallel_loop3A_543 = arith.index_cast %parallel_loop3A_423 : i32 to index
        %parallel_loop3A_544 = arith.index_cast %parallel_loop3A_441 : i32 to index
        %parallel_loop3A_545 = tpu.vector_load %arg15[%parallel_loop3A_542, %parallel_loop3A_543, %parallel_loop3A_544] {strides = array<i32>} : memref<16x8x256xf32, #tpu.memory_space<vmem>>, vector<16xf32>,
        tpu.vector_store %arg15[%parallel_loop3A_542, %parallel_loop3A_543, %parallel_loop3A_544], %parallel_loop3A_540 {strides = array<i32>} : memref<16x8x256xf32, #tpu.memory_space<vmem>>, vector<16xf32>,
        %parallel_loop3A_546 = arith.constant 16 : i32
        %parallel_loop3A_547 = vector.broadcast %parallel_loop3A_546 : i32 to vector<16xi32>
        %parallel_loop3A_548 = arith.shli %parallel_loop3A_463, %parallel_loop3A_547 : vector<16xi32>
        %parallel_loop3A_549 = vector.bitcast %parallel_loop3A_548 : vector<16xi32> to vector<16xf32>
        %parallel_loop3A_550 = arith.constant 16 : i32
        %parallel_loop3A_551 = vector.broadcast %parallel_loop3A_550 : i32 to vector<16xi32>
        %parallel_loop3A_552 = arith.shli %parallel_loop3A_495, %parallel_loop3A_551 : vector<16xi32>
        %parallel_loop3A_553 = vector.bitcast %parallel_loop3A_552 : vector<16xi32> to vector<16xf32>
        %parallel_loop3A_554 = arith.addf %parallel_loop3A_549, %parallel_loop3A_553 : vector<16xf32>
        %parallel_loop3A_555 = arith.constant 2 : i32
        %parallel_loop3A_556 = arith.index_cast %parallel_loop3A_555 : i32 to index
        %parallel_loop3A_557 = arith.index_cast %parallel_loop3A_423 : i32 to index
        %parallel_loop3A_558 = arith.index_cast %parallel_loop3A_441 : i32 to index
        %parallel_loop3A_559 = tpu.vector_load %arg15[%parallel_loop3A_556, %parallel_loop3A_557, %parallel_loop3A_558] {strides = array<i32>} : memref<16x8x256xf32, #tpu.memory_space<vmem>>, vector<16xf32>,
        tpu.vector_store %arg15[%parallel_loop3A_556, %parallel_loop3A_557, %parallel_loop3A_558], %parallel_loop3A_554 {strides = array<i32>} : memref<16x8x256xf32, #tpu.memory_space<vmem>>, vector<16xf32>,
        %parallel_loop3A_560 = vector.broadcast %scan3A_156 : i32 to vector<16xi32>
        %parallel_loop3A_561 = arith.andi %parallel_loop3A_463, %parallel_loop3A_560 : vector<16xi32>
        %parallel_loop3A_562 = vector.bitcast %parallel_loop3A_561 : vector<16xi32> to vector<16xf32>
        %parallel_loop3A_563 = vector.broadcast %scan3A_156 : i32 to vector<16xi32>
        %parallel_loop3A_564 = arith.andi %parallel_loop3A_495, %parallel_loop3A_563 : vector<16xi32>
        %parallel_loop3A_565 = vector.bitcast %parallel_loop3A_564 : vector<16xi32> to vector<16xf32>
        %parallel_loop3A_566 = arith.addf %parallel_loop3A_562, %parallel_loop3A_565 : vector<16xf32>
        %parallel_loop3A_567 = arith.constant 3 : i32
        %parallel_loop3A_568 = arith.index_cast %parallel_loop3A_567 : i32 to index
        %parallel_loop3A_569 = arith.index_cast %parallel_loop3A_423 : i32 to index
        %parallel_loop3A_570 = arith.index_cast %parallel_loop3A_441 : i32 to index
        %parallel_loop3A_571 = tpu.vector_load %arg15[%parallel_loop3A_568, %parallel_loop3A_569, %parallel_loop3A_570] {strides = array<i32>} : memref<16x8x256xf32, #tpu.memory_space<vmem>>, vector<16xf32>,
        tpu.vector_store %arg15[%parallel_loop3A_568, %parallel_loop3A_569, %parallel_loop3A_570], %parallel_loop3A_566 {strides = array<i32>} : memref<16x8x256xf32, #tpu.memory_space<vmem>>, vector<16xf32>,
        %parallel_loop3A_572 = arith.constant 16 : i32
        %parallel_loop3A_573 = vector.broadcast %parallel_loop3A_572 : i32 to vector<16xi32>
        %parallel_loop3A_574 = arith.shli %parallel_loop3A_467, %parallel_loop3A_573 : vector<16xi32>
        %parallel_loop3A_575 = vector.bitcast %parallel_loop3A_574 : vector<16xi32> to vector<16xf32>
        %parallel_loop3A_576 = arith.constant 16 : i32
        %parallel_loop3A_577 = vector.broadcast %parallel_loop3A_576 : i32 to vector<16xi32>
        %parallel_loop3A_578 = arith.shli %parallel_loop3A_499, %parallel_loop3A_577 : vector<16xi32>
        %parallel_loop3A_579 = vector.bitcast %parallel_loop3A_578 : vector<16xi32> to vector<16xf32>
        %parallel_loop3A_580 = arith.addf %parallel_loop3A_575, %parallel_loop3A_579 : vector<16xf32>
        %parallel_loop3A_581 = arith.constant 4 : i32
        %parallel_loop3A_582 = arith.index_cast %parallel_loop3A_581 : i32 to index
        %parallel_loop3A_583 = arith.index_cast %parallel_loop3A_423 : i32 to index
        %parallel_loop3A_584 = arith.index_cast %parallel_loop3A_441 : i32 to index
        %parallel_loop3A_585 = tpu.vector_load %arg15[%parallel_loop3A_582, %parallel_loop3A_583, %parallel_loop3A_584] {strides = array<i32>} : memref<16x8x256xf32, #tpu.memory_space<vmem>>, vector<16xf32>,
        tpu.vector_store %arg15[%parallel_loop3A_582, %parallel_loop3A_583, %parallel_loop3A_584], %parallel_loop3A_580 {strides = array<i32>} : memref<16x8x256xf32, #tpu.memory_space<vmem>>, vector<16xf32>,
        %parallel_loop3A_586 = vector.broadcast %scan3A_156 : i32 to vector<16xi32>
        %parallel_loop3A_587 = arith.andi %parallel_loop3A_467, %parallel_loop3A_586 : vector<16xi32>
        %parallel_loop3A_588 = vector.bitcast %parallel_loop3A_587 : vector<16xi32> to vector<16xf32>
        %parallel_loop3A_589 = vector.broadcast %scan3A_156 : i32 to vector<16xi32>
        %parallel_loop3A_590 = arith.andi %parallel_loop3A_499, %parallel_loop3A_589 : vector<16xi32>
        %parallel_loop3A_591 = vector.bitcast %parallel_loop3A_590 : vector<16xi32> to vector<16xf32>
        %parallel_loop3A_592 = arith.addf %parallel_loop3A_588, %parallel_loop3A_591 : vector<16xf32>
        %parallel_loop3A_593 = arith.constant 5 : i32
        %parallel_loop3A_594 = arith.index_cast %parallel_loop3A_593 : i32 to index
        %parallel_loop3A_595 = arith.index_cast %parallel_loop3A_423 : i32 to index
        %parallel_loop3A_596 = arith.index_cast %parallel_loop3A_441 : i32 to index
        %parallel_loop3A_597 = tpu.vector_load %arg15[%parallel_loop3A_594, %parallel_loop3A_595, %parallel_loop3A_596] {strides = array<i32>} : memref<16x8x256xf32, #tpu.memory_space<vmem>>, vector<16xf32>,
        tpu.vector_store %arg15[%parallel_loop3A_594, %parallel_loop3A_595, %parallel_loop3A_596], %parallel_loop3A_592 {strides = array<i32>} : memref<16x8x256xf32, #tpu.memory_space<vmem>>, vector<16xf32>,
        %parallel_loop3A_598 = arith.constant 16 : i32
        %parallel_loop3A_599 = vector.broadcast %parallel_loop3A_598 : i32 to vector<16xi32>
        %parallel_loop3A_600 = arith.shli %parallel_loop3A_471, %parallel_loop3A_599 : vector<16xi32>
        %parallel_loop3A_601 = vector.bitcast %parallel_loop3A_600 : vector<16xi32> to vector<16xf32>
        %parallel_loop3A_602 = arith.constant 16 : i32
        %parallel_loop3A_603 = vector.broadcast %parallel_loop3A_602 : i32 to vector<16xi32>
        %parallel_loop3A_604 = arith.shli %parallel_loop3A_503, %parallel_loop3A_603 : vector<16xi32>
        %parallel_loop3A_605 = vector.bitcast %parallel_loop3A_604 : vector<16xi32> to vector<16xf32>
        %parallel_loop3A_606 = arith.addf %parallel_loop3A_601, %parallel_loop3A_605 : vector<16xf32>
        %parallel_loop3A_607 = arith.constant 6 : i32
        %parallel_loop3A_608 = arith.index_cast %parallel_loop3A_607 : i32 to index
        %parallel_loop3A_609 = arith.index_cast %parallel_loop3A_423 : i32 to index
        %parallel_loop3A_610 = arith.index_cast %parallel_loop3A_441 : i32 to index
        %parallel_loop3A_611 = tpu.vector_load %arg15[%parallel_loop3A_608, %parallel_loop3A_609, %parallel_loop3A_610] {strides = array<i32>} : memref<16x8x256xf32, #tpu.memory_space<vmem>>, vector<16xf32>,
        tpu.vector_store %arg15[%parallel_loop3A_608, %parallel_loop3A_609, %parallel_loop3A_610], %parallel_loop3A_606 {strides = array<i32>} : memref<16x8x256xf32, #tpu.memory_space<vmem>>, vector<16xf32>,
        %parallel_loop3A_612 = vector.broadcast %scan3A_156 : i32 to vector<16xi32>
        %parallel_loop3A_613 = arith.andi %parallel_loop3A_471, %parallel_loop3A_612 : vector<16xi32>
        %parallel_loop3A_614 = vector.bitcast %parallel_loop3A_613 : vector<16xi32> to vector<16xf32>
        %parallel_loop3A_615 = vector.broadcast %scan3A_156 : i32 to vector<16xi32>
        %parallel_loop3A_616 = arith.andi %parallel_loop3A_503, %parallel_loop3A_615 : vector<16xi32>
        %parallel_loop3A_617 = vector.bitcast %parallel_loop3A_616 : vector<16xi32> to vector<16xf32>
        %parallel_loop3A_618 = arith.addf %parallel_loop3A_614, %parallel_loop3A_617 : vector<16xf32>
        %parallel_loop3A_619 = arith.constant 7 : i32
        %parallel_loop3A_620 = arith.index_cast %parallel_loop3A_619 : i32 to index
        %parallel_loop3A_621 = arith.index_cast %parallel_loop3A_423 : i32 to index
        %parallel_loop3A_622 = arith.index_cast %parallel_loop3A_441 : i32 to index
        %parallel_loop3A_623 = tpu.vector_load %arg15[%parallel_loop3A_620, %parallel_loop3A_621, %parallel_loop3A_622] {strides = array<i32>} : memref<16x8x256xf32, #tpu.memory_space<vmem>>, vector<16xf32>,
        tpu.vector_store %arg15[%parallel_loop3A_620, %parallel_loop3A_621, %parallel_loop3A_622], %parallel_loop3A_618 {strides = array<i32>} : memref<16x8x256xf32, #tpu.memory_space<vmem>>, vector<16xf32>,
        %parallel_loop3A_624 = arith.constant 16 : i32
        %parallel_loop3A_625 = vector.broadcast %parallel_loop3A_624 : i32 to vector<16xi32>
        %parallel_loop3A_626 = arith.shli %parallel_loop3A_475, %parallel_loop3A_625 : vector<16xi32>
        %parallel_loop3A_627 = vector.bitcast %parallel_loop3A_626 : vector<16xi32> to vector<16xf32>
        %parallel_loop3A_628 = arith.constant 16 : i32
        %parallel_loop3A_629 = vector.broadcast %parallel_loop3A_628 : i32 to vector<16xi32>
        %parallel_loop3A_630 = arith.shli %parallel_loop3A_507, %parallel_loop3A_629 : vector<16xi32>
        %parallel_loop3A_631 = vector.bitcast %parallel_loop3A_630 : vector<16xi32> to vector<16xf32>
        %parallel_loop3A_632 = arith.addf %parallel_loop3A_627, %parallel_loop3A_631 : vector<16xf32>
        %parallel_loop3A_633 = arith.constant 8 : i32
        %parallel_loop3A_634 = arith.index_cast %parallel_loop3A_633 : i32 to index
        %parallel_loop3A_635 = arith.index_cast %parallel_loop3A_423 : i32 to index
        %parallel_loop3A_636 = arith.index_cast %parallel_loop3A_441 : i32 to index
        %parallel_loop3A_637 = tpu.vector_load %arg15[%parallel_loop3A_634, %parallel_loop3A_635, %parallel_loop3A_636] {strides = array<i32>} : memref<16x8x256xf32, #tpu.memory_space<vmem>>, vector<16xf32>,
        tpu.vector_store %arg15[%parallel_loop3A_634, %parallel_loop3A_635, %parallel_loop3A_636], %parallel_loop3A_632 {strides = array<i32>} : memref<16x8x256xf32, #tpu.memory_space<vmem>>, vector<16xf32>,
        %parallel_loop3A_638 = vector.broadcast %scan3A_156 : i32 to vector<16xi32>
        %parallel_loop3A_639 = arith.andi %parallel_loop3A_475, %parallel_loop3A_638 : vector<16xi32>
        %parallel_loop3A_640 = vector.bitcast %parallel_loop3A_639 : vector<16xi32> to vector<16xf32>
        %parallel_loop3A_641 = vector.broadcast %scan3A_156 : i32 to vector<16xi32>
        %parallel_loop3A_642 = arith.andi %parallel_loop3A_507, %parallel_loop3A_641 : vector<16xi32>
        %parallel_loop3A_643 = vector.bitcast %parallel_loop3A_642 : vector<16xi32> to vector<16xf32>
        %parallel_loop3A_644 = arith.addf %parallel_loop3A_640, %parallel_loop3A_643 : vector<16xf32>
        %parallel_loop3A_645 = arith.constant 9 : i32
        %parallel_loop3A_646 = arith.index_cast %parallel_loop3A_645 : i32 to index
        %parallel_loop3A_647 = arith.index_cast %parallel_loop3A_423 : i32 to index
        %parallel_loop3A_648 = arith.index_cast %parallel_loop3A_441 : i32 to index
        %parallel_loop3A_649 = tpu.vector_load %arg15[%parallel_loop3A_646, %parallel_loop3A_647, %parallel_loop3A_648] {strides = array<i32>} : memref<16x8x256xf32, #tpu.memory_space<vmem>>, vector<16xf32>,
        tpu.vector_store %arg15[%parallel_loop3A_646, %parallel_loop3A_647, %parallel_loop3A_648], %parallel_loop3A_644 {strides = array<i32>} : memref<16x8x256xf32, #tpu.memory_space<vmem>>, vector<16xf32>,
        %parallel_loop3A_650 = arith.constant 16 : i32
        %parallel_loop3A_651 = vector.broadcast %parallel_loop3A_650 : i32 to vector<16xi32>
        %parallel_loop3A_652 = arith.shli %parallel_loop3A_479, %parallel_loop3A_651 : vector<16xi32>
        %parallel_loop3A_653 = vector.bitcast %parallel_loop3A_652 : vector<16xi32> to vector<16xf32>
        %parallel_loop3A_654 = arith.constant 16 : i32
        %parallel_loop3A_655 = vector.broadcast %parallel_loop3A_654 : i32 to vector<16xi32>
        %parallel_loop3A_656 = arith.shli %parallel_loop3A_511, %parallel_loop3A_655 : vector<16xi32>
        %parallel_loop3A_657 = vector.bitcast %parallel_loop3A_656 : vector<16xi32> to vector<16xf32>
        %parallel_loop3A_658 = arith.addf %parallel_loop3A_653, %parallel_loop3A_657 : vector<16xf32>
        %parallel_loop3A_659 = arith.constant 10 : i32
        %parallel_loop3A_660 = arith.index_cast %parallel_loop3A_659 : i32 to index
        %parallel_loop3A_661 = arith.index_cast %parallel_loop3A_423 : i32 to index
        %parallel_loop3A_662 = arith.index_cast %parallel_loop3A_441 : i32 to index
        %parallel_loop3A_663 = tpu.vector_load %arg15[%parallel_loop3A_660, %parallel_loop3A_661, %parallel_loop3A_662] {strides = array<i32>} : memref<16x8x256xf32, #tpu.memory_space<vmem>>, vector<16xf32>,
        tpu.vector_store %arg15[%parallel_loop3A_660, %parallel_loop3A_661, %parallel_loop3A_662], %parallel_loop3A_658 {strides = array<i32>} : memref<16x8x256xf32, #tpu.memory_space<vmem>>, vector<16xf32>,
        %parallel_loop3A_664 = vector.broadcast %scan3A_156 : i32 to vector<16xi32>
        %parallel_loop3A_665 = arith.andi %parallel_loop3A_479, %parallel_loop3A_664 : vector<16xi32>
        %parallel_loop3A_666 = vector.bitcast %parallel_loop3A_665 : vector<16xi32> to vector<16xf32>
        %parallel_loop3A_667 = vector.broadcast %scan3A_156 : i32 to vector<16xi32>
        %parallel_loop3A_668 = arith.andi %parallel_loop3A_511, %parallel_loop3A_667 : vector<16xi32>
        %parallel_loop3A_669 = vector.bitcast %parallel_loop3A_668 : vector<16xi32> to vector<16xf32>
        %parallel_loop3A_670 = arith.addf %parallel_loop3A_666, %parallel_loop3A_669 : vector<16xf32>
        %parallel_loop3A_671 = arith.constant 11 : i32
        %parallel_loop3A_672 = arith.index_cast %parallel_loop3A_671 : i32 to index
        %parallel_loop3A_673 = arith.index_cast %parallel_loop3A_423 : i32 to index
        %parallel_loop3A_674 = arith.index_cast %parallel_loop3A_441 : i32 to index
        %parallel_loop3A_675 = tpu.vector_load %arg15[%parallel_loop3A_672, %parallel_loop3A_673, %parallel_loop3A_674] {strides = array<i32>} : memref<16x8x256xf32, #tpu.memory_space<vmem>>, vector<16xf32>,
        tpu.vector_store %arg15[%parallel_loop3A_672, %parallel_loop3A_673, %parallel_loop3A_674], %parallel_loop3A_670 {strides = array<i32>} : memref<16x8x256xf32, #tpu.memory_space<vmem>>, vector<16xf32>,
        %parallel_loop3A_676 = arith.constant 16 : i32
        %parallel_loop3A_677 = vector.broadcast %parallel_loop3A_676 : i32 to vector<16xi32>
        %parallel_loop3A_678 = arith.shli %parallel_loop3A_483, %parallel_loop3A_677 : vector<16xi32>
        %parallel_loop3A_679 = vector.bitcast %parallel_loop3A_678 : vector<16xi32> to vector<16xf32>
        %parallel_loop3A_680 = arith.constant 16 : i32
        %parallel_loop3A_681 = vector.broadcast %parallel_loop3A_680 : i32 to vector<16xi32>
        %parallel_loop3A_682 = arith.shli %parallel_loop3A_515, %parallel_loop3A_681 : vector<16xi32>
        %parallel_loop3A_683 = vector.bitcast %parallel_loop3A_682 : vector<16xi32> to vector<16xf32>
        %parallel_loop3A_684 = arith.addf %parallel_loop3A_679, %parallel_loop3A_683 : vector<16xf32>
        %parallel_loop3A_685 = arith.constant 12 : i32
        %parallel_loop3A_686 = arith.index_cast %parallel_loop3A_685 : i32 to index
        %parallel_loop3A_687 = arith.index_cast %parallel_loop3A_423 : i32 to index
        %parallel_loop3A_688 = arith.index_cast %parallel_loop3A_441 : i32 to index
        %parallel_loop3A_689 = tpu.vector_load %arg15[%parallel_loop3A_686, %parallel_loop3A_687, %parallel_loop3A_688] {strides = array<i32>} : memref<16x8x256xf32, #tpu.memory_space<vmem>>, vector<16xf32>,
        tpu.vector_store %arg15[%parallel_loop3A_686, %parallel_loop3A_687, %parallel_loop3A_688], %parallel_loop3A_684 {strides = array<i32>} : memref<16x8x256xf32, #tpu.memory_space<vmem>>, vector<16xf32>,
        %parallel_loop3A_690 = vector.broadcast %scan3A_156 : i32 to vector<16xi32>
        %parallel_loop3A_691 = arith.andi %parallel_loop3A_483, %parallel_loop3A_690 : vector<16xi32>
        %parallel_loop3A_692 = vector.bitcast %parallel_loop3A_691 : vector<16xi32> to vector<16xf32>
        %parallel_loop3A_693 = vector.broadcast %scan3A_156 : i32 to vector<16xi32>
        %parallel_loop3A_694 = arith.andi %parallel_loop3A_515, %parallel_loop3A_693 : vector<16xi32>
        %parallel_loop3A_695 = vector.bitcast %parallel_loop3A_694 : vector<16xi32> to vector<16xf32>
        %parallel_loop3A_696 = arith.addf %parallel_loop3A_692, %parallel_loop3A_695 : vector<16xf32>
        %parallel_loop3A_697 = arith.constant 13 : i32
        %parallel_loop3A_698 = arith.index_cast %parallel_loop3A_697 : i32 to index
        %parallel_loop3A_699 = arith.index_cast %parallel_loop3A_423 : i32 to index
        %parallel_loop3A_700 = arith.index_cast %parallel_loop3A_441 : i32 to index
        %parallel_loop3A_701 = tpu.vector_load %arg15[%parallel_loop3A_698, %parallel_loop3A_699, %parallel_loop3A_700] {strides = array<i32>} : memref<16x8x256xf32, #tpu.memory_space<vmem>>, vector<16xf32>,
        tpu.vector_store %arg15[%parallel_loop3A_698, %parallel_loop3A_699, %parallel_loop3A_700], %parallel_loop3A_696 {strides = array<i32>} : memref<16x8x256xf32, #tpu.memory_space<vmem>>, vector<16xf32>,
        %parallel_loop3A_702 = arith.constant 16 : i32
        %parallel_loop3A_703 = vector.broadcast %parallel_loop3A_702 : i32 to vector<16xi32>
        %parallel_loop3A_704 = arith.shli %parallel_loop3A_487, %parallel_loop3A_703 : vector<16xi32>
        %parallel_loop3A_705 = vector.bitcast %parallel_loop3A_704 : vector<16xi32> to vector<16xf32>
        %parallel_loop3A_706 = arith.constant 16 : i32
        %parallel_loop3A_707 = vector.broadcast %parallel_loop3A_706 : i32 to vector<16xi32>
        %parallel_loop3A_708 = arith.shli %parallel_loop3A_519, %parallel_loop3A_707 : vector<16xi32>
        %parallel_loop3A_709 = vector.bitcast %parallel_loop3A_708 : vector<16xi32> to vector<16xf32>
        %parallel_loop3A_710 = arith.addf %parallel_loop3A_705, %parallel_loop3A_709 : vector<16xf32>
        %parallel_loop3A_711 = arith.constant 14 : i32
        %parallel_loop3A_712 = arith.index_cast %parallel_loop3A_711 : i32 to index
        %parallel_loop3A_713 = arith.index_cast %parallel_loop3A_423 : i32 to index
        %parallel_loop3A_714 = arith.index_cast %parallel_loop3A_441 : i32 to index
        %parallel_loop3A_715 = tpu.vector_load %arg15[%parallel_loop3A_712, %parallel_loop3A_713, %parallel_loop3A_714] {strides = array<i32>} : memref<16x8x256xf32, #tpu.memory_space<vmem>>, vector<16xf32>,
        tpu.vector_store %arg15[%parallel_loop3A_712, %parallel_loop3A_713, %parallel_loop3A_714], %parallel_loop3A_710 {strides = array<i32>} : memref<16x8x256xf32, #tpu.memory_space<vmem>>, vector<16xf32>,
        %parallel_loop3A_716 = vector.broadcast %scan3A_156 : i32 to vector<16xi32>
        %parallel_loop3A_717 = arith.andi %parallel_loop3A_487, %parallel_loop3A_716 : vector<16xi32>
        %parallel_loop3A_718 = vector.bitcast %parallel_loop3A_717 : vector<16xi32> to vector<16xf32>
        %parallel_loop3A_719 = vector.broadcast %scan3A_156 : i32 to vector<16xi32>
        %parallel_loop3A_720 = arith.andi %parallel_loop3A_519, %parallel_loop3A_719 : vector<16xi32>
        %parallel_loop3A_721 = vector.bitcast %parallel_loop3A_720 : vector<16xi32> to vector<16xf32>
        %parallel_loop3A_722 = arith.addf %parallel_loop3A_718, %parallel_loop3A_721 : vector<16xf32>
        %parallel_loop3A_723 = arith.constant 15 : i32
        %parallel_loop3A_724 = arith.index_cast %parallel_loop3A_723 : i32 to index
        %parallel_loop3A_725 = arith.index_cast %parallel_loop3A_423 : i32 to index
        %parallel_loop3A_726 = arith.index_cast %parallel_loop3A_441 : i32 to index
        %parallel_loop3A_727 = tpu.vector_load %arg15[%parallel_loop3A_724, %parallel_loop3A_725, %parallel_loop3A_726] {strides = array<i32>} : memref<16x8x256xf32, #tpu.memory_space<vmem>>, vector<16xf32>,
        tpu.vector_store %arg15[%parallel_loop3A_724, %parallel_loop3A_725, %parallel_loop3A_726], %parallel_loop3A_722 {strides = array<i32>} : memref<16x8x256xf32, #tpu.memory_space<vmem>>, vector<16xf32>,
      } {sc.loop_unroll_factor = 2 : i64, sc.parallel_access}
      %mul3A_307 = arith.constant 8 : i32
      %mul3A_308 = arith.muli %add3A_274, %mul3A_307 : i32
      %add3A_309 = arith.addi %mul3A_32, %mul3A_308 : i32
      %dma_start3A_310 = arith.constant 0 : i32
      %dma_start3A_311 = arith.constant 0 : i32
      %dma_start3A_312 = tpu.memref_slice %arg6[%select_n3A, %dma_start3A_310, %add3A_309, %dma_start3A_311] : memref<16x16x256x256xf32, #tpu.memory_space<hbm>> -> memref<1x16x8x256xf32, #tpu.memory_space<hbm>>
      %dma_start3A_313 = tpu.memref_squeeze %dma_start3A_312 : memref<1x16x8x256xf32, #tpu.memory_space<hbm>> -> memref<16x8x256xf32, #tpu.memory_space<hbm>>
      %dma_start3A_314 = arith.constant 0 : i32
      %dma_start3A_315 = arith.constant 0 : i32
      %dma_start3A_316 = tpu.memref_slice %arg6[%select_n3A, %dma_start3A_314, %add3A_309, %dma_start3A_315] : memref<16x16x256x256xf32, #tpu.memory_space<hbm>> -> memref<1x16x8x256xf32, #tpu.memory_space<hbm>>
      %dma_start3A_317 = tpu.memref_squeeze %dma_start3A_316 : memref<1x16x8x256xf32, #tpu.memory_space<hbm>> -> memref<16x8x256xf32, #tpu.memory_space<hbm>>
      tpu.enqueue_dma source(%arg15 : memref<16x8x256xf32, #tpu.memory_space<vmem>>) target(%dma_start3A_317 : memref<16x8x256xf32, #tpu.memory_space<hbm>>) target_semaphore(%arg19 : memref<!tpu.dma_semaphore, #tpu.memory_space<semaphore_mem>>)
      %add3A_318 = arith.constant 2 : i32
      %add3A_319 = arith.addi %add3A_274, %add3A_318 : i32
      %mul3A_320 = arith.constant 8 : i32
      %mul3A_321 = arith.muli %add3A_319, %mul3A_320 : i32
      %add3A_322 = arith.addi %mul3A_32, %mul3A_321 : i32
      %dma_start3A_323 = arith.constant 0 : i32
      %dma_start3A_324 = tpu.memref_slice %arg2[%select_n3A, %add3A_322, %dma_start3A_323] : memref<16x256x256xi32, #tpu.memory_space<hbm>> -> memref<1x8x256xi32, #tpu.memory_space<hbm>>
      %dma_start3A_325 = tpu.memref_squeeze %dma_start3A_324 : memref<1x8x256xi32, #tpu.memory_space<hbm>> -> memref<8x256xi32, #tpu.memory_space<hbm>>
      %dma_start3A_326 = arith.constant 0 : i32
      %dma_start3A_327 = tpu.memref_slice %arg2[%select_n3A, %add3A_322, %dma_start3A_326] : memref<16x256x256xi32, #tpu.memory_space<hbm>> -> memref<1x8x256xi32, #tpu.memory_space<hbm>>
      %dma_start3A_328 = tpu.memref_squeeze %dma_start3A_327 : memref<1x8x256xi32, #tpu.memory_space<hbm>> -> memref<8x256xi32, #tpu.memory_space<hbm>>
      tpu.enqueue_dma source(%dma_start3A_328 : memref<8x256xi32, #tpu.memory_space<hbm>>) target(%arg11 : memref<8x256xi32, #tpu.memory_space<vmem>>) target_semaphore(%arg17 : memref<!tpu.dma_semaphore, #tpu.memory_space<semaphore_mem>>)
      %dma_start3A_329 = arith.constant 0 : i32
      %dma_start3A_330 = tpu.memref_slice %arg3[%select_n3A, %add3A_322, %dma_start3A_329] : memref<16x256x256xi32, #tpu.memory_space<hbm>> -> memref<1x8x256xi32, #tpu.memory_space<hbm>>
      %dma_start3A_331 = tpu.memref_squeeze %dma_start3A_330 : memref<1x8x256xi32, #tpu.memory_space<hbm>> -> memref<8x256xi32, #tpu.memory_space<hbm>>
      %dma_start3A_332 = arith.constant 0 : i32
      %dma_start3A_333 = tpu.memref_slice %arg3[%select_n3A, %add3A_322, %dma_start3A_332] : memref<16x256x256xi32, #tpu.memory_space<hbm>> -> memref<1x8x256xi32, #tpu.memory_space<hbm>>
      %dma_start3A_334 = tpu.memref_squeeze %dma_start3A_333 : memref<1x8x256xi32, #tpu.memory_space<hbm>> -> memref<8x256xi32, #tpu.memory_space<hbm>>
      tpu.enqueue_dma source(%dma_start3A_334 : memref<8x256xi32, #tpu.memory_space<hbm>>) target(%arg13 : memref<8x256xi32, #tpu.memory_space<vmem>>) target_semaphore(%arg17 : memref<!tpu.dma_semaphore, #tpu.memory_space<semaphore_mem>>)
      %mul3A_335 = arith.constant 2 : i32
      %mul3A_336 = arith.muli %mul3A_335, %scan3A_270 : i32
      %add3A_337 = arith.constant 1 : i32
      %add3A_338 = arith.addi %mul3A_336, %add3A_337 : i32
      %dma_wait3A_339 = arith.constant 0 : i32
      %dma_wait3A_340 = arith.constant 0 : i32
      %dma_wait3A_341 = arith.constant 0 : i32
      %dma_wait3A_342 = tpu.memref_slice %arg2[%dma_wait3A_339, %dma_wait3A_340, %dma_wait3A_341] : memref<16x256x256xi32, #tpu.memory_space<hbm>> -> memref<1x8x256xi32, #tpu.memory_space<hbm>>
      %dma_wait3A_343 = tpu.memref_squeeze %dma_wait3A_342 : memref<1x8x256xi32, #tpu.memory_space<hbm>> -> memref<8x256xi32, #tpu.memory_space<hbm>>
      %dma_wait3A_344 = arith.constant 0 : i32
      %dma_wait3A_345 = arith.constant 0 : i32
      %dma_wait3A_346 = tpu.memref_slice %arg2[%dma_wait3A_339, %dma_wait3A_344, %dma_wait3A_345] : memref<16x256x256xi32, #tpu.memory_space<hbm>> -> memref<1x8x256xi32, #tpu.memory_space<hbm>>
      %dma_wait3A_347 = tpu.memref_squeeze %dma_wait3A_346 : memref<1x8x256xi32, #tpu.memory_space<hbm>> -> memref<8x256xi32, #tpu.memory_space<hbm>>
      tpu.wait_dma2 semaphore(%arg18 : memref<!tpu.dma_semaphore, #tpu.memory_space<semaphore_mem>>) src(%dma_wait3A_347 : memref<8x256xi32, #tpu.memory_space<hbm>>) dst(%arg12 : memref<8x256xi32, #tpu.memory_space<vmem>>)
      %dma_wait3A_348 = arith.constant 0 : i32
      %dma_wait3A_349 = arith.constant 0 : i32
      %dma_wait3A_350 = arith.constant 0 : i32
      %dma_wait3A_351 = tpu.memref_slice %arg3[%dma_wait3A_348, %dma_wait3A_349, %dma_wait3A_350] : memref<16x256x256xi32, #tpu.memory_space<hbm>> -> memref<1x8x256xi32, #tpu.memory_space<hbm>>
      %dma_wait3A_352 = tpu.memref_squeeze %dma_wait3A_351 : memref<1x8x256xi32, #tpu.memory_space<hbm>> -> memref<8x256xi32, #tpu.memory_space<hbm>>
      %dma_wait3A_353 = arith.constant 0 : i32
      %dma_wait3A_354 = arith.constant 0 : i32
      %dma_wait3A_355 = tpu.memref_slice %arg3[%dma_wait3A_348, %dma_wait3A_353, %dma_wait3A_354] : memref<16x256x256xi32, #tpu.memory_space<hbm>> -> memref<1x8x256xi32, #tpu.memory_space<hbm>>
      %dma_wait3A_356 = tpu.memref_squeeze %dma_wait3A_355 : memref<1x8x256xi32, #tpu.memory_space<hbm>> -> memref<8x256xi32, #tpu.memory_space<hbm>>
      tpu.wait_dma2 semaphore(%arg18 : memref<!tpu.dma_semaphore, #tpu.memory_space<semaphore_mem>>) src(%dma_wait3A_356 : memref<8x256xi32, #tpu.memory_space<hbm>>) dst(%arg14 : memref<8x256xi32, #tpu.memory_space<vmem>>)
      %dma_wait3A_357 = arith.constant 0 : i32
      %dma_wait3A_358 = arith.constant 0 : i32
      %dma_wait3A_359 = arith.constant 0 : i32
      %dma_wait3A_360 = arith.constant 0 : i32
      %dma_wait3A_361 = tpu.memref_slice %arg6[%dma_wait3A_357, %dma_wait3A_358, %dma_wait3A_359, %dma_wait3A_360] : memref<16x16x256x256xf32, #tpu.memory_space<hbm>> -> memref<1x16x8x256xf32, #tpu.memory_space<hbm>>
      %dma_wait3A_362 = tpu.memref_squeeze %dma_wait3A_361 : memref<1x16x8x256xf32, #tpu.memory_space<hbm>> -> memref<16x8x256xf32, #tpu.memory_space<hbm>>
      %dma_wait3A_363 = arith.constant 0 : i32
      %dma_wait3A_364 = arith.constant 0 : i32
      %dma_wait3A_365 = arith.constant 0 : i32
      %dma_wait3A_366 = tpu.memref_slice %arg6[%dma_wait3A_357, %dma_wait3A_363, %dma_wait3A_364, %dma_wait3A_365] : memref<16x16x256x256xf32, #tpu.memory_space<hbm>> -> memref<1x16x8x256xf32, #tpu.memory_space<hbm>>
      %dma_wait3A_367 = tpu.memref_squeeze %dma_wait3A_366 : memref<1x16x8x256xf32, #tpu.memory_space<hbm>> -> memref<16x8x256xf32, #tpu.memory_space<hbm>>
      tpu.wait_dma2 semaphore(%arg20 : memref<!tpu.dma_semaphore, #tpu.memory_space<semaphore_mem>>) src(%arg16 : memref<16x8x256xf32, #tpu.memory_space<vmem>>) dst(%dma_wait3A_367 : memref<16x8x256xf32, #tpu.memory_space<hbm>>)
      %parallel_loop3A_368 = arith.constant 0 : i32
      %parallel_loop3A_369 = arith.constant 128 : i32
      %parallel_loop3A_370 = arith.constant 1 : i32
      scf.for %parallel_loop3A_399 = %parallel_loop3A_368 to %parallel_loop3A_369 step %parallel_loop3A_370  : i32 {
        %parallel_loop3A_400 = arith.constant 16 : i32
        %parallel_loop3A_401 = arith.divsi %parallel_loop3A_399, %parallel_loop3A_400 : i32
        %parallel_loop3A_402 = arith.constant 0 : i32
        %parallel_loop3A_403 = arith.cmpi sgt, %parallel_loop3A_399, %parallel_loop3A_402 : i32
        %parallel_loop3A_404 = arith.extui %parallel_loop3A_403 : i1 to i32
        %parallel_loop3A_405 = arith.constant 0 : i32
        %parallel_loop3A_406 = arith.cmpi slt, %parallel_loop3A_399, %parallel_loop3A_405 : i32
        %parallel_loop3A_407 = arith.extui %parallel_loop3A_406 : i1 to i32
        %parallel_loop3A_408 = arith.subi %parallel_loop3A_404, %parallel_loop3A_407 : i32
        %parallel_loop3A_409 = arith.constant 0 : i32
        %parallel_loop3A_410 = arith.cmpi sgt, %parallel_loop3A_400, %parallel_loop3A_409 : i32
        %parallel_loop3A_411 = arith.extui %parallel_loop3A_410 : i1 to i32
        %parallel_loop3A_412 = arith.constant 0 : i32
        %parallel_loop3A_413 = arith.cmpi slt, %parallel_loop3A_400, %parallel_loop3A_412 : i32
        %parallel_loop3A_414 = arith.extui %parallel_loop3A_413 : i1 to i32
        %parallel_loop3A_415 = arith.subi %parallel_loop3A_411, %parallel_loop3A_414 : i32
        %parallel_loop3A_416 = arith.cmpi ne, %parallel_loop3A_408, %parallel_loop3A_415 : i32
        %parallel_loop3A_417 = arith.remsi %parallel_loop3A_399, %parallel_loop3A_400 : i32
        %parallel_loop3A_418 = arith.constant 0 : i32
        %parallel_loop3A_419 = arith.cmpi ne, %parallel_loop3A_417, %parallel_loop3A_418 : i32
        %parallel_loop3A_420 = arith.andi %parallel_loop3A_416, %parallel_loop3A_419 : i1
        %parallel_loop3A_421 = arith.constant 1 : i32
        %parallel_loop3A_422 = arith.subi %parallel_loop3A_401, %parallel_loop3A_421 : i32
        %parallel_loop3A_423 = arith.select %parallel_loop3A_420, %parallel_loop3A_422, %parallel_loop3A_401 : i32
        %parallel_loop3A_424 = arith.constant 16 : i32
        %parallel_loop3A_425 = arith.constant 0 : i32
        %parallel_loop3A_426 = arith.cmpi eq, %parallel_loop3A_424, %parallel_loop3A_425 : i32
        %parallel_loop3A_427 = arith.constant 1 : i32
        %parallel_loop3A_428 = arith.select %parallel_loop3A_426, %parallel_loop3A_427, %parallel_loop3A_424 : i32
        %parallel_loop3A_429 = arith.remsi %parallel_loop3A_399, %parallel_loop3A_428 : i32
        %parallel_loop3A_430 = arith.constant 0 : i32
        %parallel_loop3A_431 = arith.cmpi ne, %parallel_loop3A_429, %parallel_loop3A_430 : i32
        %parallel_loop3A_432 = arith.constant 0 : i32
        %parallel_loop3A_433 = arith.cmpi slt, %parallel_loop3A_429, %parallel_loop3A_432 : i32
        %parallel_loop3A_434 = arith.constant 0 : i32
        %parallel_loop3A_435 = arith.cmpi slt, %parallel_loop3A_428, %parallel_loop3A_434 : i32
        %parallel_loop3A_436 = arith.xori %parallel_loop3A_433, %parallel_loop3A_435 : i1
        %parallel_loop3A_437 = arith.andi %parallel_loop3A_436, %parallel_loop3A_431 : i1
        %parallel_loop3A_438 = arith.addi %parallel_loop3A_429, %parallel_loop3A_428 : i32
        %parallel_loop3A_439 = arith.select %parallel_loop3A_437, %parallel_loop3A_438, %parallel_loop3A_429 : i32
        %parallel_loop3A_440 = arith.constant 16 : i32
        %parallel_loop3A_441 = arith.muli %parallel_loop3A_439, %parallel_loop3A_440 : i32
        %parallel_loop3A_442 = arith.index_cast %parallel_loop3A_423 : i32 to index
        %parallel_loop3A_443 = arith.index_cast %parallel_loop3A_441 : i32 to index
        %parallel_loop3A_444 = tpu.vector_load %arg12[%parallel_loop3A_442, %parallel_loop3A_443] {strides = array<i32>} : memref<8x256xi32, #tpu.memory_space<vmem>>, vector<16xi32>,
        %parallel_loop3A_445 = arith.index_cast %parallel_loop3A_423 : i32 to index
        %parallel_loop3A_446 = arith.index_cast %parallel_loop3A_441 : i32 to index
        %parallel_loop3A_447 = tpu.vector_load %arg14[%parallel_loop3A_445, %parallel_loop3A_446] {strides = array<i32>} : memref<8x256xi32, #tpu.memory_space<vmem>>, vector<16xi32>,
        %parallel_loop3A_448 = arith.constant 3 : i32
        %parallel_loop3A_449 = vector.broadcast %parallel_loop3A_448 : i32 to vector<16xi32>
        %parallel_loop3A_450 = arith.shli %parallel_loop3A_444, %parallel_loop3A_449 : vector<16xi32>
        %parallel_loop3A_451 = arith.addi %parallel_loop3A_450, %parallel_loop3A_444 : vector<16xi32>
        %parallel_loop3A_452 = arith.constant 3 : i32
        %parallel_loop3A_453 = vector.broadcast %parallel_loop3A_452 : i32 to vector<16xi32>
        %parallel_loop3A_454 = arith.shli %parallel_loop3A_447, %parallel_loop3A_453 : vector<16xi32>
        %parallel_loop3A_455 = arith.addi %parallel_loop3A_454, %parallel_loop3A_447 : vector<16xi32>
        %parallel_loop3A_456 = arith.constant 0 : i32
        %parallel_loop3A_457 = vector.broadcast %parallel_loop3A_456 : i32 to vector<16xi32>
        %parallel_loop3A_458 = arith.addi %parallel_loop3A_451, %parallel_loop3A_457 : vector<16xi32>
        %parallel_loop3A_459 = tpu.vector_load_idx %arg9[%parallel_loop3A_458] : memref<180xi32, #tpu.memory_space<vmem>>[vector<16xi32>], vector<16xi32>,
        %parallel_loop3A_460 = arith.constant 1 : i32
        %parallel_loop3A_461 = vector.broadcast %parallel_loop3A_460 : i32 to vector<16xi32>
        %parallel_loop3A_462 = arith.addi %parallel_loop3A_451, %parallel_loop3A_461 : vector<16xi32>
        %parallel_loop3A_463 = tpu.vector_load_idx %arg9[%parallel_loop3A_462] : memref<180xi32, #tpu.memory_space<vmem>>[vector<16xi32>], vector<16xi32>,
        %parallel_loop3A_464 = arith.constant 2 : i32
        %parallel_loop3A_465 = vector.broadcast %parallel_loop3A_464 : i32 to vector<16xi32>
        %parallel_loop3A_466 = arith.addi %parallel_loop3A_451, %parallel_loop3A_465 : vector<16xi32>
        %parallel_loop3A_467 = tpu.vector_load_idx %arg9[%parallel_loop3A_466] : memref<180xi32, #tpu.memory_space<vmem>>[vector<16xi32>], vector<16xi32>,
        %parallel_loop3A_468 = arith.constant 3 : i32
        %parallel_loop3A_469 = vector.broadcast %parallel_loop3A_468 : i32 to vector<16xi32>
        %parallel_loop3A_470 = arith.addi %parallel_loop3A_451, %parallel_loop3A_469 : vector<16xi32>
        %parallel_loop3A_471 = tpu.vector_load_idx %arg9[%parallel_loop3A_470] : memref<180xi32, #tpu.memory_space<vmem>>[vector<16xi32>], vector<16xi32>,
        %parallel_loop3A_472 = arith.constant 4 : i32
        %parallel_loop3A_473 = vector.broadcast %parallel_loop3A_472 : i32 to vector<16xi32>
        %parallel_loop3A_474 = arith.addi %parallel_loop3A_451, %parallel_loop3A_473 : vector<16xi32>
        %parallel_loop3A_475 = tpu.vector_load_idx %arg9[%parallel_loop3A_474] : memref<180xi32, #tpu.memory_space<vmem>>[vector<16xi32>], vector<16xi32>,
        %parallel_loop3A_476 = arith.constant 5 : i32
        %parallel_loop3A_477 = vector.broadcast %parallel_loop3A_476 : i32 to vector<16xi32>
        %parallel_loop3A_478 = arith.addi %parallel_loop3A_451, %parallel_loop3A_477 : vector<16xi32>
        %parallel_loop3A_479 = tpu.vector_load_idx %arg9[%parallel_loop3A_478] : memref<180xi32, #tpu.memory_space<vmem>>[vector<16xi32>], vector<16xi32>,
        %parallel_loop3A_480 = arith.constant 6 : i32
        %parallel_loop3A_481 = vector.broadcast %parallel_loop3A_480 : i32 to vector<16xi32>
        %parallel_loop3A_482 = arith.addi %parallel_loop3A_451, %parallel_loop3A_481 : vector<16xi32>
        %parallel_loop3A_483 = tpu.vector_load_idx %arg9[%parallel_loop3A_482] : memref<180xi32, #tpu.memory_space<vmem>>[vector<16xi32>], vector<16xi32>,
        %parallel_loop3A_484 = arith.constant 7 : i32
        %parallel_loop3A_485 = vector.broadcast %parallel_loop3A_484 : i32 to vector<16xi32>
        %parallel_loop3A_486 = arith.addi %parallel_loop3A_451, %parallel_loop3A_485 : vector<16xi32>
        %parallel_loop3A_487 = tpu.vector_load_idx %arg9[%parallel_loop3A_486] : memref<180xi32, #tpu.memory_space<vmem>>[vector<16xi32>], vector<16xi32>,
        %parallel_loop3A_488 = arith.constant 0 : i32
        %parallel_loop3A_489 = vector.broadcast %parallel_loop3A_488 : i32 to vector<16xi32>
        %parallel_loop3A_490 = arith.addi %parallel_loop3A_455, %parallel_loop3A_489 : vector<16xi32>
        %parallel_loop3A_491 = tpu.vector_load_idx %arg10[%parallel_loop3A_490] : memref<4608xi32, #tpu.memory_space<vmem>>[vector<16xi32>], vector<16xi32>,
        %parallel_loop3A_492 = arith.constant 1 : i32
        %parallel_loop3A_493 = vector.broadcast %parallel_loop3A_492 : i32 to vector<16xi32>
        %parallel_loop3A_494 = arith.addi %parallel_loop3A_455, %parallel_loop3A_493 : vector<16xi32>
        %parallel_loop3A_495 = tpu.vector_load_idx %arg10[%parallel_loop3A_494] : memref<4608xi32, #tpu.memory_space<vmem>>[vector<16xi32>], vector<16xi32>,
        %parallel_loop3A_496 = arith.constant 2 : i32
        %parallel_loop3A_497 = vector.broadcast %parallel_loop3A_496 : i32 to vector<16xi32>
        %parallel_loop3A_498 = arith.addi %parallel_loop3A_455, %parallel_loop3A_497 : vector<16xi32>
        %parallel_loop3A_499 = tpu.vector_load_idx %arg10[%parallel_loop3A_498] : memref<4608xi32, #tpu.memory_space<vmem>>[vector<16xi32>], vector<16xi32>,
        %parallel_loop3A_500 = arith.constant 3 : i32
        %parallel_loop3A_501 = vector.broadcast %parallel_loop3A_500 : i32 to vector<16xi32>
        %parallel_loop3A_502 = arith.addi %parallel_loop3A_455, %parallel_loop3A_501 : vector<16xi32>
        %parallel_loop3A_503 = tpu.vector_load_idx %arg10[%parallel_loop3A_502] : memref<4608xi32, #tpu.memory_space<vmem>>[vector<16xi32>], vector<16xi32>,
        %parallel_loop3A_504 = arith.constant 4 : i32
        %parallel_loop3A_505 = vector.broadcast %parallel_loop3A_504 : i32 to vector<16xi32>
        %parallel_loop3A_506 = arith.addi %parallel_loop3A_455, %parallel_loop3A_505 : vector<16xi32>
        %parallel_loop3A_507 = tpu.vector_load_idx %arg10[%parallel_loop3A_506] : memref<4608xi32, #tpu.memory_space<vmem>>[vector<16xi32>], vector<16xi32>,
        %parallel_loop3A_508 = arith.constant 5 : i32
        %parallel_loop3A_509 = vector.broadcast %parallel_loop3A_508 : i32 to vector<16xi32>
        %parallel_loop3A_510 = arith.addi %parallel_loop3A_455, %parallel_loop3A_509 : vector<16xi32>
        %parallel_loop3A_511 = tpu.vector_load_idx %arg10[%parallel_loop3A_510] : memref<4608xi32, #tpu.memory_space<vmem>>[vector<16xi32>], vector<16xi32>,
        %parallel_loop3A_512 = arith.constant 6 : i32
        %parallel_loop3A_513 = vector.broadcast %parallel_loop3A_512 : i32 to vector<16xi32>
        %parallel_loop3A_514 = arith.addi %parallel_loop3A_455, %parallel_loop3A_513 : vector<16xi32>
        %parallel_loop3A_515 = tpu.vector_load_idx %arg10[%parallel_loop3A_514] : memref<4608xi32, #tpu.memory_space<vmem>>[vector<16xi32>], vector<16xi32>,
        %parallel_loop3A_516 = arith.constant 7 : i32
        %parallel_loop3A_517 = vector.broadcast %parallel_loop3A_516 : i32 to vector<16xi32>
        %parallel_loop3A_518 = arith.addi %parallel_loop3A_455, %parallel_loop3A_517 : vector<16xi32>
        %parallel_loop3A_519 = tpu.vector_load_idx %arg10[%parallel_loop3A_518] : memref<4608xi32, #tpu.memory_space<vmem>>[vector<16xi32>], vector<16xi32>,
        %parallel_loop3A_520 = arith.constant 16 : i32
        %parallel_loop3A_521 = vector.broadcast %parallel_loop3A_520 : i32 to vector<16xi32>
        %parallel_loop3A_522 = arith.shli %parallel_loop3A_459, %parallel_loop3A_521 : vector<16xi32>
        %parallel_loop3A_523 = vector.bitcast %parallel_loop3A_522 : vector<16xi32> to vector<16xf32>
        %parallel_loop3A_524 = arith.constant 16 : i32
        %parallel_loop3A_525 = vector.broadcast %parallel_loop3A_524 : i32 to vector<16xi32>
        %parallel_loop3A_526 = arith.shli %parallel_loop3A_491, %parallel_loop3A_525 : vector<16xi32>
        %parallel_loop3A_527 = vector.bitcast %parallel_loop3A_526 : vector<16xi32> to vector<16xf32>
        %parallel_loop3A_528 = arith.addf %parallel_loop3A_523, %parallel_loop3A_527 : vector<16xf32>
        %parallel_loop3A_529 = arith.constant 0 : i32
        %parallel_loop3A_530 = arith.index_cast %parallel_loop3A_529 : i32 to index
        %parallel_loop3A_531 = arith.index_cast %parallel_loop3A_423 : i32 to index
        %parallel_loop3A_532 = arith.index_cast %parallel_loop3A_441 : i32 to index
        %parallel_loop3A_533 = tpu.vector_load %arg16[%parallel_loop3A_530, %parallel_loop3A_531, %parallel_loop3A_532] {strides = array<i32>} : memref<16x8x256xf32, #tpu.memory_space<vmem>>, vector<16xf32>,
        tpu.vector_store %arg16[%parallel_loop3A_530, %parallel_loop3A_531, %parallel_loop3A_532], %parallel_loop3A_528 {strides = array<i32>} : memref<16x8x256xf32, #tpu.memory_space<vmem>>, vector<16xf32>,
        %parallel_loop3A_534 = vector.broadcast %scan3A_156 : i32 to vector<16xi32>
        %parallel_loop3A_535 = arith.andi %parallel_loop3A_459, %parallel_loop3A_534 : vector<16xi32>
        %parallel_loop3A_536 = vector.bitcast %parallel_loop3A_535 : vector<16xi32> to vector<16xf32>
        %parallel_loop3A_537 = vector.broadcast %scan3A_156 : i32 to vector<16xi32>
        %parallel_loop3A_538 = arith.andi %parallel_loop3A_491, %parallel_loop3A_537 : vector<16xi32>
        %parallel_loop3A_539 = vector.bitcast %parallel_loop3A_538 : vector<16xi32> to vector<16xf32>
        %parallel_loop3A_540 = arith.addf %parallel_loop3A_536, %parallel_loop3A_539 : vector<16xf32>
        %parallel_loop3A_541 = arith.constant 1 : i32
        %parallel_loop3A_542 = arith.index_cast %parallel_loop3A_541 : i32 to index
        %parallel_loop3A_543 = arith.index_cast %parallel_loop3A_423 : i32 to index
        %parallel_loop3A_544 = arith.index_cast %parallel_loop3A_441 : i32 to index
        %parallel_loop3A_545 = tpu.vector_load %arg16[%parallel_loop3A_542, %parallel_loop3A_543, %parallel_loop3A_544] {strides = array<i32>} : memref<16x8x256xf32, #tpu.memory_space<vmem>>, vector<16xf32>,
        tpu.vector_store %arg16[%parallel_loop3A_542, %parallel_loop3A_543, %parallel_loop3A_544], %parallel_loop3A_540 {strides = array<i32>} : memref<16x8x256xf32, #tpu.memory_space<vmem>>, vector<16xf32>,
        %parallel_loop3A_546 = arith.constant 16 : i32
        %parallel_loop3A_547 = vector.broadcast %parallel_loop3A_546 : i32 to vector<16xi32>
        %parallel_loop3A_548 = arith.shli %parallel_loop3A_463, %parallel_loop3A_547 : vector<16xi32>
        %parallel_loop3A_549 = vector.bitcast %parallel_loop3A_548 : vector<16xi32> to vector<16xf32>
        %parallel_loop3A_550 = arith.constant 16 : i32
        %parallel_loop3A_551 = vector.broadcast %parallel_loop3A_550 : i32 to vector<16xi32>
        %parallel_loop3A_552 = arith.shli %parallel_loop3A_495, %parallel_loop3A_551 : vector<16xi32>
        %parallel_loop3A_553 = vector.bitcast %parallel_loop3A_552 : vector<16xi32> to vector<16xf32>
        %parallel_loop3A_554 = arith.addf %parallel_loop3A_549, %parallel_loop3A_553 : vector<16xf32>
        %parallel_loop3A_555 = arith.constant 2 : i32
        %parallel_loop3A_556 = arith.index_cast %parallel_loop3A_555 : i32 to index
        %parallel_loop3A_557 = arith.index_cast %parallel_loop3A_423 : i32 to index
        %parallel_loop3A_558 = arith.index_cast %parallel_loop3A_441 : i32 to index
        %parallel_loop3A_559 = tpu.vector_load %arg16[%parallel_loop3A_556, %parallel_loop3A_557, %parallel_loop3A_558] {strides = array<i32>} : memref<16x8x256xf32, #tpu.memory_space<vmem>>, vector<16xf32>,
        tpu.vector_store %arg16[%parallel_loop3A_556, %parallel_loop3A_557, %parallel_loop3A_558], %parallel_loop3A_554 {strides = array<i32>} : memref<16x8x256xf32, #tpu.memory_space<vmem>>, vector<16xf32>,
        %parallel_loop3A_560 = vector.broadcast %scan3A_156 : i32 to vector<16xi32>
        %parallel_loop3A_561 = arith.andi %parallel_loop3A_463, %parallel_loop3A_560 : vector<16xi32>
        %parallel_loop3A_562 = vector.bitcast %parallel_loop3A_561 : vector<16xi32> to vector<16xf32>
        %parallel_loop3A_563 = vector.broadcast %scan3A_156 : i32 to vector<16xi32>
        %parallel_loop3A_564 = arith.andi %parallel_loop3A_495, %parallel_loop3A_563 : vector<16xi32>
        %parallel_loop3A_565 = vector.bitcast %parallel_loop3A_564 : vector<16xi32> to vector<16xf32>
        %parallel_loop3A_566 = arith.addf %parallel_loop3A_562, %parallel_loop3A_565 : vector<16xf32>
        %parallel_loop3A_567 = arith.constant 3 : i32
        %parallel_loop3A_568 = arith.index_cast %parallel_loop3A_567 : i32 to index
        %parallel_loop3A_569 = arith.index_cast %parallel_loop3A_423 : i32 to index
        %parallel_loop3A_570 = arith.index_cast %parallel_loop3A_441 : i32 to index
        %parallel_loop3A_571 = tpu.vector_load %arg16[%parallel_loop3A_568, %parallel_loop3A_569, %parallel_loop3A_570] {strides = array<i32>} : memref<16x8x256xf32, #tpu.memory_space<vmem>>, vector<16xf32>,
        tpu.vector_store %arg16[%parallel_loop3A_568, %parallel_loop3A_569, %parallel_loop3A_570], %parallel_loop3A_566 {strides = array<i32>} : memref<16x8x256xf32, #tpu.memory_space<vmem>>, vector<16xf32>,
        %parallel_loop3A_572 = arith.constant 16 : i32
        %parallel_loop3A_573 = vector.broadcast %parallel_loop3A_572 : i32 to vector<16xi32>
        %parallel_loop3A_574 = arith.shli %parallel_loop3A_467, %parallel_loop3A_573 : vector<16xi32>
        %parallel_loop3A_575 = vector.bitcast %parallel_loop3A_574 : vector<16xi32> to vector<16xf32>
        %parallel_loop3A_576 = arith.constant 16 : i32
        %parallel_loop3A_577 = vector.broadcast %parallel_loop3A_576 : i32 to vector<16xi32>
        %parallel_loop3A_578 = arith.shli %parallel_loop3A_499, %parallel_loop3A_577 : vector<16xi32>
        %parallel_loop3A_579 = vector.bitcast %parallel_loop3A_578 : vector<16xi32> to vector<16xf32>
        %parallel_loop3A_580 = arith.addf %parallel_loop3A_575, %parallel_loop3A_579 : vector<16xf32>
        %parallel_loop3A_581 = arith.constant 4 : i32
        %parallel_loop3A_582 = arith.index_cast %parallel_loop3A_581 : i32 to index
        %parallel_loop3A_583 = arith.index_cast %parallel_loop3A_423 : i32 to index
        %parallel_loop3A_584 = arith.index_cast %parallel_loop3A_441 : i32 to index
        %parallel_loop3A_585 = tpu.vector_load %arg16[%parallel_loop3A_582, %parallel_loop3A_583, %parallel_loop3A_584] {strides = array<i32>} : memref<16x8x256xf32, #tpu.memory_space<vmem>>, vector<16xf32>,
        tpu.vector_store %arg16[%parallel_loop3A_582, %parallel_loop3A_583, %parallel_loop3A_584], %parallel_loop3A_580 {strides = array<i32>} : memref<16x8x256xf32, #tpu.memory_space<vmem>>, vector<16xf32>,
        %parallel_loop3A_586 = vector.broadcast %scan3A_156 : i32 to vector<16xi32>
        %parallel_loop3A_587 = arith.andi %parallel_loop3A_467, %parallel_loop3A_586 : vector<16xi32>
        %parallel_loop3A_588 = vector.bitcast %parallel_loop3A_587 : vector<16xi32> to vector<16xf32>
        %parallel_loop3A_589 = vector.broadcast %scan3A_156 : i32 to vector<16xi32>
        %parallel_loop3A_590 = arith.andi %parallel_loop3A_499, %parallel_loop3A_589 : vector<16xi32>
        %parallel_loop3A_591 = vector.bitcast %parallel_loop3A_590 : vector<16xi32> to vector<16xf32>
        %parallel_loop3A_592 = arith.addf %parallel_loop3A_588, %parallel_loop3A_591 : vector<16xf32>
        %parallel_loop3A_593 = arith.constant 5 : i32
        %parallel_loop3A_594 = arith.index_cast %parallel_loop3A_593 : i32 to index
        %parallel_loop3A_595 = arith.index_cast %parallel_loop3A_423 : i32 to index
        %parallel_loop3A_596 = arith.index_cast %parallel_loop3A_441 : i32 to index
        %parallel_loop3A_597 = tpu.vector_load %arg16[%parallel_loop3A_594, %parallel_loop3A_595, %parallel_loop3A_596] {strides = array<i32>} : memref<16x8x256xf32, #tpu.memory_space<vmem>>, vector<16xf32>,
        tpu.vector_store %arg16[%parallel_loop3A_594, %parallel_loop3A_595, %parallel_loop3A_596], %parallel_loop3A_592 {strides = array<i32>} : memref<16x8x256xf32, #tpu.memory_space<vmem>>, vector<16xf32>,
        %parallel_loop3A_598 = arith.constant 16 : i32
        %parallel_loop3A_599 = vector.broadcast %parallel_loop3A_598 : i32 to vector<16xi32>
        %parallel_loop3A_600 = arith.shli %parallel_loop3A_471, %parallel_loop3A_599 : vector<16xi32>
        %parallel_loop3A_601 = vector.bitcast %parallel_loop3A_600 : vector<16xi32> to vector<16xf32>
        %parallel_loop3A_602 = arith.constant 16 : i32
        %parallel_loop3A_603 = vector.broadcast %parallel_loop3A_602 : i32 to vector<16xi32>
        %parallel_loop3A_604 = arith.shli %parallel_loop3A_503, %parallel_loop3A_603 : vector<16xi32>
        %parallel_loop3A_605 = vector.bitcast %parallel_loop3A_604 : vector<16xi32> to vector<16xf32>
        %parallel_loop3A_606 = arith.addf %parallel_loop3A_601, %parallel_loop3A_605 : vector<16xf32>
        %parallel_loop3A_607 = arith.constant 6 : i32
        %parallel_loop3A_608 = arith.index_cast %parallel_loop3A_607 : i32 to index
        %parallel_loop3A_609 = arith.index_cast %parallel_loop3A_423 : i32 to index
        %parallel_loop3A_610 = arith.index_cast %parallel_loop3A_441 : i32 to index
        %parallel_loop3A_611 = tpu.vector_load %arg16[%parallel_loop3A_608, %parallel_loop3A_609, %parallel_loop3A_610] {strides = array<i32>} : memref<16x8x256xf32, #tpu.memory_space<vmem>>, vector<16xf32>,
        tpu.vector_store %arg16[%parallel_loop3A_608, %parallel_loop3A_609, %parallel_loop3A_610], %parallel_loop3A_606 {strides = array<i32>} : memref<16x8x256xf32, #tpu.memory_space<vmem>>, vector<16xf32>,
        %parallel_loop3A_612 = vector.broadcast %scan3A_156 : i32 to vector<16xi32>
        %parallel_loop3A_613 = arith.andi %parallel_loop3A_471, %parallel_loop3A_612 : vector<16xi32>
        %parallel_loop3A_614 = vector.bitcast %parallel_loop3A_613 : vector<16xi32> to vector<16xf32>
        %parallel_loop3A_615 = vector.broadcast %scan3A_156 : i32 to vector<16xi32>
        %parallel_loop3A_616 = arith.andi %parallel_loop3A_503, %parallel_loop3A_615 : vector<16xi32>
        %parallel_loop3A_617 = vector.bitcast %parallel_loop3A_616 : vector<16xi32> to vector<16xf32>
        %parallel_loop3A_618 = arith.addf %parallel_loop3A_614, %parallel_loop3A_617 : vector<16xf32>
        %parallel_loop3A_619 = arith.constant 7 : i32
        %parallel_loop3A_620 = arith.index_cast %parallel_loop3A_619 : i32 to index
        %parallel_loop3A_621 = arith.index_cast %parallel_loop3A_423 : i32 to index
        %parallel_loop3A_622 = arith.index_cast %parallel_loop3A_441 : i32 to index
        %parallel_loop3A_623 = tpu.vector_load %arg16[%parallel_loop3A_620, %parallel_loop3A_621, %parallel_loop3A_622] {strides = array<i32>} : memref<16x8x256xf32, #tpu.memory_space<vmem>>, vector<16xf32>,
        tpu.vector_store %arg16[%parallel_loop3A_620, %parallel_loop3A_621, %parallel_loop3A_622], %parallel_loop3A_618 {strides = array<i32>} : memref<16x8x256xf32, #tpu.memory_space<vmem>>, vector<16xf32>,
        %parallel_loop3A_624 = arith.constant 16 : i32
        %parallel_loop3A_625 = vector.broadcast %parallel_loop3A_624 : i32 to vector<16xi32>
        %parallel_loop3A_626 = arith.shli %parallel_loop3A_475, %parallel_loop3A_625 : vector<16xi32>
        %parallel_loop3A_627 = vector.bitcast %parallel_loop3A_626 : vector<16xi32> to vector<16xf32>
        %parallel_loop3A_628 = arith.constant 16 : i32
        %parallel_loop3A_629 = vector.broadcast %parallel_loop3A_628 : i32 to vector<16xi32>
        %parallel_loop3A_630 = arith.shli %parallel_loop3A_507, %parallel_loop3A_629 : vector<16xi32>
        %parallel_loop3A_631 = vector.bitcast %parallel_loop3A_630 : vector<16xi32> to vector<16xf32>
        %parallel_loop3A_632 = arith.addf %parallel_loop3A_627, %parallel_loop3A_631 : vector<16xf32>
        %parallel_loop3A_633 = arith.constant 8 : i32
        %parallel_loop3A_634 = arith.index_cast %parallel_loop3A_633 : i32 to index
        %parallel_loop3A_635 = arith.index_cast %parallel_loop3A_423 : i32 to index
        %parallel_loop3A_636 = arith.index_cast %parallel_loop3A_441 : i32 to index
        %parallel_loop3A_637 = tpu.vector_load %arg16[%parallel_loop3A_634, %parallel_loop3A_635, %parallel_loop3A_636] {strides = array<i32>} : memref<16x8x256xf32, #tpu.memory_space<vmem>>, vector<16xf32>,
        tpu.vector_store %arg16[%parallel_loop3A_634, %parallel_loop3A_635, %parallel_loop3A_636], %parallel_loop3A_632 {strides = array<i32>} : memref<16x8x256xf32, #tpu.memory_space<vmem>>, vector<16xf32>,
        %parallel_loop3A_638 = vector.broadcast %scan3A_156 : i32 to vector<16xi32>
        %parallel_loop3A_639 = arith.andi %parallel_loop3A_475, %parallel_loop3A_638 : vector<16xi32>
        %parallel_loop3A_640 = vector.bitcast %parallel_loop3A_639 : vector<16xi32> to vector<16xf32>
        %parallel_loop3A_641 = vector.broadcast %scan3A_156 : i32 to vector<16xi32>
        %parallel_loop3A_642 = arith.andi %parallel_loop3A_507, %parallel_loop3A_641 : vector<16xi32>
        %parallel_loop3A_643 = vector.bitcast %parallel_loop3A_642 : vector<16xi32> to vector<16xf32>
        %parallel_loop3A_644 = arith.addf %parallel_loop3A_640, %parallel_loop3A_643 : vector<16xf32>
        %parallel_loop3A_645 = arith.constant 9 : i32
        %parallel_loop3A_646 = arith.index_cast %parallel_loop3A_645 : i32 to index
        %parallel_loop3A_647 = arith.index_cast %parallel_loop3A_423 : i32 to index
        %parallel_loop3A_648 = arith.index_cast %parallel_loop3A_441 : i32 to index
        %parallel_loop3A_649 = tpu.vector_load %arg16[%parallel_loop3A_646, %parallel_loop3A_647, %parallel_loop3A_648] {strides = array<i32>} : memref<16x8x256xf32, #tpu.memory_space<vmem>>, vector<16xf32>,
        tpu.vector_store %arg16[%parallel_loop3A_646, %parallel_loop3A_647, %parallel_loop3A_648], %parallel_loop3A_644 {strides = array<i32>} : memref<16x8x256xf32, #tpu.memory_space<vmem>>, vector<16xf32>,
        %parallel_loop3A_650 = arith.constant 16 : i32
        %parallel_loop3A_651 = vector.broadcast %parallel_loop3A_650 : i32 to vector<16xi32>
        %parallel_loop3A_652 = arith.shli %parallel_loop3A_479, %parallel_loop3A_651 : vector<16xi32>
        %parallel_loop3A_653 = vector.bitcast %parallel_loop3A_652 : vector<16xi32> to vector<16xf32>
        %parallel_loop3A_654 = arith.constant 16 : i32
        %parallel_loop3A_655 = vector.broadcast %parallel_loop3A_654 : i32 to vector<16xi32>
        %parallel_loop3A_656 = arith.shli %parallel_loop3A_511, %parallel_loop3A_655 : vector<16xi32>
        %parallel_loop3A_657 = vector.bitcast %parallel_loop3A_656 : vector<16xi32> to vector<16xf32>
        %parallel_loop3A_658 = arith.addf %parallel_loop3A_653, %parallel_loop3A_657 : vector<16xf32>
        %parallel_loop3A_659 = arith.constant 10 : i32
        %parallel_loop3A_660 = arith.index_cast %parallel_loop3A_659 : i32 to index
        %parallel_loop3A_661 = arith.index_cast %parallel_loop3A_423 : i32 to index
        %parallel_loop3A_662 = arith.index_cast %parallel_loop3A_441 : i32 to index
        %parallel_loop3A_663 = tpu.vector_load %arg16[%parallel_loop3A_660, %parallel_loop3A_661, %parallel_loop3A_662] {strides = array<i32>} : memref<16x8x256xf32, #tpu.memory_space<vmem>>, vector<16xf32>,
        tpu.vector_store %arg16[%parallel_loop3A_660, %parallel_loop3A_661, %parallel_loop3A_662], %parallel_loop3A_658 {strides = array<i32>} : memref<16x8x256xf32, #tpu.memory_space<vmem>>, vector<16xf32>,
        %parallel_loop3A_664 = vector.broadcast %scan3A_156 : i32 to vector<16xi32>
        %parallel_loop3A_665 = arith.andi %parallel_loop3A_479, %parallel_loop3A_664 : vector<16xi32>
        %parallel_loop3A_666 = vector.bitcast %parallel_loop3A_665 : vector<16xi32> to vector<16xf32>
        %parallel_loop3A_667 = vector.broadcast %scan3A_156 : i32 to vector<16xi32>
        %parallel_loop3A_668 = arith.andi %parallel_loop3A_511, %parallel_loop3A_667 : vector<16xi32>
        %parallel_loop3A_669 = vector.bitcast %parallel_loop3A_668 : vector<16xi32> to vector<16xf32>
        %parallel_loop3A_670 = arith.addf %parallel_loop3A_666, %parallel_loop3A_669 : vector<16xf32>
        %parallel_loop3A_671 = arith.constant 11 : i32
        %parallel_loop3A_672 = arith.index_cast %parallel_loop3A_671 : i32 to index
        %parallel_loop3A_673 = arith.index_cast %parallel_loop3A_423 : i32 to index
        %parallel_loop3A_674 = arith.index_cast %parallel_loop3A_441 : i32 to index
        %parallel_loop3A_675 = tpu.vector_load %arg16[%parallel_loop3A_672, %parallel_loop3A_673, %parallel_loop3A_674] {strides = array<i32>} : memref<16x8x256xf32, #tpu.memory_space<vmem>>, vector<16xf32>,
        tpu.vector_store %arg16[%parallel_loop3A_672, %parallel_loop3A_673, %parallel_loop3A_674], %parallel_loop3A_670 {strides = array<i32>} : memref<16x8x256xf32, #tpu.memory_space<vmem>>, vector<16xf32>,
        %parallel_loop3A_676 = arith.constant 16 : i32
        %parallel_loop3A_677 = vector.broadcast %parallel_loop3A_676 : i32 to vector<16xi32>
        %parallel_loop3A_678 = arith.shli %parallel_loop3A_483, %parallel_loop3A_677 : vector<16xi32>
        %parallel_loop3A_679 = vector.bitcast %parallel_loop3A_678 : vector<16xi32> to vector<16xf32>
        %parallel_loop3A_680 = arith.constant 16 : i32
        %parallel_loop3A_681 = vector.broadcast %parallel_loop3A_680 : i32 to vector<16xi32>
        %parallel_loop3A_682 = arith.shli %parallel_loop3A_515, %parallel_loop3A_681 : vector<16xi32>
        %parallel_loop3A_683 = vector.bitcast %parallel_loop3A_682 : vector<16xi32> to vector<16xf32>
        %parallel_loop3A_684 = arith.addf %parallel_loop3A_679, %parallel_loop3A_683 : vector<16xf32>
        %parallel_loop3A_685 = arith.constant 12 : i32
        %parallel_loop3A_686 = arith.index_cast %parallel_loop3A_685 : i32 to index
        %parallel_loop3A_687 = arith.index_cast %parallel_loop3A_423 : i32 to index
        %parallel_loop3A_688 = arith.index_cast %parallel_loop3A_441 : i32 to index
        %parallel_loop3A_689 = tpu.vector_load %arg16[%parallel_loop3A_686, %parallel_loop3A_687, %parallel_loop3A_688] {strides = array<i32>} : memref<16x8x256xf32, #tpu.memory_space<vmem>>, vector<16xf32>,
        tpu.vector_store %arg16[%parallel_loop3A_686, %parallel_loop3A_687, %parallel_loop3A_688], %parallel_loop3A_684 {strides = array<i32>} : memref<16x8x256xf32, #tpu.memory_space<vmem>>, vector<16xf32>,
        %parallel_loop3A_690 = vector.broadcast %scan3A_156 : i32 to vector<16xi32>
        %parallel_loop3A_691 = arith.andi %parallel_loop3A_483, %parallel_loop3A_690 : vector<16xi32>
        %parallel_loop3A_692 = vector.bitcast %parallel_loop3A_691 : vector<16xi32> to vector<16xf32>
        %parallel_loop3A_693 = vector.broadcast %scan3A_156 : i32 to vector<16xi32>
        %parallel_loop3A_694 = arith.andi %parallel_loop3A_515, %parallel_loop3A_693 : vector<16xi32>
        %parallel_loop3A_695 = vector.bitcast %parallel_loop3A_694 : vector<16xi32> to vector<16xf32>
        %parallel_loop3A_696 = arith.addf %parallel_loop3A_692, %parallel_loop3A_695 : vector<16xf32>
        %parallel_loop3A_697 = arith.constant 13 : i32
        %parallel_loop3A_698 = arith.index_cast %parallel_loop3A_697 : i32 to index
        %parallel_loop3A_699 = arith.index_cast %parallel_loop3A_423 : i32 to index
        %parallel_loop3A_700 = arith.index_cast %parallel_loop3A_441 : i32 to index
        %parallel_loop3A_701 = tpu.vector_load %arg16[%parallel_loop3A_698, %parallel_loop3A_699, %parallel_loop3A_700] {strides = array<i32>} : memref<16x8x256xf32, #tpu.memory_space<vmem>>, vector<16xf32>,
        tpu.vector_store %arg16[%parallel_loop3A_698, %parallel_loop3A_699, %parallel_loop3A_700], %parallel_loop3A_696 {strides = array<i32>} : memref<16x8x256xf32, #tpu.memory_space<vmem>>, vector<16xf32>,
        %parallel_loop3A_702 = arith.constant 16 : i32
        %parallel_loop3A_703 = vector.broadcast %parallel_loop3A_702 : i32 to vector<16xi32>
        %parallel_loop3A_704 = arith.shli %parallel_loop3A_487, %parallel_loop3A_703 : vector<16xi32>
        %parallel_loop3A_705 = vector.bitcast %parallel_loop3A_704 : vector<16xi32> to vector<16xf32>
        %parallel_loop3A_706 = arith.constant 16 : i32
        %parallel_loop3A_707 = vector.broadcast %parallel_loop3A_706 : i32 to vector<16xi32>
        %parallel_loop3A_708 = arith.shli %parallel_loop3A_519, %parallel_loop3A_707 : vector<16xi32>
        %parallel_loop3A_709 = vector.bitcast %parallel_loop3A_708 : vector<16xi32> to vector<16xf32>
        %parallel_loop3A_710 = arith.addf %parallel_loop3A_705, %parallel_loop3A_709 : vector<16xf32>
        %parallel_loop3A_711 = arith.constant 14 : i32
        %parallel_loop3A_712 = arith.index_cast %parallel_loop3A_711 : i32 to index
        %parallel_loop3A_713 = arith.index_cast %parallel_loop3A_423 : i32 to index
        %parallel_loop3A_714 = arith.index_cast %parallel_loop3A_441 : i32 to index
        %parallel_loop3A_715 = tpu.vector_load %arg16[%parallel_loop3A_712, %parallel_loop3A_713, %parallel_loop3A_714] {strides = array<i32>} : memref<16x8x256xf32, #tpu.memory_space<vmem>>, vector<16xf32>,
        tpu.vector_store %arg16[%parallel_loop3A_712, %parallel_loop3A_713, %parallel_loop3A_714], %parallel_loop3A_710 {strides = array<i32>} : memref<16x8x256xf32, #tpu.memory_space<vmem>>, vector<16xf32>,
        %parallel_loop3A_716 = vector.broadcast %scan3A_156 : i32 to vector<16xi32>
        %parallel_loop3A_717 = arith.andi %parallel_loop3A_487, %parallel_loop3A_716 : vector<16xi32>
        %parallel_loop3A_718 = vector.bitcast %parallel_loop3A_717 : vector<16xi32> to vector<16xf32>
        %parallel_loop3A_719 = vector.broadcast %scan3A_156 : i32 to vector<16xi32>
        %parallel_loop3A_720 = arith.andi %parallel_loop3A_519, %parallel_loop3A_719 : vector<16xi32>
        %parallel_loop3A_721 = vector.bitcast %parallel_loop3A_720 : vector<16xi32> to vector<16xf32>
        %parallel_loop3A_722 = arith.addf %parallel_loop3A_718, %parallel_loop3A_721 : vector<16xf32>
        %parallel_loop3A_723 = arith.constant 15 : i32
        %parallel_loop3A_724 = arith.index_cast %parallel_loop3A_723 : i32 to index
        %parallel_loop3A_725 = arith.index_cast %parallel_loop3A_423 : i32 to index
        %parallel_loop3A_726 = arith.index_cast %parallel_loop3A_441 : i32 to index
        %parallel_loop3A_727 = tpu.vector_load %arg16[%parallel_loop3A_724, %parallel_loop3A_725, %parallel_loop3A_726] {strides = array<i32>} : memref<16x8x256xf32, #tpu.memory_space<vmem>>, vector<16xf32>,
        tpu.vector_store %arg16[%parallel_loop3A_724, %parallel_loop3A_725, %parallel_loop3A_726], %parallel_loop3A_722 {strides = array<i32>} : memref<16x8x256xf32, #tpu.memory_space<vmem>>, vector<16xf32>,
      } {sc.loop_unroll_factor = 2 : i64, sc.parallel_access}
      %mul3A_371 = arith.constant 8 : i32
      %mul3A_372 = arith.muli %add3A_338, %mul3A_371 : i32
      %add3A_373 = arith.addi %mul3A_32, %mul3A_372 : i32
      %dma_start3A_374 = arith.constant 0 : i32
      %dma_start3A_375 = arith.constant 0 : i32
      %dma_start3A_376 = tpu.memref_slice %arg6[%select_n3A, %dma_start3A_374, %add3A_373, %dma_start3A_375] : memref<16x16x256x256xf32, #tpu.memory_space<hbm>> -> memref<1x16x8x256xf32, #tpu.memory_space<hbm>>
      %dma_start3A_377 = tpu.memref_squeeze %dma_start3A_376 : memref<1x16x8x256xf32, #tpu.memory_space<hbm>> -> memref<16x8x256xf32, #tpu.memory_space<hbm>>
      %dma_start3A_378 = arith.constant 0 : i32
      %dma_start3A_379 = arith.constant 0 : i32
      %dma_start3A_380 = tpu.memref_slice %arg6[%select_n3A, %dma_start3A_378, %add3A_373, %dma_start3A_379] : memref<16x16x256x256xf32, #tpu.memory_space<hbm>> -> memref<1x16x8x256xf32, #tpu.memory_space<hbm>>
      %dma_start3A_381 = tpu.memref_squeeze %dma_start3A_380 : memref<1x16x8x256xf32, #tpu.memory_space<hbm>> -> memref<16x8x256xf32, #tpu.memory_space<hbm>>
      tpu.enqueue_dma source(%arg16 : memref<16x8x256xf32, #tpu.memory_space<vmem>>) target(%dma_start3A_381 : memref<16x8x256xf32, #tpu.memory_space<hbm>>) target_semaphore(%arg20 : memref<!tpu.dma_semaphore, #tpu.memory_space<semaphore_mem>>)
      %add3A_382 = arith.constant 2 : i32
      %add3A_383 = arith.addi %add3A_338, %add3A_382 : i32
      %mul3A_384 = arith.constant 8 : i32
      %mul3A_385 = arith.muli %add3A_383, %mul3A_384 : i32
      %add3A_386 = arith.addi %mul3A_32, %mul3A_385 : i32
      %dma_start3A_387 = arith.constant 0 : i32
      %dma_start3A_388 = tpu.memref_slice %arg2[%select_n3A, %add3A_386, %dma_start3A_387] : memref<16x256x256xi32, #tpu.memory_space<hbm>> -> memref<1x8x256xi32, #tpu.memory_space<hbm>>
      %dma_start3A_389 = tpu.memref_squeeze %dma_start3A_388 : memref<1x8x256xi32, #tpu.memory_space<hbm>> -> memref<8x256xi32, #tpu.memory_space<hbm>>
      %dma_start3A_390 = arith.constant 0 : i32
      %dma_start3A_391 = tpu.memref_slice %arg2[%select_n3A, %add3A_386, %dma_start3A_390] : memref<16x256x256xi32, #tpu.memory_space<hbm>> -> memref<1x8x256xi32, #tpu.memory_space<hbm>>
      %dma_start3A_392 = tpu.memref_squeeze %dma_start3A_391 : memref<1x8x256xi32, #tpu.memory_space<hbm>> -> memref<8x256xi32, #tpu.memory_space<hbm>>
      tpu.enqueue_dma source(%dma_start3A_392 : memref<8x256xi32, #tpu.memory_space<hbm>>) target(%arg12 : memref<8x256xi32, #tpu.memory_space<vmem>>) target_semaphore(%arg18 : memref<!tpu.dma_semaphore, #tpu.memory_space<semaphore_mem>>)
      %dma_start3A_393 = arith.constant 0 : i32
      %dma_start3A_394 = tpu.memref_slice %arg3[%select_n3A, %add3A_386, %dma_start3A_393] : memref<16x256x256xi32, #tpu.memory_space<hbm>> -> memref<1x8x256xi32, #tpu.memory_space<hbm>>
      %dma_start3A_395 = tpu.memref_squeeze %dma_start3A_394 : memref<1x8x256xi32, #tpu.memory_space<hbm>> -> memref<8x256xi32, #tpu.memory_space<hbm>>
      %dma_start3A_396 = arith.constant 0 : i32
      %dma_start3A_397 = tpu.memref_slice %arg3[%select_n3A, %add3A_386, %dma_start3A_396] : memref<16x256x256xi32, #tpu.memory_space<hbm>> -> memref<1x8x256xi32, #tpu.memory_space<hbm>>
      %dma_start3A_398 = tpu.memref_squeeze %dma_start3A_397 : memref<1x8x256xi32, #tpu.memory_space<hbm>> -> memref<8x256xi32, #tpu.memory_space<hbm>>
      tpu.enqueue_dma source(%dma_start3A_398 : memref<8x256xi32, #tpu.memory_space<hbm>>) target(%arg14 : memref<8x256xi32, #tpu.memory_space<vmem>>) target_semaphore(%arg18 : memref<!tpu.dma_semaphore, #tpu.memory_space<semaphore_mem>>)
    }
    %scan3A_161 = arith.constant 6 : i32
    %dma_wait3A_162 = arith.constant 0 : i32
    %dma_wait3A_163 = arith.constant 0 : i32
    %dma_wait3A_164 = arith.constant 0 : i32
    %dma_wait3A_165 = tpu.memref_slice %arg2[%dma_wait3A_162, %dma_wait3A_163, %dma_wait3A_164] : memref<16x256x256xi32, #tpu.memory_space<hbm>> -> memref<1x8x256xi32, #tpu.memory_space<hbm>>
    %dma_wait3A_166 = tpu.memref_squeeze %dma_wait3A_165 : memref<1x8x256xi32, #tpu.memory_space<hbm>> -> memref<8x256xi32, #tpu.memory_space<hbm>>
    %dma_wait3A_167 = arith.constant 0 : i32
    %dma_wait3A_168 = arith.constant 0 : i32
    %dma_wait3A_169 = tpu.memref_slice %arg2[%dma_wait3A_162, %dma_wait3A_167, %dma_wait3A_168] : memref<16x256x256xi32, #tpu.memory_space<hbm>> -> memref<1x8x256xi32, #tpu.memory_space<hbm>>
    %dma_wait3A_170 = tpu.memref_squeeze %dma_wait3A_169 : memref<1x8x256xi32, #tpu.memory_space<hbm>> -> memref<8x256xi32, #tpu.memory_space<hbm>>
    tpu.wait_dma2 semaphore(%arg17 : memref<!tpu.dma_semaphore, #tpu.memory_space<semaphore_mem>>) src(%dma_wait3A_170 : memref<8x256xi32, #tpu.memory_space<hbm>>) dst(%arg11 : memref<8x256xi32, #tpu.memory_space<vmem>>)
    %dma_wait3A_171 = arith.constant 0 : i32
    %dma_wait3A_172 = arith.constant 0 : i32
    %dma_wait3A_173 = arith.constant 0 : i32
    %dma_wait3A_174 = tpu.memref_slice %arg3[%dma_wait3A_171, %dma_wait3A_172, %dma_wait3A_173] : memref<16x256x256xi32, #tpu.memory_space<hbm>> -> memref<1x8x256xi32, #tpu.memory_space<hbm>>
    %dma_wait3A_175 = tpu.memref_squeeze %dma_wait3A_174 : memref<1x8x256xi32, #tpu.memory_space<hbm>> -> memref<8x256xi32, #tpu.memory_space<hbm>>
    %dma_wait3A_176 = arith.constant 0 : i32
    %dma_wait3A_177 = arith.constant 0 : i32
    %dma_wait3A_178 = tpu.memref_slice %arg3[%dma_wait3A_171, %dma_wait3A_176, %dma_wait3A_177] : memref<16x256x256xi32, #tpu.memory_space<hbm>> -> memref<1x8x256xi32, #tpu.memory_space<hbm>>
    %dma_wait3A_179 = tpu.memref_squeeze %dma_wait3A_178 : memref<1x8x256xi32, #tpu.memory_space<hbm>> -> memref<8x256xi32, #tpu.memory_space<hbm>>
    tpu.wait_dma2 semaphore(%arg17 : memref<!tpu.dma_semaphore, #tpu.memory_space<semaphore_mem>>) src(%dma_wait3A_179 : memref<8x256xi32, #tpu.memory_space<hbm>>) dst(%arg13 : memref<8x256xi32, #tpu.memory_space<vmem>>)
    %dma_wait3A_180 = arith.constant 0 : i32
    %dma_wait3A_181 = arith.constant 0 : i32
    %dma_wait3A_182 = arith.constant 0 : i32
    %dma_wait3A_183 = arith.constant 0 : i32
    %dma_wait3A_184 = tpu.memref_slice %arg6[%dma_wait3A_180, %dma_wait3A_181, %dma_wait3A_182, %dma_wait3A_183] : memref<16x16x256x256xf32, #tpu.memory_space<hbm>> -> memref<1x16x8x256xf32, #tpu.memory_space<hbm>>
    %dma_wait3A_185 = tpu.memref_squeeze %dma_wait3A_184 : memref<1x16x8x256xf32, #tpu.memory_space<hbm>> -> memref<16x8x256xf32, #tpu.memory_space<hbm>>
    %dma_wait3A_186 = arith.constant 0 : i32
    %dma_wait3A_187 = arith.constant 0 : i32
    %dma_wait3A_188 = arith.constant 0 : i32
    %dma_wait3A_189 = tpu.memref_slice %arg6[%dma_wait3A_180, %dma_wait3A_186, %dma_wait3A_187, %dma_wait3A_188] : memref<16x16x256x256xf32, #tpu.memory_space<hbm>> -> memref<1x16x8x256xf32, #tpu.memory_space<hbm>>
    %dma_wait3A_190 = tpu.memref_squeeze %dma_wait3A_189 : memref<1x16x8x256xf32, #tpu.memory_space<hbm>> -> memref<16x8x256xf32, #tpu.memory_space<hbm>>
    tpu.wait_dma2 semaphore(%arg19 : memref<!tpu.dma_semaphore, #tpu.memory_space<semaphore_mem>>) src(%arg15 : memref<16x8x256xf32, #tpu.memory_space<vmem>>) dst(%dma_wait3A_190 : memref<16x8x256xf32, #tpu.memory_space<hbm>>)
    %parallel_loop3A_191 = arith.constant 0 : i32
    %parallel_loop3A_192 = arith.constant 128 : i32
    %parallel_loop3A_193 = arith.constant 1 : i32
    %parallel_loop3A_194 = arith.constant -65536 : i32
    scf.for %parallel_loop3A_270 = %parallel_loop3A_191 to %parallel_loop3A_192 step %parallel_loop3A_193  : i32 {
      %parallel_loop3A_271 = arith.constant 16 : i32
      %parallel_loop3A_272 = arith.divsi %parallel_loop3A_270, %parallel_loop3A_271 : i32
      %parallel_loop3A_273 = arith.constant 0 : i32
      %parallel_loop3A_274 = arith.cmpi sgt, %parallel_loop3A_270, %parallel_loop3A_273 : i32
      %parallel_loop3A_275 = arith.extui %parallel_loop3A_274 : i1 to i32
      %parallel_loop3A_276 = arith.constant 0 : i32
      %parallel_loop3A_277 = arith.cmpi slt, %parallel_loop3A_270, %parallel_loop3A_276 : i32
      %parallel_loop3A_278 = arith.extui %parallel_loop3A_277 : i1 to i32
      %parallel_loop3A_279 = arith.subi %parallel_loop3A_275, %parallel_loop3A_278 : i32
      %parallel_loop3A_280 = arith.constant 0 : i32
      %parallel_loop3A_281 = arith.cmpi sgt, %parallel_loop3A_271, %parallel_loop3A_280 : i32
      %parallel_loop3A_282 = arith.extui %parallel_loop3A_281 : i1 to i32
      %parallel_loop3A_283 = arith.constant 0 : i32
      %parallel_loop3A_284 = arith.cmpi slt, %parallel_loop3A_271, %parallel_loop3A_283 : i32
      %parallel_loop3A_285 = arith.extui %parallel_loop3A_284 : i1 to i32
      %parallel_loop3A_286 = arith.subi %parallel_loop3A_282, %parallel_loop3A_285 : i32
      %parallel_loop3A_287 = arith.cmpi ne, %parallel_loop3A_279, %parallel_loop3A_286 : i32
      %parallel_loop3A_288 = arith.remsi %parallel_loop3A_270, %parallel_loop3A_271 : i32
      %parallel_loop3A_289 = arith.constant 0 : i32
      %parallel_loop3A_290 = arith.cmpi ne, %parallel_loop3A_288, %parallel_loop3A_289 : i32
      %parallel_loop3A_291 = arith.andi %parallel_loop3A_287, %parallel_loop3A_290 : i1
      %parallel_loop3A_292 = arith.constant 1 : i32
      %parallel_loop3A_293 = arith.subi %parallel_loop3A_272, %parallel_loop3A_292 : i32
      %parallel_loop3A_294 = arith.select %parallel_loop3A_291, %parallel_loop3A_293, %parallel_loop3A_272 : i32
      %parallel_loop3A_295 = arith.constant 16 : i32
      %parallel_loop3A_296 = arith.constant 0 : i32
      %parallel_loop3A_297 = arith.cmpi eq, %parallel_loop3A_295, %parallel_loop3A_296 : i32
      %parallel_loop3A_298 = arith.constant 1 : i32
      %parallel_loop3A_299 = arith.select %parallel_loop3A_297, %parallel_loop3A_298, %parallel_loop3A_295 : i32
      %parallel_loop3A_300 = arith.remsi %parallel_loop3A_270, %parallel_loop3A_299 : i32
      %parallel_loop3A_301 = arith.constant 0 : i32
      %parallel_loop3A_302 = arith.cmpi ne, %parallel_loop3A_300, %parallel_loop3A_301 : i32
      %parallel_loop3A_303 = arith.constant 0 : i32
      %parallel_loop3A_304 = arith.cmpi slt, %parallel_loop3A_300, %parallel_loop3A_303 : i32
      %parallel_loop3A_305 = arith.constant 0 : i32
      %parallel_loop3A_306 = arith.cmpi slt, %parallel_loop3A_299, %parallel_loop3A_305 : i32
      %parallel_loop3A_307 = arith.xori %parallel_loop3A_304, %parallel_loop3A_306 : i1
      %parallel_loop3A_308 = arith.andi %parallel_loop3A_307, %parallel_loop3A_302 : i1
      %parallel_loop3A_309 = arith.addi %parallel_loop3A_300, %parallel_loop3A_299 : i32
      %parallel_loop3A_310 = arith.select %parallel_loop3A_308, %parallel_loop3A_309, %parallel_loop3A_300 : i32
      %parallel_loop3A_311 = arith.constant 16 : i32
      %parallel_loop3A_312 = arith.muli %parallel_loop3A_310, %parallel_loop3A_311 : i32
      %parallel_loop3A_313 = arith.index_cast %parallel_loop3A_294 : i32 to index
      %parallel_loop3A_314 = arith.index_cast %parallel_loop3A_312 : i32 to index
      %parallel_loop3A_315 = tpu.vector_load %arg11[%parallel_loop3A_313, %parallel_loop3A_314] {strides = array<i32>} : memref<8x256xi32, #tpu.memory_space<vmem>>, vector<16xi32>,
      %parallel_loop3A_316 = arith.index_cast %parallel_loop3A_294 : i32 to index
      %parallel_loop3A_317 = arith.index_cast %parallel_loop3A_312 : i32 to index
      %parallel_loop3A_318 = tpu.vector_load %arg13[%parallel_loop3A_316, %parallel_loop3A_317] {strides = array<i32>} : memref<8x256xi32, #tpu.memory_space<vmem>>, vector<16xi32>,
      %parallel_loop3A_319 = arith.constant 3 : i32
      %parallel_loop3A_320 = vector.broadcast %parallel_loop3A_319 : i32 to vector<16xi32>
      %parallel_loop3A_321 = arith.shli %parallel_loop3A_315, %parallel_loop3A_320 : vector<16xi32>
      %parallel_loop3A_322 = arith.addi %parallel_loop3A_321, %parallel_loop3A_315 : vector<16xi32>
      %parallel_loop3A_323 = arith.constant 3 : i32
      %parallel_loop3A_324 = vector.broadcast %parallel_loop3A_323 : i32 to vector<16xi32>
      %parallel_loop3A_325 = arith.shli %parallel_loop3A_318, %parallel_loop3A_324 : vector<16xi32>
      %parallel_loop3A_326 = arith.addi %parallel_loop3A_325, %parallel_loop3A_318 : vector<16xi32>
      %parallel_loop3A_327 = arith.constant 0 : i32
      %parallel_loop3A_328 = vector.broadcast %parallel_loop3A_327 : i32 to vector<16xi32>
      %parallel_loop3A_329 = arith.addi %parallel_loop3A_322, %parallel_loop3A_328 : vector<16xi32>
      %parallel_loop3A_330 = tpu.vector_load_idx %arg9[%parallel_loop3A_329] : memref<180xi32, #tpu.memory_space<vmem>>[vector<16xi32>], vector<16xi32>,
      %parallel_loop3A_331 = arith.constant 1 : i32
      %parallel_loop3A_332 = vector.broadcast %parallel_loop3A_331 : i32 to vector<16xi32>
      %parallel_loop3A_333 = arith.addi %parallel_loop3A_322, %parallel_loop3A_332 : vector<16xi32>
      %parallel_loop3A_334 = tpu.vector_load_idx %arg9[%parallel_loop3A_333] : memref<180xi32, #tpu.memory_space<vmem>>[vector<16xi32>], vector<16xi32>,
      %parallel_loop3A_335 = arith.constant 2 : i32
      %parallel_loop3A_336 = vector.broadcast %parallel_loop3A_335 : i32 to vector<16xi32>
      %parallel_loop3A_337 = arith.addi %parallel_loop3A_322, %parallel_loop3A_336 : vector<16xi32>
      %parallel_loop3A_338 = tpu.vector_load_idx %arg9[%parallel_loop3A_337] : memref<180xi32, #tpu.memory_space<vmem>>[vector<16xi32>], vector<16xi32>,
      %parallel_loop3A_339 = arith.constant 3 : i32
      %parallel_loop3A_340 = vector.broadcast %parallel_loop3A_339 : i32 to vector<16xi32>
      %parallel_loop3A_341 = arith.addi %parallel_loop3A_322, %parallel_loop3A_340 : vector<16xi32>
      %parallel_loop3A_342 = tpu.vector_load_idx %arg9[%parallel_loop3A_341] : memref<180xi32, #tpu.memory_space<vmem>>[vector<16xi32>], vector<16xi32>,
      %parallel_loop3A_343 = arith.constant 4 : i32
      %parallel_loop3A_344 = vector.broadcast %parallel_loop3A_343 : i32 to vector<16xi32>
      %parallel_loop3A_345 = arith.addi %parallel_loop3A_322, %parallel_loop3A_344 : vector<16xi32>
      %parallel_loop3A_346 = tpu.vector_load_idx %arg9[%parallel_loop3A_345] : memref<180xi32, #tpu.memory_space<vmem>>[vector<16xi32>], vector<16xi32>,
      %parallel_loop3A_347 = arith.constant 5 : i32
      %parallel_loop3A_348 = vector.broadcast %parallel_loop3A_347 : i32 to vector<16xi32>
      %parallel_loop3A_349 = arith.addi %parallel_loop3A_322, %parallel_loop3A_348 : vector<16xi32>
      %parallel_loop3A_350 = tpu.vector_load_idx %arg9[%parallel_loop3A_349] : memref<180xi32, #tpu.memory_space<vmem>>[vector<16xi32>], vector<16xi32>,
      %parallel_loop3A_351 = arith.constant 6 : i32
      %parallel_loop3A_352 = vector.broadcast %parallel_loop3A_351 : i32 to vector<16xi32>
      %parallel_loop3A_353 = arith.addi %parallel_loop3A_322, %parallel_loop3A_352 : vector<16xi32>
      %parallel_loop3A_354 = tpu.vector_load_idx %arg9[%parallel_loop3A_353] : memref<180xi32, #tpu.memory_space<vmem>>[vector<16xi32>], vector<16xi32>,
      %parallel_loop3A_355 = arith.constant 7 : i32
      %parallel_loop3A_356 = vector.broadcast %parallel_loop3A_355 : i32 to vector<16xi32>
      %parallel_loop3A_357 = arith.addi %parallel_loop3A_322, %parallel_loop3A_356 : vector<16xi32>
      %parallel_loop3A_358 = tpu.vector_load_idx %arg9[%parallel_loop3A_357] : memref<180xi32, #tpu.memory_space<vmem>>[vector<16xi32>], vector<16xi32>,
      %parallel_loop3A_359 = arith.constant 0 : i32
      %parallel_loop3A_360 = vector.broadcast %parallel_loop3A_359 : i32 to vector<16xi32>
      %parallel_loop3A_361 = arith.addi %parallel_loop3A_326, %parallel_loop3A_360 : vector<16xi32>
      %parallel_loop3A_362 = tpu.vector_load_idx %arg10[%parallel_loop3A_361] : memref<4608xi32, #tpu.memory_space<vmem>>[vector<16xi32>], vector<16xi32>,
      %parallel_loop3A_363 = arith.constant 1 : i32
      %parallel_loop3A_364 = vector.broadcast %parallel_loop3A_363 : i32 to vector<16xi32>
      %parallel_loop3A_365 = arith.addi %parallel_loop3A_326, %parallel_loop3A_364 : vector<16xi32>
      %parallel_loop3A_366 = tpu.vector_load_idx %arg10[%parallel_loop3A_365] : memref<4608xi32, #tpu.memory_space<vmem>>[vector<16xi32>], vector<16xi32>,
      %parallel_loop3A_367 = arith.constant 2 : i32
      %parallel_loop3A_368 = vector.broadcast %parallel_loop3A_367 : i32 to vector<16xi32>
      %parallel_loop3A_369 = arith.addi %parallel_loop3A_326, %parallel_loop3A_368 : vector<16xi32>
      %parallel_loop3A_370 = tpu.vector_load_idx %arg10[%parallel_loop3A_369] : memref<4608xi32, #tpu.memory_space<vmem>>[vector<16xi32>], vector<16xi32>,
      %parallel_loop3A_371 = arith.constant 3 : i32
      %parallel_loop3A_372 = vector.broadcast %parallel_loop3A_371 : i32 to vector<16xi32>
      %parallel_loop3A_373 = arith.addi %parallel_loop3A_326, %parallel_loop3A_372 : vector<16xi32>
      %parallel_loop3A_374 = tpu.vector_load_idx %arg10[%parallel_loop3A_373] : memref<4608xi32, #tpu.memory_space<vmem>>[vector<16xi32>], vector<16xi32>,
      %parallel_loop3A_375 = arith.constant 4 : i32
      %parallel_loop3A_376 = vector.broadcast %parallel_loop3A_375 : i32 to vector<16xi32>
      %parallel_loop3A_377 = arith.addi %parallel_loop3A_326, %parallel_loop3A_376 : vector<16xi32>
      %parallel_loop3A_378 = tpu.vector_load_idx %arg10[%parallel_loop3A_377] : memref<4608xi32, #tpu.memory_space<vmem>>[vector<16xi32>], vector<16xi32>,
      %parallel_loop3A_379 = arith.constant 5 : i32
      %parallel_loop3A_380 = vector.broadcast %parallel_loop3A_379 : i32 to vector<16xi32>
      %parallel_loop3A_381 = arith.addi %parallel_loop3A_326, %parallel_loop3A_380 : vector<16xi32>
      %parallel_loop3A_382 = tpu.vector_load_idx %arg10[%parallel_loop3A_381] : memref<4608xi32, #tpu.memory_space<vmem>>[vector<16xi32>], vector<16xi32>,
      %parallel_loop3A_383 = arith.constant 6 : i32
      %parallel_loop3A_384 = vector.broadcast %parallel_loop3A_383 : i32 to vector<16xi32>
      %parallel_loop3A_385 = arith.addi %parallel_loop3A_326, %parallel_loop3A_384 : vector<16xi32>
      %parallel_loop3A_386 = tpu.vector_load_idx %arg10[%parallel_loop3A_385] : memref<4608xi32, #tpu.memory_space<vmem>>[vector<16xi32>], vector<16xi32>,
      %parallel_loop3A_387 = arith.constant 7 : i32
      %parallel_loop3A_388 = vector.broadcast %parallel_loop3A_387 : i32 to vector<16xi32>
      %parallel_loop3A_389 = arith.addi %parallel_loop3A_326, %parallel_loop3A_388 : vector<16xi32>
      %parallel_loop3A_390 = tpu.vector_load_idx %arg10[%parallel_loop3A_389] : memref<4608xi32, #tpu.memory_space<vmem>>[vector<16xi32>], vector<16xi32>,
      %parallel_loop3A_391 = arith.constant 16 : i32
      %parallel_loop3A_392 = vector.broadcast %parallel_loop3A_391 : i32 to vector<16xi32>
      %parallel_loop3A_393 = arith.shli %parallel_loop3A_330, %parallel_loop3A_392 : vector<16xi32>
      %parallel_loop3A_394 = vector.bitcast %parallel_loop3A_393 : vector<16xi32> to vector<16xf32>
      %parallel_loop3A_395 = arith.constant 16 : i32
      %parallel_loop3A_396 = vector.broadcast %parallel_loop3A_395 : i32 to vector<16xi32>
      %parallel_loop3A_397 = arith.shli %parallel_loop3A_362, %parallel_loop3A_396 : vector<16xi32>
      %parallel_loop3A_398 = vector.bitcast %parallel_loop3A_397 : vector<16xi32> to vector<16xf32>
      %parallel_loop3A_399 = arith.addf %parallel_loop3A_394, %parallel_loop3A_398 : vector<16xf32>
      %parallel_loop3A_400 = arith.constant 0 : i32
      %parallel_loop3A_401 = arith.index_cast %parallel_loop3A_400 : i32 to index
      %parallel_loop3A_402 = arith.index_cast %parallel_loop3A_294 : i32 to index
      %parallel_loop3A_403 = arith.index_cast %parallel_loop3A_312 : i32 to index
      %parallel_loop3A_404 = tpu.vector_load %arg15[%parallel_loop3A_401, %parallel_loop3A_402, %parallel_loop3A_403] {strides = array<i32>} : memref<16x8x256xf32, #tpu.memory_space<vmem>>, vector<16xf32>,
      tpu.vector_store %arg15[%parallel_loop3A_401, %parallel_loop3A_402, %parallel_loop3A_403], %parallel_loop3A_399 {strides = array<i32>} : memref<16x8x256xf32, #tpu.memory_space<vmem>>, vector<16xf32>,
      %parallel_loop3A_405 = vector.broadcast %parallel_loop3A_194 : i32 to vector<16xi32>
      %parallel_loop3A_406 = arith.andi %parallel_loop3A_330, %parallel_loop3A_405 : vector<16xi32>
      %parallel_loop3A_407 = vector.bitcast %parallel_loop3A_406 : vector<16xi32> to vector<16xf32>
      %parallel_loop3A_408 = vector.broadcast %parallel_loop3A_194 : i32 to vector<16xi32>
      %parallel_loop3A_409 = arith.andi %parallel_loop3A_362, %parallel_loop3A_408 : vector<16xi32>
      %parallel_loop3A_410 = vector.bitcast %parallel_loop3A_409 : vector<16xi32> to vector<16xf32>
      %parallel_loop3A_411 = arith.addf %parallel_loop3A_407, %parallel_loop3A_410 : vector<16xf32>
      %parallel_loop3A_412 = arith.constant 1 : i32
      %parallel_loop3A_413 = arith.index_cast %parallel_loop3A_412 : i32 to index
      %parallel_loop3A_414 = arith.index_cast %parallel_loop3A_294 : i32 to index
      %parallel_loop3A_415 = arith.index_cast %parallel_loop3A_312 : i32 to index
      %parallel_loop3A_416 = tpu.vector_load %arg15[%parallel_loop3A_413, %parallel_loop3A_414, %parallel_loop3A_415] {strides = array<i32>} : memref<16x8x256xf32, #tpu.memory_space<vmem>>, vector<16xf32>,
      tpu.vector_store %arg15[%parallel_loop3A_413, %parallel_loop3A_414, %parallel_loop3A_415], %parallel_loop3A_411 {strides = array<i32>} : memref<16x8x256xf32, #tpu.memory_space<vmem>>, vector<16xf32>,
      %parallel_loop3A_417 = arith.constant 16 : i32
      %parallel_loop3A_418 = vector.broadcast %parallel_loop3A_417 : i32 to vector<16xi32>
      %parallel_loop3A_419 = arith.shli %parallel_loop3A_334, %parallel_loop3A_418 : vector<16xi32>
      %parallel_loop3A_420 = vector.bitcast %parallel_loop3A_419 : vector<16xi32> to vector<16xf32>
      %parallel_loop3A_421 = arith.constant 16 : i32
      %parallel_loop3A_422 = vector.broadcast %parallel_loop3A_421 : i32 to vector<16xi32>
      %parallel_loop3A_423 = arith.shli %parallel_loop3A_366, %parallel_loop3A_422 : vector<16xi32>
      %parallel_loop3A_424 = vector.bitcast %parallel_loop3A_423 : vector<16xi32> to vector<16xf32>
      %parallel_loop3A_425 = arith.addf %parallel_loop3A_420, %parallel_loop3A_424 : vector<16xf32>
      %parallel_loop3A_426 = arith.constant 2 : i32
      %parallel_loop3A_427 = arith.index_cast %parallel_loop3A_426 : i32 to index
      %parallel_loop3A_428 = arith.index_cast %parallel_loop3A_294 : i32 to index
      %parallel_loop3A_429 = arith.index_cast %parallel_loop3A_312 : i32 to index
      %parallel_loop3A_430 = tpu.vector_load %arg15[%parallel_loop3A_427, %parallel_loop3A_428, %parallel_loop3A_429] {strides = array<i32>} : memref<16x8x256xf32, #tpu.memory_space<vmem>>, vector<16xf32>,
      tpu.vector_store %arg15[%parallel_loop3A_427, %parallel_loop3A_428, %parallel_loop3A_429], %parallel_loop3A_425 {strides = array<i32>} : memref<16x8x256xf32, #tpu.memory_space<vmem>>, vector<16xf32>,
      %parallel_loop3A_431 = vector.broadcast %parallel_loop3A_194 : i32 to vector<16xi32>
      %parallel_loop3A_432 = arith.andi %parallel_loop3A_334, %parallel_loop3A_431 : vector<16xi32>
      %parallel_loop3A_433 = vector.bitcast %parallel_loop3A_432 : vector<16xi32> to vector<16xf32>
      %parallel_loop3A_434 = vector.broadcast %parallel_loop3A_194 : i32 to vector<16xi32>
      %parallel_loop3A_435 = arith.andi %parallel_loop3A_366, %parallel_loop3A_434 : vector<16xi32>
      %parallel_loop3A_436 = vector.bitcast %parallel_loop3A_435 : vector<16xi32> to vector<16xf32>
      %parallel_loop3A_437 = arith.addf %parallel_loop3A_433, %parallel_loop3A_436 : vector<16xf32>
      %parallel_loop3A_438 = arith.constant 3 : i32
      %parallel_loop3A_439 = arith.index_cast %parallel_loop3A_438 : i32 to index
      %parallel_loop3A_440 = arith.index_cast %parallel_loop3A_294 : i32 to index
      %parallel_loop3A_441 = arith.index_cast %parallel_loop3A_312 : i32 to index
      %parallel_loop3A_442 = tpu.vector_load %arg15[%parallel_loop3A_439, %parallel_loop3A_440, %parallel_loop3A_441] {strides = array<i32>} : memref<16x8x256xf32, #tpu.memory_space<vmem>>, vector<16xf32>,
      tpu.vector_store %arg15[%parallel_loop3A_439, %parallel_loop3A_440, %parallel_loop3A_441], %parallel_loop3A_437 {strides = array<i32>} : memref<16x8x256xf32, #tpu.memory_space<vmem>>, vector<16xf32>,
      %parallel_loop3A_443 = arith.constant 16 : i32
      %parallel_loop3A_444 = vector.broadcast %parallel_loop3A_443 : i32 to vector<16xi32>
      %parallel_loop3A_445 = arith.shli %parallel_loop3A_338, %parallel_loop3A_444 : vector<16xi32>
      %parallel_loop3A_446 = vector.bitcast %parallel_loop3A_445 : vector<16xi32> to vector<16xf32>
      %parallel_loop3A_447 = arith.constant 16 : i32
      %parallel_loop3A_448 = vector.broadcast %parallel_loop3A_447 : i32 to vector<16xi32>
      %parallel_loop3A_449 = arith.shli %parallel_loop3A_370, %parallel_loop3A_448 : vector<16xi32>
      %parallel_loop3A_450 = vector.bitcast %parallel_loop3A_449 : vector<16xi32> to vector<16xf32>
      %parallel_loop3A_451 = arith.addf %parallel_loop3A_446, %parallel_loop3A_450 : vector<16xf32>
      %parallel_loop3A_452 = arith.constant 4 : i32
      %parallel_loop3A_453 = arith.index_cast %parallel_loop3A_452 : i32 to index
      %parallel_loop3A_454 = arith.index_cast %parallel_loop3A_294 : i32 to index
      %parallel_loop3A_455 = arith.index_cast %parallel_loop3A_312 : i32 to index
      %parallel_loop3A_456 = tpu.vector_load %arg15[%parallel_loop3A_453, %parallel_loop3A_454, %parallel_loop3A_455] {strides = array<i32>} : memref<16x8x256xf32, #tpu.memory_space<vmem>>, vector<16xf32>,
      tpu.vector_store %arg15[%parallel_loop3A_453, %parallel_loop3A_454, %parallel_loop3A_455], %parallel_loop3A_451 {strides = array<i32>} : memref<16x8x256xf32, #tpu.memory_space<vmem>>, vector<16xf32>,
      %parallel_loop3A_457 = vector.broadcast %parallel_loop3A_194 : i32 to vector<16xi32>
      %parallel_loop3A_458 = arith.andi %parallel_loop3A_338, %parallel_loop3A_457 : vector<16xi32>
      %parallel_loop3A_459 = vector.bitcast %parallel_loop3A_458 : vector<16xi32> to vector<16xf32>
      %parallel_loop3A_460 = vector.broadcast %parallel_loop3A_194 : i32 to vector<16xi32>
      %parallel_loop3A_461 = arith.andi %parallel_loop3A_370, %parallel_loop3A_460 : vector<16xi32>
      %parallel_loop3A_462 = vector.bitcast %parallel_loop3A_461 : vector<16xi32> to vector<16xf32>
      %parallel_loop3A_463 = arith.addf %parallel_loop3A_459, %parallel_loop3A_462 : vector<16xf32>
      %parallel_loop3A_464 = arith.constant 5 : i32
      %parallel_loop3A_465 = arith.index_cast %parallel_loop3A_464 : i32 to index
      %parallel_loop3A_466 = arith.index_cast %parallel_loop3A_294 : i32 to index
      %parallel_loop3A_467 = arith.index_cast %parallel_loop3A_312 : i32 to index
      %parallel_loop3A_468 = tpu.vector_load %arg15[%parallel_loop3A_465, %parallel_loop3A_466, %parallel_loop3A_467] {strides = array<i32>} : memref<16x8x256xf32, #tpu.memory_space<vmem>>, vector<16xf32>,
      tpu.vector_store %arg15[%parallel_loop3A_465, %parallel_loop3A_466, %parallel_loop3A_467], %parallel_loop3A_463 {strides = array<i32>} : memref<16x8x256xf32, #tpu.memory_space<vmem>>, vector<16xf32>,
      %parallel_loop3A_469 = arith.constant 16 : i32
      %parallel_loop3A_470 = vector.broadcast %parallel_loop3A_469 : i32 to vector<16xi32>
      %parallel_loop3A_471 = arith.shli %parallel_loop3A_342, %parallel_loop3A_470 : vector<16xi32>
      %parallel_loop3A_472 = vector.bitcast %parallel_loop3A_471 : vector<16xi32> to vector<16xf32>
      %parallel_loop3A_473 = arith.constant 16 : i32
      %parallel_loop3A_474 = vector.broadcast %parallel_loop3A_473 : i32 to vector<16xi32>
      %parallel_loop3A_475 = arith.shli %parallel_loop3A_374, %parallel_loop3A_474 : vector<16xi32>
      %parallel_loop3A_476 = vector.bitcast %parallel_loop3A_475 : vector<16xi32> to vector<16xf32>
      %parallel_loop3A_477 = arith.addf %parallel_loop3A_472, %parallel_loop3A_476 : vector<16xf32>
      %parallel_loop3A_478 = arith.constant 6 : i32
      %parallel_loop3A_479 = arith.index_cast %parallel_loop3A_478 : i32 to index
      %parallel_loop3A_480 = arith.index_cast %parallel_loop3A_294 : i32 to index
      %parallel_loop3A_481 = arith.index_cast %parallel_loop3A_312 : i32 to index
      %parallel_loop3A_482 = tpu.vector_load %arg15[%parallel_loop3A_479, %parallel_loop3A_480, %parallel_loop3A_481] {strides = array<i32>} : memref<16x8x256xf32, #tpu.memory_space<vmem>>, vector<16xf32>,
      tpu.vector_store %arg15[%parallel_loop3A_479, %parallel_loop3A_480, %parallel_loop3A_481], %parallel_loop3A_477 {strides = array<i32>} : memref<16x8x256xf32, #tpu.memory_space<vmem>>, vector<16xf32>,
      %parallel_loop3A_483 = vector.broadcast %parallel_loop3A_194 : i32 to vector<16xi32>
      %parallel_loop3A_484 = arith.andi %parallel_loop3A_342, %parallel_loop3A_483 : vector<16xi32>
      %parallel_loop3A_485 = vector.bitcast %parallel_loop3A_484 : vector<16xi32> to vector<16xf32>
      %parallel_loop3A_486 = vector.broadcast %parallel_loop3A_194 : i32 to vector<16xi32>
      %parallel_loop3A_487 = arith.andi %parallel_loop3A_374, %parallel_loop3A_486 : vector<16xi32>
      %parallel_loop3A_488 = vector.bitcast %parallel_loop3A_487 : vector<16xi32> to vector<16xf32>
      %parallel_loop3A_489 = arith.addf %parallel_loop3A_485, %parallel_loop3A_488 : vector<16xf32>
      %parallel_loop3A_490 = arith.constant 7 : i32
      %parallel_loop3A_491 = arith.index_cast %parallel_loop3A_490 : i32 to index
      %parallel_loop3A_492 = arith.index_cast %parallel_loop3A_294 : i32 to index
      %parallel_loop3A_493 = arith.index_cast %parallel_loop3A_312 : i32 to index
      %parallel_loop3A_494 = tpu.vector_load %arg15[%parallel_loop3A_491, %parallel_loop3A_492, %parallel_loop3A_493] {strides = array<i32>} : memref<16x8x256xf32, #tpu.memory_space<vmem>>, vector<16xf32>,
      tpu.vector_store %arg15[%parallel_loop3A_491, %parallel_loop3A_492, %parallel_loop3A_493], %parallel_loop3A_489 {strides = array<i32>} : memref<16x8x256xf32, #tpu.memory_space<vmem>>, vector<16xf32>,
      %parallel_loop3A_495 = arith.constant 16 : i32
      %parallel_loop3A_496 = vector.broadcast %parallel_loop3A_495 : i32 to vector<16xi32>
      %parallel_loop3A_497 = arith.shli %parallel_loop3A_346, %parallel_loop3A_496 : vector<16xi32>
      %parallel_loop3A_498 = vector.bitcast %parallel_loop3A_497 : vector<16xi32> to vector<16xf32>
      %parallel_loop3A_499 = arith.constant 16 : i32
      %parallel_loop3A_500 = vector.broadcast %parallel_loop3A_499 : i32 to vector<16xi32>
      %parallel_loop3A_501 = arith.shli %parallel_loop3A_378, %parallel_loop3A_500 : vector<16xi32>
      %parallel_loop3A_502 = vector.bitcast %parallel_loop3A_501 : vector<16xi32> to vector<16xf32>
      %parallel_loop3A_503 = arith.addf %parallel_loop3A_498, %parallel_loop3A_502 : vector<16xf32>
      %parallel_loop3A_504 = arith.constant 8 : i32
      %parallel_loop3A_505 = arith.index_cast %parallel_loop3A_504 : i32 to index
      %parallel_loop3A_506 = arith.index_cast %parallel_loop3A_294 : i32 to index
      %parallel_loop3A_507 = arith.index_cast %parallel_loop3A_312 : i32 to index
      %parallel_loop3A_508 = tpu.vector_load %arg15[%parallel_loop3A_505, %parallel_loop3A_506, %parallel_loop3A_507] {strides = array<i32>} : memref<16x8x256xf32, #tpu.memory_space<vmem>>, vector<16xf32>,
      tpu.vector_store %arg15[%parallel_loop3A_505, %parallel_loop3A_506, %parallel_loop3A_507], %parallel_loop3A_503 {strides = array<i32>} : memref<16x8x256xf32, #tpu.memory_space<vmem>>, vector<16xf32>,
      %parallel_loop3A_509 = vector.broadcast %parallel_loop3A_194 : i32 to vector<16xi32>
      %parallel_loop3A_510 = arith.andi %parallel_loop3A_346, %parallel_loop3A_509 : vector<16xi32>
      %parallel_loop3A_511 = vector.bitcast %parallel_loop3A_510 : vector<16xi32> to vector<16xf32>
      %parallel_loop3A_512 = vector.broadcast %parallel_loop3A_194 : i32 to vector<16xi32>
      %parallel_loop3A_513 = arith.andi %parallel_loop3A_378, %parallel_loop3A_512 : vector<16xi32>
      %parallel_loop3A_514 = vector.bitcast %parallel_loop3A_513 : vector<16xi32> to vector<16xf32>
      %parallel_loop3A_515 = arith.addf %parallel_loop3A_511, %parallel_loop3A_514 : vector<16xf32>
      %parallel_loop3A_516 = arith.constant 9 : i32
      %parallel_loop3A_517 = arith.index_cast %parallel_loop3A_516 : i32 to index
      %parallel_loop3A_518 = arith.index_cast %parallel_loop3A_294 : i32 to index
      %parallel_loop3A_519 = arith.index_cast %parallel_loop3A_312 : i32 to index
      %parallel_loop3A_520 = tpu.vector_load %arg15[%parallel_loop3A_517, %parallel_loop3A_518, %parallel_loop3A_519] {strides = array<i32>} : memref<16x8x256xf32, #tpu.memory_space<vmem>>, vector<16xf32>,
      tpu.vector_store %arg15[%parallel_loop3A_517, %parallel_loop3A_518, %parallel_loop3A_519], %parallel_loop3A_515 {strides = array<i32>} : memref<16x8x256xf32, #tpu.memory_space<vmem>>, vector<16xf32>,
      %parallel_loop3A_521 = arith.constant 16 : i32
      %parallel_loop3A_522 = vector.broadcast %parallel_loop3A_521 : i32 to vector<16xi32>
      %parallel_loop3A_523 = arith.shli %parallel_loop3A_350, %parallel_loop3A_522 : vector<16xi32>
      %parallel_loop3A_524 = vector.bitcast %parallel_loop3A_523 : vector<16xi32> to vector<16xf32>
      %parallel_loop3A_525 = arith.constant 16 : i32
      %parallel_loop3A_526 = vector.broadcast %parallel_loop3A_525 : i32 to vector<16xi32>
      %parallel_loop3A_527 = arith.shli %parallel_loop3A_382, %parallel_loop3A_526 : vector<16xi32>
      %parallel_loop3A_528 = vector.bitcast %parallel_loop3A_527 : vector<16xi32> to vector<16xf32>
      %parallel_loop3A_529 = arith.addf %parallel_loop3A_524, %parallel_loop3A_528 : vector<16xf32>
      %parallel_loop3A_530 = arith.constant 10 : i32
      %parallel_loop3A_531 = arith.index_cast %parallel_loop3A_530 : i32 to index
      %parallel_loop3A_532 = arith.index_cast %parallel_loop3A_294 : i32 to index
      %parallel_loop3A_533 = arith.index_cast %parallel_loop3A_312 : i32 to index
      %parallel_loop3A_534 = tpu.vector_load %arg15[%parallel_loop3A_531, %parallel_loop3A_532, %parallel_loop3A_533] {strides = array<i32>} : memref<16x8x256xf32, #tpu.memory_space<vmem>>, vector<16xf32>,
      tpu.vector_store %arg15[%parallel_loop3A_531, %parallel_loop3A_532, %parallel_loop3A_533], %parallel_loop3A_529 {strides = array<i32>} : memref<16x8x256xf32, #tpu.memory_space<vmem>>, vector<16xf32>,
      %parallel_loop3A_535 = vector.broadcast %parallel_loop3A_194 : i32 to vector<16xi32>
      %parallel_loop3A_536 = arith.andi %parallel_loop3A_350, %parallel_loop3A_535 : vector<16xi32>
      %parallel_loop3A_537 = vector.bitcast %parallel_loop3A_536 : vector<16xi32> to vector<16xf32>
      %parallel_loop3A_538 = vector.broadcast %parallel_loop3A_194 : i32 to vector<16xi32>
      %parallel_loop3A_539 = arith.andi %parallel_loop3A_382, %parallel_loop3A_538 : vector<16xi32>
      %parallel_loop3A_540 = vector.bitcast %parallel_loop3A_539 : vector<16xi32> to vector<16xf32>
      %parallel_loop3A_541 = arith.addf %parallel_loop3A_537, %parallel_loop3A_540 : vector<16xf32>
      %parallel_loop3A_542 = arith.constant 11 : i32
      %parallel_loop3A_543 = arith.index_cast %parallel_loop3A_542 : i32 to index
      %parallel_loop3A_544 = arith.index_cast %parallel_loop3A_294 : i32 to index
      %parallel_loop3A_545 = arith.index_cast %parallel_loop3A_312 : i32 to index
      %parallel_loop3A_546 = tpu.vector_load %arg15[%parallel_loop3A_543, %parallel_loop3A_544, %parallel_loop3A_545] {strides = array<i32>} : memref<16x8x256xf32, #tpu.memory_space<vmem>>, vector<16xf32>,
      tpu.vector_store %arg15[%parallel_loop3A_543, %parallel_loop3A_544, %parallel_loop3A_545], %parallel_loop3A_541 {strides = array<i32>} : memref<16x8x256xf32, #tpu.memory_space<vmem>>, vector<16xf32>,
      %parallel_loop3A_547 = arith.constant 16 : i32
      %parallel_loop3A_548 = vector.broadcast %parallel_loop3A_547 : i32 to vector<16xi32>
      %parallel_loop3A_549 = arith.shli %parallel_loop3A_354, %parallel_loop3A_548 : vector<16xi32>
      %parallel_loop3A_550 = vector.bitcast %parallel_loop3A_549 : vector<16xi32> to vector<16xf32>
      %parallel_loop3A_551 = arith.constant 16 : i32
      %parallel_loop3A_552 = vector.broadcast %parallel_loop3A_551 : i32 to vector<16xi32>
      %parallel_loop3A_553 = arith.shli %parallel_loop3A_386, %parallel_loop3A_552 : vector<16xi32>
      %parallel_loop3A_554 = vector.bitcast %parallel_loop3A_553 : vector<16xi32> to vector<16xf32>
      %parallel_loop3A_555 = arith.addf %parallel_loop3A_550, %parallel_loop3A_554 : vector<16xf32>
      %parallel_loop3A_556 = arith.constant 12 : i32
      %parallel_loop3A_557 = arith.index_cast %parallel_loop3A_556 : i32 to index
      %parallel_loop3A_558 = arith.index_cast %parallel_loop3A_294 : i32 to index
      %parallel_loop3A_559 = arith.index_cast %parallel_loop3A_312 : i32 to index
      %parallel_loop3A_560 = tpu.vector_load %arg15[%parallel_loop3A_557, %parallel_loop3A_558, %parallel_loop3A_559] {strides = array<i32>} : memref<16x8x256xf32, #tpu.memory_space<vmem>>, vector<16xf32>,
      tpu.vector_store %arg15[%parallel_loop3A_557, %parallel_loop3A_558, %parallel_loop3A_559], %parallel_loop3A_555 {strides = array<i32>} : memref<16x8x256xf32, #tpu.memory_space<vmem>>, vector<16xf32>,
      %parallel_loop3A_561 = vector.broadcast %parallel_loop3A_194 : i32 to vector<16xi32>
      %parallel_loop3A_562 = arith.andi %parallel_loop3A_354, %parallel_loop3A_561 : vector<16xi32>
      %parallel_loop3A_563 = vector.bitcast %parallel_loop3A_562 : vector<16xi32> to vector<16xf32>
      %parallel_loop3A_564 = vector.broadcast %parallel_loop3A_194 : i32 to vector<16xi32>
      %parallel_loop3A_565 = arith.andi %parallel_loop3A_386, %parallel_loop3A_564 : vector<16xi32>
      %parallel_loop3A_566 = vector.bitcast %parallel_loop3A_565 : vector<16xi32> to vector<16xf32>
      %parallel_loop3A_567 = arith.addf %parallel_loop3A_563, %parallel_loop3A_566 : vector<16xf32>
      %parallel_loop3A_568 = arith.constant 13 : i32
      %parallel_loop3A_569 = arith.index_cast %parallel_loop3A_568 : i32 to index
      %parallel_loop3A_570 = arith.index_cast %parallel_loop3A_294 : i32 to index
      %parallel_loop3A_571 = arith.index_cast %parallel_loop3A_312 : i32 to index
      %parallel_loop3A_572 = tpu.vector_load %arg15[%parallel_loop3A_569, %parallel_loop3A_570, %parallel_loop3A_571] {strides = array<i32>} : memref<16x8x256xf32, #tpu.memory_space<vmem>>, vector<16xf32>,
      tpu.vector_store %arg15[%parallel_loop3A_569, %parallel_loop3A_570, %parallel_loop3A_571], %parallel_loop3A_567 {strides = array<i32>} : memref<16x8x256xf32, #tpu.memory_space<vmem>>, vector<16xf32>,
      %parallel_loop3A_573 = arith.constant 16 : i32
      %parallel_loop3A_574 = vector.broadcast %parallel_loop3A_573 : i32 to vector<16xi32>
      %parallel_loop3A_575 = arith.shli %parallel_loop3A_358, %parallel_loop3A_574 : vector<16xi32>
      %parallel_loop3A_576 = vector.bitcast %parallel_loop3A_575 : vector<16xi32> to vector<16xf32>
      %parallel_loop3A_577 = arith.constant 16 : i32
      %parallel_loop3A_578 = vector.broadcast %parallel_loop3A_577 : i32 to vector<16xi32>
      %parallel_loop3A_579 = arith.shli %parallel_loop3A_390, %parallel_loop3A_578 : vector<16xi32>
      %parallel_loop3A_580 = vector.bitcast %parallel_loop3A_579 : vector<16xi32> to vector<16xf32>
      %parallel_loop3A_581 = arith.addf %parallel_loop3A_576, %parallel_loop3A_580 : vector<16xf32>
      %parallel_loop3A_582 = arith.constant 14 : i32
      %parallel_loop3A_583 = arith.index_cast %parallel_loop3A_582 : i32 to index
      %parallel_loop3A_584 = arith.index_cast %parallel_loop3A_294 : i32 to index
      %parallel_loop3A_585 = arith.index_cast %parallel_loop3A_312 : i32 to index
      %parallel_loop3A_586 = tpu.vector_load %arg15[%parallel_loop3A_583, %parallel_loop3A_584, %parallel_loop3A_585] {strides = array<i32>} : memref<16x8x256xf32, #tpu.memory_space<vmem>>, vector<16xf32>,
      tpu.vector_store %arg15[%parallel_loop3A_583, %parallel_loop3A_584, %parallel_loop3A_585], %parallel_loop3A_581 {strides = array<i32>} : memref<16x8x256xf32, #tpu.memory_space<vmem>>, vector<16xf32>,
      %parallel_loop3A_587 = vector.broadcast %parallel_loop3A_194 : i32 to vector<16xi32>
      %parallel_loop3A_588 = arith.andi %parallel_loop3A_358, %parallel_loop3A_587 : vector<16xi32>
      %parallel_loop3A_589 = vector.bitcast %parallel_loop3A_588 : vector<16xi32> to vector<16xf32>
      %parallel_loop3A_590 = vector.broadcast %parallel_loop3A_194 : i32 to vector<16xi32>
      %parallel_loop3A_591 = arith.andi %parallel_loop3A_390, %parallel_loop3A_590 : vector<16xi32>
      %parallel_loop3A_592 = vector.bitcast %parallel_loop3A_591 : vector<16xi32> to vector<16xf32>
      %parallel_loop3A_593 = arith.addf %parallel_loop3A_589, %parallel_loop3A_592 : vector<16xf32>
      %parallel_loop3A_594 = arith.constant 15 : i32
      %parallel_loop3A_595 = arith.index_cast %parallel_loop3A_594 : i32 to index
      %parallel_loop3A_596 = arith.index_cast %parallel_loop3A_294 : i32 to index
      %parallel_loop3A_597 = arith.index_cast %parallel_loop3A_312 : i32 to index
      %parallel_loop3A_598 = tpu.vector_load %arg15[%parallel_loop3A_595, %parallel_loop3A_596, %parallel_loop3A_597] {strides = array<i32>} : memref<16x8x256xf32, #tpu.memory_space<vmem>>, vector<16xf32>,
      tpu.vector_store %arg15[%parallel_loop3A_595, %parallel_loop3A_596, %parallel_loop3A_597], %parallel_loop3A_593 {strides = array<i32>} : memref<16x8x256xf32, #tpu.memory_space<vmem>>, vector<16xf32>,
    } {sc.loop_unroll_factor = 2 : i64, sc.parallel_access}
    %add3A_195 = arith.constant 112 : i32
    %add3A_196 = arith.addi %mul3A_32, %add3A_195 : i32
    %dma_start3A_197 = arith.constant 0 : i32
    %dma_start3A_198 = arith.constant 0 : i32
    %dma_start3A_199 = tpu.memref_slice %arg6[%select_n3A, %dma_start3A_197, %add3A_196, %dma_start3A_198] : memref<16x16x256x256xf32, #tpu.memory_space<hbm>> -> memref<1x16x8x256xf32, #tpu.memory_space<hbm>>
    %dma_start3A_200 = tpu.memref_squeeze %dma_start3A_199 : memref<1x16x8x256xf32, #tpu.memory_space<hbm>> -> memref<16x8x256xf32, #tpu.memory_space<hbm>>
    %dma_start3A_201 = arith.constant 0 : i32
    %dma_start3A_202 = arith.constant 0 : i32
    %dma_start3A_203 = tpu.memref_slice %arg6[%select_n3A, %dma_start3A_201, %add3A_196, %dma_start3A_202] : memref<16x16x256x256xf32, #tpu.memory_space<hbm>> -> memref<1x16x8x256xf32, #tpu.memory_space<hbm>>
    %dma_start3A_204 = tpu.memref_squeeze %dma_start3A_203 : memref<1x16x8x256xf32, #tpu.memory_space<hbm>> -> memref<16x8x256xf32, #tpu.memory_space<hbm>>
    tpu.enqueue_dma source(%arg15 : memref<16x8x256xf32, #tpu.memory_space<vmem>>) target(%dma_start3A_204 : memref<16x8x256xf32, #tpu.memory_space<hbm>>) target_semaphore(%arg19 : memref<!tpu.dma_semaphore, #tpu.memory_space<semaphore_mem>>)
    %dma_wait3A_205 = arith.constant 0 : i32
    %dma_wait3A_206 = arith.constant 0 : i32
    %dma_wait3A_207 = arith.constant 0 : i32
    %dma_wait3A_208 = tpu.memref_slice %arg2[%dma_wait3A_205, %dma_wait3A_206, %dma_wait3A_207] : memref<16x256x256xi32, #tpu.memory_space<hbm>> -> memref<1x8x256xi32, #tpu.memory_space<hbm>>
    %dma_wait3A_209 = tpu.memref_squeeze %dma_wait3A_208 : memref<1x8x256xi32, #tpu.memory_space<hbm>> -> memref<8x256xi32, #tpu.memory_space<hbm>>
    %dma_wait3A_210 = arith.constant 0 : i32
    %dma_wait3A_211 = arith.constant 0 : i32
    %dma_wait3A_212 = tpu.memref_slice %arg2[%dma_wait3A_205, %dma_wait3A_210, %dma_wait3A_211] : memref<16x256x256xi32, #tpu.memory_space<hbm>> -> memref<1x8x256xi32, #tpu.memory_space<hbm>>
    %dma_wait3A_213 = tpu.memref_squeeze %dma_wait3A_212 : memref<1x8x256xi32, #tpu.memory_space<hbm>> -> memref<8x256xi32, #tpu.memory_space<hbm>>
    tpu.wait_dma2 semaphore(%arg18 : memref<!tpu.dma_semaphore, #tpu.memory_space<semaphore_mem>>) src(%dma_wait3A_213 : memref<8x256xi32, #tpu.memory_space<hbm>>) dst(%arg12 : memref<8x256xi32, #tpu.memory_space<vmem>>)
    %dma_wait3A_214 = arith.constant 0 : i32
    %dma_wait3A_215 = arith.constant 0 : i32
    %dma_wait3A_216 = arith.constant 0 : i32
    %dma_wait3A_217 = tpu.memref_slice %arg3[%dma_wait3A_214, %dma_wait3A_215, %dma_wait3A_216] : memref<16x256x256xi32, #tpu.memory_space<hbm>> -> memref<1x8x256xi32, #tpu.memory_space<hbm>>
    %dma_wait3A_218 = tpu.memref_squeeze %dma_wait3A_217 : memref<1x8x256xi32, #tpu.memory_space<hbm>> -> memref<8x256xi32, #tpu.memory_space<hbm>>
    %dma_wait3A_219 = arith.constant 0 : i32
    %dma_wait3A_220 = arith.constant 0 : i32
    %dma_wait3A_221 = tpu.memref_slice %arg3[%dma_wait3A_214, %dma_wait3A_219, %dma_wait3A_220] : memref<16x256x256xi32, #tpu.memory_space<hbm>> -> memref<1x8x256xi32, #tpu.memory_space<hbm>>
    %dma_wait3A_222 = tpu.memref_squeeze %dma_wait3A_221 : memref<1x8x256xi32, #tpu.memory_space<hbm>> -> memref<8x256xi32, #tpu.memory_space<hbm>>
    tpu.wait_dma2 semaphore(%arg18 : memref<!tpu.dma_semaphore, #tpu.memory_space<semaphore_mem>>) src(%dma_wait3A_222 : memref<8x256xi32, #tpu.memory_space<hbm>>) dst(%arg14 : memref<8x256xi32, #tpu.memory_space<vmem>>)
    %dma_wait3A_223 = arith.constant 0 : i32
    %dma_wait3A_224 = arith.constant 0 : i32
    %dma_wait3A_225 = arith.constant 0 : i32
    %dma_wait3A_226 = arith.constant 0 : i32
    %dma_wait3A_227 = tpu.memref_slice %arg6[%dma_wait3A_223, %dma_wait3A_224, %dma_wait3A_225, %dma_wait3A_226] : memref<16x16x256x256xf32, #tpu.memory_space<hbm>> -> memref<1x16x8x256xf32, #tpu.memory_space<hbm>>
    %dma_wait3A_228 = tpu.memref_squeeze %dma_wait3A_227 : memref<1x16x8x256xf32, #tpu.memory_space<hbm>> -> memref<16x8x256xf32, #tpu.memory_space<hbm>>
    %dma_wait3A_229 = arith.constant 0 : i32
    %dma_wait3A_230 = arith.constant 0 : i32
    %dma_wait3A_231 = arith.constant 0 : i32
    %dma_wait3A_232 = tpu.memref_slice %arg6[%dma_wait3A_223, %dma_wait3A_229, %dma_wait3A_230, %dma_wait3A_231] : memref<16x16x256x256xf32, #tpu.memory_space<hbm>> -> memref<1x16x8x256xf32, #tpu.memory_space<hbm>>
    %dma_wait3A_233 = tpu.memref_squeeze %dma_wait3A_232 : memref<1x16x8x256xf32, #tpu.memory_space<hbm>> -> memref<16x8x256xf32, #tpu.memory_space<hbm>>
    tpu.wait_dma2 semaphore(%arg20 : memref<!tpu.dma_semaphore, #tpu.memory_space<semaphore_mem>>) src(%arg16 : memref<16x8x256xf32, #tpu.memory_space<vmem>>) dst(%dma_wait3A_233 : memref<16x8x256xf32, #tpu.memory_space<hbm>>)
    %parallel_loop3A_234 = arith.constant 0 : i32
    %parallel_loop3A_235 = arith.constant 128 : i32
    %parallel_loop3A_236 = arith.constant 1 : i32
    %parallel_loop3A_237 = arith.constant -65536 : i32
    scf.for %parallel_loop3A_270 = %parallel_loop3A_234 to %parallel_loop3A_235 step %parallel_loop3A_236  : i32 {
      %parallel_loop3A_271 = arith.constant 16 : i32
      %parallel_loop3A_272 = arith.divsi %parallel_loop3A_270, %parallel_loop3A_271 : i32
      %parallel_loop3A_273 = arith.constant 0 : i32
      %parallel_loop3A_274 = arith.cmpi sgt, %parallel_loop3A_270, %parallel_loop3A_273 : i32
      %parallel_loop3A_275 = arith.extui %parallel_loop3A_274 : i1 to i32
      %parallel_loop3A_276 = arith.constant 0 : i32
      %parallel_loop3A_277 = arith.cmpi slt, %parallel_loop3A_270, %parallel_loop3A_276 : i32
      %parallel_loop3A_278 = arith.extui %parallel_loop3A_277 : i1 to i32
      %parallel_loop3A_279 = arith.subi %parallel_loop3A_275, %parallel_loop3A_278 : i32
      %parallel_loop3A_280 = arith.constant 0 : i32
      %parallel_loop3A_281 = arith.cmpi sgt, %parallel_loop3A_271, %parallel_loop3A_280 : i32
      %parallel_loop3A_282 = arith.extui %parallel_loop3A_281 : i1 to i32
      %parallel_loop3A_283 = arith.constant 0 : i32
      %parallel_loop3A_284 = arith.cmpi slt, %parallel_loop3A_271, %parallel_loop3A_283 : i32
      %parallel_loop3A_285 = arith.extui %parallel_loop3A_284 : i1 to i32
      %parallel_loop3A_286 = arith.subi %parallel_loop3A_282, %parallel_loop3A_285 : i32
      %parallel_loop3A_287 = arith.cmpi ne, %parallel_loop3A_279, %parallel_loop3A_286 : i32
      %parallel_loop3A_288 = arith.remsi %parallel_loop3A_270, %parallel_loop3A_271 : i32
      %parallel_loop3A_289 = arith.constant 0 : i32
      %parallel_loop3A_290 = arith.cmpi ne, %parallel_loop3A_288, %parallel_loop3A_289 : i32
      %parallel_loop3A_291 = arith.andi %parallel_loop3A_287, %parallel_loop3A_290 : i1
      %parallel_loop3A_292 = arith.constant 1 : i32
      %parallel_loop3A_293 = arith.subi %parallel_loop3A_272, %parallel_loop3A_292 : i32
      %parallel_loop3A_294 = arith.select %parallel_loop3A_291, %parallel_loop3A_293, %parallel_loop3A_272 : i32
      %parallel_loop3A_295 = arith.constant 16 : i32
      %parallel_loop3A_296 = arith.constant 0 : i32
      %parallel_loop3A_297 = arith.cmpi eq, %parallel_loop3A_295, %parallel_loop3A_296 : i32
      %parallel_loop3A_298 = arith.constant 1 : i32
      %parallel_loop3A_299 = arith.select %parallel_loop3A_297, %parallel_loop3A_298, %parallel_loop3A_295 : i32
      %parallel_loop3A_300 = arith.remsi %parallel_loop3A_270, %parallel_loop3A_299 : i32
      %parallel_loop3A_301 = arith.constant 0 : i32
      %parallel_loop3A_302 = arith.cmpi ne, %parallel_loop3A_300, %parallel_loop3A_301 : i32
      %parallel_loop3A_303 = arith.constant 0 : i32
      %parallel_loop3A_304 = arith.cmpi slt, %parallel_loop3A_300, %parallel_loop3A_303 : i32
      %parallel_loop3A_305 = arith.constant 0 : i32
      %parallel_loop3A_306 = arith.cmpi slt, %parallel_loop3A_299, %parallel_loop3A_305 : i32
      %parallel_loop3A_307 = arith.xori %parallel_loop3A_304, %parallel_loop3A_306 : i1
      %parallel_loop3A_308 = arith.andi %parallel_loop3A_307, %parallel_loop3A_302 : i1
      %parallel_loop3A_309 = arith.addi %parallel_loop3A_300, %parallel_loop3A_299 : i32
      %parallel_loop3A_310 = arith.select %parallel_loop3A_308, %parallel_loop3A_309, %parallel_loop3A_300 : i32
      %parallel_loop3A_311 = arith.constant 16 : i32
      %parallel_loop3A_312 = arith.muli %parallel_loop3A_310, %parallel_loop3A_311 : i32
      %parallel_loop3A_313 = arith.index_cast %parallel_loop3A_294 : i32 to index
      %parallel_loop3A_314 = arith.index_cast %parallel_loop3A_312 : i32 to index
      %parallel_loop3A_315 = tpu.vector_load %arg12[%parallel_loop3A_313, %parallel_loop3A_314] {strides = array<i32>} : memref<8x256xi32, #tpu.memory_space<vmem>>, vector<16xi32>,
      %parallel_loop3A_316 = arith.index_cast %parallel_loop3A_294 : i32 to index
      %parallel_loop3A_317 = arith.index_cast %parallel_loop3A_312 : i32 to index
      %parallel_loop3A_318 = tpu.vector_load %arg14[%parallel_loop3A_316, %parallel_loop3A_317] {strides = array<i32>} : memref<8x256xi32, #tpu.memory_space<vmem>>, vector<16xi32>,
      %parallel_loop3A_319 = arith.constant 3 : i32
      %parallel_loop3A_320 = vector.broadcast %parallel_loop3A_319 : i32 to vector<16xi32>
      %parallel_loop3A_321 = arith.shli %parallel_loop3A_315, %parallel_loop3A_320 : vector<16xi32>
      %parallel_loop3A_322 = arith.addi %parallel_loop3A_321, %parallel_loop3A_315 : vector<16xi32>
      %parallel_loop3A_323 = arith.constant 3 : i32
      %parallel_loop3A_324 = vector.broadcast %parallel_loop3A_323 : i32 to vector<16xi32>
      %parallel_loop3A_325 = arith.shli %parallel_loop3A_318, %parallel_loop3A_324 : vector<16xi32>
      %parallel_loop3A_326 = arith.addi %parallel_loop3A_325, %parallel_loop3A_318 : vector<16xi32>
      %parallel_loop3A_327 = arith.constant 0 : i32
      %parallel_loop3A_328 = vector.broadcast %parallel_loop3A_327 : i32 to vector<16xi32>
      %parallel_loop3A_329 = arith.addi %parallel_loop3A_322, %parallel_loop3A_328 : vector<16xi32>
      %parallel_loop3A_330 = tpu.vector_load_idx %arg9[%parallel_loop3A_329] : memref<180xi32, #tpu.memory_space<vmem>>[vector<16xi32>], vector<16xi32>,
      %parallel_loop3A_331 = arith.constant 1 : i32
      %parallel_loop3A_332 = vector.broadcast %parallel_loop3A_331 : i32 to vector<16xi32>
      %parallel_loop3A_333 = arith.addi %parallel_loop3A_322, %parallel_loop3A_332 : vector<16xi32>
      %parallel_loop3A_334 = tpu.vector_load_idx %arg9[%parallel_loop3A_333] : memref<180xi32, #tpu.memory_space<vmem>>[vector<16xi32>], vector<16xi32>,
      %parallel_loop3A_335 = arith.constant 2 : i32
      %parallel_loop3A_336 = vector.broadcast %parallel_loop3A_335 : i32 to vector<16xi32>
      %parallel_loop3A_337 = arith.addi %parallel_loop3A_322, %parallel_loop3A_336 : vector<16xi32>
      %parallel_loop3A_338 = tpu.vector_load_idx %arg9[%parallel_loop3A_337] : memref<180xi32, #tpu.memory_space<vmem>>[vector<16xi32>], vector<16xi32>,
      %parallel_loop3A_339 = arith.constant 3 : i32
      %parallel_loop3A_340 = vector.broadcast %parallel_loop3A_339 : i32 to vector<16xi32>
      %parallel_loop3A_341 = arith.addi %parallel_loop3A_322, %parallel_loop3A_340 : vector<16xi32>
      %parallel_loop3A_342 = tpu.vector_load_idx %arg9[%parallel_loop3A_341] : memref<180xi32, #tpu.memory_space<vmem>>[vector<16xi32>], vector<16xi32>,
      %parallel_loop3A_343 = arith.constant 4 : i32
      %parallel_loop3A_344 = vector.broadcast %parallel_loop3A_343 : i32 to vector<16xi32>
      %parallel_loop3A_345 = arith.addi %parallel_loop3A_322, %parallel_loop3A_344 : vector<16xi32>
      %parallel_loop3A_346 = tpu.vector_load_idx %arg9[%parallel_loop3A_345] : memref<180xi32, #tpu.memory_space<vmem>>[vector<16xi32>], vector<16xi32>,
      %parallel_loop3A_347 = arith.constant 5 : i32
      %parallel_loop3A_348 = vector.broadcast %parallel_loop3A_347 : i32 to vector<16xi32>
      %parallel_loop3A_349 = arith.addi %parallel_loop3A_322, %parallel_loop3A_348 : vector<16xi32>
      %parallel_loop3A_350 = tpu.vector_load_idx %arg9[%parallel_loop3A_349] : memref<180xi32, #tpu.memory_space<vmem>>[vector<16xi32>], vector<16xi32>,
      %parallel_loop3A_351 = arith.constant 6 : i32
      %parallel_loop3A_352 = vector.broadcast %parallel_loop3A_351 : i32 to vector<16xi32>
      %parallel_loop3A_353 = arith.addi %parallel_loop3A_322, %parallel_loop3A_352 : vector<16xi32>
      %parallel_loop3A_354 = tpu.vector_load_idx %arg9[%parallel_loop3A_353] : memref<180xi32, #tpu.memory_space<vmem>>[vector<16xi32>], vector<16xi32>,
      %parallel_loop3A_355 = arith.constant 7 : i32
      %parallel_loop3A_356 = vector.broadcast %parallel_loop3A_355 : i32 to vector<16xi32>
      %parallel_loop3A_357 = arith.addi %parallel_loop3A_322, %parallel_loop3A_356 : vector<16xi32>
      %parallel_loop3A_358 = tpu.vector_load_idx %arg9[%parallel_loop3A_357] : memref<180xi32, #tpu.memory_space<vmem>>[vector<16xi32>], vector<16xi32>,
      %parallel_loop3A_359 = arith.constant 0 : i32
      %parallel_loop3A_360 = vector.broadcast %parallel_loop3A_359 : i32 to vector<16xi32>
      %parallel_loop3A_361 = arith.addi %parallel_loop3A_326, %parallel_loop3A_360 : vector<16xi32>
      %parallel_loop3A_362 = tpu.vector_load_idx %arg10[%parallel_loop3A_361] : memref<4608xi32, #tpu.memory_space<vmem>>[vector<16xi32>], vector<16xi32>,
      %parallel_loop3A_363 = arith.constant 1 : i32
      %parallel_loop3A_364 = vector.broadcast %parallel_loop3A_363 : i32 to vector<16xi32>
      %parallel_loop3A_365 = arith.addi %parallel_loop3A_326, %parallel_loop3A_364 : vector<16xi32>
      %parallel_loop3A_366 = tpu.vector_load_idx %arg10[%parallel_loop3A_365] : memref<4608xi32, #tpu.memory_space<vmem>>[vector<16xi32>], vector<16xi32>,
      %parallel_loop3A_367 = arith.constant 2 : i32
      %parallel_loop3A_368 = vector.broadcast %parallel_loop3A_367 : i32 to vector<16xi32>
      %parallel_loop3A_369 = arith.addi %parallel_loop3A_326, %parallel_loop3A_368 : vector<16xi32>
      %parallel_loop3A_370 = tpu.vector_load_idx %arg10[%parallel_loop3A_369] : memref<4608xi32, #tpu.memory_space<vmem>>[vector<16xi32>], vector<16xi32>,
      %parallel_loop3A_371 = arith.constant 3 : i32
      %parallel_loop3A_372 = vector.broadcast %parallel_loop3A_371 : i32 to vector<16xi32>
      %parallel_loop3A_373 = arith.addi %parallel_loop3A_326, %parallel_loop3A_372 : vector<16xi32>
      %parallel_loop3A_374 = tpu.vector_load_idx %arg10[%parallel_loop3A_373] : memref<4608xi32, #tpu.memory_space<vmem>>[vector<16xi32>], vector<16xi32>,
      %parallel_loop3A_375 = arith.constant 4 : i32
      %parallel_loop3A_376 = vector.broadcast %parallel_loop3A_375 : i32 to vector<16xi32>
      %parallel_loop3A_377 = arith.addi %parallel_loop3A_326, %parallel_loop3A_376 : vector<16xi32>
      %parallel_loop3A_378 = tpu.vector_load_idx %arg10[%parallel_loop3A_377] : memref<4608xi32, #tpu.memory_space<vmem>>[vector<16xi32>], vector<16xi32>,
      %parallel_loop3A_379 = arith.constant 5 : i32
      %parallel_loop3A_380 = vector.broadcast %parallel_loop3A_379 : i32 to vector<16xi32>
      %parallel_loop3A_381 = arith.addi %parallel_loop3A_326, %parallel_loop3A_380 : vector<16xi32>
      %parallel_loop3A_382 = tpu.vector_load_idx %arg10[%parallel_loop3A_381] : memref<4608xi32, #tpu.memory_space<vmem>>[vector<16xi32>], vector<16xi32>,
      %parallel_loop3A_383 = arith.constant 6 : i32
      %parallel_loop3A_384 = vector.broadcast %parallel_loop3A_383 : i32 to vector<16xi32>
      %parallel_loop3A_385 = arith.addi %parallel_loop3A_326, %parallel_loop3A_384 : vector<16xi32>
      %parallel_loop3A_386 = tpu.vector_load_idx %arg10[%parallel_loop3A_385] : memref<4608xi32, #tpu.memory_space<vmem>>[vector<16xi32>], vector<16xi32>,
      %parallel_loop3A_387 = arith.constant 7 : i32
      %parallel_loop3A_388 = vector.broadcast %parallel_loop3A_387 : i32 to vector<16xi32>
      %parallel_loop3A_389 = arith.addi %parallel_loop3A_326, %parallel_loop3A_388 : vector<16xi32>
      %parallel_loop3A_390 = tpu.vector_load_idx %arg10[%parallel_loop3A_389] : memref<4608xi32, #tpu.memory_space<vmem>>[vector<16xi32>], vector<16xi32>,
      %parallel_loop3A_391 = arith.constant 16 : i32
      %parallel_loop3A_392 = vector.broadcast %parallel_loop3A_391 : i32 to vector<16xi32>
      %parallel_loop3A_393 = arith.shli %parallel_loop3A_330, %parallel_loop3A_392 : vector<16xi32>
      %parallel_loop3A_394 = vector.bitcast %parallel_loop3A_393 : vector<16xi32> to vector<16xf32>
      %parallel_loop3A_395 = arith.constant 16 : i32
      %parallel_loop3A_396 = vector.broadcast %parallel_loop3A_395 : i32 to vector<16xi32>
      %parallel_loop3A_397 = arith.shli %parallel_loop3A_362, %parallel_loop3A_396 : vector<16xi32>
      %parallel_loop3A_398 = vector.bitcast %parallel_loop3A_397 : vector<16xi32> to vector<16xf32>
      %parallel_loop3A_399 = arith.addf %parallel_loop3A_394, %parallel_loop3A_398 : vector<16xf32>
      %parallel_loop3A_400 = arith.constant 0 : i32
      %parallel_loop3A_401 = arith.index_cast %parallel_loop3A_400 : i32 to index
      %parallel_loop3A_402 = arith.index_cast %parallel_loop3A_294 : i32 to index
      %parallel_loop3A_403 = arith.index_cast %parallel_loop3A_312 : i32 to index
      %parallel_loop3A_404 = tpu.vector_load %arg16[%parallel_loop3A_401, %parallel_loop3A_402, %parallel_loop3A_403] {strides = array<i32>} : memref<16x8x256xf32, #tpu.memory_space<vmem>>, vector<16xf32>,
      tpu.vector_store %arg16[%parallel_loop3A_401, %parallel_loop3A_402, %parallel_loop3A_403], %parallel_loop3A_399 {strides = array<i32>} : memref<16x8x256xf32, #tpu.memory_space<vmem>>, vector<16xf32>,
      %parallel_loop3A_405 = vector.broadcast %parallel_loop3A_237 : i32 to vector<16xi32>
      %parallel_loop3A_406 = arith.andi %parallel_loop3A_330, %parallel_loop3A_405 : vector<16xi32>
      %parallel_loop3A_407 = vector.bitcast %parallel_loop3A_406 : vector<16xi32> to vector<16xf32>
      %parallel_loop3A_408 = vector.broadcast %parallel_loop3A_237 : i32 to vector<16xi32>
      %parallel_loop3A_409 = arith.andi %parallel_loop3A_362, %parallel_loop3A_408 : vector<16xi32>
      %parallel_loop3A_410 = vector.bitcast %parallel_loop3A_409 : vector<16xi32> to vector<16xf32>
      %parallel_loop3A_411 = arith.addf %parallel_loop3A_407, %parallel_loop3A_410 : vector<16xf32>
      %parallel_loop3A_412 = arith.constant 1 : i32
      %parallel_loop3A_413 = arith.index_cast %parallel_loop3A_412 : i32 to index
      %parallel_loop3A_414 = arith.index_cast %parallel_loop3A_294 : i32 to index
      %parallel_loop3A_415 = arith.index_cast %parallel_loop3A_312 : i32 to index
      %parallel_loop3A_416 = tpu.vector_load %arg16[%parallel_loop3A_413, %parallel_loop3A_414, %parallel_loop3A_415] {strides = array<i32>} : memref<16x8x256xf32, #tpu.memory_space<vmem>>, vector<16xf32>,
      tpu.vector_store %arg16[%parallel_loop3A_413, %parallel_loop3A_414, %parallel_loop3A_415], %parallel_loop3A_411 {strides = array<i32>} : memref<16x8x256xf32, #tpu.memory_space<vmem>>, vector<16xf32>,
      %parallel_loop3A_417 = arith.constant 16 : i32
      %parallel_loop3A_418 = vector.broadcast %parallel_loop3A_417 : i32 to vector<16xi32>
      %parallel_loop3A_419 = arith.shli %parallel_loop3A_334, %parallel_loop3A_418 : vector<16xi32>
      %parallel_loop3A_420 = vector.bitcast %parallel_loop3A_419 : vector<16xi32> to vector<16xf32>
      %parallel_loop3A_421 = arith.constant 16 : i32
      %parallel_loop3A_422 = vector.broadcast %parallel_loop3A_421 : i32 to vector<16xi32>
      %parallel_loop3A_423 = arith.shli %parallel_loop3A_366, %parallel_loop3A_422 : vector<16xi32>
      %parallel_loop3A_424 = vector.bitcast %parallel_loop3A_423 : vector<16xi32> to vector<16xf32>
      %parallel_loop3A_425 = arith.addf %parallel_loop3A_420, %parallel_loop3A_424 : vector<16xf32>
      %parallel_loop3A_426 = arith.constant 2 : i32
      %parallel_loop3A_427 = arith.index_cast %parallel_loop3A_426 : i32 to index
      %parallel_loop3A_428 = arith.index_cast %parallel_loop3A_294 : i32 to index
      %parallel_loop3A_429 = arith.index_cast %parallel_loop3A_312 : i32 to index
      %parallel_loop3A_430 = tpu.vector_load %arg16[%parallel_loop3A_427, %parallel_loop3A_428, %parallel_loop3A_429] {strides = array<i32>} : memref<16x8x256xf32, #tpu.memory_space<vmem>>, vector<16xf32>,
      tpu.vector_store %arg16[%parallel_loop3A_427, %parallel_loop3A_428, %parallel_loop3A_429], %parallel_loop3A_425 {strides = array<i32>} : memref<16x8x256xf32, #tpu.memory_space<vmem>>, vector<16xf32>,
      %parallel_loop3A_431 = vector.broadcast %parallel_loop3A_237 : i32 to vector<16xi32>
      %parallel_loop3A_432 = arith.andi %parallel_loop3A_334, %parallel_loop3A_431 : vector<16xi32>
      %parallel_loop3A_433 = vector.bitcast %parallel_loop3A_432 : vector<16xi32> to vector<16xf32>
      %parallel_loop3A_434 = vector.broadcast %parallel_loop3A_237 : i32 to vector<16xi32>
      %parallel_loop3A_435 = arith.andi %parallel_loop3A_366, %parallel_loop3A_434 : vector<16xi32>
      %parallel_loop3A_436 = vector.bitcast %parallel_loop3A_435 : vector<16xi32> to vector<16xf32>
      %parallel_loop3A_437 = arith.addf %parallel_loop3A_433, %parallel_loop3A_436 : vector<16xf32>
      %parallel_loop3A_438 = arith.constant 3 : i32
      %parallel_loop3A_439 = arith.index_cast %parallel_loop3A_438 : i32 to index
      %parallel_loop3A_440 = arith.index_cast %parallel_loop3A_294 : i32 to index
      %parallel_loop3A_441 = arith.index_cast %parallel_loop3A_312 : i32 to index
      %parallel_loop3A_442 = tpu.vector_load %arg16[%parallel_loop3A_439, %parallel_loop3A_440, %parallel_loop3A_441] {strides = array<i32>} : memref<16x8x256xf32, #tpu.memory_space<vmem>>, vector<16xf32>,
      tpu.vector_store %arg16[%parallel_loop3A_439, %parallel_loop3A_440, %parallel_loop3A_441], %parallel_loop3A_437 {strides = array<i32>} : memref<16x8x256xf32, #tpu.memory_space<vmem>>, vector<16xf32>,
      %parallel_loop3A_443 = arith.constant 16 : i32
      %parallel_loop3A_444 = vector.broadcast %parallel_loop3A_443 : i32 to vector<16xi32>
      %parallel_loop3A_445 = arith.shli %parallel_loop3A_338, %parallel_loop3A_444 : vector<16xi32>
      %parallel_loop3A_446 = vector.bitcast %parallel_loop3A_445 : vector<16xi32> to vector<16xf32>
      %parallel_loop3A_447 = arith.constant 16 : i32
      %parallel_loop3A_448 = vector.broadcast %parallel_loop3A_447 : i32 to vector<16xi32>
      %parallel_loop3A_449 = arith.shli %parallel_loop3A_370, %parallel_loop3A_448 : vector<16xi32>
      %parallel_loop3A_450 = vector.bitcast %parallel_loop3A_449 : vector<16xi32> to vector<16xf32>
      %parallel_loop3A_451 = arith.addf %parallel_loop3A_446, %parallel_loop3A_450 : vector<16xf32>
      %parallel_loop3A_452 = arith.constant 4 : i32
      %parallel_loop3A_453 = arith.index_cast %parallel_loop3A_452 : i32 to index
      %parallel_loop3A_454 = arith.index_cast %parallel_loop3A_294 : i32 to index
      %parallel_loop3A_455 = arith.index_cast %parallel_loop3A_312 : i32 to index
      %parallel_loop3A_456 = tpu.vector_load %arg16[%parallel_loop3A_453, %parallel_loop3A_454, %parallel_loop3A_455] {strides = array<i32>} : memref<16x8x256xf32, #tpu.memory_space<vmem>>, vector<16xf32>,
      tpu.vector_store %arg16[%parallel_loop3A_453, %parallel_loop3A_454, %parallel_loop3A_455], %parallel_loop3A_451 {strides = array<i32>} : memref<16x8x256xf32, #tpu.memory_space<vmem>>, vector<16xf32>,
      %parallel_loop3A_457 = vector.broadcast %parallel_loop3A_237 : i32 to vector<16xi32>
      %parallel_loop3A_458 = arith.andi %parallel_loop3A_338, %parallel_loop3A_457 : vector<16xi32>
      %parallel_loop3A_459 = vector.bitcast %parallel_loop3A_458 : vector<16xi32> to vector<16xf32>
      %parallel_loop3A_460 = vector.broadcast %parallel_loop3A_237 : i32 to vector<16xi32>
      %parallel_loop3A_461 = arith.andi %parallel_loop3A_370, %parallel_loop3A_460 : vector<16xi32>
      %parallel_loop3A_462 = vector.bitcast %parallel_loop3A_461 : vector<16xi32> to vector<16xf32>
      %parallel_loop3A_463 = arith.addf %parallel_loop3A_459, %parallel_loop3A_462 : vector<16xf32>
      %parallel_loop3A_464 = arith.constant 5 : i32
      %parallel_loop3A_465 = arith.index_cast %parallel_loop3A_464 : i32 to index
      %parallel_loop3A_466 = arith.index_cast %parallel_loop3A_294 : i32 to index
      %parallel_loop3A_467 = arith.index_cast %parallel_loop3A_312 : i32 to index
      %parallel_loop3A_468 = tpu.vector_load %arg16[%parallel_loop3A_465, %parallel_loop3A_466, %parallel_loop3A_467] {strides = array<i32>} : memref<16x8x256xf32, #tpu.memory_space<vmem>>, vector<16xf32>,
      tpu.vector_store %arg16[%parallel_loop3A_465, %parallel_loop3A_466, %parallel_loop3A_467], %parallel_loop3A_463 {strides = array<i32>} : memref<16x8x256xf32, #tpu.memory_space<vmem>>, vector<16xf32>,
      %parallel_loop3A_469 = arith.constant 16 : i32
      %parallel_loop3A_470 = vector.broadcast %parallel_loop3A_469 : i32 to vector<16xi32>
      %parallel_loop3A_471 = arith.shli %parallel_loop3A_342, %parallel_loop3A_470 : vector<16xi32>
      %parallel_loop3A_472 = vector.bitcast %parallel_loop3A_471 : vector<16xi32> to vector<16xf32>
      %parallel_loop3A_473 = arith.constant 16 : i32
      %parallel_loop3A_474 = vector.broadcast %parallel_loop3A_473 : i32 to vector<16xi32>
      %parallel_loop3A_475 = arith.shli %parallel_loop3A_374, %parallel_loop3A_474 : vector<16xi32>
      %parallel_loop3A_476 = vector.bitcast %parallel_loop3A_475 : vector<16xi32> to vector<16xf32>
      %parallel_loop3A_477 = arith.addf %parallel_loop3A_472, %parallel_loop3A_476 : vector<16xf32>
      %parallel_loop3A_478 = arith.constant 6 : i32
      %parallel_loop3A_479 = arith.index_cast %parallel_loop3A_478 : i32 to index
      %parallel_loop3A_480 = arith.index_cast %parallel_loop3A_294 : i32 to index
      %parallel_loop3A_481 = arith.index_cast %parallel_loop3A_312 : i32 to index
      %parallel_loop3A_482 = tpu.vector_load %arg16[%parallel_loop3A_479, %parallel_loop3A_480, %parallel_loop3A_481] {strides = array<i32>} : memref<16x8x256xf32, #tpu.memory_space<vmem>>, vector<16xf32>,
      tpu.vector_store %arg16[%parallel_loop3A_479, %parallel_loop3A_480, %parallel_loop3A_481], %parallel_loop3A_477 {strides = array<i32>} : memref<16x8x256xf32, #tpu.memory_space<vmem>>, vector<16xf32>,
      %parallel_loop3A_483 = vector.broadcast %parallel_loop3A_237 : i32 to vector<16xi32>
      %parallel_loop3A_484 = arith.andi %parallel_loop3A_342, %parallel_loop3A_483 : vector<16xi32>
      %parallel_loop3A_485 = vector.bitcast %parallel_loop3A_484 : vector<16xi32> to vector<16xf32>
      %parallel_loop3A_486 = vector.broadcast %parallel_loop3A_237 : i32 to vector<16xi32>
      %parallel_loop3A_487 = arith.andi %parallel_loop3A_374, %parallel_loop3A_486 : vector<16xi32>
      %parallel_loop3A_488 = vector.bitcast %parallel_loop3A_487 : vector<16xi32> to vector<16xf32>
      %parallel_loop3A_489 = arith.addf %parallel_loop3A_485, %parallel_loop3A_488 : vector<16xf32>
      %parallel_loop3A_490 = arith.constant 7 : i32
      %parallel_loop3A_491 = arith.index_cast %parallel_loop3A_490 : i32 to index
      %parallel_loop3A_492 = arith.index_cast %parallel_loop3A_294 : i32 to index
      %parallel_loop3A_493 = arith.index_cast %parallel_loop3A_312 : i32 to index
      %parallel_loop3A_494 = tpu.vector_load %arg16[%parallel_loop3A_491, %parallel_loop3A_492, %parallel_loop3A_493] {strides = array<i32>} : memref<16x8x256xf32, #tpu.memory_space<vmem>>, vector<16xf32>,
      tpu.vector_store %arg16[%parallel_loop3A_491, %parallel_loop3A_492, %parallel_loop3A_493], %parallel_loop3A_489 {strides = array<i32>} : memref<16x8x256xf32, #tpu.memory_space<vmem>>, vector<16xf32>,
      %parallel_loop3A_495 = arith.constant 16 : i32
      %parallel_loop3A_496 = vector.broadcast %parallel_loop3A_495 : i32 to vector<16xi32>
      %parallel_loop3A_497 = arith.shli %parallel_loop3A_346, %parallel_loop3A_496 : vector<16xi32>
      %parallel_loop3A_498 = vector.bitcast %parallel_loop3A_497 : vector<16xi32> to vector<16xf32>
      %parallel_loop3A_499 = arith.constant 16 : i32
      %parallel_loop3A_500 = vector.broadcast %parallel_loop3A_499 : i32 to vector<16xi32>
      %parallel_loop3A_501 = arith.shli %parallel_loop3A_378, %parallel_loop3A_500 : vector<16xi32>
      %parallel_loop3A_502 = vector.bitcast %parallel_loop3A_501 : vector<16xi32> to vector<16xf32>
      %parallel_loop3A_503 = arith.addf %parallel_loop3A_498, %parallel_loop3A_502 : vector<16xf32>
      %parallel_loop3A_504 = arith.constant 8 : i32
      %parallel_loop3A_505 = arith.index_cast %parallel_loop3A_504 : i32 to index
      %parallel_loop3A_506 = arith.index_cast %parallel_loop3A_294 : i32 to index
      %parallel_loop3A_507 = arith.index_cast %parallel_loop3A_312 : i32 to index
      %parallel_loop3A_508 = tpu.vector_load %arg16[%parallel_loop3A_505, %parallel_loop3A_506, %parallel_loop3A_507] {strides = array<i32>} : memref<16x8x256xf32, #tpu.memory_space<vmem>>, vector<16xf32>,
      tpu.vector_store %arg16[%parallel_loop3A_505, %parallel_loop3A_506, %parallel_loop3A_507], %parallel_loop3A_503 {strides = array<i32>} : memref<16x8x256xf32, #tpu.memory_space<vmem>>, vector<16xf32>,
      %parallel_loop3A_509 = vector.broadcast %parallel_loop3A_237 : i32 to vector<16xi32>
      %parallel_loop3A_510 = arith.andi %parallel_loop3A_346, %parallel_loop3A_509 : vector<16xi32>
      %parallel_loop3A_511 = vector.bitcast %parallel_loop3A_510 : vector<16xi32> to vector<16xf32>
      %parallel_loop3A_512 = vector.broadcast %parallel_loop3A_237 : i32 to vector<16xi32>
      %parallel_loop3A_513 = arith.andi %parallel_loop3A_378, %parallel_loop3A_512 : vector<16xi32>
      %parallel_loop3A_514 = vector.bitcast %parallel_loop3A_513 : vector<16xi32> to vector<16xf32>
      %parallel_loop3A_515 = arith.addf %parallel_loop3A_511, %parallel_loop3A_514 : vector<16xf32>
      %parallel_loop3A_516 = arith.constant 9 : i32
      %parallel_loop3A_517 = arith.index_cast %parallel_loop3A_516 : i32 to index
      %parallel_loop3A_518 = arith.index_cast %parallel_loop3A_294 : i32 to index
      %parallel_loop3A_519 = arith.index_cast %parallel_loop3A_312 : i32 to index
      %parallel_loop3A_520 = tpu.vector_load %arg16[%parallel_loop3A_517, %parallel_loop3A_518, %parallel_loop3A_519] {strides = array<i32>} : memref<16x8x256xf32, #tpu.memory_space<vmem>>, vector<16xf32>,
      tpu.vector_store %arg16[%parallel_loop3A_517, %parallel_loop3A_518, %parallel_loop3A_519], %parallel_loop3A_515 {strides = array<i32>} : memref<16x8x256xf32, #tpu.memory_space<vmem>>, vector<16xf32>,
      %parallel_loop3A_521 = arith.constant 16 : i32
      %parallel_loop3A_522 = vector.broadcast %parallel_loop3A_521 : i32 to vector<16xi32>
      %parallel_loop3A_523 = arith.shli %parallel_loop3A_350, %parallel_loop3A_522 : vector<16xi32>
      %parallel_loop3A_524 = vector.bitcast %parallel_loop3A_523 : vector<16xi32> to vector<16xf32>
      %parallel_loop3A_525 = arith.constant 16 : i32
      %parallel_loop3A_526 = vector.broadcast %parallel_loop3A_525 : i32 to vector<16xi32>
      %parallel_loop3A_527 = arith.shli %parallel_loop3A_382, %parallel_loop3A_526 : vector<16xi32>
      %parallel_loop3A_528 = vector.bitcast %parallel_loop3A_527 : vector<16xi32> to vector<16xf32>
      %parallel_loop3A_529 = arith.addf %parallel_loop3A_524, %parallel_loop3A_528 : vector<16xf32>
      %parallel_loop3A_530 = arith.constant 10 : i32
      %parallel_loop3A_531 = arith.index_cast %parallel_loop3A_530 : i32 to index
      %parallel_loop3A_532 = arith.index_cast %parallel_loop3A_294 : i32 to index
      %parallel_loop3A_533 = arith.index_cast %parallel_loop3A_312 : i32 to index
      %parallel_loop3A_534 = tpu.vector_load %arg16[%parallel_loop3A_531, %parallel_loop3A_532, %parallel_loop3A_533] {strides = array<i32>} : memref<16x8x256xf32, #tpu.memory_space<vmem>>, vector<16xf32>,
      tpu.vector_store %arg16[%parallel_loop3A_531, %parallel_loop3A_532, %parallel_loop3A_533], %parallel_loop3A_529 {strides = array<i32>} : memref<16x8x256xf32, #tpu.memory_space<vmem>>, vector<16xf32>,
      %parallel_loop3A_535 = vector.broadcast %parallel_loop3A_237 : i32 to vector<16xi32>
      %parallel_loop3A_536 = arith.andi %parallel_loop3A_350, %parallel_loop3A_535 : vector<16xi32>
      %parallel_loop3A_537 = vector.bitcast %parallel_loop3A_536 : vector<16xi32> to vector<16xf32>
      %parallel_loop3A_538 = vector.broadcast %parallel_loop3A_237 : i32 to vector<16xi32>
      %parallel_loop3A_539 = arith.andi %parallel_loop3A_382, %parallel_loop3A_538 : vector<16xi32>
      %parallel_loop3A_540 = vector.bitcast %parallel_loop3A_539 : vector<16xi32> to vector<16xf32>
      %parallel_loop3A_541 = arith.addf %parallel_loop3A_537, %parallel_loop3A_540 : vector<16xf32>
      %parallel_loop3A_542 = arith.constant 11 : i32
      %parallel_loop3A_543 = arith.index_cast %parallel_loop3A_542 : i32 to index
      %parallel_loop3A_544 = arith.index_cast %parallel_loop3A_294 : i32 to index
      %parallel_loop3A_545 = arith.index_cast %parallel_loop3A_312 : i32 to index
      %parallel_loop3A_546 = tpu.vector_load %arg16[%parallel_loop3A_543, %parallel_loop3A_544, %parallel_loop3A_545] {strides = array<i32>} : memref<16x8x256xf32, #tpu.memory_space<vmem>>, vector<16xf32>,
      tpu.vector_store %arg16[%parallel_loop3A_543, %parallel_loop3A_544, %parallel_loop3A_545], %parallel_loop3A_541 {strides = array<i32>} : memref<16x8x256xf32, #tpu.memory_space<vmem>>, vector<16xf32>,
      %parallel_loop3A_547 = arith.constant 16 : i32
      %parallel_loop3A_548 = vector.broadcast %parallel_loop3A_547 : i32 to vector<16xi32>
      %parallel_loop3A_549 = arith.shli %parallel_loop3A_354, %parallel_loop3A_548 : vector<16xi32>
      %parallel_loop3A_550 = vector.bitcast %parallel_loop3A_549 : vector<16xi32> to vector<16xf32>
      %parallel_loop3A_551 = arith.constant 16 : i32
      %parallel_loop3A_552 = vector.broadcast %parallel_loop3A_551 : i32 to vector<16xi32>
      %parallel_loop3A_553 = arith.shli %parallel_loop3A_386, %parallel_loop3A_552 : vector<16xi32>
      %parallel_loop3A_554 = vector.bitcast %parallel_loop3A_553 : vector<16xi32> to vector<16xf32>
      %parallel_loop3A_555 = arith.addf %parallel_loop3A_550, %parallel_loop3A_554 : vector<16xf32>
      %parallel_loop3A_556 = arith.constant 12 : i32
      %parallel_loop3A_557 = arith.index_cast %parallel_loop3A_556 : i32 to index
      %parallel_loop3A_558 = arith.index_cast %parallel_loop3A_294 : i32 to index
      %parallel_loop3A_559 = arith.index_cast %parallel_loop3A_312 : i32 to index
      %parallel_loop3A_560 = tpu.vector_load %arg16[%parallel_loop3A_557, %parallel_loop3A_558, %parallel_loop3A_559] {strides = array<i32>} : memref<16x8x256xf32, #tpu.memory_space<vmem>>, vector<16xf32>,
      tpu.vector_store %arg16[%parallel_loop3A_557, %parallel_loop3A_558, %parallel_loop3A_559], %parallel_loop3A_555 {strides = array<i32>} : memref<16x8x256xf32, #tpu.memory_space<vmem>>, vector<16xf32>,
      %parallel_loop3A_561 = vector.broadcast %parallel_loop3A_237 : i32 to vector<16xi32>
      %parallel_loop3A_562 = arith.andi %parallel_loop3A_354, %parallel_loop3A_561 : vector<16xi32>
      %parallel_loop3A_563 = vector.bitcast %parallel_loop3A_562 : vector<16xi32> to vector<16xf32>
      %parallel_loop3A_564 = vector.broadcast %parallel_loop3A_237 : i32 to vector<16xi32>
      %parallel_loop3A_565 = arith.andi %parallel_loop3A_386, %parallel_loop3A_564 : vector<16xi32>
      %parallel_loop3A_566 = vector.bitcast %parallel_loop3A_565 : vector<16xi32> to vector<16xf32>
      %parallel_loop3A_567 = arith.addf %parallel_loop3A_563, %parallel_loop3A_566 : vector<16xf32>
      %parallel_loop3A_568 = arith.constant 13 : i32
      %parallel_loop3A_569 = arith.index_cast %parallel_loop3A_568 : i32 to index
      %parallel_loop3A_570 = arith.index_cast %parallel_loop3A_294 : i32 to index
      %parallel_loop3A_571 = arith.index_cast %parallel_loop3A_312 : i32 to index
      %parallel_loop3A_572 = tpu.vector_load %arg16[%parallel_loop3A_569, %parallel_loop3A_570, %parallel_loop3A_571] {strides = array<i32>} : memref<16x8x256xf32, #tpu.memory_space<vmem>>, vector<16xf32>,
      tpu.vector_store %arg16[%parallel_loop3A_569, %parallel_loop3A_570, %parallel_loop3A_571], %parallel_loop3A_567 {strides = array<i32>} : memref<16x8x256xf32, #tpu.memory_space<vmem>>, vector<16xf32>,
      %parallel_loop3A_573 = arith.constant 16 : i32
      %parallel_loop3A_574 = vector.broadcast %parallel_loop3A_573 : i32 to vector<16xi32>
      %parallel_loop3A_575 = arith.shli %parallel_loop3A_358, %parallel_loop3A_574 : vector<16xi32>
      %parallel_loop3A_576 = vector.bitcast %parallel_loop3A_575 : vector<16xi32> to vector<16xf32>
      %parallel_loop3A_577 = arith.constant 16 : i32
      %parallel_loop3A_578 = vector.broadcast %parallel_loop3A_577 : i32 to vector<16xi32>
      %parallel_loop3A_579 = arith.shli %parallel_loop3A_390, %parallel_loop3A_578 : vector<16xi32>
      %parallel_loop3A_580 = vector.bitcast %parallel_loop3A_579 : vector<16xi32> to vector<16xf32>
      %parallel_loop3A_581 = arith.addf %parallel_loop3A_576, %parallel_loop3A_580 : vector<16xf32>
      %parallel_loop3A_582 = arith.constant 14 : i32
      %parallel_loop3A_583 = arith.index_cast %parallel_loop3A_582 : i32 to index
      %parallel_loop3A_584 = arith.index_cast %parallel_loop3A_294 : i32 to index
      %parallel_loop3A_585 = arith.index_cast %parallel_loop3A_312 : i32 to index
      %parallel_loop3A_586 = tpu.vector_load %arg16[%parallel_loop3A_583, %parallel_loop3A_584, %parallel_loop3A_585] {strides = array<i32>} : memref<16x8x256xf32, #tpu.memory_space<vmem>>, vector<16xf32>,
      tpu.vector_store %arg16[%parallel_loop3A_583, %parallel_loop3A_584, %parallel_loop3A_585], %parallel_loop3A_581 {strides = array<i32>} : memref<16x8x256xf32, #tpu.memory_space<vmem>>, vector<16xf32>,
      %parallel_loop3A_587 = vector.broadcast %parallel_loop3A_237 : i32 to vector<16xi32>
      %parallel_loop3A_588 = arith.andi %parallel_loop3A_358, %parallel_loop3A_587 : vector<16xi32>
      %parallel_loop3A_589 = vector.bitcast %parallel_loop3A_588 : vector<16xi32> to vector<16xf32>
      %parallel_loop3A_590 = vector.broadcast %parallel_loop3A_237 : i32 to vector<16xi32>
      %parallel_loop3A_591 = arith.andi %parallel_loop3A_390, %parallel_loop3A_590 : vector<16xi32>
      %parallel_loop3A_592 = vector.bitcast %parallel_loop3A_591 : vector<16xi32> to vector<16xf32>
      %parallel_loop3A_593 = arith.addf %parallel_loop3A_589, %parallel_loop3A_592 : vector<16xf32>
      %parallel_loop3A_594 = arith.constant 15 : i32
      %parallel_loop3A_595 = arith.index_cast %parallel_loop3A_594 : i32 to index
      %parallel_loop3A_596 = arith.index_cast %parallel_loop3A_294 : i32 to index
      %parallel_loop3A_597 = arith.index_cast %parallel_loop3A_312 : i32 to index
      %parallel_loop3A_598 = tpu.vector_load %arg16[%parallel_loop3A_595, %parallel_loop3A_596, %parallel_loop3A_597] {strides = array<i32>} : memref<16x8x256xf32, #tpu.memory_space<vmem>>, vector<16xf32>,
      tpu.vector_store %arg16[%parallel_loop3A_595, %parallel_loop3A_596, %parallel_loop3A_597], %parallel_loop3A_593 {strides = array<i32>} : memref<16x8x256xf32, #tpu.memory_space<vmem>>, vector<16xf32>,
    } {sc.loop_unroll_factor = 2 : i64, sc.parallel_access}
    %add3A_238 = arith.constant 120 : i32
    %add3A_239 = arith.addi %mul3A_32, %add3A_238 : i32
    %dma_start3A_240 = arith.constant 0 : i32
    %dma_start3A_241 = arith.constant 0 : i32
    %dma_start3A_242 = tpu.memref_slice %arg6[%select_n3A, %dma_start3A_240, %add3A_239, %dma_start3A_241] : memref<16x16x256x256xf32, #tpu.memory_space<hbm>> -> memref<1x16x8x256xf32, #tpu.memory_space<hbm>>
    %dma_start3A_243 = tpu.memref_squeeze %dma_start3A_242 : memref<1x16x8x256xf32, #tpu.memory_space<hbm>> -> memref<16x8x256xf32, #tpu.memory_space<hbm>>
    %dma_start3A_244 = arith.constant 0 : i32
    %dma_start3A_245 = arith.constant 0 : i32
    %dma_start3A_246 = tpu.memref_slice %arg6[%select_n3A, %dma_start3A_244, %add3A_239, %dma_start3A_245] : memref<16x16x256x256xf32, #tpu.memory_space<hbm>> -> memref<1x16x8x256xf32, #tpu.memory_space<hbm>>
    %dma_start3A_247 = tpu.memref_squeeze %dma_start3A_246 : memref<1x16x8x256xf32, #tpu.memory_space<hbm>> -> memref<16x8x256xf32, #tpu.memory_space<hbm>>
    tpu.enqueue_dma source(%arg16 : memref<16x8x256xf32, #tpu.memory_space<vmem>>) target(%dma_start3A_247 : memref<16x8x256xf32, #tpu.memory_space<hbm>>) target_semaphore(%arg20 : memref<!tpu.dma_semaphore, #tpu.memory_space<semaphore_mem>>)
    %dma_wait3A_248 = arith.constant 0 : i32
    %dma_wait3A_249 = arith.constant 0 : i32
    %dma_wait3A_250 = arith.constant 0 : i32
    %dma_wait3A_251 = arith.constant 0 : i32
    %dma_wait3A_252 = tpu.memref_slice %arg6[%dma_wait3A_248, %dma_wait3A_249, %dma_wait3A_250, %dma_wait3A_251] : memref<16x16x256x256xf32, #tpu.memory_space<hbm>> -> memref<1x16x8x256xf32, #tpu.memory_space<hbm>>
    %dma_wait3A_253 = tpu.memref_squeeze %dma_wait3A_252 : memref<1x16x8x256xf32, #tpu.memory_space<hbm>> -> memref<16x8x256xf32, #tpu.memory_space<hbm>>
    %dma_wait3A_254 = arith.constant 0 : i32
    %dma_wait3A_255 = arith.constant 0 : i32
    %dma_wait3A_256 = arith.constant 0 : i32
    %dma_wait3A_257 = tpu.memref_slice %arg6[%dma_wait3A_248, %dma_wait3A_254, %dma_wait3A_255, %dma_wait3A_256] : memref<16x16x256x256xf32, #tpu.memory_space<hbm>> -> memref<1x16x8x256xf32, #tpu.memory_space<hbm>>
    %dma_wait3A_258 = tpu.memref_squeeze %dma_wait3A_257 : memref<1x16x8x256xf32, #tpu.memory_space<hbm>> -> memref<16x8x256xf32, #tpu.memory_space<hbm>>
    tpu.wait_dma2 semaphore(%arg19 : memref<!tpu.dma_semaphore, #tpu.memory_space<semaphore_mem>>) src(%arg15 : memref<16x8x256xf32, #tpu.memory_space<vmem>>) dst(%dma_wait3A_258 : memref<16x8x256xf32, #tpu.memory_space<hbm>>)
    %dma_wait3A_259 = arith.constant 0 : i32
    %dma_wait3A_260 = arith.constant 0 : i32
    %dma_wait3A_261 = arith.constant 0 : i32
    %dma_wait3A_262 = arith.constant 0 : i32
    %dma_wait3A_263 = tpu.memref_slice %arg6[%dma_wait3A_259, %dma_wait3A_260, %dma_wait3A_261, %dma_wait3A_262] : memref<16x16x256x256xf32, #tpu.memory_space<hbm>> -> memref<1x16x8x256xf32, #tpu.memory_space<hbm>>
    %dma_wait3A_264 = tpu.memref_squeeze %dma_wait3A_263 : memref<1x16x8x256xf32, #tpu.memory_space<hbm>> -> memref<16x8x256xf32, #tpu.memory_space<hbm>>
    %dma_wait3A_265 = arith.constant 0 : i32
    %dma_wait3A_266 = arith.constant 0 : i32
    %dma_wait3A_267 = arith.constant 0 : i32
    %dma_wait3A_268 = tpu.memref_slice %arg6[%dma_wait3A_259, %dma_wait3A_265, %dma_wait3A_266, %dma_wait3A_267] : memref<16x16x256x256xf32, #tpu.memory_space<hbm>> -> memref<1x16x8x256xf32, #tpu.memory_space<hbm>>
    %dma_wait3A_269 = tpu.memref_squeeze %dma_wait3A_268 : memref<1x16x8x256xf32, #tpu.memory_space<hbm>> -> memref<16x8x256xf32, #tpu.memory_space<hbm>>
    tpu.wait_dma2 semaphore(%arg20 : memref<!tpu.dma_semaphore, #tpu.memory_space<semaphore_mem>>) src(%arg16 : memref<16x8x256xf32, #tpu.memory_space<vmem>>) dst(%dma_wait3A_269 : memref<16x8x256xf32, #tpu.memory_space<hbm>>)
    return
  }
}

</mosaic_0001>

<sc_bundles>
// kernel: kernel.3.cloned.1.call-start
scs
__scs_entry_jumppad:
0x0: {  	(pc) =	sbr.rel $0x88, $3  }
0x1: {  	(tag) =	ssettag $0x0;
	lr =	simm.s32 $0x1  }
0x2: {  	[smem:$0x3F9D] =	sst lr;
	_ =	strace $0xD0000000  }
0x3: {  	_ = 	snop  }
0x4: {  	_ = 	snop  }
0x5: {  	_ = 	snop  }
0x6: {  	_ = 	snop  }
0x7: {  	_ = 	snop  }
__scs_overlays_trampoline_lowered:
0x8: {  	[smem:$0x3FAC] =	sst s0  }
0x9: {  	[smem:$0x3FAD] =	sst s1  }
0xa: {  	[smem:$0x3FAE] =	sst s2  }
0xb: {  	[smem:$0x3FAF] =	sst s3  }
0xc: {  	[smem:$0x3FB0] =	sst s4  }
0xd: {  	[smem:$0x3FB1] =	sst s5  }
0xe: {  	[smem:$0x3FB2] =	sst s6  }
0xf: {  	[smem:$0x3FB3] =	sst s7  }
0x10: {  	[smem:$0x3FB4] =	sst s8  }
0x11: {  	[smem:$0x3FB5] =	sst s9;
	s0 =	simm.s32 @!p0 $0x0  }
0x12: {  	s1 =	sld [smem:$0x3F9B];
	s0 =	simm.s32 @p0 $0x1  }
0x13: {  	[smem:$0x3FB6] =	sst s0;
	s0 =	simm.s32 @!p1 $0x0  }
0x14: {  	s2 =	sld [smem:$0x3F9A];
	s0 =	simm.s32 @p1 $0x1  }
0x15: {  	[smem:$0x3FB7] =	sst s0;
	s0 =	simm.s32 @!p2 $0x0  }
0x16: {  	s3 =	sld [smem:$0x3FDB];
	s0 =	simm.s32 @p2 $0x1  }
0x17: {  	s4 =	simm.s32 $0x1BF5;
	[smem:$0x3FB9] =	sst s0  }
0x18: {  	s0 =	sld [smem:$0x3F9C];
	_ =	swait.ge [sflag:s4], $0x0  }
0x19: {  	s7 =	sld [smem:$0x3F9D]  }
0x1a: {  	s8 =	sadd.s32 $0xFFFFE003, lr  }
0x1b: {  	s9 =	sadd.s32 $0xFFFFFEF7, lr;
	s5 =	simm.s32 $0xFFFFFFFF;
	p2 =	slt.u32 s8, $0xFFFFF086  }
0x1c: {  	p1 =	slt.u32 s9, $0xF7A;
	s5 =	simm.s32 @!p2 $0x0  }
0x1d: {  	s5 =	simm.s32 @p1 $0x1;
	p0 =	seq.s32 s7, s2  }
0x1e: {  	s7 =	smul.u32 @!p0 $0xF7A, s2;
	p2 =	seq.s32 @!p0 s5, $0x0  }
0x1f: {  	s9 =	smul.u32 $0xF7A, s1;
	s8 =	simm.s32 @!p0 $0x1BF5;
	p2 =	por !p2, p0  }
0x20: {  	[sflag:s8] =	ssyncset.s32 @!p0 $0xFFFFF086;
	s6 =	sadd.s32 @!p0 s3, s7;
	s7 =	simm.s32 @!p0 $0x108  }
0x21: {  	s3 =	sadd.s32 s3, s9;
	s6 =	sadd.s32 @!p0 $0x88, s6;
	s7 =	simm.s32 @p2 $0x1082  }
0x22: {  	[simem:s7], [sflag:s8] =	dma.local @!p0 [hbm:s6], $0xF7A  }
0x23: {  	s9 =	sor.u32 $0xD0000000, s2;
	s6 =	simm.s32 $0x108;
	_ =	swait.ge @!p0 [sflag:s8], $0x0  }
0x24: {  	s3 =	sadd.s32 $0x88, s3;
	s6 =	simm.s32 @!p1 $0x1082;
	[sflag:s4] =	ssyncset.s32 $0xFFFFF086  }
0x25: {  	[simem:s6], [sflag:s4] =	dma.local [hbm:s3], $0xF7A  }
0x26: {  	[smem:$0x3F9D] =	sst s1;
	(tag) =	ssettag s2;
	_ =	strace s9  }
0x27: {  	s1 =	sld [smem:$0x3FAD]  }
0x28: {  	s2 =	sld [smem:$0x3FAE]  }
0x29: {  	s4 =	sld [smem:$0x3FB0]  }
0x2a: {  	p0 =	seq.s32 s5, $0x0;
	s5 =	sld [smem:$0x3FB1]  }
0x2b: {  	s6 =	sld [smem:$0x3FB2]  }
0x2c: {  	s7 =	sld [smem:$0x3FB3]  }
0x2d: {  	s3 =	simm.s32 $0x108;
	s8 =	sld [smem:$0x3FB4]  }
0x2e: {  	s3 =	simm.s32 @!p0 $0x1082;
	s9 =	sld [smem:$0x3FB5]  }
0x2f: {  	lr =	sadd.s32 s0, s3;
	s0 =	sld [smem:$0x3FAC]  }
0x30: {  	s3 =	sld [smem:$0x3FAF]  }
0x31: {  	[smem:$0x3FB8] =	sst s10  }
0x32: {  	s10 =	sld [smem:$0x3FB6];
	_ =	sdelay $0x3  }
0x33: {  	p0 =	seq.s32 s10, $0x1;
	s10 =	sld [smem:$0x3FB8];
	_ =	sdelay $0x3  }
0x34: {  	[smem:$0x3FB8] =	sst s10  }
0x35: {  	s10 =	sld [smem:$0x3FB7];
	_ =	sdelay $0x3  }
0x36: {  	p1 =	seq.s32 s10, $0x1;
	s10 =	sld [smem:$0x3FB8];
	_ =	sdelay $0x3  }
0x37: {  	[smem:$0x3FB8] =	sst s10  }
0x38: {  	s10 =	sld [smem:$0x3FB9]  }
0x39: {  	_ = 	snop;
	(pc) =	sbr.ind lr, $3  }
0x3a: {  	_ = 	snop  }
0x3b: {  	_ = 	snop  }
0x3c: {  	p2 =	seq.s32 s10, $0x1;
	s10 =	sld [smem:$0x3FB8]  }
0x3d: {  	_ =	shalt  }
0x3e: {  	_ =	shalt  }
0x3f: {  	_ =	shalt  }
0x40: {  	_ =	shalt  }
0x41: {  	_ =	shalt  }
0x42: {  	_ =	shalt  }
0x43: {  	_ =	shalt  }
0x44: {  	_ =	shalt  }
0x45: {  	_ =	shalt  }
0x46: {  	_ =	shalt  }
0x47: {  	_ =	shalt  }
0x48: {  	_ =	shalt  }
0x49: {  	_ =	shalt  }
0x4a: {  	_ =	shalt  }
0x4b: {  	_ =	shalt  }
0x4c: {  	_ =	shalt  }
0x4d: {  	_ =	shalt  }
0x4e: {  	_ =	shalt  }
0x4f: {  	_ =	shalt  }
0x50: {  	_ =	shalt  }
0x51: {  	_ =	shalt  }
0x52: {  	_ =	shalt  }
0x53: {  	_ =	shalt  }
0x54: {  	_ =	shalt  }
0x55: {  	_ =	shalt  }
0x56: {  	_ =	shalt  }
0x57: {  	_ =	shalt  }
0x58: {  	_ =	shalt  }
0x59: {  	_ =	shalt  }
0x5a: {  	_ =	shalt  }
0x5b: {  	_ =	shalt  }
0x5c: {  	_ =	shalt  }
0x5d: {  	_ =	shalt  }
0x5e: {  	_ =	shalt  }
0x5f: {  	_ =	shalt  }
0x60: {  	_ =	shalt  }
0x61: {  	_ =	shalt  }
0x62: {  	_ =	shalt  }
0x63: {  	_ =	shalt  }
0x64: {  	_ =	shalt  }
0x65: {  	_ =	shalt  }
0x66: {  	_ =	shalt  }
0x67: {  	_ =	shalt  }
0x68: {  	_ =	shalt  }
0x69: {  	_ =	shalt  }
0x6a: {  	_ =	shalt  }
0x6b: {  	_ =	shalt  }
0x6c: {  	_ =	shalt  }
0x6d: {  	_ =	shalt  }
0x6e: {  	_ =	shalt  }
0x6f: {  	_ =	shalt  }
0x70: {  	_ =	shalt  }
0x71: {  	_ =	shalt  }
0x72: {  	_ =	shalt  }
0x73: {  	_ =	shalt  }
0x74: {  	_ =	shalt  }
0x75: {  	_ =	shalt  }
0x76: {  	_ =	shalt  }
0x77: {  	_ =	shalt  }
0x78: {  	_ =	shalt  }
0x79: {  	_ =	shalt  }
0x7a: {  	_ =	shalt  }
0x7b: {  	_ =	shalt  }
0x7c: {  	_ =	shalt  }
0x7d: {  	_ =	shalt  }
0x7e: {  	_ =	shalt  }
0x7f: {  	_ =	shalt  }
0x80: {  	_ =	shalt  }
0x81: {  	_ =	shalt  }
0x82: {  	_ =	shalt  }
0x83: {  	_ =	shalt  }
0x84: {  	_ =	shalt  }
0x85: {  	_ =	shalt  }
0x86: {  	_ =	shalt  }
0x87: {  	_ =	shalt  }
.Lfunc_end0:
.L_simem_size_0:
called_computation_lowered:
.L_overlay_start_0:
0x88: {  	s2 =	sld [smem:$0x3FD9]  }
0x89: {  	s3 =	sld [smem:$0x3FFE];
	_ =	sdelay $0x1  }
0x8a: {  	s1 =	srdreg.scid  }
0x8b: {  	s0 =	sand.u32 $0x1, s1  }
0x8c: {  	s17 =	sshll.u32 s0, $0xA;
	s2 =	sadd.s32 s3, s2  }
0x8d: {  	s2 =	sadd.s32 s2, s17  }
0x8e: {  	[smem:$0x3FC4] =	sst s2  }
0x8f: {  	_ = 	snop  }
0x90: {  	s2 =	sld [smem:$0x3FC9]  }
0x91: {  	s18 =	sld [smem:$0x3FC8]  }
0x92: {  	s4 =	sld [smem:$0x3FD0];
	(tm) =	ssettm $0x1  }
0x93: {  	s5 =	sld [smem:$0x3FFB];
	_ =	sdelay $0x3  }
0x94: {  	_ =	strace s5  }
0x95: {  	s5 =	sld [smem:$0x3FFC];
	_ =	sdelay $0x3  }
0x96: {  	_ =	strace s5  }
0x97: {  	s5 =	sld [smem:$0x3FFD];
	_ =	sdelay $0x3  }
0x98: {  	_ =	strace s5  }
0x99: {  	_ =	strace $0x8FFFFFFF  }
0x9a: {  	s19 =	sld [smem:$0x3FDB];
	_ =	sdelay $0x1  }
0x9b: {  	s6 =	simm.s32 $_scs_section_size  }
0x9c: {  	s7 =	simm.s32 $_size__tile_overlayer_lowered;
	s8 =	simm.s32 $_tile_overlayer_lowered  }
0x9d: {  	s22 =	simm.s32 $0x1BFF;
	s21 =	sshll.u32 s8, $0x1;
	s5 =	sadd.s32 s6, s19  }
0x9e: {  	s9 =	simm.s32 $0x0;
	s20 =	sshll.u32 s7, $0x1;
	s7 =	sadd.s32 s21, s5  }
0x9f: {  	[timem:s9], [sflag:s22] =	dma.local [hbm:s7], s20  }
0xa0: {  	_ =	swait.ge [sflag:s22], s20  }
0xa1: {  	s6 =	ssub.s32 $0x0, s20;
	[sflag:s22] =	ssyncset.done $0x0  }
0xa2: {  	[sflag:s22] =	ssyncadd.s32 s6;
	_ =	sdelay $0x1  }
0xa3: {  	s23 =	simm.s32 $0x1B8B  }
0xa4: {  	_ =	swait.ge [sflag:s23], $0x1  }
0xa5: {  	[sflag:s23] =	ssyncset.done $0x0  }
0xa6: {  	s25 =	simm.s32 $0x1B8E;
	s24 =	sld [smem:$0x3FFE];
	[sflag:s23] =	ssyncadd.s32 $0xFFFFFFFF  }
0xa7: {  	s26 =	simm.s32 $execute0_lowered;
	[smem:$0x3FD2] =	sst s25  }
0xa8: {  	s7 =	sshll.u32 s26, $0x1;
	_ =	strace $0x80000046;
	[dreg:$0x1] =	wrdreg $0xFFFFFFFF  }
0xa9: {  	s28 =	simm.s32 $_size_execute0_lowered;
	s5 =	sadd.s32 s5, s7;
	[dreg:$0x0] =	wrdreg $0x0  }
0xaa: {  	s7 =	sshll.u32 s28, $0x1;
	[dreg:$0x2] =	wrdreg s5  }
0xab: {  	[dreg:$0x3] =	wrdreg s7  }
0xac: {  	[dreg:$0x4] =	wrdreg $0xC0  }
0xad: {  	_ =	task [dreg:s9], $0x5FFFF  }
0xae: {  	[dreg:$0x1] =	wrdreg $0xFFFFFFFF  }
0xaf: {  	[dreg:$0x0] =	wrdreg $0x60  }
0xb0: {  	[dreg:$0x2] =	wrdreg s2  }
0xb1: {  	[dreg:$0x3] =	wrdreg s18  }
0xb2: {  	[dreg:$0x4] =	wrdreg s24  }
0xb3: {  	[dreg:$0x5] =	wrdreg s4  }
0xb4: {  	[dreg:$0x6] =	wrdreg $0x9  }
0xb5: {  	_ =	task.clear_ibuf [dreg:s9], $0x7FFFF;
	_ =	strace $0x90000046  }
0xb6: {  	s29 =	simm.s32 $0x9;
	_ =	strace $0x80000048  }
0xb7: {  	_ =	swait.ge [sflag:s29], $0x1  }
0xb8: {  	[sflag:s29] =	ssyncadd.s32 $0xFFFFFFFF  }
0xb9: {  	_ =	strace $0x90000048  }
0xba: {  	_ =	sfence  }
0xbb: {  	s30 =	sld [smem:$0x0];
	_ =	sdelay $0x2  }
0xbc: {  	s31 =	sshll.u32 s1, $0xD;
	s1 =	sshrl.u32 s1, $0x2  }
0xbd: {  	s3 =	sand.u32 $0x4000, s31;
	s1 =	sadd.s32 s1, s30  }
0xbe: {  	s0 =	sor.u32 s3, s0;
	s1 =	sshll.u32 s1, $0x11  }
0xbf: {  	s0 =	sor.u32 s1, s0  }
0xc0: {  	s0 =	sadd.s32 $0x8F2B, s0  }
0xc1: {  	[sflag:s0] =	ssyncadd.remote.s32 $0x1  }
0xc2: {  	_ =	sfence.sel $0xFFFF  }
0xc3: {  	[dreg:$0x0] =	wrdreg $0xFFFFFFFF;
	(pc) =	sbr.abs _section_cstart, $3  }
0xc4: {  	[dreg:$0x1] =	wrdreg $0xFFFFFFFF  }
0xc5: {  	_ =	task.clear_ibuf [dreg:s9], $0x2FFFF;
	_ =	strace $0x9FFFFFFF  }
0xc6: {  	(tm) =	ssettm $0x7FFFFFFF  }
0xc7: {  	_ =	shalt  }
tec
execute0_lowered:
.L_overlay_start_1:
0x0: {  	(tag) =	ssettag $0x1  }
0x1: {  	s6 =	rddreg [dreg:$0x0]  }
0x2: {  	s7 =	rddreg [dreg:$0x1]  }
0x3: {  	s0 =	rddreg [dreg:$0x2]  }
0x4: {  	s1 =	srdreg.scid;
	s8 =	rddreg [dreg:$0x3];
	s9 =	simm.s32 $0x0  }
0x5: {  	s4 =	stileid.u32;
	s1 =	sand.u32 $0x1, s1;
	[smem:$0x7FF] =	sst s9  }
0x6: {  	s3 =	sadd.s32 $0x400, s0;
	s0 =	sadd.s32 $0x600, s0;
	s2 =	sor.u32 s1, s4  }
0x7: {  	p1 =	seq.s32 s1, $0x1;
	_ =	strace $0x80000047;
	[smem:$0x7E9] =	sst s3  }
0x8: {  	s10 =	ssub.s32 $0x2, s1;
	[smem:$0x7EA] =	sst s0;
	s12 =	sshll.u32 s1, $0xF  }
0x9: {  	p0 =	seq.s32 s2, $0x0;
	s2 =	simm.s32 $0x1;
	s11 =	sshrl.u32 s10, $0x1  }
0xa: {  	p0 =	por !p0, !p1;
	s0 =	ssub.s32 s10, s11;
	s11 =	sshll.u32 s1, $0x7  }
0xb: {  	p0 =	por !p0, !p0;
	s28 =	sor.u32 $0x10, s11;
	[smem:$0x7F8] =	sst s11  }
0xc: {  	s29 =	sor.u32 $0x18, s11;
	s2 =	simm.s32 @!p0 $0x0;
	[smem:$0x7F7] =	sst s28  }
0xd: {  	s0 =	smax.u32 s0, $0x1;
	[smem:$0x7F9] =	sst s29;
	s2 =	ssub.s32 s4, s2  }
0xe: {  	s5 =	sor.u32 $0x800, s12;
	[smem:$0x7FA] =	sst s0;
	s10 =	sshll.u32 s2, $0x10  }
0xf: {  	s17 =	sshll.u32 s2, $0x14;
	s13 =	sor.u32 s12, s10;
	[smem:$0x7EB] =	sst s10  }
0x10: {  	s20 =	sor.u32 s12, s17;
	[smem:$0x7F2] =	sst s17;
	s14 =	sshrl.u32 s13, $0x3  }
0x11: {  	s15 =	sor.u32 s5, s10;
	[smem:$0x7F0] =	sst s20;
	s16 =	sadd.s32 s6, s14  }
0x12: {  	s4 =	sshrl.u32 s15, $0x3;
	s18 =	sadd.s32 s7, s14;
	[smem:$0x7EC] =	sst s16  }
0x13: {  	s19 =	sadd.s32 s6, s4;
	[smem:$0x7ED] =	sst s18  }
0x14: {  	s2 =	sshrl.u32 s20, $0x3;
	s21 =	sadd.s32 s7, s4;
	[smem:$0x7EE] =	sst s19  }
0x15: {  	s22 =	sor.u32 $0x200, s14;
	s23 =	sadd.s32 s8, s2;
	[smem:$0x7EF] =	sst s21  }
0x16: {  	s25 =	sor.u32 s5, s17;
	s24 =	sadd.s32 s6, s22;
	[smem:$0x7FC] =	sst s23  }
0x17: {  	s2 =	sshrl.u32 s25, $0x3;
	s3 =	sadd.s32 s7, s22;
	[smem:$0x7F1] =	sst s24  }
0x18: {  	s1 =	sor.u32 $0x300, s14;
	s2 =	sadd.s32 s8, s2;
	[smem:$0x7F3] =	sst s3  }
0x19: {  	s26 =	sadd.s32 s6, s1;
	[smem:$0x7F4] =	sst s2  }
0x1a: {  	s1 =	sadd.s32 s7, s1;
	[smem:$0x7F5] =	sst s26  }
0x1b: {  	s30 =	sadd.s32 $0xE00, s23;
	[smem:$0x7F6] =	sst s1  }
0x1c: {  	s31 =	sadd.s32 $0xF00, s23;
	[smem:$0x7FB] =	sst s30  }
0x1d: {  	v0 =	vlaneseq.u32;
	[smem:$0x7FD] =	sst s31  }
0x1e: {  	v1 =	vand.u32 $0x7, v0;
	s3 =	simm.s32 $0x180;
	s26 =	simm.s32 $0x2280;
	s2 =	simm.s32 $0x0  }
.LBB2_1:
0x1f: {  	s0 =	sld [smem:$0x7EC];
	_ =	sdelay $0x1  }
0x20: {  	s1 =	simm.s32 $0x3480;
	s16 =	sld [smem:$0x7ED]  }
0x21: {  	[tilespmem:s1], [sflag:$0x1] =	stream.linear.gather [hbm4b:s0+s9], $0x800, $0x38;
	[tilespmem:$0x15480] =	vst v63  }
0x22: {  	s17 =	simm.s32 $0x4480;
	s18 =	sld [smem:$0x7EE]  }
0x23: {  	[tilespmem:s17], [sflag:$0x1] =	stream.linear.gather [hbm4b:s16+s9], $0x800, $0x38;
	[tilespmem:$0x15480] =	vst v63  }
0x24: {  	s19 =	simm.s32 $0x3C80;
	s20 =	sld [smem:$0x7EF]  }
0x25: {  	[tilespmem:s19], [sflag:$0x2] =	stream.linear.gather [hbm4b:s18+s9], $0x800, $0x38;
	[tilespmem:$0x15480] =	vst v63  }
0x26: {  	s21 =	simm.s32 $0x4C80;
	s22 =	sld [smem:$0x7E9]  }
0x27: {  	[tilespmem:s21], [sflag:$0x2] =	stream.linear.gather [hbm4b:s20+s9], $0x800, $0x38;
	[tilespmem:$0x15480] =	vst v63  }
0x28: {  	[smem:$0x7E8] =	sst s2;
	s23 =	simm.s32 $0x5  }
0x29: {  	[tilespmem:s9], [sflag:$0x5] =	stream.linear.gather [hbm4b:s22+s9], $0x180, $0x38;
	[tilespmem:$0x15480] =	vst v63  }
0x2a: {  	_ =	swait.ge [sflag:s23], $0x180  }
0x2b: {  	s24 =	simm.s32 $0x0;
	s28 =	sld [smem:$0x7EA]  }
0x2c: {  	s25 =	simm.s32 $0x10;
	v2 =	vor.u32 s24, v0;
	[sflag:s23] =	ssyncset.done $0x0  }
0x2d: {  	v3 =	vor.u32 s25, v0;
	v4 =	vshll.u32 v2, $0x1;
	[sflag:s23] =	ssyncadd.s32 $0xFFFFFE80  }
0x2e: {  	v6 =	vshll.u32 v3, $0x1;
	[tilespmem:s3], [sflag:$0x5] =	stream.linear.gather [hbm4b:s28+s9], $0x2000, $0x38;
	[tilespmem:$0x15480] =	vst v63  }
0x2f: {  	s29 =	simm.s32 $0x20;
	v7 =	vor.u32 $0x1, v4;
	_ =	swait.ge [sflag:s23], $0x2000  }
0x30: {  	s30 =	simm.s32 $0x30;
	v9 =	vor.u32 s29, v0;
	v8 =	vor.u32 $0x1, v6;
	[sflag:s23] =	ssyncset.done $0x0  }
0x31: {  	v12 =	vor.u32 s30, v0;
	v5 =	vshll.u32 v9, $0x1;
	[sflag:s23] =	ssyncadd.s32 $0xFFFFE000  }
0x32: {  	s31 =	simm.s32 $0x40;
	v2 =	vshrl.u32 v2, $0x3;
	v10 =	vshrl.u32 v3, $0x3;
	v3 =	vshll.u32 v12, $0x1;
	v22 =	vld.idx.msk [tilespmem:v4+s9+$0x0], $0xffff  }
0x33: {  	v19 =	vor.u32 s31, v0;
	v9 =	vshrl.u32 v9, $0x3;
	v11 =	vmul.u32 $0x9, v2;
	v21 =	vld.idx.msk [tilespmem:v6+s9+$0x0], $0xffff  }
0x34: {  	v10 =	vmul.u32 $0x9, v10;
	v20 =	vor.u32 $0x1, v5;
	v2 =	vor.u32 $0x1, v3;
	v14 =	vld.idx.msk [tilespmem:v7+s9+$0x0], $0xffff  }
0x35: {  	v12 =	vshrl.u32 v12, $0x3;
	v24 =	vshll.u32 v19, $0x1;
	s0 =	simm.s32 $0x50;
	v27 =	vmovc v2;
	v18 =	vadd.s32 v1, v11;
	v13 =	vld.idx.msk [tilespmem:v8+s9+$0x0], $0xffff  }
0x36: {  	v25 =	vshrl.u32 v19, $0x3;
	v28 =	vor.u32 s0, v0;
	v15 =	vadd.s32 v1, v10;
	v16 =	vld.idx.msk [tilespmem:v5+s9+$0x0], $0xffff  }
0x37: {  	v17 =	vmul.u32 $0x9, v12;
	v26 =	vmul.u32 $0x9, v9;
	s1 =	simm.s32 $0x4;
	v23 =	vshll.u32 v28, $0x1;
	v19 =	vld.idx.msk [tilespmem:v3+s9+$0x0], $0xffff  }
.LBB2_2:
0x38: {  	s1 =	sadd.s32 $0x2, s1  }
0x39: {  	v29 =	vor.u32 $0x1, v23;
	v22 =	vpack.i.f32.bf16 v14, v22;
	v14 =	vld.idx.msk [tilespmem:v20+s9+$0x0], $0xffff;
	v20 =	vor.u32 $0x1, v24;
	s2 =	simm.s32 $0x2180;
	p0 =	slt.u32 s1, $0x8  }
.Ltmp0:
0x3a: {  	v28 =	vshrl.u32 v28, $0x3;
	v21 =	vpack.i.f32.bf16 v13, v21;
	[tilespmem:v18+s2+$0x0] =	vst.idx.msk $0xffff, v22;
	v13 =	vld.idx.msk [tilespmem:v27+s9+$0x0], $0xffff;
	v27 =	vmov v29;
	(pc) =	sbr.rel @p0 .LBB2_2-.Ltmp0, $4  }
0x3b: {  	s0 =	sadd.s32 $0x20, s0;
	v18 =	vadd.s32 v1, v26;
	[tilespmem:v15+s2+$0x0] =	vst.idx.msk $0xffff, v21;
	v15 =	vadd.s32 v1, v17;
	v17 =	vmul.u32 $0x9, v28  }
0x3c: {  	s2 =	sadd.s32 $0xFFFFFFF0, s0  }
0x3d: {  	v26 =	vmul.u32 $0x9, v25;
	v28 =	vor.u32 s0, v0;
	v29 =	vor.u32 s2, v0;
	v22 =	vmovc v16;
	v16 =	vld.idx.msk [tilespmem:v24+s9+$0x0], $0xffff  }
0x3e: {  	v24 =	vshll.u32 v29, $0x1;
	v25 =	vshrl.u32 v29, $0x3;
	v21 =	vmovc v19;
	v19 =	vld.idx.msk [tilespmem:v23+s9+$0x0], $0xffff;
	v23 =	vshll.u32 v28, $0x1  }
0x3f: {  	_ =	sdelay $0x2  }
0x40: {  	v29 =	vor.u32 $0x1, v24  }
0x41: {  	v30 =	vor.u32 $0x1, v23;
	v20 =	vld.idx.msk [tilespmem:v20+s9+$0x0], $0xffff  }
0x42: {  	v27 =	vld.idx.msk [tilespmem:v27+s9+$0x0], $0xffff  }
0x43: {  	v61 =	vld.idx.msk [tilespmem:v24+s9+$0x0], $0xffff  }
0x44: {  	v28 =	vshrl.u32 v28, $0x3;
	v26 =	vadd.s32 v1, v26;
	v25 =	vmul.u32 $0x9, v25;
	v62 =	vld.idx.msk [tilespmem:v23+s9+$0x0], $0xffff  }
0x45: {  	v17 =	vadd.s32 v1, v17;
	v28 =	vmul.u32 $0x9, v28;
	v29 =	vld.idx.msk [tilespmem:v29+s9+$0x0], $0xffff  }
0x46: {  	v14 =	vpack.i.f32.bf16 v14, v22;
	s0 =	simm.s32 $0x2180;
	v25 =	vadd.s32 v1, v25;
	v63 =	vld.idx.msk [tilespmem:v30+s9+$0x0], $0xffff  }
0x47: {  	v13 =	vpack.i.f32.bf16 v13, v21;
	[tilespmem:v18+s0+$0x0] =	vst.idx.msk $0xffff, v14;
	v14 =	vadd.s32 v1, v28  }
0x48: {  	[tilespmem:v15+s0+$0x0] =	vst.idx.msk $0xffff, v13;
	v13 =	vpack.i.f32.bf16 v20, v16  }
0x49: {  	[tilespmem:v26+s0+$0x0] =	vst.idx.msk $0xffff, v13;
	v13 =	vpack.i.f32.bf16 v27, v19  }
0x4a: {  	[tilespmem:v17+s0+$0x0] =	vst.idx.msk $0xffff, v13;
	v13 =	vpack.i.f32.bf16 v29, v61  }
0x4b: {  	[tilespmem:v25+s0+$0x0] =	vst.idx.msk $0xffff, v13;
	v13 =	vpack.i.f32.bf16 v63, v62  }
0x4c: {  	[tilespmem:v14+s0+$0x0] =	vst.idx.msk $0xffff, v13  }
0x4d: {  	v15 =	vld.idx.msk [tilespmem:v4+s3+$0x0], $0xffff  }
0x4e: {  	v14 =	vld.idx.msk [tilespmem:v6+s3+$0x0], $0xffff  }
0x4f: {  	v13 =	vor.u32 $0x1, v5;
	v7 =	vld.idx.msk [tilespmem:v7+s3+$0x0], $0xffff  }
0x50: {  	v11 =	vadd.s32 v1, v11;
	s1 =	simm.s32 $0x40;
	v16 =	vmul.u32 $0x9, v9;
	s0 =	simm.s32 $0x50;
	v4 =	vld.idx.msk [tilespmem:v8+s3+$0x0], $0xffff;
	v8 =	vmul.u32 $0x9, v12  }
0x51: {  	v6 =	vadd.s32 v1, v10;
	v12 =	vor.u32 s1, v0;
	v17 =	vor.u32 s0, v0;
	v5 =	vld.idx.msk [tilespmem:v5+s3+$0x0], $0xffff  }
0x52: {  	s1 =	simm.s32 $0x4;
	v3 =	vld.idx.msk [tilespmem:v3+s3+$0x0], $0xffff;
	v10 =	vshll.u32 v12, $0x1;
	v12 =	vshrl.u32 v12, $0x3;
	v9 =	vshll.u32 v17, $0x1  }
.LBB2_4:
0x53: {  	s1 =	sadd.s32 $0x2, s1  }
0x54: {  	v18 =	vor.u32 $0x1, v9;
	v15 =	vpack.i.f32.bf16 v7, v15;
	v7 =	vld.idx.msk [tilespmem:v13+s3+$0x0], $0xffff;
	v13 =	vor.u32 $0x1, v10;
	p0 =	slt.u32 s1, $0xFE  }
.Ltmp1:
0x55: {  	v17 =	vshrl.u32 v17, $0x3;
	v14 =	vpack.i.f32.bf16 v4, v14;
	[tilespmem:v11+s26+$0x0] =	vst.idx.msk $0xffff, v15;
	v4 =	vld.idx.msk [tilespmem:v2+s3+$0x0], $0xffff;
	v2 =	vmov v18;
	(pc) =	sbr.rel @p0 .LBB2_4-.Ltmp1, $4  }
0x56: {  	s0 =	sadd.s32 $0x20, s0;
	v11 =	vadd.s32 v1, v16;
	[tilespmem:v6+s26+$0x0] =	vst.idx.msk $0xffff, v14;
	v6 =	vadd.s32 v1, v8;
	v8 =	vmul.u32 $0x9, v17  }
0x57: {  	s2 =	sadd.s32 $0xFFFFFFF0, s0  }
0x58: {  	v16 =	vmul.u32 $0x9, v12;
	v18 =	vor.u32 s2, v0;
	v17 =	vor.u32 s0, v0;
	v15 =	vmovc v5;
	v5 =	vld.idx.msk [tilespmem:v10+s3+$0x0], $0xffff  }
0x59: {  	v12 =	vshrl.u32 v18, $0x3;
	v10 =	vshll.u32 v18, $0x1;
	v14 =	vmovc v3;
	v3 =	vld.idx.msk [tilespmem:v9+s3+$0x0], $0xffff;
	v9 =	vshll.u32 v17, $0x1  }
0x5a: {  	_ =	sdelay $0x2  }
0x5b: {  	v18 =	vor.u32 $0x1, v10  }
0x5c: {  	v19 =	vor.u32 $0x1, v9;
	v13 =	vld.idx.msk [tilespmem:v13+s3+$0x0], $0xffff  }
0x5d: {  	v2 =	vld.idx.msk [tilespmem:v2+s3+$0x0], $0xffff  }
0x5e: {  	v10 =	vld.idx.msk [tilespmem:v10+s3+$0x0], $0xffff  }
0x5f: {  	v17 =	vshrl.u32 v17, $0x3;
	v16 =	vadd.s32 v1, v16;
	v12 =	vmul.u32 $0x9, v12;
	v9 =	vld.idx.msk [tilespmem:v9+s3+$0x0], $0xffff  }
0x60: {  	v8 =	vadd.s32 v1, v8;
	v17 =	vmul.u32 $0x9, v17;
	v18 =	vld.idx.msk [tilespmem:v18+s3+$0x0], $0xffff  }
0x61: {  	v7 =	vpack.i.f32.bf16 v7, v15;
	v12 =	vadd.s32 v1, v12;
	v15 =	vld.idx.msk [tilespmem:v19+s3+$0x0], $0xffff  }
0x62: {  	v4 =	vpack.i.f32.bf16 v4, v14;
	[tilespmem:v11+s26+$0x0] =	vst.idx.msk $0xffff, v7;
	v7 =	vadd.s32 v1, v17  }
0x63: {  	[tilespmem:v6+s26+$0x0] =	vst.idx.msk $0xffff, v4;
	v4 =	vpack.i.f32.bf16 v13, v5  }
0x64: {  	v2 =	vpack.i.f32.bf16 v2, v3;
	[tilespmem:v16+s26+$0x0] =	vst.idx.msk $0xffff, v4  }
0x65: {  	[tilespmem:v8+s26+$0x0] =	vst.idx.msk $0xffff, v2;
	v2 =	vpack.i.f32.bf16 v18, v10  }
0x66: {  	[tilespmem:v12+s26+$0x0] =	vst.idx.msk $0xffff, v2;
	v2 =	vpack.i.f32.bf16 v15, v9  }
0x67: {  	s2 =	simm.s32 $0x1;
	[tilespmem:v7+s26+$0x0] =	vst.idx.msk $0xffff, v2  }
0x68: {  	_ =	swait.ge [sflag:s2], $0x800  }
0x69: {  	s0 =	simm.s32 $0x0;
	[sflag:s2] =	ssyncset.done $0x0  }
0x6a: {  	s8 =	sand.u32 $0x60, s0;
	[sflag:s2] =	ssyncadd.s32 $0xFFFFF800  }
0x6b: {  	s1 =	sand.u32 $0x400, s0;
	s0 =	sand.u32 $0x380, s0;
	_ =	swait.ge [sflag:s2], $0x800  }
0x6c: {  	s0 =	sor.u32 s0, s1;
	s4 =	sor.u32 $0x10, s8;
	[sflag:s2] =	ssyncset.done $0x0  }
0x6d: {  	s22 =	sor.u32 s4, s0;
	[sflag:s2] =	ssyncadd.s32 $0xFFFFF800  }
0x6e: {  	v2 =	vld [tilespmem:s22+$0x3480]  }
0x6f: {  	v3 =	vld [tilespmem:s22+$0x4480];
	_ =	sdelay $0x2  }
0x70: {  	s1 =	sor.u32 s8, s0  }
0x71: {  	v4 =	vld [tilespmem:s1+$0x3480];
	v5 =	vmul.u32 $0x9, v2  }
0x72: {  	v9 =	vmul.u32 $0x9, v3;
	_ =	sdelay $0x1  }
0x73: {  	v6 =	vadd.s32 $0x1, v5  }
0x74: {  	[dreg:$0xd] =	wrdreg s1;
	v7 =	vadd.s32 $0x2, v5  }
0x75: {  	s15 =	simm.s32 $0x2180;
	v2 =	vld [tilespmem:s1+$0x4480];
	v3 =	vmul.u32 $0x9, v4;
	v4 =	vadd.s32 $0x3, v5  }
0x76: {  	v8 =	vadd.s32 $0x7, v5;
	v10 =	vld.idx.msk [tilespmem:v5+s15+$0x0], $0xffff  }
0x77: {  	v13 =	vadd.s32 $0x7, v9;
	v12 =	vld.idx.msk [tilespmem:v9+s26+$0x0], $0xffff  }
0x78: {  	v17 =	vadd.s32 $0x4, v5;
	v16 =	vld.idx.msk [tilespmem:v6+s15+$0x0], $0xffff  }
0x79: {  	v21 =	vadd.s32 $0x5, v5;
	v20 =	vld.idx.msk [tilespmem:v7+s15+$0x0], $0xffff  }
0x7a: {  	v11 =	vadd.s32 $0x1, v3;
	v14 =	vadd.s32 $0x2, v3;
	v25 =	vadd.s32 $0x6, v5;
	v24 =	vld.idx.msk [tilespmem:v4+s15+$0x0], $0xffff  }
0x7b: {  	v15 =	vadd.s32 $0x3, v3;
	v18 =	vadd.s32 $0x4, v3;
	v29 =	vadd.s32 $0x1, v9;
	v28 =	vld.idx.msk [tilespmem:v8+s15+$0x0], $0xffff  }
0x7c: {  	v19 =	vadd.s32 $0x5, v3;
	v22 =	vadd.s32 $0x6, v3;
	v30 =	vadd.s32 $0x2, v9;
	v13 =	vld.idx.msk [tilespmem:v13+s26+$0x0], $0xffff  }
0x7d: {  	v23 =	vadd.s32 $0x7, v3;
	v31 =	vadd.s32 $0x3, v9;
	v2 =	vmul.u32 $0x9, v2;
	v17 =	vld.idx.msk [tilespmem:v17+s15+$0x0], $0xffff  }
0x7e: {  	v33 =	vadd.s32 $0x4, v9;
	v35 =	vadd.s32 $0x5, v9;
	v9 =	vadd.s32 $0x6, v9;
	v21 =	vld.idx.msk [tilespmem:v21+s15+$0x0], $0xffff  }
0x7f: {  	v26 =	vadd.s32 $0x1, v2;
	v27 =	vadd.s32 $0x2, v2;
	v7 =	vadd.s32 $0x3, v2;
	v25 =	vld.idx.msk [tilespmem:v25+s15+$0x0], $0xffff  }
0x80: {  	v8 =	vadd.s32 $0x4, v2;
	v6 =	vadd.s32 $0x5, v2;
	v5 =	vadd.s32 $0x6, v2;
	v29 =	vld.idx.msk [tilespmem:v29+s26+$0x0], $0xffff  }
0x81: {  	v4 =	vadd.s32 $0x7, v2;
	v30 =	vld.idx.msk [tilespmem:v30+s26+$0x0], $0xffff;
	v32 =	vshll.u32 v10, $0x10;
	v10 =	vand.u32 $0xFFFF0000, v10  }
0x82: {  	v31 =	vld.idx.msk [tilespmem:v31+s26+$0x0], $0xffff;
	v34 =	vshll.u32 v12, $0x10;
	v12 =	vand.u32 $0xFFFF0000, v12;
	v36 =	vshll.u32 v16, $0x10  }
0x83: {  	v33 =	vld.idx.msk [tilespmem:v33+s26+$0x0], $0xffff;
	v16 =	vand.u32 $0xFFFF0000, v16;
	v37 =	vshll.u32 v20, $0x10;
	v39 =	vshll.u32 v28, $0x10  }
0x84: {  	v11 =	vld.idx.msk [tilespmem:v11+s15+$0x0], $0xffff;
	v40 =	vshll.u32 v13, $0x10;
	v28 =	vand.u32 $0xFFFF0000, v28;
	v13 =	vand.u32 $0xFFFF0000, v13  }
0x85: {  	s28 =	simm.s32 $0x0;
	s10 =	sadd.s32 $0x5C80, s0;
	s1 =	sadd.s32 $0xCC80, s0;
	v14 =	vld.idx.msk [tilespmem:v14+s15+$0x0], $0xffff;
	v20 =	vand.u32 $0xFFFF0000, v20;
	v38 =	vshll.u32 v24, $0x10;
	v13 =	vadd.f32 v13, v28  }
0x86: {  	s11 =	sadd.s32 $0x6480, s0;
	s2 =	sadd.s32 $0xC480, s0;
	s5 =	sor.u32 s4, s1;
	v9 =	vld.idx.msk [tilespmem:v9+s26+$0x0], $0xffff;
	v53 =	vshll.u32 v21, $0x10;
	v54 =	vand.u32 $0xFFFF0000, v21;
	v21 =	vadd.f32 v40, v39  }
0x87: {  	s12 =	sadd.s32 $0x6C80, s0;
	s13 =	sadd.s32 $0x7480, s0;
	s7 =	sor.u32 s4, s2;
	v41 =	vshll.u32 v17, $0x10;
	v42 =	vand.u32 $0xFFFF0000, v17;
	v17 =	vld.idx.msk [tilespmem:v35+s26+$0x0], $0xffff;
	v32 =	vadd.f32 v34, v32;
	[tilespmem:s5+$0x0] =	vst v13  }
0x88: {  	s14 =	sadd.s32 $0x7C80, s0;
	s20 =	sadd.s32 $0x8480, s0;
	s16 =	sadd.s32 $0x8C80, s0;
	v24 =	vand.u32 $0xFFFF0000, v24;
	v10 =	vadd.f32 v12, v10;
	v12 =	vshll.u32 v29, $0x10;
	[tilespmem:s7+$0x0] =	vst v21  }
0x89: {  	s6 =	sadd.s32 $0x9480, s0;
	s9 =	sadd.s32 $0xB480, s0;
	s19 =	sor.u32 s4, s10;
	v57 =	vld.idx.msk [tilespmem:v15+s15+$0x0], $0xffff;
	v55 =	vshll.u32 v25, $0x10;
	v12 =	vadd.f32 v12, v36;
	v13 =	vand.u32 $0xFFFF0000, v29;
	[tilespmem:s22+$0x5480] =	vst v32  }
0x8a: {  	s18 =	sor.u32 s4, s11;
	s21 =	sor.u32 s8, s10;
	s23 =	sor.u32 s4, s12;
	v58 =	vld.idx.msk [tilespmem:v18+s15+$0x0], $0xffff;
	v25 =	vand.u32 $0xFFFF0000, v25;
	v21 =	vshll.u32 v30, $0x10;
	[tilespmem:s19+$0x0] =	vst v10;
	v10 =	vadd.f32 v13, v16  }
0x8b: {  	s31 =	sor.u32 s8, s11;
	s25 =	sor.u32 s8, s12;
	s24 =	sor.u32 s4, s13;
	v59 =	vld.idx.msk [tilespmem:v19+s15+$0x0], $0xffff;
	v56 =	vand.u32 $0xFFFF0000, v30;
	v15 =	vand.u32 $0xFFFF0000, v31;
	[tilespmem:s18+$0x0] =	vst v12;
	v12 =	vadd.f32 v21, v37  }
0x8c: {  	s30 =	sor.u32 s8, s13;
	s12 =	sor.u32 s4, s14;
	s29 =	sor.u32 s8, s20;
	v61 =	vld.idx.msk [tilespmem:v22+s15+$0x0], $0xffff;
	v19 =	vshll.u32 v11, $0x10;
	v18 =	vshll.u32 v14, $0x10;
	[tilespmem:s23+$0x0] =	vst v10;
	v10 =	vadd.f32 v56, v20  }
0x8d: {  	s13 =	simm.s32 $0x2180;
	s17 =	sor.u32 s4, s16;
	s5 =	sadd.s32 $0x9C80, s0;
	v62 =	vand.u32 $0xFFFF0000, v9;
	v60 =	vand.u32 $0xFFFF0000, v17;
	v13 =	vshll.u32 v31, $0x10;
	[tilespmem:s24+$0x0] =	vst v12  }
0x8e: {  	s10 =	sor.u32 s8, s9;
	s9 =	sor.u32 s4, s9;
	v63 =	vld.idx.msk [tilespmem:v23+s15+$0x0], $0xffff;
	s15 =	sor.u32 s8, s5;
	v25 =	vadd.f32 v62, v25;
	v16 =	vshll.u32 v33, $0x10;
	v12 =	vadd.f32 v13, v38;
	[tilespmem:s12+$0x0] =	vst v10  }
0x8f: {  	s19 =	sor.u32 s8, s14;
	s14 =	sor.u32 s4, s20;
	v21 =	vand.u32 $0xFFFF0000, v33;
	v13 =	vshll.u32 v9, $0x10;
	v9 =	vadd.f32 v15, v24;
	[dreg:$0x10] =	wrdreg s15  }
0x90: {  	s3 =	sadd.s32 $0xAC80, s0;
	s7 =	sadd.s32 $0xA480, s0;
	s0 =	sadd.s32 $0xBC80, s0;
	v20 =	vshll.u32 v17, $0x10;
	v17 =	vand.u32 $0xFFFF0000, v11;
	v10 =	vadd.f32 v16, v41;
	v24 =	vld.idx.msk [tilespmem:v26+s26+$0x0], $0xffff;
	[tilespmem:s14+$0x0] =	vst v12  }
0x91: {  	s5 =	sor.u32 s4, s5;
	v11 =	vshll.u32 v61, $0x10;
	v15 =	vand.u32 $0xFFFF0000, v14;
	s12 =	sor.u32 s8, s6;
	s6 =	sor.u32 s4, s6;
	v23 =	vld.idx.msk [tilespmem:v27+s26+$0x0], $0xffff;
	[tilespmem:s17+$0x0] =	vst v9;
	v9 =	vadd.f32 v21, v42  }
0x92: {  	s22 =	sor.u32 s8, s16;
	s20 =	sor.u32 s4, s0;
	s18 =	sor.u32 s4, s7;
	v14 =	vand.u32 $0xFFFF0000, v57;
	v16 =	vshll.u32 v57, $0x10;
	v22 =	vld.idx.msk [tilespmem:v7+s26+$0x0], $0xffff;
	v26 =	vadd.f32 v20, v53;
	[tilespmem:s6+$0x0] =	vst v10  }
0x93: {  	s23 =	sor.u32 s8, s0;
	s0 =	simm.s32 $0x20;
	s24 =	sor.u32 s8, s7;
	v12 =	vshll.u32 v58, $0x10;
	v7 =	vand.u32 $0xFFFF0000, v58;
	v27 =	vadd.f32 v60, v54;
	v20 =	vld.idx.msk [tilespmem:v6+s26+$0x0], $0xffff;
	[tilespmem:s5+$0x0] =	vst v9  }
0x94: {  	s14 =	sor.u32 s8, s3;
	s3 =	sor.u32 s4, s3;
	s4 =	sor.u32 s8, s2;
	v6 =	vshll.u32 v63, $0x10;
	v21 =	vld.idx.msk [tilespmem:v8+s26+$0x0], $0xffff;
	v8 =	vand.u32 $0xFFFF0000, v61;
	v10 =	vshll.u32 v59, $0x10;
	[tilespmem:s18+$0x0] =	vst v26  }
0x95: {  	s2 =	simm.s32 $0x10;
	s17 =	sor.u32 s8, s1;
	s1 =	simm.s32 $0x100;
	v9 =	vand.u32 $0xFFFF0000, v59;
	v26 =	vadd.f32 v13, v55;
	v13 =	vld.idx.msk [tilespmem:v5+s26+$0x0], $0xffff;
	v5 =	vand.u32 $0xFFFF0000, v63;
	[tilespmem:s3+$0x0] =	vst v27  }
.LBB2_6:
0x96: {  	[smem:$0x7E0] =	sst s21  }
0x97: {  	s21 =	sand.u32 $0x60, s0;
	s8 =	sand.u32 $0x400, s1;
	s11 =	sand.u32 $0x380, s2  }
0x98: {  	v4 =	vld.idx.msk [tilespmem:v4+s26+$0x0], $0xffff;
	[tilespmem:s9+$0x0] =	vst v26;
	s18 =	sor.u32 s11, s8;
	s8 =	sor.u32 $0x10, s21  }
0x99: {  	[dreg:$0x15] =	wrdreg s0;
	v3 =	vld.idx.msk [tilespmem:v3+s13+$0x0], $0xffff;
	[tilespmem:s20+$0x0] =	vst v25;
	v27 =	vshll.u32 v24, $0x10;
	v24 =	vand.u32 $0xFFFF0000, v24;
	s0 =	sor.u32 s8, s18  }
0x9a: {  	v19 =	vadd.f32 v27, v19;
	v17 =	vadd.f32 v24, v17;
	v25 =	vld [tilespmem:s0+$0x3480];
	v26 =	vshll.u32 v23, $0x10  }
0x9b: {  	[smem:$0x7DE] =	sst s17;
	v27 =	vld [tilespmem:s0+$0x4480];
	v23 =	vand.u32 $0xFFFF0000, v23;
	v24 =	vshll.u32 v22, $0x10;
	v22 =	vand.u32 $0xFFFF0000, v22  }
0x9c: {  	[smem:$0x7DB] =	sst s4;
	v2 =	vld.idx.msk [tilespmem:v2+s26+$0x0], $0xffff;
	s28 =	sadd.s32 $0x2, s28;
	v18 =	vadd.f32 v26, v18;
	v26 =	vshll.u32 v21, $0x10;
	v21 =	vand.u32 $0xFFFF0000, v21  }
0x9d: {  	[dreg:$0x1a] =	wrdreg s1;
	p0 =	slt.u32 s28, $0x7E;
	s13 =	sor.u32 s21, s18;
	[tilespmem:s25+$0x0] =	vst v17;
	v15 =	vadd.f32 v23, v15;
	v17 =	vshll.u32 v20, $0x10;
	v20 =	vand.u32 $0xFFFF0000, v20  }
0x9e: {  	s1 =	sadd.s32 $0x5C80, s18;
	s5 =	sadd.s32 $0x6480, s18;
	[smem:$0x7E2] =	sst s0;
	v16 =	vadd.f32 v24, v16;
	v24 =	vshll.u32 v13, $0x10;
	v13 =	vand.u32 $0xFFFF0000, v13  }
0x9f: {  	s7 =	sadd.s32 $0x7480, s18;
	[smem:$0x7DF] =	sst s13;
	s15 =	sor.u32 s21, s1;
	v14 =	vadd.f32 v22, v14;
	v22 =	vshll.u32 v4, $0x10;
	v25 =	vmul.u32 $0x9, v25  }
0xa0: {  	s20 =	sadd.s32 $0x8C80, s18;
	s17 =	sor.u32 s21, s5;
	[smem:$0x7E1] =	sst s15;
	[tilespmem:s31+$0x0] =	vst v19;
	v29 =	vand.u32 $0xFFFF0000, v4;
	v19 =	vand.u32 $0xFFFF0000, v3;
	v27 =	vmul.u32 $0x9, v27  }
0xa1: {  	s16 =	sadd.s32 $0xAC80, s18;
	s4 =	sadd.s32 $0xB480, s18;
	[smem:$0x7E7] =	sst s17;
	v30 =	vand.u32 $0xFFFF0000, v2;
	v4 =	vadd.f32 v21, v7;
	v7 =	vadd.f32 v17, v10  }
0xa2: {  	s0 =	sadd.s32 $0xC480, s18;
	s26 =	sor.u32 s21, s7;
	s15 =	rddreg [dreg:$0x10];
	v23 =	vld [tilespmem:s13+$0x3480];
	v9 =	vadd.f32 v20, v9;
	v10 =	vadd.f32 v24, v11;
	[tilespmem:s30+$0x0] =	vst v18;
	v20 =	vadd.s32 $0x1, v25  }
0xa3: {  	[smem:$0x7DD] =	sst s26;
	s26 =	sor.u32 s21, s16;
	v6 =	vadd.f32 v22, v6;
	v28 =	vld [tilespmem:s13+$0x4480];
	[tilespmem:s15+$0x0] =	vst v4;
	v4 =	vadd.f32 v13, v8;
	s15 =	sor.u32 s21, s0;
	v13 =	vadd.s32 $0x2, v25  }
0xa4: {  	v5 =	vadd.f32 v29, v5;
	v18 =	vshll.u32 v3, $0x10;
	s13 =	smov.u32 s10;
	[tilespmem:s22+$0x0] =	vst v14;
	[smem:$0x7DC] =	sst s15;
	s15 =	simm.s32 $0x2180;
	v24 =	vadd.s32 $0x3, v25  }
0xa5: {  	s17 =	sor.u32 s21, s4;
	s31 =	sadd.s32 $0x9C80, s18;
	v3 =	vadd.f32 v26, v12;
	v26 =	vshll.u32 v2, $0x10;
	[tilespmem:s13+$0x0] =	vst v10;
	s13 =	simm.s32 $0x2280;
	v31 =	vadd.s32 $0x7, v25;
	v45 =	vld.idx.msk [tilespmem:v25+s15+$0x0], $0xffff  }
0xa6: {  	v19 =	vadd.f32 v30, v19;
	s10 =	sadd.s32 $0xBC80, s18;
	s22 =	smov.u32 s28;
	[tilespmem:s24+$0x0] =	vst v7;
	v18 =	vadd.f32 v26, v18;
	v33 =	vadd.s32 $0x7, v27;
	v32 =	vld.idx.msk [tilespmem:v27+s13+$0x0], $0xffff;
	s15 =	simm.s32 $0x2180  }
0xa7: {  	s24 =	sor.u32 s8, s20;
	[tilespmem:s12+$0x0] =	vst v3;
	s12 =	sor.u32 s21, s20;
	s28 =	sor.u32 s21, s10;
	v34 =	vadd.s32 $0x4, v25;
	v36 =	vadd.s32 $0x5, v25;
	v3 =	vmul.u32 $0x9, v23;
	v20 =	vld.idx.msk [tilespmem:v20+s15+$0x0], $0xffff  }
0xa8: {  	s20 =	sor.u32 s8, s10;
	[smem:$0x7E6] =	sst s12;
	s12 =	sor.u32 s21, s31;
	v37 =	vadd.s32 $0x1, v27;
	v22 =	vadd.s32 $0x2, v27;
	v38 =	vadd.s32 $0x3, v27;
	v35 =	vld.idx.msk [tilespmem:v13+s15+$0x0], $0xffff  }
0xa9: {  	[tilespmem:s14+$0x0] =	vst v9;
	s10 =	smov.u32 s17;
	s17 =	sld [smem:$0x7DB];
	v48 =	vadd.s32 $0x4, v27;
	s14 =	smov.u32 s12;
	v2 =	vmul.u32 $0x9, v28;
	v21 =	vadd.s32 $0x1, v3;
	v24 =	vld.idx.msk [tilespmem:v24+s15+$0x0], $0xffff  }
0xaa: {  	[tilespmem:s19+$0x0] =	vst v15;
	[dreg:$0x10] =	wrdreg s14;
	s14 =	smov.u32 s26;
	s26 =	simm.s32 $0x2280;
	v17 =	vadd.s32 $0x2, v3;
	v23 =	vadd.s32 $0x3, v3;
	v15 =	vadd.s32 $0x4, v3;
	v31 =	vld.idx.msk [tilespmem:v31+s15+$0x0], $0xffff  }
0xab: {  	[dreg:$0x1e] =	wrdreg s2;
	s6 =	sadd.s32 $0x6C80, s18;
	s9 =	sadd.s32 $0x7C80, s18;
	[tilespmem:s29+$0x0] =	vst v16;
	v16 =	vadd.s32 $0x5, v3;
	v12 =	vadd.s32 $0x6, v3;
	v25 =	vadd.s32 $0x6, v25;
	v46 =	vld.idx.msk [tilespmem:v33+s26+$0x0], $0xffff  }
0xac: {  	s11 =	sadd.s32 $0x8480, s18;
	s3 =	sadd.s32 $0xA480, s18;
	v14 =	vadd.s32 $0x7, v3;
	s13 =	sld [smem:$0x7DE];
	v10 =	vadd.s32 $0x1, v2;
	v11 =	vadd.s32 $0x2, v2;
	v34 =	vld.idx.msk [tilespmem:v34+s15+$0x0], $0xffff  }
0xad: {  	s2 =	sor.u32 s21, s3;
	s25 =	sadd.s32 $0x9480, s18;
	[smem:$0x7E4] =	sst s24;
	[tilespmem:s17+$0x0] =	vst v6;
	v7 =	vadd.s32 $0x3, v2;
	v9 =	vadd.s32 $0x4, v2;
	v8 =	vadd.s32 $0x5, v2;
	v6 =	vld.idx.msk [tilespmem:v36+s15+$0x0], $0xffff  }
0xae: {  	s24 =	smov.u32 s2;
	s2 =	sadd.s32 $0xCC80, s18;
	s18 =	sld [smem:$0x7DF];
	[tilespmem:s23+$0x0] =	vst v4;
	v13 =	vadd.s32 $0x6, v2;
	v4 =	vadd.s32 $0x7, v2;
	v37 =	vld.idx.msk [tilespmem:v37+s26+$0x0], $0xffff;
	v47 =	vshll.u32 v45, $0x10  }
0xaf: {  	v22 =	vld.idx.msk [tilespmem:v22+s26+$0x0], $0xffff;
	[tilespmem:s13+$0x0] =	vst v5;
	s13 =	sld [smem:$0x7E0];
	v28 =	vand.u32 $0xFFFF0000, v45;
	v39 =	vshll.u32 v32, $0x10;
	v32 =	vand.u32 $0xFFFF0000, v32  }
0xb0: {  	s1 =	sor.u32 s8, s1;
	s17 =	rddreg [dreg:$0xd];
	v5 =	vld.idx.msk [tilespmem:v25+s15+$0x0], $0xffff;
	v25 =	vadd.s32 $0x5, v27;
	v27 =	vadd.s32 $0x6, v27;
	v40 =	vshll.u32 v20, $0x10  }
0xb1: {  	s23 =	smov.u32 s28;
	s28 =	smov.u32 s22;
	s22 =	sld [smem:$0x7DC];
	[tilespmem:s17+$0x5480] =	vst v18;
	v36 =	vld.idx.msk [tilespmem:v48+s26+$0x0], $0xffff;
	v20 =	vand.u32 $0xFFFF0000, v20;
	v41 =	vshll.u32 v35, $0x10;
	v35 =	vand.u32 $0xFFFF0000, v35  }
0xb2: {  	[smem:$0x7E3] =	sst s1;
	s1 =	sor.u32 s8, s5;
	s5 =	sor.u32 s8, s6;
	v26 =	vld.idx.msk [tilespmem:v38+s26+$0x0], $0xffff;
	v42 =	vshll.u32 v24, $0x10;
	v24 =	vand.u32 $0xFFFF0000, v24;
	v43 =	vshll.u32 v31, $0x10;
	[tilespmem:s13+$0x0] =	vst v19  }
0xb3: {  	s30 =	sor.u32 s21, s9;
	s19 =	sor.u32 s21, s6;
	s6 =	sor.u32 s8, s9;
	v49 =	vshll.u32 v46, $0x10;
	v31 =	vand.u32 $0xFFFF0000, v31;
	v29 =	vand.u32 $0xFFFF0000, v46;
	v55 =	vld.idx.msk [tilespmem:v17+s15+$0x0], $0xffff  }
0xb4: {  	s9 =	sor.u32 s8, s4;
	s4 =	smov.u32 s22;
	s22 =	smov.u32 s18;
	v50 =	vshll.u32 v34, $0x10;
	v34 =	vand.u32 $0xFFFF0000, v34;
	v29 =	vadd.f32 v29, v31;
	v56 =	vld.idx.msk [tilespmem:v23+s15+$0x0], $0xffff  }
0xb5: {  	s17 =	sor.u32 s21, s2;
	s2 =	sor.u32 s8, s2;
	[dreg:$0xd] =	wrdreg s22;
	v53 =	vshll.u32 v37, $0x10;
	v54 =	vand.u32 $0xFFFF0000, v37;
	v30 =	vadd.f32 v49, v43;
	v18 =	vld.idx.msk [tilespmem:v25+s26+$0x0], $0xffff  }
0xb6: {  	s0 =	sor.u32 s8, s0;
	s22 =	sld [smem:$0x7E2];
	v57 =	vand.u32 $0xFFFF0000, v36;
	v17 =	vadd.f32 v53, v40;
	v20 =	vadd.f32 v54, v20;
	v19 =	vld.idx.msk [tilespmem:v27+s26+$0x0], $0xffff;
	[tilespmem:s2+$0x0] =	vst v29  }
0xb7: {  	s13 =	sld [smem:$0x7E3];
	v23 =	vand.u32 $0xFFFF0000, v26;
	v58 =	vld.idx.msk [tilespmem:v16+s15+$0x0], $0xffff;
	v25 =	vshll.u32 v6, $0x10;
	v27 =	vadd.f32 v39, v47;
	[tilespmem:s0+$0x0] =	vst v30  }
0xb8: {  	v51 =	vshll.u32 v5, $0x10;
	v52 =	vand.u32 $0xFFFF0000, v5;
	v5 =	vld.idx.msk [tilespmem:v21+s15+$0x0], $0xffff;
	v21 =	vadd.f32 v32, v28;
	[tilespmem:s1+$0x0] =	vst v17  }
0xb9: {  	v63 =	vld.idx.msk [tilespmem:v14+s15+$0x0], $0xffff;
	v6 =	vand.u32 $0xFFFF0000, v6;
	[tilespmem:s22+$0x5480] =	vst v27;
	v27 =	vshll.u32 v22, $0x10;
	v22 =	vand.u32 $0xFFFF0000, v22  }
0xba: {  	s7 =	sor.u32 s8, s7;
	[smem:$0x7E5] =	sst s19;
	v14 =	vand.u32 $0xFFFF0000, v56;
	[tilespmem:s13+$0x0] =	vst v21;
	v21 =	vshll.u32 v26, $0x10;
	v26 =	vld.idx.msk [tilespmem:v15+s15+$0x0], $0xffff;
	v15 =	vadd.f32 v27, v41  }
0xbb: {  	s29 =	sor.u32 s21, s25;
	s19 =	sor.u32 s21, s11;
	s18 =	sld [smem:$0x7E1];
	v60 =	vld.idx.msk [tilespmem:v12+s15+$0x0], $0xffff;
	[tilespmem:s5+$0x0] =	vst v20;
	v27 =	vshll.u32 v36, $0x10;
	v16 =	vadd.f32 v22, v35;
	v12 =	vadd.f32 v21, v42  }
0xbc: {  	s11 =	sor.u32 s8, s11;
	s12 =	smov.u32 s29;
	s22 =	sld [smem:$0x7E4];
	v21 =	vld.idx.msk [tilespmem:v9+s26+$0x0], $0xffff;
	v9 =	vand.u32 $0xFFFF0000, v58;
	[tilespmem:s7+$0x0] =	vst v15;
	v61 =	vshll.u32 v19, $0x10;
	v62 =	vand.u32 $0xFFFF0000, v19  }
0xbd: {  	s29 =	smov.u32 s19;
	s19 =	smov.u32 s30;
	s30 =	sld [smem:$0x7DD];
	v19 =	vshll.u32 v5, $0x10;
	v17 =	vand.u32 $0xFFFF0000, v5;
	[tilespmem:s6+$0x0] =	vst v16;
	v5 =	vadd.f32 v23, v24  }
0xbe: {  	s21 =	smov.u32 s18;
	s18 =	rddreg [dreg:$0x1a];
	v20 =	vshll.u32 v18, $0x10;
	v59 =	vand.u32 $0xFFFF0000, v18;
	v24 =	vld.idx.msk [tilespmem:v10+s26+$0x0], $0xffff;
	v10 =	vadd.f32 v27, v50;
	[tilespmem:s11+$0x0] =	vst v12  }
.Ltmp2:
0xbf: {  	s25 =	sor.u32 s8, s25;
	s2 =	rddreg [dreg:$0x1e];
	v18 =	vshll.u32 v55, $0x10;
	v15 =	vand.u32 $0xFFFF0000, v55;
	v25 =	vadd.f32 v20, v25;
	[tilespmem:s22+$0x0] =	vst v5;
	(pc) =	sbr.rel @p0 .LBB2_6-.Ltmp2, $4  }
0xc0: {  	s3 =	sor.u32 s8, s3;
	s0 =	rddreg [dreg:$0x15];
	v23 =	vld.idx.msk [tilespmem:v11+s26+$0x0], $0xffff;
	v16 =	vshll.u32 v56, $0x10;
	v11 =	vshll.u32 v60, $0x10;
	v27 =	vadd.f32 v59, v6;
	[tilespmem:s25+$0x0] =	vst v10  }
0xc1: {  	s16 =	sor.u32 s8, s16;
	s31 =	sor.u32 s8, s31;
	v20 =	vld.idx.msk [tilespmem:v8+s26+$0x0], $0xffff;
	v8 =	vand.u32 $0xFFFF0000, v60;
	v6 =	vshll.u32 v63, $0x10;
	v5 =	vadd.f32 v57, v34;
	s25 =	sld [smem:$0x7E5];
	[tilespmem:s3+$0x0] =	vst v25  }
0xc2: {  	s1 =	sadd.s32 $0x100, s18;
	s0 =	sadd.s32 $0x20, s0;
	v22 =	vld.idx.msk [tilespmem:v7+s26+$0x0], $0xffff;
	s22 =	sld [smem:$0x7E6];
	v10 =	vshll.u32 v58, $0x10;
	v12 =	vshll.u32 v26, $0x10;
	v7 =	vand.u32 $0xFFFF0000, v26;
	[tilespmem:s16+$0x0] =	vst v27  }
0xc3: {  	v13 =	vld.idx.msk [tilespmem:v13+s26+$0x0], $0xffff;
	s2 =	sadd.s32 $0x10, s2;
	s13 =	simm.s32 $0x2180;
	v26 =	vadd.f32 v61, v51;
	v25 =	vadd.f32 v62, v52;
	[tilespmem:s31+$0x0] =	vst v5;
	s31 =	sld [smem:$0x7E7];
	v5 =	vand.u32 $0xFFFF0000, v63  }
0xc4: {  	_ =	sdelay $0x2  }
0xc5: {  	v27 =	vshll.u32 v24, $0x10  }
0xc6: {  	v4 =	vld.idx.msk [tilespmem:v4+s26+$0x0], $0xffff;
	v24 =	vand.u32 $0xFFFF0000, v24;
	[tilespmem:s9+$0x0] =	vst v26;
	v19 =	vadd.f32 v27, v19  }
0xc7: {  	s15 =	simm.s32 $0x2180;
	v2 =	vld.idx.msk [tilespmem:v2+s26+$0x0], $0xffff;
	v26 =	vshll.u32 v23, $0x10;
	v17 =	vadd.f32 v24, v17;
	[tilespmem:s20+$0x0] =	vst v25  }
0xc8: {  	v3 =	vld.idx.msk [tilespmem:v3+s15+$0x0], $0xffff;
	v23 =	vand.u32 $0xFFFF0000, v23;
	v18 =	vadd.f32 v26, v18;
	[tilespmem:s31+$0x0] =	vst v19  }
0xc9: {  	v15 =	vadd.f32 v23, v15;
	v19 =	vshll.u32 v22, $0x10;
	[tilespmem:s25+$0x0] =	vst v17  }
0xca: {  	v17 =	vand.u32 $0xFFFF0000, v22;
	v16 =	vadd.f32 v19, v16;
	[tilespmem:s30+$0x0] =	vst v18  }
0xcb: {  	v18 =	vshll.u32 v21, $0x10;
	v14 =	vadd.f32 v17, v14;
	[tilespmem:s19+$0x0] =	vst v15  }
0xcc: {  	v12 =	vadd.f32 v18, v12;
	[tilespmem:s29+$0x0] =	vst v16  }
0xcd: {  	v15 =	vand.u32 $0xFFFF0000, v21;
	[tilespmem:s22+$0x0] =	vst v14  }
0xce: {  	v16 =	vshll.u32 v20, $0x10;
	v7 =	vadd.f32 v15, v7;
	[tilespmem:s12+$0x0] =	vst v12  }
0xcf: {  	v14 =	vand.u32 $0xFFFF0000, v20;
	v10 =	vadd.f32 v16, v10;
	s0 =	rddreg [dreg:$0x10]  }
0xd0: {  	v12 =	vshll.u32 v13, $0x10;
	v9 =	vadd.f32 v14, v9;
	[tilespmem:s0+$0x0] =	vst v7  }
0xd1: {  	v11 =	vadd.f32 v12, v11;
	v7 =	vand.u32 $0xFFFF0000, v13;
	[tilespmem:s24+$0x0] =	vst v10  }
0xd2: {  	v10 =	vshll.u32 v4, $0x10;
	v7 =	vadd.f32 v7, v8;
	[tilespmem:s14+$0x0] =	vst v9  }
0xd3: {  	v4 =	vand.u32 $0xFFFF0000, v4;
	v6 =	vadd.f32 v10, v6;
	[tilespmem:s10+$0x0] =	vst v11  }
0xd4: {  	v4 =	vadd.f32 v4, v5;
	[tilespmem:s23+$0x0] =	vst v7  }
0xd5: {  	v8 =	vshll.u32 v3, $0x10;
	v9 =	vshll.u32 v2, $0x10;
	[tilespmem:s4+$0x0] =	vst v6  }
0xd6: {  	v3 =	vand.u32 $0xFFFF0000, v3;
	v2 =	vand.u32 $0xFFFF0000, v2;
	v5 =	vadd.f32 v9, v8;
	[tilespmem:s17+$0x0] =	vst v4  }
0xd7: {  	v2 =	vadd.f32 v2, v3;
	s0 =	rddreg [dreg:$0xd]  }
0xd8: {  	[tilespmem:s0+$0x5480] =	vst v5  }
0xd9: {  	[tilespmem:s21+$0x0] =	vst v2  }
0xda: {  	s0 =	sld [smem:$0x7FC];
	_ =	sdelay $0x1  }
0xdb: {  	s1 =	simm.s32 $0x800;
	s2 =	simm.s32 $0x10000;
	s3 =	simm.s32 $0x5480  }
0xdc: {  	[hbm4b:s0+s1] =	stream.strided.scatter [tilespmem:s3], [sflag:$0x3], $0x8000, s2, s1, $0x38;
	[tilespmem:$0x15480] =	vst v63  }
0xdd: {  	s3 =	sld [smem:$0x7F1];
	_ =	sdelay $0x1  }
0xde: {  	s25 =	simm.s32 $0x0;
	s4 =	simm.s32 $0x3480;
	s5 =	sld [smem:$0x7F3]  }
0xdf: {  	[tilespmem:s4], [sflag:$0x1] =	stream.linear.gather [hbm4b:s3+s25], $0x800, $0x38;
	[tilespmem:$0x15480] =	vst v63  }
0xe0: {  	s6 =	simm.s32 $0x4480;
	s7 =	simm.s32 $0x2  }
0xe1: {  	[tilespmem:s6], [sflag:$0x1] =	stream.linear.gather [hbm4b:s5+s25], $0x800, $0x38;
	[tilespmem:$0x15480] =	vst v63  }
0xe2: {  	_ =	swait.ge [sflag:s7], $0x800  }
0xe3: {  	[sflag:s7] =	ssyncset.done $0x0  }
0xe4: {  	s8 =	sand.u32 $0x60, s25;
	[sflag:s7] =	ssyncadd.s32 $0xFFFFF800  }
0xe5: {  	s9 =	sand.u32 $0x400, s25;
	s0 =	sand.u32 $0x380, s25;
	_ =	swait.ge [sflag:s7], $0x800  }
0xe6: {  	s0 =	sor.u32 s0, s9;
	s4 =	sor.u32 $0x10, s8;
	[sflag:s7] =	ssyncset.done $0x0  }
0xe7: {  	s10 =	sor.u32 s4, s0;
	[sflag:s7] =	ssyncadd.s32 $0xFFFFF800  }
0xe8: {  	v2 =	vld [tilespmem:s10+$0x3C80]  }
0xe9: {  	v3 =	vld [tilespmem:s10+$0x4C80];
	_ =	sdelay $0x2  }
0xea: {  	s1 =	sor.u32 s8, s0  }
0xeb: {  	v4 =	vld [tilespmem:s1+$0x3C80];
	v5 =	vmul.u32 $0x9, v2  }
0xec: {  	v9 =	vmul.u32 $0x9, v3;
	_ =	sdelay $0x1  }
0xed: {  	v6 =	vadd.s32 $0x1, v5  }
0xee: {  	[dreg:$0xe] =	wrdreg s1;
	v7 =	vadd.s32 $0x2, v5  }
0xef: {  	v2 =	vld [tilespmem:s1+$0x4C80];
	v3 =	vmul.u32 $0x9, v4;
	v4 =	vadd.s32 $0x3, v5  }
0xf0: {  	v8 =	vadd.s32 $0x7, v5;
	v10 =	vld.idx.msk [tilespmem:v5+s15+$0x0], $0xffff  }
0xf1: {  	v13 =	vadd.s32 $0x7, v9;
	v12 =	vld.idx.msk [tilespmem:v9+s26+$0x0], $0xffff  }
0xf2: {  	v17 =	vadd.s32 $0x4, v5;
	v16 =	vld.idx.msk [tilespmem:v6+s15+$0x0], $0xffff  }
0xf3: {  	v21 =	vadd.s32 $0x5, v5;
	v20 =	vld.idx.msk [tilespmem:v7+s15+$0x0], $0xffff  }
0xf4: {  	v11 =	vadd.s32 $0x1, v3;
	v14 =	vadd.s32 $0x2, v3;
	v25 =	vadd.s32 $0x6, v5;
	v24 =	vld.idx.msk [tilespmem:v4+s15+$0x0], $0xffff  }
0xf5: {  	v15 =	vadd.s32 $0x3, v3;
	v18 =	vadd.s32 $0x4, v3;
	v29 =	vadd.s32 $0x1, v9;
	v28 =	vld.idx.msk [tilespmem:v8+s15+$0x0], $0xffff  }
0xf6: {  	v19 =	vadd.s32 $0x5, v3;
	v22 =	vadd.s32 $0x6, v3;
	v30 =	vadd.s32 $0x2, v9;
	v13 =	vld.idx.msk [tilespmem:v13+s26+$0x0], $0xffff  }
0xf7: {  	v23 =	vadd.s32 $0x7, v3;
	v31 =	vadd.s32 $0x3, v9;
	v2 =	vmul.u32 $0x9, v2;
	v17 =	vld.idx.msk [tilespmem:v17+s15+$0x0], $0xffff  }
0xf8: {  	v33 =	vadd.s32 $0x4, v9;
	v35 =	vadd.s32 $0x5, v9;
	v9 =	vadd.s32 $0x6, v9;
	v21 =	vld.idx.msk [tilespmem:v21+s15+$0x0], $0xffff  }
0xf9: {  	v26 =	vadd.s32 $0x1, v2;
	v27 =	vadd.s32 $0x2, v2;
	v8 =	vadd.s32 $0x3, v2;
	v25 =	vld.idx.msk [tilespmem:v25+s15+$0x0], $0xffff  }
0xfa: {  	v7 =	vadd.s32 $0x4, v2;
	v6 =	vadd.s32 $0x5, v2;
	v5 =	vadd.s32 $0x6, v2;
	v29 =	vld.idx.msk [tilespmem:v29+s26+$0x0], $0xffff  }
0xfb: {  	v4 =	vadd.s32 $0x7, v2;
	v30 =	vld.idx.msk [tilespmem:v30+s26+$0x0], $0xffff;
	v32 =	vshll.u32 v10, $0x10;
	v10 =	vand.u32 $0xFFFF0000, v10  }
0xfc: {  	v31 =	vld.idx.msk [tilespmem:v31+s26+$0x0], $0xffff;
	v34 =	vshll.u32 v12, $0x10;
	v12 =	vand.u32 $0xFFFF0000, v12;
	v36 =	vshll.u32 v16, $0x10  }
0xfd: {  	v33 =	vld.idx.msk [tilespmem:v33+s26+$0x0], $0xffff;
	v16 =	vand.u32 $0xFFFF0000, v16;
	v37 =	vshll.u32 v20, $0x10;
	v39 =	vshll.u32 v28, $0x10  }
0xfe: {  	v11 =	vld.idx.msk [tilespmem:v11+s15+$0x0], $0xffff;
	v40 =	vshll.u32 v13, $0x10;
	v28 =	vand.u32 $0xFFFF0000, v28;
	v13 =	vand.u32 $0xFFFF0000, v13  }
0xff: {  	s28 =	simm.s32 $0x2180;
	s22 =	simm.s32 $0x0;
	s1 =	sadd.s32 $0x14C80, s0;
	v14 =	vld.idx.msk [tilespmem:v14+s15+$0x0], $0xffff;
	v20 =	vand.u32 $0xFFFF0000, v20;
	v38 =	vshll.u32 v24, $0x10;
	v13 =	vadd.f32 v13, v28  }
0x100: {  	s12 =	sadd.s32 $0xDC80, s0;
	s2 =	sadd.s32 $0x14480, s0;
	s5 =	sor.u32 s4, s1;
	v9 =	vld.idx.msk [tilespmem:v9+s26+$0x0], $0xffff;
	v53 =	vshll.u32 v21, $0x10;
	v54 =	vand.u32 $0xFFFF0000, v21;
	v21 =	vadd.f32 v40, v39  }
0x101: {  	s11 =	sadd.s32 $0xE480, s0;
	s14 =	sadd.s32 $0xEC80, s0;
	s7 =	sor.u32 s4, s2;
	v41 =	vshll.u32 v17, $0x10;
	v42 =	vand.u32 $0xFFFF0000, v17;
	v17 =	vld.idx.msk [tilespmem:v35+s26+$0x0], $0xffff;
	v32 =	vadd.f32 v34, v32;
	[tilespmem:s5+$0x0] =	vst v13  }
0x102: {  	s13 =	sadd.s32 $0xF480, s0;
	s17 =	sadd.s32 $0xFC80, s0;
	s20 =	sadd.s32 $0x10480, s0;
	v24 =	vand.u32 $0xFFFF0000, v24;
	v10 =	vadd.f32 v12, v10;
	v12 =	vshll.u32 v29, $0x10;
	[tilespmem:s7+$0x0] =	vst v21  }
0x103: {  	s16 =	sadd.s32 $0x10C80, s0;
	s9 =	sadd.s32 $0x13480, s0;
	s23 =	sor.u32 s4, s12;
	v57 =	vld.idx.msk [tilespmem:v15+s15+$0x0], $0xffff;
	v55 =	vshll.u32 v25, $0x10;
	v12 =	vadd.f32 v12, v36;
	v13 =	vand.u32 $0xFFFF0000, v29;
	[tilespmem:s10+$0xD480] =	vst v32  }
0x104: {  	s3 =	sadd.s32 $0x12C80, s0;
	s21 =	sor.u32 s8, s12;
	s18 =	sor.u32 s4, s11;
	v58 =	vld.idx.msk [tilespmem:v18+s15+$0x0], $0xffff;
	v25 =	vand.u32 $0xFFFF0000, v25;
	v21 =	vshll.u32 v30, $0x10;
	[tilespmem:s23+$0x0] =	vst v10;
	v10 =	vadd.f32 v13, v16  }
0x105: {  	s19 =	sor.u32 s8, s14;
	s29 =	sor.u32 s8, s13;
	s24 =	sor.u32 s4, s14;
	v59 =	vld.idx.msk [tilespmem:v19+s15+$0x0], $0xffff;
	v56 =	vand.u32 $0xFFFF0000, v30;
	v15 =	vand.u32 $0xFFFF0000, v31;
	[tilespmem:s18+$0x0] =	vst v12;
	v12 =	vadd.f32 v21, v37  }
0x106: {  	s30 =	sor.u32 s8, s17;
	s12 =	sor.u32 s4, s13;
	s13 =	sor.u32 s4, s17;
	v61 =	vld.idx.msk [tilespmem:v22+s15+$0x0], $0xffff;
	v19 =	vshll.u32 v11, $0x10;
	v18 =	vshll.u32 v14, $0x10;
	[tilespmem:s24+$0x0] =	vst v10;
	v10 =	vadd.f32 v56, v20  }
0x107: {  	s17 =	sor.u32 s8, s20;
	s14 =	sor.u32 s4, s20;
	s5 =	sadd.s32 $0x11C80, s0;
	v62 =	vand.u32 $0xFFFF0000, v9;
	v60 =	vand.u32 $0xFFFF0000, v17;
	v13 =	vshll.u32 v31, $0x10;
	[tilespmem:s12+$0x0] =	vst v12  }
0x108: {  	s6 =	sadd.s32 $0x11480, s0;
	s25 =	sor.u32 s8, s11;
	v63 =	vld.idx.msk [tilespmem:v23+s15+$0x0], $0xffff;
	s15 =	sor.u32 s8, s5;
	v25 =	vadd.f32 v62, v25;
	v16 =	vshll.u32 v33, $0x10;
	v12 =	vadd.f32 v13, v38;
	[tilespmem:s13+$0x0] =	vst v10  }
0x109: {  	s7 =	sadd.s32 $0x12480, s0;
	s0 =	sadd.s32 $0x13C80, s0;
	v21 =	vand.u32 $0xFFFF0000, v33;
	v13 =	vshll.u32 v9, $0x10;
	v9 =	vadd.f32 v15, v24;
	[dreg:$0x13] =	wrdreg s15  }
0x10a: {  	s5 =	sor.u32 s4, s5;
	s23 =	sor.u32 s8, s16;
	s16 =	sor.u32 s4, s16;
	v20 =	vshll.u32 v17, $0x10;
	v17 =	vand.u32 $0xFFFF0000, v11;
	v10 =	vadd.f32 v16, v41;
	v24 =	vld.idx.msk [tilespmem:v26+s26+$0x0], $0xffff;
	[tilespmem:s14+$0x0] =	vst v12  }
0x10b: {  	s31 =	sor.u32 s8, s7;
	v11 =	vshll.u32 v61, $0x10;
	s12 =	sor.u32 s8, s6;
	v15 =	vand.u32 $0xFFFF0000, v14;
	s6 =	sor.u32 s4, s6;
	v23 =	vld.idx.msk [tilespmem:v27+s26+$0x0], $0xffff;
	[tilespmem:s16+$0x0] =	vst v9;
	v9 =	vadd.f32 v21, v42  }
0x10c: {  	s10 =	sor.u32 s8, s9;
	s9 =	sor.u32 s4, s9;
	s20 =	sor.u32 s4, s0;
	v14 =	vand.u32 $0xFFFF0000, v57;
	v16 =	vshll.u32 v57, $0x10;
	v22 =	vld.idx.msk [tilespmem:v8+s26+$0x0], $0xffff;
	v26 =	vadd.f32 v20, v53;
	[tilespmem:s6+$0x0] =	vst v10  }
0x10d: {  	s18 =	sor.u32 s4, s7;
	s24 =	sor.u32 s8, s0;
	s0 =	simm.s32 $0x20;
	v12 =	vshll.u32 v58, $0x10;
	v8 =	vand.u32 $0xFFFF0000, v58;
	v27 =	vadd.f32 v60, v54;
	v20 =	vld.idx.msk [tilespmem:v6+s26+$0x0], $0xffff;
	[tilespmem:s5+$0x0] =	vst v9  }
0x10e: {  	s13 =	sor.u32 s8, s3;
	s3 =	sor.u32 s4, s3;
	s4 =	sor.u32 s8, s2;
	v6 =	vshll.u32 v63, $0x10;
	v21 =	vld.idx.msk [tilespmem:v7+s26+$0x0], $0xffff;
	v7 =	vand.u32 $0xFFFF0000, v61;
	v10 =	vshll.u32 v59, $0x10;
	[tilespmem:s18+$0x0] =	vst v26  }
0x10f: {  	s2 =	simm.s32 $0x10;
	s14 =	sor.u32 s8, s1;
	s1 =	simm.s32 $0x100;
	v9 =	vand.u32 $0xFFFF0000, v59;
	v26 =	vadd.f32 v13, v55;
	v13 =	vld.idx.msk [tilespmem:v5+s26+$0x0], $0xffff;
	v5 =	vand.u32 $0xFFFF0000, v63;
	[tilespmem:s3+$0x0] =	vst v27  }
.LBB2_8:
0x110: {  	[smem:$0x7D0] =	sst s4  }
0x111: {  	[smem:$0x7D2] =	sst s14  }
0x112: {  	[smem:$0x7D4] =	sst s21  }
0x113: {  	[dreg:$0x1f] =	wrdreg s2  }
0x114: {  	[dreg:$0x1b] =	wrdreg s1  }
0x115: {  	[dreg:$0x16] =	wrdreg s0  }
0x116: {  	s21 =	sand.u32 $0x60, s0;
	s11 =	sand.u32 $0x400, s1;
	s14 =	sand.u32 $0x380, s2  }
0x117: {  	v3 =	vld.idx.msk [tilespmem:v3+s28+$0x0], $0xffff;
	s28 =	simm.s32 $0x2180;
	[tilespmem:s9+$0x0] =	vst v26;
	s18 =	sor.u32 s14, s11;
	s8 =	sor.u32 $0x10, s21;
	v27 =	vshll.u32 v24, $0x10;
	v24 =	vand.u32 $0xFFFF0000, v24  }
0x118: {  	v4 =	vld.idx.msk [tilespmem:v4+s26+$0x0], $0xffff;
	[tilespmem:s20+$0x0] =	vst v25;
	s14 =	smov.u32 s10;
	s15 =	sor.u32 s21, s18;
	s0 =	sor.u32 s8, s18;
	v19 =	vadd.f32 v27, v19;
	v17 =	vadd.f32 v24, v17;
	v26 =	vshll.u32 v23, $0x10  }
0x119: {  	s1 =	sadd.s32 $0xDC80, s18;
	s5 =	sadd.s32 $0xE480, s18;
	s6 =	sadd.s32 $0xEC80, s18;
	v25 =	vld [tilespmem:s0+$0x3C80];
	v23 =	vand.u32 $0xFFFF0000, v23;
	v24 =	vshll.u32 v22, $0x10;
	v22 =	vand.u32 $0xFFFF0000, v22  }
0x11a: {  	s7 =	sadd.s32 $0xF480, s18;
	s9 =	sadd.s32 $0xFC80, s18;
	s11 =	sadd.s32 $0x10480, s18;
	v27 =	vld [tilespmem:s0+$0x4C80];
	v18 =	vadd.f32 v26, v18;
	v26 =	vshll.u32 v21, $0x10;
	v21 =	vand.u32 $0xFFFF0000, v21  }
0x11b: {  	v2 =	vld.idx.msk [tilespmem:v2+s26+$0x0], $0xffff;
	s20 =	sadd.s32 $0x10C80, s18;
	s16 =	sadd.s32 $0x11C80, s18;
	s3 =	sadd.s32 $0x12480, s18;
	[tilespmem:s19+$0x0] =	vst v17;
	v15 =	vadd.f32 v23, v15;
	v17 =	vshll.u32 v20, $0x10;
	v20 =	vand.u32 $0xFFFF0000, v20  }
0x11c: {  	s4 =	sadd.s32 $0x13480, s18;
	s10 =	sadd.s32 $0x13C80, s18;
	[smem:$0x7D6] =	sst s0;
	v16 =	vadd.f32 v24, v16;
	v24 =	vshll.u32 v13, $0x10;
	v13 =	vand.u32 $0xFFFF0000, v13  }
0x11d: {  	[smem:$0x7D3] =	sst s15;
	s0 =	sadd.s32 $0x14480, s18;
	s26 =	sor.u32 s21, s6;
	[tilespmem:s25+$0x0] =	vst v19;
	v14 =	vadd.f32 v22, v14;
	v22 =	vshll.u32 v4, $0x10;
	v29 =	vand.u32 $0xFFFF0000, v4  }
0x11e: {  	s2 =	sor.u32 s21, s3;
	[smem:$0x7DA] =	sst s26;
	s26 =	sor.u32 s21, s11;
	v19 =	vand.u32 $0xFFFF0000, v3;
	v23 =	vld [tilespmem:s15+$0x3C80];
	v4 =	vadd.f32 v21, v8;
	[tilespmem:s29+$0x0] =	vst v18;
	v25 =	vmul.u32 $0x9, v25  }
0x11f: {  	s25 =	sadd.s32 $0x11480, s18;
	[smem:$0x7CF] =	sst s26;
	v8 =	vadd.f32 v17, v10;
	v9 =	vadd.f32 v20, v9;
	v28 =	vld [tilespmem:s15+$0x4C80];
	[tilespmem:s23+$0x0] =	vst v14;
	s23 =	sor.u32 s21, s9;
	v27 =	vmul.u32 $0x9, v27  }
0x120: {  	s19 =	sadd.s32 $0x12C80, s18;
	v30 =	vand.u32 $0xFFFF0000, v2;
	v10 =	vadd.f32 v24, v11;
	v6 =	vadd.f32 v22, v6;
	s29 =	sor.u32 s21, s0;
	[smem:$0x7CC] =	sst s23  }
0x121: {  	v5 =	vadd.f32 v29, v5;
	v19 =	vadd.f32 v30, v19;
	[tilespmem:s17+$0x0] =	vst v16;
	s17 =	sor.u32 s21, s1;
	s15 =	smov.u32 s24;
	s23 =	rddreg [dreg:$0x13];
	v20 =	vadd.s32 $0x1, v25  }
0x122: {  	v18 =	vshll.u32 v3, $0x10;
	s24 =	sor.u32 s21, s5;
	[smem:$0x7D1] =	sst s29;
	s1 =	sor.u32 s8, s1;
	[tilespmem:s23+$0x0] =	vst v4;
	v4 =	vadd.f32 v13, v7;
	v13 =	vadd.s32 $0x2, v25  }
0x123: {  	v3 =	vadd.f32 v26, v12;
	v26 =	vshll.u32 v2, $0x10;
	[tilespmem:s31+$0x0] =	vst v8;
	s31 =	smov.u32 s2;
	s2 =	sadd.s32 $0x14C80, s18;
	s18 =	rddreg [dreg:$0xe];
	v24 =	vadd.s32 $0x3, v25  }
0x124: {  	[tilespmem:s14+$0x0] =	vst v10;
	s14 =	simm.s32 $0x2280;
	v18 =	vadd.f32 v26, v18;
	[smem:$0x7D5] =	sst s17;
	s17 =	sor.u32 s21, s7;
	v31 =	vadd.s32 $0x7, v25;
	v33 =	vadd.s32 $0x7, v27;
	v45 =	vld.idx.msk [tilespmem:v25+s28+$0x0], $0xffff  }
0x125: {  	[tilespmem:s12+$0x0] =	vst v3;
	[smem:$0x7D7] =	sst s1;
	s1 =	sor.u32 s8, s5;
	s5 =	sor.u32 s8, s6;
	v34 =	vadd.s32 $0x4, v25;
	v36 =	vadd.s32 $0x5, v25;
	v3 =	vmul.u32 $0x9, v23;
	v32 =	vld.idx.msk [tilespmem:v27+s14+$0x0], $0xffff  }
0x126: {  	s6 =	sor.u32 s8, s7;
	s7 =	sor.u32 s8, s9;
	[smem:$0x7CD] =	sst s17;
	v37 =	vadd.s32 $0x1, v27;
	v22 =	vadd.s32 $0x2, v27;
	v38 =	vadd.s32 $0x3, v27;
	v20 =	vld.idx.msk [tilespmem:v20+s28+$0x0], $0xffff  }
0x127: {  	s9 =	sor.u32 s8, s4;
	s17 =	sor.u32 s21, s4;
	s4 =	sld [smem:$0x7D0];
	v48 =	vadd.s32 $0x4, v27;
	v2 =	vmul.u32 $0x9, v28;
	v21 =	vadd.s32 $0x1, v3;
	v35 =	vld.idx.msk [tilespmem:v13+s28+$0x0], $0xffff  }
0x128: {  	s26 =	sor.u32 s21, s19;
	[tilespmem:s13+$0x0] =	vst v9;
	s13 =	sor.u32 s8, s20;
	v17 =	vadd.s32 $0x2, v3;
	v23 =	vadd.s32 $0x3, v3;
	v25 =	vadd.s32 $0x6, v25;
	s14 =	sld [smem:$0x7D1];
	v24 =	vld.idx.msk [tilespmem:v24+s28+$0x0], $0xffff  }
0x129: {  	[tilespmem:s30+$0x0] =	vst v15;
	[smem:$0x7D8] =	sst s13;
	s13 =	smov.u32 s26;
	s26 =	simm.s32 $0x2280;
	v15 =	vadd.s32 $0x4, v3;
	v16 =	vadd.s32 $0x5, v3;
	v12 =	vadd.s32 $0x6, v3;
	v31 =	vld.idx.msk [tilespmem:v31+s28+$0x0], $0xffff  }
0x12a: {  	s22 =	sadd.s32 $0x2, s22;
	[tilespmem:s15+$0x0] =	vst v4;
	s15 =	sld [smem:$0x7D2];
	v14 =	vadd.s32 $0x7, v3;
	v10 =	vadd.s32 $0x1, v2;
	v11 =	vadd.s32 $0x2, v2;
	v46 =	vld.idx.msk [tilespmem:v33+s26+$0x0], $0xffff  }
0x12b: {  	s12 =	sor.u32 s21, s20;
	[tilespmem:s4+$0x0] =	vst v6;
	v8 =	vadd.s32 $0x3, v2;
	v9 =	vadd.s32 $0x4, v2;
	v7 =	vadd.s32 $0x5, v2;
	v34 =	vld.idx.msk [tilespmem:v34+s28+$0x0], $0xffff;
	s4 =	smov.u32 s14;
	s14 =	sld [smem:$0x7D3]  }
0x12c: {  	p0 =	slt.u32 s22, $0x7E;
	s30 =	sor.u32 s21, s25;
	[smem:$0x7CE] =	sst s12;
	v13 =	vadd.s32 $0x6, v2;
	v4 =	vadd.s32 $0x7, v2;
	v6 =	vld.idx.msk [tilespmem:v36+s28+$0x0], $0xffff;
	v47 =	vshll.u32 v45, $0x10  }
0x12d: {  	s12 =	sor.u32 s21, s16;
	s23 =	smov.u32 s22;
	s22 =	sor.u32 s21, s10;
	[tilespmem:s15+$0x0] =	vst v5;
	v28 =	vand.u32 $0xFFFF0000, v45;
	v39 =	vshll.u32 v32, $0x10;
	v5 =	vld.idx.msk [tilespmem:v25+s28+$0x0], $0xffff;
	v25 =	vadd.s32 $0x5, v27  }
0x12e: {  	[tilespmem:s18+$0xD480] =	vst v18;
	v37 =	vld.idx.msk [tilespmem:v37+s26+$0x0], $0xffff;
	v32 =	vand.u32 $0xFFFF0000, v32;
	v27 =	vadd.s32 $0x6, v27;
	v40 =	vshll.u32 v20, $0x10;
	s18 =	smov.u32 s14;
	s14 =	sor.u32 s21, s2;
	s21 =	sld [smem:$0x7D4]  }
0x12f: {  	v22 =	vld.idx.msk [tilespmem:v22+s26+$0x0], $0xffff;
	v20 =	vand.u32 $0xFFFF0000, v20;
	v41 =	vshll.u32 v35, $0x10;
	v35 =	vand.u32 $0xFFFF0000, v35;
	[dreg:$0xe] =	wrdreg s18  }
0x130: {  	v36 =	vld.idx.msk [tilespmem:v48+s26+$0x0], $0xffff;
	v42 =	vshll.u32 v24, $0x10;
	v24 =	vand.u32 $0xFFFF0000, v24;
	v43 =	vshll.u32 v31, $0x10;
	s18 =	sld [smem:$0x7D5]  }
0x131: {  	v26 =	vld.idx.msk [tilespmem:v38+s26+$0x0], $0xffff;
	v49 =	vshll.u32 v46, $0x10;
	v31 =	vand.u32 $0xFFFF0000, v31;
	v29 =	vand.u32 $0xFFFF0000, v46  }
0x132: {  	s15 =	simm.s32 $0x2180;
	v50 =	vshll.u32 v34, $0x10;
	v34 =	vand.u32 $0xFFFF0000, v34;
	v29 =	vadd.f32 v29, v31;
	v18 =	vld.idx.msk [tilespmem:v25+s26+$0x0], $0xffff  }
0x133: {  	s2 =	sor.u32 s8, s2;
	v53 =	vshll.u32 v37, $0x10;
	v54 =	vand.u32 $0xFFFF0000, v37;
	v30 =	vadd.f32 v49, v43;
	[tilespmem:s21+$0x0] =	vst v19;
	s21 =	smov.u32 s18;
	v19 =	vld.idx.msk [tilespmem:v27+s26+$0x0], $0xffff;
	s18 =	sld [smem:$0x7D6]  }
0x134: {  	s0 =	sor.u32 s8, s0;
	s20 =	sor.u32 s8, s25;
	v27 =	vadd.f32 v39, v47;
	v51 =	vshll.u32 v5, $0x10;
	v52 =	vand.u32 $0xFFFF0000, v5;
	[tilespmem:s2+$0x0] =	vst v29;
	v5 =	vld.idx.msk [tilespmem:v21+s15+$0x0], $0xffff  }
0x135: {  	[smem:$0x7D9] =	sst s20;
	v57 =	vand.u32 $0xFFFF0000, v36;
	v20 =	vadd.f32 v54, v20;
	v25 =	vshll.u32 v6, $0x10;
	[tilespmem:s0+$0x0] =	vst v30;
	v55 =	vld.idx.msk [tilespmem:v17+s15+$0x0], $0xffff  }
0x136: {  	s25 =	smov.u32 s24;
	v6 =	vand.u32 $0xFFFF0000, v6;
	v21 =	vadd.f32 v32, v28;
	v17 =	vadd.f32 v53, v40;
	v56 =	vld.idx.msk [tilespmem:v23+s15+$0x0], $0xffff;
	[tilespmem:s18+$0xD480] =	vst v27;
	s18 =	sld [smem:$0x7D7]  }
0x137: {  	s24 =	smov.u32 s12;
	s12 =	smov.u32 s30;
	s30 =	sld [smem:$0x7CC];
	v23 =	vand.u32 $0xFFFF0000, v26;
	v58 =	vld.idx.msk [tilespmem:v16+s15+$0x0], $0xffff;
	[tilespmem:s5+$0x0] =	vst v20;
	v27 =	vshll.u32 v22, $0x10;
	v22 =	vand.u32 $0xFFFF0000, v22  }
0x138: {  	s29 =	sld [smem:$0x7CD];
	v60 =	vld.idx.msk [tilespmem:v12+s15+$0x0], $0xffff;
	[tilespmem:s1+$0x0] =	vst v17;
	v16 =	vadd.f32 v22, v35;
	v20 =	vshll.u32 v18, $0x10;
	v59 =	vand.u32 $0xFFFF0000, v18  }
0x139: {  	s20 =	sor.u32 s8, s10;
	s10 =	smov.u32 s17;
	s17 =	sld [smem:$0x7CF];
	v61 =	vshll.u32 v19, $0x10;
	[tilespmem:s18+$0x0] =	vst v21;
	v21 =	vshll.u32 v26, $0x10;
	v26 =	vld.idx.msk [tilespmem:v15+s15+$0x0], $0xffff;
	v15 =	vadd.f32 v27, v41  }
0x13a: {  	[dreg:$0x13] =	wrdreg s24;
	v63 =	vld.idx.msk [tilespmem:v14+s15+$0x0], $0xffff;
	v62 =	vand.u32 $0xFFFF0000, v19;
	v19 =	vshll.u32 v5, $0x10;
	[tilespmem:s7+$0x0] =	vst v16;
	v25 =	vadd.f32 v20, v25  }
0x13b: {  	s3 =	sor.u32 s8, s3;
	v17 =	vand.u32 $0xFFFF0000, v5;
	v5 =	vadd.f32 v23, v24;
	v24 =	vld.idx.msk [tilespmem:v10+s26+$0x0], $0xffff;
	s15 =	sld [smem:$0x7D8];
	v12 =	vadd.f32 v21, v42;
	[tilespmem:s6+$0x0] =	vst v15  }
0x13c: {  	s11 =	sor.u32 s8, s11;
	s24 =	smov.u32 s22;
	v18 =	vshll.u32 v55, $0x10;
	v23 =	vld.idx.msk [tilespmem:v11+s26+$0x0], $0xffff;
	v14 =	vand.u32 $0xFFFF0000, v56;
	v27 =	vshll.u32 v36, $0x10;
	s18 =	sld [smem:$0x7D9];
	[tilespmem:s3+$0x0] =	vst v25  }
.Ltmp3:
0x13d: {  	s22 =	smov.u32 s23;
	s23 =	sld [smem:$0x7CE];
	v11 =	vshll.u32 v60, $0x10;
	v16 =	vshll.u32 v56, $0x10;
	v20 =	vld.idx.msk [tilespmem:v7+s26+$0x0], $0xffff;
	v10 =	vadd.f32 v27, v50;
	[tilespmem:s11+$0x0] =	vst v12;
	(pc) =	sbr.rel @p0 .LBB2_8-.Ltmp3, $4  }
0x13e: {  	s19 =	sor.u32 s8, s19;
	s16 =	sor.u32 s8, s16;
	s8 =	rddreg [dreg:$0x1b];
	v7 =	vand.u32 $0xFFFF0000, v60;
	v21 =	vld.idx.msk [tilespmem:v9+s26+$0x0], $0xffff;
	v9 =	vand.u32 $0xFFFF0000, v58;
	v27 =	vadd.f32 v59, v6;
	[tilespmem:s15+$0x0] =	vst v5  }
0x13f: {  	s0 =	rddreg [dreg:$0x16];
	v6 =	vshll.u32 v63, $0x10;
	v15 =	vand.u32 $0xFFFF0000, v55;
	v5 =	vadd.f32 v57, v34;
	[tilespmem:s18+$0x0] =	vst v10  }
0x140: {  	s28 =	simm.s32 $0x2180;
	s2 =	rddreg [dreg:$0x1f];
	v13 =	vld.idx.msk [tilespmem:v13+s26+$0x0], $0xffff;
	s0 =	sadd.s32 $0x20, s0;
	v25 =	vadd.f32 v62, v52;
	v10 =	vshll.u32 v58, $0x10;
	[tilespmem:s19+$0x0] =	vst v27;
	v12 =	vshll.u32 v26, $0x10  }
0x141: {  	s2 =	sadd.s32 $0x10, s2;
	s1 =	sadd.s32 $0x100, s8;
	v22 =	vld.idx.msk [tilespmem:v8+s26+$0x0], $0xffff;
	s19 =	sld [smem:$0x7DA];
	v8 =	vand.u32 $0xFFFF0000, v26;
	[tilespmem:s16+$0x0] =	vst v5;
	v26 =	vadd.f32 v61, v51;
	v5 =	vand.u32 $0xFFFF0000, v63  }
0x142: {  	_ =	sdelay $0x2  }
0x143: {  	v27 =	vshll.u32 v24, $0x10  }
0x144: {  	v4 =	vld.idx.msk [tilespmem:v4+s26+$0x0], $0xffff;
	v49 =	vand.u32 $0xFFFF0000, v24;
	[tilespmem:s9+$0x0] =	vst v26;
	v19 =	vadd.f32 v27, v19  }
0x145: {  	v3 =	vld.idx.msk [tilespmem:v3+s28+$0x0], $0xffff;
	v50 =	vshll.u32 v23, $0x10;
	v17 =	vadd.f32 v49, v17;
	[tilespmem:s20+$0x0] =	vst v25  }
0x146: {  	v2 =	vld.idx.msk [tilespmem:v2+s26+$0x0], $0xffff;
	v51 =	vand.u32 $0xFFFF0000, v23;
	v18 =	vadd.f32 v50, v18;
	[tilespmem:s25+$0x0] =	vst v19  }
0x147: {  	v15 =	vadd.f32 v51, v15;
	[tilespmem:s19+$0x0] =	vst v17;
	v52 =	vshll.u32 v22, $0x10  }
0x148: {  	v53 =	vand.u32 $0xFFFF0000, v22;
	[tilespmem:s29+$0x0] =	vst v18;
	v16 =	vadd.f32 v52, v16  }
0x149: {  	v54 =	vshll.u32 v21, $0x10;
	v14 =	vadd.f32 v53, v14;
	[tilespmem:s30+$0x0] =	vst v15  }
0x14a: {  	v12 =	vadd.f32 v54, v12;
	[tilespmem:s17+$0x0] =	vst v16  }
0x14b: {  	v55 =	vand.u32 $0xFFFF0000, v21;
	[tilespmem:s23+$0x0] =	vst v14  }
0x14c: {  	v56 =	vshll.u32 v20, $0x10;
	v8 =	vadd.f32 v55, v8;
	[tilespmem:s12+$0x0] =	vst v12  }
0x14d: {  	v57 =	vand.u32 $0xFFFF0000, v20;
	v10 =	vadd.f32 v56, v10;
	s0 =	rddreg [dreg:$0x13]  }
0x14e: {  	v9 =	vadd.f32 v57, v9;
	v58 =	vshll.u32 v13, $0x10;
	[tilespmem:s0+$0x0] =	vst v8  }
0x14f: {  	v59 =	vand.u32 $0xFFFF0000, v13;
	v8 =	vadd.f32 v58, v11;
	[tilespmem:s31+$0x0] =	vst v10  }
0x150: {  	v7 =	vadd.f32 v59, v7;
	v60 =	vshll.u32 v4, $0x10;
	[tilespmem:s13+$0x0] =	vst v9  }
0x151: {  	v4 =	vand.u32 $0xFFFF0000, v4;
	v6 =	vadd.f32 v60, v6;
	[tilespmem:s10+$0x0] =	vst v8  }
0x152: {  	v4 =	vadd.f32 v4, v5;
	[tilespmem:s24+$0x0] =	vst v7  }
0x153: {  	v61 =	vshll.u32 v3, $0x10;
	v62 =	vshll.u32 v2, $0x10;
	[tilespmem:s4+$0x0] =	vst v6  }
0x154: {  	v3 =	vand.u32 $0xFFFF0000, v3;
	v2 =	vand.u32 $0xFFFF0000, v2;
	v63 =	vadd.f32 v62, v61;
	[tilespmem:s14+$0x0] =	vst v4  }
0x155: {  	v2 =	vadd.f32 v2, v3;
	s0 =	rddreg [dreg:$0xe]  }
0x156: {  	[tilespmem:s0+$0xD480] =	vst v63  }
0x157: {  	[tilespmem:s21+$0x0] =	vst v2  }
0x158: {  	s0 =	sld [smem:$0x7F4]  }
0x159: {  	s1 =	simm.s32 $0x800;
	s2 =	simm.s32 $0x10000  }
0x15a: {  	s3 =	simm.s32 $0xD480;
	s28 =	simm.s32 $0x3C80;
	s25 =	sld [smem:$0x7F5]  }
0x15b: {  	[hbm4b:s0+s1] =	stream.strided.scatter [tilespmem:s3], [sflag:$0x4], $0x8000, s2, s1, $0x38;
	[tilespmem:$0x15480] =	vst v63  }
0x15c: {  	s31 =	simm.s32 $0x1;
	s24 =	simm.s32 $0x0;
	s29 =	sld [smem:$0x7F6]  }
0x15d: {  	[tilespmem:s28], [sflag:$0x2] =	stream.linear.gather [hbm4b:s25+s24], $0x800, $0x38;
	[tilespmem:$0x15480] =	vst v63  }
0x15e: {  	s30 =	simm.s32 $0x4C80;
	[smem:$0x7CB] =	sst s31  }
0x15f: {  	[tilespmem:s30], [sflag:$0x2] =	stream.linear.gather [hbm4b:s29+s24], $0x800, $0x38;
	[tilespmem:$0x15480] =	vst v63  }
.LBB2_10:
0x160: {  	s0 =	simm.s32 $0x1  }
0x161: {  	_ =	swait.ge [sflag:s0], $0x800  }
0x162: {  	[sflag:s0] =	ssyncset.done $0x0  }
0x163: {  	[sflag:s0] =	ssyncadd.s32 $0xFFFFF800  }
0x164: {  	_ =	swait.ge [sflag:s0], $0x800  }
0x165: {  	s24 =	simm.s32 $0x0;
	[sflag:s0] =	ssyncset.done $0x0  }
0x166: {  	s2 =	simm.s32 $0x3;
	s8 =	sand.u32 $0x60, s24;
	[sflag:s0] =	ssyncadd.s32 $0xFFFFF800  }
0x167: {  	s1 =	sand.u32 $0x400, s24;
	s0 =	sand.u32 $0x380, s24;
	_ =	swait.ge [sflag:s2], $0x8000  }
0x168: {  	s4 =	sor.u32 $0x10, s8;
	s0 =	sor.u32 s0, s1;
	[sflag:s2] =	ssyncset.done $0x0  }
0x169: {  	s3 =	sor.u32 s4, s0;
	[sflag:s2] =	ssyncadd.s32 $0xFFFF8000  }
0x16a: {  	v2 =	vld [tilespmem:s3+$0x3480]  }
0x16b: {  	v3 =	vld [tilespmem:s3+$0x4480];
	_ =	sdelay $0x2  }
0x16c: {  	s17 =	sor.u32 s8, s0  }
0x16d: {  	v4 =	vld [tilespmem:s17+$0x3480];
	v5 =	vmul.u32 $0x9, v2  }
0x16e: {  	v9 =	vmul.u32 $0x9, v3;
	_ =	sdelay $0x1  }
0x16f: {  	v6 =	vadd.s32 $0x1, v5  }
0x170: {  	v7 =	vadd.s32 $0x2, v5  }
0x171: {  	s24 =	simm.s32 $0x2180;
	v2 =	vld [tilespmem:s17+$0x4480];
	v3 =	vmul.u32 $0x9, v4;
	v4 =	vadd.s32 $0x3, v5  }
0x172: {  	v8 =	vadd.s32 $0x7, v5;
	v10 =	vld.idx.msk [tilespmem:v5+s24+$0x0], $0xffff  }
0x173: {  	v13 =	vadd.s32 $0x7, v9;
	v12 =	vld.idx.msk [tilespmem:v9+s26+$0x0], $0xffff  }
0x174: {  	v17 =	vadd.s32 $0x4, v5;
	v16 =	vld.idx.msk [tilespmem:v6+s24+$0x0], $0xffff  }
0x175: {  	v21 =	vadd.s32 $0x5, v5;
	v20 =	vld.idx.msk [tilespmem:v7+s24+$0x0], $0xffff  }
0x176: {  	v11 =	vadd.s32 $0x1, v3;
	v14 =	vadd.s32 $0x2, v3;
	v25 =	vadd.s32 $0x6, v5;
	v24 =	vld.idx.msk [tilespmem:v4+s24+$0x0], $0xffff  }
0x177: {  	v15 =	vadd.s32 $0x3, v3;
	v18 =	vadd.s32 $0x4, v3;
	v29 =	vadd.s32 $0x1, v9;
	v28 =	vld.idx.msk [tilespmem:v8+s24+$0x0], $0xffff  }
0x178: {  	v19 =	vadd.s32 $0x5, v3;
	v22 =	vadd.s32 $0x6, v3;
	v30 =	vadd.s32 $0x2, v9;
	v13 =	vld.idx.msk [tilespmem:v13+s26+$0x0], $0xffff  }
0x179: {  	v23 =	vadd.s32 $0x7, v3;
	v31 =	vadd.s32 $0x3, v9;
	v2 =	vmul.u32 $0x9, v2;
	v17 =	vld.idx.msk [tilespmem:v17+s24+$0x0], $0xffff  }
0x17a: {  	v33 =	vadd.s32 $0x4, v9;
	v35 =	vadd.s32 $0x5, v9;
	v9 =	vadd.s32 $0x6, v9;
	v21 =	vld.idx.msk [tilespmem:v21+s24+$0x0], $0xffff  }
0x17b: {  	v26 =	vadd.s32 $0x1, v2;
	v27 =	vadd.s32 $0x2, v2;
	v7 =	vadd.s32 $0x3, v2;
	v25 =	vld.idx.msk [tilespmem:v25+s24+$0x0], $0xffff  }
0x17c: {  	v8 =	vadd.s32 $0x4, v2;
	v6 =	vadd.s32 $0x5, v2;
	v5 =	vadd.s32 $0x6, v2;
	v29 =	vld.idx.msk [tilespmem:v29+s26+$0x0], $0xffff  }
0x17d: {  	v4 =	vadd.s32 $0x7, v2;
	v30 =	vld.idx.msk [tilespmem:v30+s26+$0x0], $0xffff;
	v32 =	vshll.u32 v10, $0x10;
	v10 =	vand.u32 $0xFFFF0000, v10  }
0x17e: {  	v31 =	vld.idx.msk [tilespmem:v31+s26+$0x0], $0xffff;
	v34 =	vshll.u32 v12, $0x10;
	v12 =	vand.u32 $0xFFFF0000, v12;
	v36 =	vshll.u32 v16, $0x10  }
0x17f: {  	v33 =	vld.idx.msk [tilespmem:v33+s26+$0x0], $0xffff;
	v16 =	vand.u32 $0xFFFF0000, v16;
	v37 =	vshll.u32 v20, $0x10;
	v39 =	vshll.u32 v28, $0x10  }
0x180: {  	v11 =	vld.idx.msk [tilespmem:v11+s24+$0x0], $0xffff;
	v40 =	vshll.u32 v13, $0x10;
	v28 =	vand.u32 $0xFFFF0000, v28;
	v13 =	vand.u32 $0xFFFF0000, v13  }
0x181: {  	s22 =	simm.s32 $0x0;
	s10 =	sadd.s32 $0x5C80, s0;
	s1 =	sadd.s32 $0xCC80, s0;
	v14 =	vld.idx.msk [tilespmem:v14+s24+$0x0], $0xffff;
	v20 =	vand.u32 $0xFFFF0000, v20;
	v38 =	vshll.u32 v24, $0x10;
	v13 =	vadd.f32 v13, v28  }
0x182: {  	s11 =	sadd.s32 $0x6480, s0;
	s2 =	sadd.s32 $0xC480, s0;
	s5 =	sor.u32 s4, s1;
	v9 =	vld.idx.msk [tilespmem:v9+s26+$0x0], $0xffff;
	v53 =	vshll.u32 v21, $0x10;
	v54 =	vand.u32 $0xFFFF0000, v21;
	v21 =	vadd.f32 v40, v39  }
0x183: {  	s12 =	sadd.s32 $0x6C80, s0;
	s13 =	sadd.s32 $0x7480, s0;
	s7 =	sor.u32 s4, s2;
	v41 =	vshll.u32 v17, $0x10;
	v42 =	vand.u32 $0xFFFF0000, v17;
	v17 =	vld.idx.msk [tilespmem:v35+s26+$0x0], $0xffff;
	v32 =	vadd.f32 v34, v32;
	[tilespmem:s5+$0x0] =	vst v13  }
0x184: {  	s14 =	sadd.s32 $0x7C80, s0;
	s20 =	sadd.s32 $0x8480, s0;
	s16 =	sadd.s32 $0x8C80, s0;
	v24 =	vand.u32 $0xFFFF0000, v24;
	v10 =	vadd.f32 v12, v10;
	v12 =	vshll.u32 v29, $0x10;
	[tilespmem:s7+$0x0] =	vst v21  }
0x185: {  	s6 =	sadd.s32 $0x9480, s0;
	s9 =	sadd.s32 $0xB480, s0;
	s19 =	sor.u32 s4, s10;
	v57 =	vld.idx.msk [tilespmem:v15+s24+$0x0], $0xffff;
	v55 =	vshll.u32 v25, $0x10;
	v12 =	vadd.f32 v12, v36;
	v13 =	vand.u32 $0xFFFF0000, v29;
	[tilespmem:s3+$0x5480] =	vst v32  }
0x186: {  	s18 =	sor.u32 s4, s11;
	s21 =	sor.u32 s8, s10;
	s25 =	sor.u32 s4, s12;
	v58 =	vld.idx.msk [tilespmem:v18+s24+$0x0], $0xffff;
	v25 =	vand.u32 $0xFFFF0000, v25;
	v21 =	vshll.u32 v30, $0x10;
	[tilespmem:s19+$0x0] =	vst v10;
	v10 =	vadd.f32 v13, v16  }
0x187: {  	s30 =	sor.u32 s8, s11;
	s15 =	sor.u32 s4, s13;
	s29 =	sor.u32 s8, s13;
	v59 =	vld.idx.msk [tilespmem:v19+s24+$0x0], $0xffff;
	v56 =	vand.u32 $0xFFFF0000, v30;
	v15 =	vand.u32 $0xFFFF0000, v31;
	[tilespmem:s18+$0x0] =	vst v12;
	v12 =	vadd.f32 v21, v37  }
0x188: {  	s28 =	sor.u32 s8, s14;
	s23 =	sor.u32 s8, s16;
	s16 =	sor.u32 s4, s16;
	v61 =	vld.idx.msk [tilespmem:v22+s24+$0x0], $0xffff;
	v19 =	vshll.u32 v11, $0x10;
	v18 =	vshll.u32 v14, $0x10;
	[tilespmem:s25+$0x0] =	vst v10;
	v10 =	vadd.f32 v56, v20  }
0x189: {  	s10 =	sor.u32 s8, s9;
	s5 =	sadd.s32 $0x9C80, s0;
	v62 =	vand.u32 $0xFFFF0000, v9;
	v60 =	vand.u32 $0xFFFF0000, v17;
	v13 =	vshll.u32 v31, $0x10;
	s18 =	sor.u32 s4, s14;
	[tilespmem:s15+$0x0] =	vst v12  }
0x18a: {  	s9 =	sor.u32 s4, s9;
	s7 =	sadd.s32 $0xA480, s0;
	s13 =	sor.u32 s8, s5;
	v25 =	vadd.f32 v62, v25;
	v16 =	vshll.u32 v33, $0x10;
	v12 =	vadd.f32 v13, v38;
	[tilespmem:s18+$0x0] =	vst v10  }
0x18b: {  	v63 =	vld.idx.msk [tilespmem:v23+s24+$0x0], $0xffff;
	s5 =	sor.u32 s4, s5;
	v21 =	vand.u32 $0xFFFF0000, v33;
	s25 =	sor.u32 s4, s20;
	v13 =	vshll.u32 v9, $0x10;
	v9 =	vadd.f32 v15, v24;
	[dreg:$0x11] =	wrdreg s13  }
0x18c: {  	s3 =	sadd.s32 $0xAC80, s0;
	s0 =	sadd.s32 $0xBC80, s0;
	s31 =	sor.u32 s8, s7;
	v20 =	vshll.u32 v17, $0x10;
	v17 =	vand.u32 $0xFFFF0000, v11;
	v10 =	vadd.f32 v16, v41;
	v24 =	vld.idx.msk [tilespmem:v26+s26+$0x0], $0xffff;
	[tilespmem:s25+$0x0] =	vst v12  }
0x18d: {  	s19 =	sor.u32 s8, s12;
	s12 =	sor.u32 s8, s6;
	s6 =	sor.u32 s4, s6;
	v11 =	vshll.u32 v61, $0x10;
	v15 =	vand.u32 $0xFFFF0000, v14;
	v23 =	vld.idx.msk [tilespmem:v27+s26+$0x0], $0xffff;
	[tilespmem:s16+$0x0] =	vst v9;
	v9 =	vadd.f32 v21, v42  }
0x18e: {  	s24 =	sor.u32 s8, s0;
	s14 =	simm.s32 $0x2180;
	s15 =	sor.u32 s8, s20;
	v14 =	vand.u32 $0xFFFF0000, v57;
	v16 =	vshll.u32 v57, $0x10;
	v22 =	vld.idx.msk [tilespmem:v7+s26+$0x0], $0xffff;
	v26 =	vadd.f32 v20, v53;
	[tilespmem:s6+$0x0] =	vst v10  }
0x18f: {  	s20 =	sor.u32 s4, s0;
	s0 =	simm.s32 $0x20;
	s18 =	sor.u32 s4, s7;
	v12 =	vshll.u32 v58, $0x10;
	v7 =	vand.u32 $0xFFFF0000, v58;
	v27 =	vadd.f32 v60, v54;
	v20 =	vld.idx.msk [tilespmem:v6+s26+$0x0], $0xffff;
	[tilespmem:s5+$0x0] =	vst v9  }
0x190: {  	s13 =	sor.u32 s8, s1;
	s25 =	sor.u32 s8, s3;
	s3 =	sor.u32 s4, s3;
	v6 =	vshll.u32 v63, $0x10;
	v21 =	vld.idx.msk [tilespmem:v8+s26+$0x0], $0xffff;
	v8 =	vand.u32 $0xFFFF0000, v61;
	v10 =	vshll.u32 v59, $0x10;
	[tilespmem:s18+$0x0] =	vst v26  }
0x191: {  	s1 =	simm.s32 $0x100;
	s4 =	sor.u32 s8, s2;
	s2 =	simm.s32 $0x10;
	v9 =	vand.u32 $0xFFFF0000, v59;
	v26 =	vadd.f32 v13, v55;
	v13 =	vld.idx.msk [tilespmem:v5+s26+$0x0], $0xffff;
	v5 =	vand.u32 $0xFFFF0000, v63;
	[tilespmem:s3+$0x0] =	vst v27  }
.LBB2_11:
0x192: {  	[smem:$0x7BD] =	sst s4  }
0x193: {  	[smem:$0x7C0] =	sst s17  }
0x194: {  	[smem:$0x7BF] =	sst s13  }
0x195: {  	[smem:$0x7C2] =	sst s21  }
0x196: {  	[smem:$0x7C4] =	sst s2  }
0x197: {  	s21 =	sand.u32 $0x60, s0;
	s11 =	sand.u32 $0x400, s1;
	s13 =	sand.u32 $0x380, s2  }
0x198: {  	[dreg:$0x1c] =	wrdreg s1;
	v4 =	vld.idx.msk [tilespmem:v4+s26+$0x0], $0xffff;
	[tilespmem:s9+$0x0] =	vst v26;
	s18 =	sor.u32 s13, s11;
	s8 =	sor.u32 $0x10, s21  }
0x199: {  	[dreg:$0x17] =	wrdreg s0;
	v3 =	vld.idx.msk [tilespmem:v3+s14+$0x0], $0xffff;
	s22 =	sadd.s32 $0x2, s22;
	v27 =	vshll.u32 v24, $0x10;
	v24 =	vand.u32 $0xFFFF0000, v24;
	[tilespmem:s20+$0x0] =	vst v25;
	s0 =	sor.u32 s8, s18  }
0x19a: {  	p0 =	slt.u32 s22, $0x7E;
	v19 =	vadd.f32 v27, v19;
	s14 =	sor.u32 s21, s18;
	s1 =	sadd.s32 $0x5C80, s18;
	v17 =	vadd.f32 v24, v17;
	v25 =	vld [tilespmem:s0+$0x3480];
	v26 =	vshll.u32 v23, $0x10  }
0x19b: {  	s5 =	sadd.s32 $0x6480, s18;
	s6 =	sadd.s32 $0x6C80, s18;
	s7 =	sadd.s32 $0x7480, s18;
	v27 =	vld [tilespmem:s0+$0x4480];
	v23 =	vand.u32 $0xFFFF0000, v23;
	v24 =	vshll.u32 v22, $0x10;
	v22 =	vand.u32 $0xFFFF0000, v22  }
0x19c: {  	v2 =	vld.idx.msk [tilespmem:v2+s26+$0x0], $0xffff;
	s9 =	sadd.s32 $0x7C80, s18;
	s11 =	sadd.s32 $0x8480, s18;
	[smem:$0x7C5] =	sst s0;
	[tilespmem:s19+$0x0] =	vst v17;
	v17 =	vshll.u32 v20, $0x10;
	v20 =	vand.u32 $0xFFFF0000, v20;
	v18 =	vadd.f32 v26, v18  }
0x19d: {  	s20 =	sadd.s32 $0x8C80, s18;
	[smem:$0x7C1] =	sst s14;
	s17 =	sor.u32 s21, s5;
	v26 =	vshll.u32 v21, $0x10;
	v21 =	vand.u32 $0xFFFF0000, v21;
	v15 =	vadd.f32 v23, v15  }
0x19e: {  	s26 =	sadd.s32 $0x9480, s18;
	s13 =	sor.u32 s21, s6;
	[tilespmem:s30+$0x0] =	vst v19;
	[smem:$0x7C9] =	sst s17;
	v16 =	vadd.f32 v24, v16;
	v24 =	vshll.u32 v13, $0x10;
	v14 =	vadd.f32 v22, v14  }
0x19f: {  	s16 =	sadd.s32 $0x9C80, s18;
	[smem:$0x7CA] =	sst s13;
	s17 =	sor.u32 s21, s9;
	v23 =	vld [tilespmem:s14+$0x3480];
	v13 =	vand.u32 $0xFFFF0000, v13;
	v22 =	vshll.u32 v4, $0x10;
	[tilespmem:s29+$0x0] =	vst v18;
	v25 =	vmul.u32 $0x9, v25  }
0x1a0: {  	s3 =	sadd.s32 $0xA480, s18;
	v29 =	vand.u32 $0xFFFF0000, v4;
	v19 =	vand.u32 $0xFFFF0000, v3;
	[smem:$0x7BB] =	sst s17;
	v28 =	vld [tilespmem:s14+$0x4480];
	[tilespmem:s23+$0x0] =	vst v14;
	s23 =	sor.u32 s21, s11;
	v27 =	vmul.u32 $0x9, v27  }
0x1a1: {  	s4 =	sadd.s32 $0xB480, s18;
	s0 =	sadd.s32 $0xC480, s18;
	v30 =	vand.u32 $0xFFFF0000, v2;
	v9 =	vadd.f32 v20, v9;
	v4 =	vadd.f32 v21, v7;
	[smem:$0x7BC] =	sst s23  }
0x1a2: {  	s30 =	simm.s32 $0x2280;
	v7 =	vadd.f32 v17, v10;
	v10 =	vadd.f32 v24, v11;
	s29 =	sor.u32 s21, s0;
	s23 =	rddreg [dreg:$0x11];
	v20 =	vadd.s32 $0x1, v25  }
0x1a3: {  	v6 =	vadd.f32 v22, v6;
	s14 =	smov.u32 s24;
	s24 =	smov.u32 s10;
	s10 =	sadd.s32 $0xBC80, s18;
	[tilespmem:s23+$0x0] =	vst v4;
	v4 =	vadd.f32 v13, v8;
	v13 =	vadd.s32 $0x2, v25  }
0x1a4: {  	v18 =	vshll.u32 v3, $0x10;
	v3 =	vadd.f32 v26, v12;
	[tilespmem:s15+$0x0] =	vst v16;
	s15 =	sor.u32 s21, s1;
	[smem:$0x7BE] =	sst s29;
	s29 =	simm.s32 $0x2180;
	v24 =	vadd.s32 $0x3, v25  }
0x1a5: {  	v5 =	vadd.f32 v29, v5;
	v26 =	vshll.u32 v2, $0x10;
	s1 =	sor.u32 s8, s1;
	[tilespmem:s25+$0x0] =	vst v9;
	s25 =	sor.u32 s8, s20;
	[smem:$0x7C3] =	sst s15;
	v31 =	vadd.s32 $0x7, v25;
	v45 =	vld.idx.msk [tilespmem:v25+s29+$0x0], $0xffff  }
0x1a6: {  	v19 =	vadd.f32 v30, v19;
	v18 =	vadd.f32 v26, v18;
	s15 =	sor.u32 s21, s7;
	[tilespmem:s12+$0x0] =	vst v3;
	s12 =	sor.u32 s21, s16;
	[smem:$0x7C7] =	sst s1;
	v33 =	vadd.s32 $0x7, v27;
	v32 =	vld.idx.msk [tilespmem:v27+s30+$0x0], $0xffff  }
0x1a7: {  	[smem:$0x7C6] =	sst s15;
	v3 =	vmul.u32 $0x9, v23;
	s15 =	sor.u32 s21, s20;
	s23 =	smov.u32 s22;
	v34 =	vadd.s32 $0x4, v25;
	v36 =	vadd.s32 $0x5, v25;
	v20 =	vld.idx.msk [tilespmem:v20+s29+$0x0], $0xffff  }
0x1a8: {  	[tilespmem:s28+$0x0] =	vst v15;
	s22 =	sor.u32 s21, s10;
	s20 =	sor.u32 s8, s10;
	s10 =	smov.u32 s12;
	v37 =	vadd.s32 $0x1, v27;
	v22 =	vadd.s32 $0x2, v27;
	v38 =	vadd.s32 $0x3, v27;
	v35 =	vld.idx.msk [tilespmem:v13+s29+$0x0], $0xffff  }
0x1a9: {  	s2 =	sor.u32 s21, s3;
	s13 =	sor.u32 s21, s26;
	[tilespmem:s31+$0x0] =	vst v7;
	v48 =	vadd.s32 $0x4, v27;
	[dreg:$0x11] =	wrdreg s10;
	v21 =	vadd.s32 $0x1, v3;
	v17 =	vadd.s32 $0x2, v3;
	v24 =	vld.idx.msk [tilespmem:v24+s29+$0x0], $0xffff  }
0x1aa: {  	s17 =	sor.u32 s21, s4;
	s31 =	smov.u32 s2;
	v23 =	vadd.s32 $0x3, v3;
	v15 =	vadd.s32 $0x4, v3;
	[tilespmem:s14+$0x0] =	vst v4;
	s14 =	sld [smem:$0x7BD];
	v2 =	vmul.u32 $0x9, v28;
	v31 =	vld.idx.msk [tilespmem:v31+s29+$0x0], $0xffff  }
0x1ab: {  	s1 =	sor.u32 s8, s5;
	s10 =	smov.u32 s17;
	s17 =	sld [smem:$0x7BE];
	v16 =	vadd.s32 $0x5, v3;
	v12 =	vadd.s32 $0x6, v3;
	v25 =	vadd.s32 $0x6, v25;
	v46 =	vld.idx.msk [tilespmem:v33+s30+$0x0], $0xffff  }
0x1ac: {  	s5 =	sor.u32 s8, s6;
	[tilespmem:s24+$0x0] =	vst v10;
	s12 =	smov.u32 s13;
	s13 =	sld [smem:$0x7BF];
	v14 =	vadd.s32 $0x7, v3;
	v10 =	vadd.s32 $0x1, v2;
	v11 =	vadd.s32 $0x2, v2;
	v34 =	vld.idx.msk [tilespmem:v34+s29+$0x0], $0xffff  }
0x1ad: {  	s6 =	sor.u32 s8, s7;
	s7 =	sor.u32 s8, s9;
	s9 =	sor.u32 s8, s4;
	v7 =	vadd.s32 $0x3, v2;
	v9 =	vadd.s32 $0x4, v2;
	v8 =	vadd.s32 $0x5, v2;
	[tilespmem:s14+$0x0] =	vst v6;
	v6 =	vld.idx.msk [tilespmem:v36+s29+$0x0], $0xffff  }
0x1ae: {  	s4 =	smov.u32 s17;
	s17 =	sld [smem:$0x7C0];
	v13 =	vadd.s32 $0x6, v2;
	v4 =	vadd.s32 $0x7, v2;
	v37 =	vld.idx.msk [tilespmem:v37+s30+$0x0], $0xffff;
	s14 =	sadd.s32 $0xCC80, s18;
	v47 =	vshll.u32 v45, $0x10  }
0x1af: {  	[tilespmem:s13+$0x0] =	vst v5;
	v26 =	vld.idx.msk [tilespmem:v38+s30+$0x0], $0xffff;
	s13 =	sor.u32 s21, s14;
	s2 =	sor.u32 s8, s14;
	s14 =	sld [smem:$0x7C2];
	v28 =	vand.u32 $0xFFFF0000, v45;
	v39 =	vshll.u32 v32, $0x10;
	v32 =	vand.u32 $0xFFFF0000, v32  }
0x1b0: {  	s19 =	sadd.s32 $0xAC80, s18;
	s18 =	sld [smem:$0x7C1];
	v5 =	vld.idx.msk [tilespmem:v25+s29+$0x0], $0xffff;
	v25 =	vadd.s32 $0x5, v27;
	v27 =	vadd.s32 $0x6, v27;
	v40 =	vshll.u32 v20, $0x10  }
0x1b1: {  	v36 =	vld.idx.msk [tilespmem:v48+s30+$0x0], $0xffff;
	[tilespmem:s17+$0x5480] =	vst v18;
	v20 =	vand.u32 $0xFFFF0000, v20;
	v41 =	vshll.u32 v35, $0x10;
	v35 =	vand.u32 $0xFFFF0000, v35  }
0x1b2: {  	v22 =	vld.idx.msk [tilespmem:v22+s30+$0x0], $0xffff;
	[tilespmem:s14+$0x0] =	vst v19;
	v42 =	vshll.u32 v24, $0x10;
	v24 =	vand.u32 $0xFFFF0000, v24;
	v43 =	vshll.u32 v31, $0x10  }
0x1b3: {  	s3 =	sor.u32 s8, s3;
	s17 =	smov.u32 s18;
	s18 =	sld [smem:$0x7C3];
	v49 =	vshll.u32 v46, $0x10;
	v31 =	vand.u32 $0xFFFF0000, v31;
	v29 =	vand.u32 $0xFFFF0000, v46;
	v55 =	vld.idx.msk [tilespmem:v17+s29+$0x0], $0xffff  }
0x1b4: {  	s26 =	sor.u32 s8, s26;
	s0 =	sor.u32 s8, s0;
	s28 =	sor.u32 s21, s19;
	v50 =	vshll.u32 v34, $0x10;
	v34 =	vand.u32 $0xFFFF0000, v34;
	v56 =	vld.idx.msk [tilespmem:v23+s29+$0x0], $0xffff;
	v29 =	vadd.f32 v29, v31  }
0x1b5: {  	s11 =	sor.u32 s8, s11;
	s19 =	sor.u32 s8, s19;
	s16 =	sor.u32 s8, s16;
	v53 =	vshll.u32 v37, $0x10;
	v54 =	vand.u32 $0xFFFF0000, v37;
	v30 =	vadd.f32 v49, v43;
	v18 =	vld.idx.msk [tilespmem:v25+s30+$0x0], $0xffff  }
0x1b6: {  	s8 =	sld [smem:$0x7C5];
	v23 =	vand.u32 $0xFFFF0000, v26;
	v57 =	vand.u32 $0xFFFF0000, v36;
	s21 =	smov.u32 s18;
	v17 =	vadd.f32 v53, v40;
	s18 =	simm.s32 $0x2180;
	v19 =	vld.idx.msk [tilespmem:v27+s30+$0x0], $0xffff;
	[tilespmem:s2+$0x0] =	vst v29  }
0x1b7: {  	s14 =	sld [smem:$0x7C7];
	v20 =	vadd.f32 v54, v20;
	v58 =	vld.idx.msk [tilespmem:v16+s18+$0x0], $0xffff;
	v25 =	vshll.u32 v6, $0x10;
	v27 =	vadd.f32 v39, v47;
	[tilespmem:s0+$0x0] =	vst v30  }
0x1b8: {  	v51 =	vshll.u32 v5, $0x10;
	v52 =	vand.u32 $0xFFFF0000, v5;
	v5 =	vld.idx.msk [tilespmem:v21+s29+$0x0], $0xffff;
	v21 =	vadd.f32 v32, v28;
	[tilespmem:s1+$0x0] =	vst v17  }
0x1b9: {  	v63 =	vld.idx.msk [tilespmem:v14+s18+$0x0], $0xffff;
	v6 =	vand.u32 $0xFFFF0000, v6;
	v14 =	vand.u32 $0xFFFF0000, v56;
	[tilespmem:s8+$0x5480] =	vst v27;
	v27 =	vshll.u32 v22, $0x10  }
0x1ba: {  	[smem:$0x7C8] =	sst s25;
	v22 =	vand.u32 $0xFFFF0000, v22;
	[tilespmem:s14+$0x0] =	vst v21;
	v21 =	vshll.u32 v26, $0x10;
	v26 =	vld.idx.msk [tilespmem:v15+s18+$0x0], $0xffff;
	v15 =	vadd.f32 v27, v41  }
0x1bb: {  	s25 =	smov.u32 s28;
	s28 =	sld [smem:$0x7BB];
	v60 =	vld.idx.msk [tilespmem:v12+s18+$0x0], $0xffff;
	[tilespmem:s5+$0x0] =	vst v20;
	v27 =	vshll.u32 v36, $0x10;
	v16 =	vadd.f32 v22, v35;
	v12 =	vadd.f32 v21, v42  }
0x1bc: {  	s24 =	smov.u32 s22;
	s18 =	sld [smem:$0x7C8];
	v20 =	vshll.u32 v18, $0x10;
	[tilespmem:s6+$0x0] =	vst v15;
	v61 =	vshll.u32 v19, $0x10;
	v62 =	vand.u32 $0xFFFF0000, v19  }
0x1bd: {  	s22 =	smov.u32 s23;
	s23 =	smov.u32 s15;
	s15 =	sld [smem:$0x7BC];
	v19 =	vshll.u32 v5, $0x10;
	v17 =	vand.u32 $0xFFFF0000, v5;
	[tilespmem:s7+$0x0] =	vst v16;
	v5 =	vadd.f32 v23, v24  }
0x1be: {  	s2 =	sld [smem:$0x7C4];
	v59 =	vand.u32 $0xFFFF0000, v18;
	v24 =	vld.idx.msk [tilespmem:v10+s30+$0x0], $0xffff;
	v18 =	vshll.u32 v55, $0x10;
	v10 =	vadd.f32 v27, v50;
	[tilespmem:s11+$0x0] =	vst v12  }
.Ltmp4:
0x1bf: {  	s29 =	sld [smem:$0x7C6];
	v22 =	vld.idx.msk [tilespmem:v7+s30+$0x0], $0xffff;
	v15 =	vand.u32 $0xFFFF0000, v55;
	v16 =	vshll.u32 v56, $0x10;
	v25 =	vadd.f32 v20, v25;
	[tilespmem:s18+$0x0] =	vst v5;
	(pc) =	sbr.rel @p0 .LBB2_11-.Ltmp4, $4  }
0x1c0: {  	s1 =	rddreg [dreg:$0x1c];
	v23 =	vld.idx.msk [tilespmem:v11+s30+$0x0], $0xffff;
	v11 =	vshll.u32 v60, $0x10;
	v27 =	vadd.f32 v59, v6;
	v6 =	vshll.u32 v63, $0x10;
	[tilespmem:s26+$0x0] =	vst v10;
	s26 =	simm.s32 $0x2280  }
0x1c1: {  	s8 =	rddreg [dreg:$0x17];
	v5 =	vadd.f32 v57, v34;
	v10 =	vshll.u32 v58, $0x10;
	v12 =	vshll.u32 v26, $0x10;
	v21 =	vld.idx.msk [tilespmem:v9+s26+$0x0], $0xffff;
	[tilespmem:s3+$0x0] =	vst v25  }
0x1c2: {  	s1 =	sadd.s32 $0x100, s1;
	s14 =	simm.s32 $0x2180;
	s30 =	sld [smem:$0x7C9];
	v7 =	vand.u32 $0xFFFF0000, v26;
	v9 =	vand.u32 $0xFFFF0000, v58;
	v20 =	vld.idx.msk [tilespmem:v8+s26+$0x0], $0xffff;
	v8 =	vand.u32 $0xFFFF0000, v60;
	[tilespmem:s19+$0x0] =	vst v27  }
0x1c3: {  	s0 =	sadd.s32 $0x20, s8;
	s2 =	sadd.s32 $0x10, s2;
	v26 =	vadd.f32 v61, v51;
	v13 =	vld.idx.msk [tilespmem:v13+s26+$0x0], $0xffff;
	s19 =	sld [smem:$0x7CA];
	v25 =	vadd.f32 v62, v52;
	[tilespmem:s16+$0x0] =	vst v5;
	v5 =	vand.u32 $0xFFFF0000, v63  }
0x1c4: {  	_ =	sdelay $0x2  }
0x1c5: {  	v27 =	vshll.u32 v24, $0x10  }
0x1c6: {  	v4 =	vld.idx.msk [tilespmem:v4+s26+$0x0], $0xffff;
	v24 =	vand.u32 $0xFFFF0000, v24;
	[tilespmem:s9+$0x0] =	vst v26;
	v19 =	vadd.f32 v27, v19  }
0x1c7: {  	s5 =	simm.s32 $0x2180;
	v2 =	vld.idx.msk [tilespmem:v2+s26+$0x0], $0xffff;
	v26 =	vshll.u32 v23, $0x10;
	v17 =	vadd.f32 v24, v17;
	[tilespmem:s20+$0x0] =	vst v25  }
0x1c8: {  	v3 =	vld.idx.msk [tilespmem:v3+s5+$0x0], $0xffff;
	v23 =	vand.u32 $0xFFFF0000, v23;
	v18 =	vadd.f32 v26, v18;
	[tilespmem:s30+$0x0] =	vst v19  }
0x1c9: {  	v15 =	vadd.f32 v23, v15;
	v19 =	vshll.u32 v22, $0x10;
	[tilespmem:s19+$0x0] =	vst v17  }
0x1ca: {  	v17 =	vand.u32 $0xFFFF0000, v22;
	v16 =	vadd.f32 v19, v16;
	[tilespmem:s29+$0x0] =	vst v18  }
0x1cb: {  	v18 =	vshll.u32 v21, $0x10;
	v14 =	vadd.f32 v17, v14;
	[tilespmem:s28+$0x0] =	vst v15  }
0x1cc: {  	v12 =	vadd.f32 v18, v12;
	[tilespmem:s15+$0x0] =	vst v16  }
0x1cd: {  	v15 =	vand.u32 $0xFFFF0000, v21;
	[tilespmem:s23+$0x0] =	vst v14  }
0x1ce: {  	v16 =	vshll.u32 v20, $0x10;
	v7 =	vadd.f32 v15, v7;
	[tilespmem:s12+$0x0] =	vst v12  }
0x1cf: {  	v14 =	vand.u32 $0xFFFF0000, v20;
	v10 =	vadd.f32 v16, v10;
	s0 =	rddreg [dreg:$0x11]  }
0x1d0: {  	v12 =	vshll.u32 v13, $0x10;
	v9 =	vadd.f32 v14, v9;
	[tilespmem:s0+$0x0] =	vst v7  }
0x1d1: {  	v11 =	vadd.f32 v12, v11;
	v7 =	vand.u32 $0xFFFF0000, v13;
	[tilespmem:s31+$0x0] =	vst v10  }
0x1d2: {  	v10 =	vshll.u32 v4, $0x10;
	v7 =	vadd.f32 v7, v8;
	[tilespmem:s25+$0x0] =	vst v9  }
0x1d3: {  	v4 =	vand.u32 $0xFFFF0000, v4;
	v6 =	vadd.f32 v10, v6;
	[tilespmem:s10+$0x0] =	vst v11  }
0x1d4: {  	v4 =	vadd.f32 v4, v5;
	[tilespmem:s24+$0x0] =	vst v7  }
0x1d5: {  	[tilespmem:s4+$0x0] =	vst v6  }
0x1d6: {  	v8 =	vshll.u32 v3, $0x10;
	v9 =	vshll.u32 v2, $0x10;
	s2 =	sld [smem:$0x7CB];
	[tilespmem:s13+$0x0] =	vst v4  }
0x1d7: {  	v3 =	vand.u32 $0xFFFF0000, v3;
	v2 =	vand.u32 $0xFFFF0000, v2;
	v5 =	vadd.f32 v9, v8;
	s1 =	sld [smem:$0x7F0]  }
0x1d8: {  	v2 =	vadd.f32 v2, v3  }
0x1d9: {  	s3 =	simm.s32 $0x5480;
	[tilespmem:s17+$0x5480] =	vst v5;
	s20 =	sshll.u32 s2, $0xC  }
0x1da: {  	s23 =	rddreg [dreg:$0x3];
	s25 =	simm.s32 $0x10000;
	[tilespmem:s21+$0x0] =	vst v2;
	s0 =	sadd.s32 s1, s20  }
0x1db: {  	s24 =	simm.s32 $0x800;
	s1 =	sld [smem:$0x7F7];
	s0 =	sshrl.u32 s0, $0x3  }
0x1dc: {  	s22 =	sshll.u32 s2, $0x4;
	s2 =	sld [smem:$0x7EB];
	s0 =	sadd.s32 s23, s0  }
0x1dd: {  	[hbm4b:s0+s24] =	stream.strided.scatter [tilespmem:s3], [sflag:$0x3], $0x8000, s25, s24, $0x38;
	[tilespmem:$0x15480] =	vst v63  }
0x1de: {  	s0 =	sadd.s32 s22, s1  }
0x1df: {  	s0 =	sshll.u32 s0, $0x8  }
0x1e0: {  	s7 =	rddreg [dreg:$0x1];
	s0 =	sadd.s32 s2, s0  }
0x1e1: {  	s6 =	simm.s32 $0x3480;
	s3 =	rddreg [dreg:$0x0];
	s0 =	sshrl.u32 s0, $0x3  }
0x1e2: {  	s8 =	simm.s32 $0x4480;
	s4 =	simm.s32 $0x0;
	s1 =	sadd.s32 s3, s0  }
0x1e3: {  	[tilespmem:s6], [sflag:$0x1] =	stream.linear.gather [hbm4b:s1+s4], $0x800, $0x38;
	[tilespmem:$0x15480] =	vst v63  }
0x1e4: {  	s9 =	simm.s32 $0x2;
	[smem:$0x7B9] =	sst s22;
	s0 =	sadd.s32 s7, s0  }
0x1e5: {  	[tilespmem:s8], [sflag:$0x1] =	stream.linear.gather [hbm4b:s0+s4], $0x800, $0x38;
	[tilespmem:$0x15480] =	vst v63  }
0x1e6: {  	_ =	swait.ge [sflag:s9], $0x800  }
0x1e7: {  	[sflag:s9] =	ssyncset.done $0x0  }
0x1e8: {  	[sflag:s9] =	ssyncadd.s32 $0xFFFFF800  }
0x1e9: {  	_ =	swait.ge [sflag:s9], $0x800  }
0x1ea: {  	[sflag:s9] =	ssyncset.done $0x0  }
0x1eb: {  	s10 =	simm.s32 $0x4;
	s11 =	sand.u32 $0x400, s4;
	[sflag:s9] =	ssyncadd.s32 $0xFFFFF800  }
0x1ec: {  	s12 =	sand.u32 $0x380, s4;
	s3 =	sand.u32 $0x60, s4;
	_ =	swait.ge [sflag:s10], $0x8000  }
0x1ed: {  	s0 =	sor.u32 s12, s11;
	s8 =	sor.u32 $0x10, s3;
	[sflag:s10] =	ssyncset.done $0x0  }
0x1ee: {  	s13 =	sor.u32 s8, s0;
	[sflag:s10] =	ssyncadd.s32 $0xFFFF8000  }
0x1ef: {  	v2 =	vld [tilespmem:s13+$0x3C80]  }
0x1f0: {  	v3 =	vld [tilespmem:s13+$0x4C80];
	_ =	sdelay $0x2  }
0x1f1: {  	s22 =	sor.u32 s3, s0  }
0x1f2: {  	v4 =	vld [tilespmem:s22+$0x3C80];
	v5 =	vmul.u32 $0x9, v2  }
0x1f3: {  	v9 =	vmul.u32 $0x9, v3;
	_ =	sdelay $0x1  }
0x1f4: {  	v6 =	vadd.s32 $0x1, v5  }
0x1f5: {  	v7 =	vadd.s32 $0x2, v5  }
0x1f6: {  	v2 =	vld [tilespmem:s22+$0x4C80];
	v3 =	vmul.u32 $0x9, v4;
	v4 =	vadd.s32 $0x3, v5  }
0x1f7: {  	v8 =	vadd.s32 $0x7, v5;
	v10 =	vld.idx.msk [tilespmem:v5+s5+$0x0], $0xffff  }
0x1f8: {  	v13 =	vadd.s32 $0x7, v9;
	v12 =	vld.idx.msk [tilespmem:v9+s26+$0x0], $0xffff  }
0x1f9: {  	v17 =	vadd.s32 $0x4, v5;
	v16 =	vld.idx.msk [tilespmem:v6+s5+$0x0], $0xffff  }
0x1fa: {  	v21 =	vadd.s32 $0x5, v5;
	v20 =	vld.idx.msk [tilespmem:v7+s5+$0x0], $0xffff  }
0x1fb: {  	v25 =	vadd.s32 $0x6, v5;
	v24 =	vld.idx.msk [tilespmem:v4+s5+$0x0], $0xffff  }
0x1fc: {  	v29 =	vadd.s32 $0x1, v9;
	v28 =	vld.idx.msk [tilespmem:v8+s5+$0x0], $0xffff  }
0x1fd: {  	v30 =	vadd.s32 $0x2, v9;
	v13 =	vld.idx.msk [tilespmem:v13+s26+$0x0], $0xffff  }
0x1fe: {  	v11 =	vadd.s32 $0x1, v3;
	v14 =	vadd.s32 $0x2, v3;
	v31 =	vadd.s32 $0x3, v9;
	v17 =	vld.idx.msk [tilespmem:v17+s5+$0x0], $0xffff  }
0x1ff: {  	v15 =	vadd.s32 $0x3, v3;
	v18 =	vadd.s32 $0x4, v3;
	v33 =	vadd.s32 $0x4, v9;
	v21 =	vld.idx.msk [tilespmem:v21+s5+$0x0], $0xffff  }
0x200: {  	v19 =	vadd.s32 $0x5, v3;
	v35 =	vadd.s32 $0x5, v9;
	v9 =	vadd.s32 $0x6, v9;
	v25 =	vld.idx.msk [tilespmem:v25+s5+$0x0], $0xffff  }
0x201: {  	v22 =	vadd.s32 $0x6, v3;
	v23 =	vadd.s32 $0x7, v3;
	v2 =	vmul.u32 $0x9, v2;
	v29 =	vld.idx.msk [tilespmem:v29+s26+$0x0], $0xffff  }
0x202: {  	v30 =	vld.idx.msk [tilespmem:v30+s26+$0x0], $0xffff;
	v32 =	vshll.u32 v10, $0x10;
	v10 =	vand.u32 $0xFFFF0000, v10;
	v39 =	vshll.u32 v28, $0x10  }
0x203: {  	s20 =	sadd.s32 $0x14C80, s0;
	v31 =	vld.idx.msk [tilespmem:v31+s26+$0x0], $0xffff;
	v40 =	vshll.u32 v13, $0x10;
	v28 =	vand.u32 $0xFFFF0000, v28;
	v13 =	vand.u32 $0xFFFF0000, v13  }
0x204: {  	v33 =	vld.idx.msk [tilespmem:v33+s26+$0x0], $0xffff;
	[smem:$0x7BA] =	sst s20;
	v34 =	vshll.u32 v12, $0x10;
	v12 =	vand.u32 $0xFFFF0000, v12;
	v13 =	vadd.f32 v13, v28  }
0x205: {  	s1 =	sadd.s32 $0x14480, s0;
	s2 =	sor.u32 s8, s20;
	v9 =	vld.idx.msk [tilespmem:v9+s26+$0x0], $0xffff;
	v53 =	vshll.u32 v21, $0x10;
	v54 =	vand.u32 $0xFFFF0000, v21;
	v21 =	vadd.f32 v40, v39  }
0x206: {  	s23 =	sor.u32 s8, s1;
	v41 =	vshll.u32 v17, $0x10;
	v42 =	vand.u32 $0xFFFF0000, v17;
	v17 =	vld.idx.msk [tilespmem:v35+s26+$0x0], $0xffff;
	v32 =	vadd.f32 v34, v32;
	[tilespmem:s2+$0x0] =	vst v13  }
0x207: {  	s11 =	sadd.s32 $0xDC80, s0;
	v36 =	vshll.u32 v16, $0x10;
	v10 =	vadd.f32 v12, v10;
	v12 =	vshll.u32 v29, $0x10;
	[tilespmem:s23+$0x0] =	vst v21  }
0x208: {  	s15 =	sadd.s32 $0xE480, s0;
	s18 =	sor.u32 s8, s11;
	v11 =	vld.idx.msk [tilespmem:v11+s5+$0x0], $0xffff;
	v16 =	vand.u32 $0xFFFF0000, v16;
	v12 =	vadd.f32 v12, v36;
	v13 =	vand.u32 $0xFFFF0000, v29;
	[tilespmem:s13+$0xD480] =	vst v32  }
0x209: {  	s17 =	sadd.s32 $0xEC80, s0;
	s25 =	sor.u32 s8, s15;
	v14 =	vld.idx.msk [tilespmem:v14+s5+$0x0], $0xffff;
	v37 =	vshll.u32 v20, $0x10;
	v21 =	vshll.u32 v30, $0x10;
	[tilespmem:s18+$0x0] =	vst v10;
	v10 =	vadd.f32 v13, v16  }
0x20a: {  	s14 =	sadd.s32 $0xF480, s0;
	v57 =	vld.idx.msk [tilespmem:v15+s5+$0x0], $0xffff;
	v20 =	vand.u32 $0xFFFF0000, v20;
	v56 =	vand.u32 $0xFFFF0000, v30;
	s2 =	sor.u32 s8, s17;
	[tilespmem:s25+$0x0] =	vst v12;
	v12 =	vadd.f32 v21, v37  }
0x20b: {  	s29 =	simm.s32 $0x0;
	s21 =	sadd.s32 $0xFC80, s0;
	v26 =	vadd.s32 $0x1, v2;
	v58 =	vld.idx.msk [tilespmem:v18+s5+$0x0], $0xffff;
	s13 =	sor.u32 s8, s14;
	[tilespmem:s2+$0x0] =	vst v10;
	v10 =	vadd.f32 v56, v20  }
0x20c: {  	s6 =	sadd.s32 $0x11C80, s0;
	s31 =	sor.u32 s3, s14;
	v59 =	vld.idx.msk [tilespmem:v19+s5+$0x0], $0xffff;
	v38 =	vshll.u32 v24, $0x10;
	s14 =	sor.u32 s8, s21;
	v13 =	vshll.u32 v31, $0x10;
	[tilespmem:s13+$0x0] =	vst v12  }
0x20d: {  	s16 =	sadd.s32 $0x10480, s0;
	s30 =	sor.u32 s3, s21;
	v27 =	vadd.s32 $0x2, v2;
	v61 =	vld.idx.msk [tilespmem:v22+s5+$0x0], $0xffff;
	s21 =	sor.u32 s3, s6;
	v12 =	vadd.f32 v13, v38;
	[tilespmem:s14+$0x0] =	vst v10  }
0x20e: {  	s9 =	sadd.s32 $0x12480, s0;
	v8 =	vadd.s32 $0x3, v2;
	v63 =	vld.idx.msk [tilespmem:v23+s5+$0x0], $0xffff;
	v24 =	vand.u32 $0xFFFF0000, v24;
	v15 =	vand.u32 $0xFFFF0000, v31;
	s18 =	sor.u32 s8, s16;
	[dreg:$0x14] =	wrdreg s21  }
0x20f: {  	s24 =	sadd.s32 $0x10C80, s0;
	s4 =	sadd.s32 $0x12C80, s0;
	v62 =	vand.u32 $0xFFFF0000, v9;
	v13 =	vshll.u32 v9, $0x10;
	v9 =	vadd.f32 v15, v24;
	s13 =	sor.u32 s3, s9;
	[tilespmem:s18+$0x0] =	vst v12  }
0x210: {  	s28 =	sor.u32 s3, s24;
	s24 =	sor.u32 s8, s24;
	v7 =	vadd.s32 $0x4, v2;
	v6 =	vadd.s32 $0x5, v2;
	v16 =	vshll.u32 v33, $0x10;
	v24 =	vld.idx.msk [tilespmem:v26+s26+$0x0], $0xffff;
	[dreg:$0xf] =	wrdreg s13  }
0x211: {  	s7 =	sadd.s32 $0x11480, s0;
	s10 =	sadd.s32 $0x13480, s0;
	v5 =	vadd.s32 $0x6, v2;
	v4 =	vadd.s32 $0x7, v2;
	v10 =	vadd.f32 v16, v41;
	s14 =	sor.u32 s3, s4;
	[tilespmem:s24+$0x0] =	vst v9  }
0x212: {  	v55 =	vshll.u32 v25, $0x10;
	v25 =	vand.u32 $0xFFFF0000, v25;
	v21 =	vand.u32 $0xFFFF0000, v33;
	s2 =	sor.u32 s3, s7;
	s7 =	sor.u32 s8, s7;
	[dreg:$0xb] =	wrdreg s14  }
0x213: {  	s19 =	sor.u32 s3, s17;
	s20 =	sor.u32 s3, s16;
	v19 =	vshll.u32 v11, $0x10;
	v18 =	vshll.u32 v14, $0x10;
	s16 =	sor.u32 s3, s10;
	v9 =	vadd.f32 v21, v42;
	[tilespmem:s7+$0x0] =	vst v10  }
0x214: {  	s0 =	sadd.s32 $0x13C80, s0;
	v60 =	vand.u32 $0xFFFF0000, v17;
	s6 =	sor.u32 s8, s6;
	v25 =	vadd.f32 v62, v25;
	v20 =	vshll.u32 v17, $0x10;
	v23 =	vld.idx.msk [tilespmem:v27+s26+$0x0], $0xffff;
	[dreg:$0x8] =	wrdreg s16  }
0x215: {  	s17 =	sor.u32 s8, s9;
	s23 =	sor.u32 s3, s11;
	s25 =	sor.u32 s3, s15;
	v17 =	vand.u32 $0xFFFF0000, v11;
	v11 =	vshll.u32 v61, $0x10;
	v15 =	vand.u32 $0xFFFF0000, v14;
	[tilespmem:s6+$0x0] =	vst v9  }
0x216: {  	v14 =	vand.u32 $0xFFFF0000, v57;
	v16 =	vshll.u32 v57, $0x10;
	s21 =	sor.u32 s8, s0;
	s0 =	sor.u32 s3, s0;
	v26 =	vadd.f32 v20, v53;
	v22 =	vld.idx.msk [tilespmem:v8+s26+$0x0], $0xffff;
	s24 =	sld [smem:$0x7BA]  }
0x217: {  	s15 =	simm.s32 $0x2180;
	s4 =	sor.u32 s8, s4;
	v12 =	vshll.u32 v58, $0x10;
	v10 =	vshll.u32 v59, $0x10;
	v27 =	vadd.f32 v60, v54;
	v21 =	vld.idx.msk [tilespmem:v7+s26+$0x0], $0xffff;
	[dreg:$0xa] =	wrdreg s0  }
0x218: {  	s18 =	sor.u32 s8, s10;
	s10 =	sor.u32 s3, s1;
	s13 =	simm.s32 $0x100;
	v8 =	vand.u32 $0xFFFF0000, v58;
	v9 =	vand.u32 $0xFFFF0000, v59;
	v7 =	vand.u32 $0xFFFF0000, v61;
	v20 =	vld.idx.msk [tilespmem:v6+s26+$0x0], $0xffff;
	[tilespmem:s17+$0x0] =	vst v26  }
0x219: {  	s14 =	simm.s32 $0x10;
	s16 =	simm.s32 $0x20;
	v26 =	vadd.f32 v13, v55;
	v13 =	vld.idx.msk [tilespmem:v5+s26+$0x0], $0xffff;
	v6 =	vshll.u32 v63, $0x10;
	v5 =	vand.u32 $0xFFFF0000, v63;
	[tilespmem:s4+$0x0] =	vst v27;
	s8 =	sor.u32 s3, s24  }
.LBB2_13:
0x21a: {  	[smem:$0x7AC] =	sst s10  }
0x21b: {  	[smem:$0x7AE] =	sst s22  }
0x21c: {  	[smem:$0x7B0] =	sst s23  }
0x21d: {  	[smem:$0x7AD] =	sst s8;
	s8 =	sand.u32 $0x60, s16  }
0x21e: {  	s0 =	sand.u32 $0x400, s13;
	s1 =	sand.u32 $0x380, s14;
	s24 =	sadd.s32 $0x2, s29  }
0x21f: {  	v4 =	vld.idx.msk [tilespmem:v4+s26+$0x0], $0xffff;
	[tilespmem:s18+$0x0] =	vst v26;
	s26 =	sor.u32 s1, s0;
	s9 =	sor.u32 $0x10, s8;
	s18 =	simm.s32 $0x2280  }
0x220: {  	s4 =	sor.u32 s8, s26;
	s1 =	sadd.s32 $0xDC80, s26;
	s3 =	sor.u32 s9, s26  }
0x221: {  	[tilespmem:s21+$0x0] =	vst v25;
	v27 =	vshll.u32 v24, $0x10;
	v24 =	vand.u32 $0xFFFF0000, v24;
	v2 =	vld.idx.msk [tilespmem:v2+s18+$0x0], $0xffff;
	s6 =	sadd.s32 $0xEC80, s26;
	s7 =	sadd.s32 $0xF480, s26;
	[smem:$0x7B3] =	sst s3  }
0x222: {  	s11 =	sadd.s32 $0xFC80, s26;
	v19 =	vadd.f32 v27, v19;
	v17 =	vadd.f32 v24, v17;
	v25 =	vld [tilespmem:s3+$0x3C80];
	[smem:$0x7AF] =	sst s4;
	s12 =	sor.u32 s8, s1;
	v26 =	vshll.u32 v23, $0x10  }
0x223: {  	s18 =	sadd.s32 $0x10C80, s26;
	v27 =	vld [tilespmem:s3+$0x4C80];
	s22 =	sor.u32 s8, s6;
	v23 =	vand.u32 $0xFFFF0000, v23;
	v24 =	vshll.u32 v22, $0x10;
	v22 =	vand.u32 $0xFFFF0000, v22;
	[smem:$0x7B1] =	sst s12  }
0x224: {  	v3 =	vld.idx.msk [tilespmem:v3+s15+$0x0], $0xffff;
	s21 =	sadd.s32 $0x11480, s26;
	s23 =	sor.u32 s8, s11;
	[smem:$0x7B8] =	sst s22;
	v18 =	vadd.f32 v26, v18;
	v26 =	vshll.u32 v21, $0x10;
	v21 =	vand.u32 $0xFFFF0000, v21  }
0x225: {  	s0 =	sadd.s32 $0x12C80, s26;
	[smem:$0x7B4] =	sst s23;
	s12 =	sor.u32 s8, s21;
	[tilespmem:s19+$0x0] =	vst v17;
	v15 =	vadd.f32 v23, v15;
	v17 =	vshll.u32 v20, $0x10;
	v20 =	vand.u32 $0xFFFF0000, v20  }
0x226: {  	s10 =	sadd.s32 $0x13480, s26;
	s15 =	sadd.s32 $0x13C80, s26;
	[tilespmem:s25+$0x0] =	vst v19;
	v16 =	vadd.f32 v24, v16;
	v24 =	vshll.u32 v13, $0x10;
	v13 =	vand.u32 $0xFFFF0000, v13;
	[smem:$0x7B2] =	sst s12  }
0x227: {  	v14 =	vadd.f32 v22, v14;
	v22 =	vshll.u32 v4, $0x10;
	s25 =	sor.u32 s8, s7;
	s12 =	rddreg [dreg:$0x14];
	s7 =	sor.u32 s9, s7;
	v23 =	vld [tilespmem:s4+$0x3C80];
	[tilespmem:s31+$0x0] =	vst v18;
	v25 =	vmul.u32 $0x9, v25  }
0x228: {  	s3 =	sadd.s32 $0x12480, s26;
	s29 =	sor.u32 s8, s15;
	v29 =	vand.u32 $0xFFFF0000, v4;
	v4 =	vadd.f32 v21, v8;
	[smem:$0x7B5] =	sst s7;
	v28 =	vld [tilespmem:s4+$0x4C80];
	[tilespmem:s30+$0x0] =	vst v15;
	v27 =	vmul.u32 $0x9, v27  }
0x229: {  	s22 =	sor.u32 s8, s10;
	s19 =	sadd.s32 $0x11C80, s26;
	v19 =	vand.u32 $0xFFFF0000, v3;
	v8 =	vadd.f32 v17, v10;
	v9 =	vadd.f32 v20, v9;
	s7 =	rddreg [dreg:$0xb];
	[tilespmem:s28+$0x0] =	vst v14  }
0x22a: {  	v10 =	vadd.f32 v24, v11;
	v6 =	vadd.f32 v22, v6;
	s31 =	sor.u32 s8, s18;
	s18 =	sor.u32 s9, s18;
	[tilespmem:s12+$0x0] =	vst v4;
	s30 =	rddreg [dreg:$0xf];
	v20 =	vadd.s32 $0x1, v25  }
0x22b: {  	s23 =	sor.u32 s8, s19;
	v5 =	vadd.f32 v29, v5;
	s4 =	sadd.s32 $0x14480, s26;
	v4 =	vadd.f32 v13, v7;
	[tilespmem:s7+$0x0] =	vst v9;
	[smem:$0x7B6] =	sst s18;
	v13 =	vadd.s32 $0x2, v25  }
0x22c: {  	v18 =	vshll.u32 v3, $0x10;
	v3 =	vadd.f32 v26, v12;
	s28 =	sor.u32 s8, s0;
	s7 =	rddreg [dreg:$0x8];
	[tilespmem:s30+$0x0] =	vst v8;
	s30 =	simm.s32 $0x2180;
	v24 =	vadd.s32 $0x3, v25  }
0x22d: {  	v26 =	vshll.u32 v2, $0x10;
	v30 =	vand.u32 $0xFFFF0000, v2;
	s18 =	sor.u32 s9, s21;
	s21 =	rddreg [dreg:$0xa];
	[tilespmem:s7+$0x0] =	vst v10;
	s7 =	simm.s32 $0x2280;
	v31 =	vadd.s32 $0x7, v25;
	v45 =	vld.idx.msk [tilespmem:v25+s30+$0x0], $0xffff  }
0x22e: {  	v18 =	vadd.f32 v26, v18;
	v19 =	vadd.f32 v30, v19;
	[smem:$0x7B7] =	sst s18;
	s18 =	sor.u32 s9, s10;
	s10 =	smov.u32 s28;
	v33 =	vadd.s32 $0x7, v27;
	v32 =	vld.idx.msk [tilespmem:v27+s7+$0x0], $0xffff  }
0x22f: {  	[tilespmem:s2+$0x0] =	vst v3;
	s2 =	sor.u32 s8, s3;
	s12 =	sor.u32 s8, s4;
	v34 =	vadd.s32 $0x4, v25;
	v36 =	vadd.s32 $0x5, v25;
	[dreg:$0xb] =	wrdreg s10;
	v3 =	vmul.u32 $0x9, v23;
	v20 =	vld.idx.msk [tilespmem:v20+s30+$0x0], $0xffff  }
0x230: {  	[tilespmem:s21+$0x0] =	vst v4;
	s21 =	sor.u32 s9, s15;
	s15 =	smov.u32 s23;
	v37 =	vadd.s32 $0x1, v27;
	v22 =	vadd.s32 $0x2, v27;
	v38 =	vadd.s32 $0x3, v27;
	s10 =	sld [smem:$0x7AC];
	v35 =	vld.idx.msk [tilespmem:v13+s30+$0x0], $0xffff  }
0x231: {  	s23 =	smov.u32 s2;
	v48 =	vadd.s32 $0x4, v27;
	[dreg:$0x14] =	wrdreg s15;
	v2 =	vmul.u32 $0x9, v28;
	v21 =	vadd.s32 $0x1, v3;
	s7 =	sor.u32 s9, s3;
	v24 =	vld.idx.msk [tilespmem:v24+s30+$0x0], $0xffff  }
0x232: {  	v17 =	vadd.s32 $0x2, v3;
	v23 =	vadd.s32 $0x3, v3;
	v15 =	vadd.s32 $0x4, v3;
	s3 =	sor.u32 s9, s0;
	s0 =	sor.u32 s9, s4;
	s4 =	simm.s32 $0x2280;
	v31 =	vld.idx.msk [tilespmem:v31+s30+$0x0], $0xffff  }
0x233: {  	p0 =	slt.u32 s24, $0x7E;
	[tilespmem:s20+$0x0] =	vst v16;
	[dreg:$0xf] =	wrdreg s23;
	v16 =	vadd.s32 $0x5, v3;
	v12 =	vadd.s32 $0x6, v3;
	v25 =	vadd.s32 $0x6, v25;
	v46 =	vld.idx.msk [tilespmem:v33+s4+$0x0], $0xffff  }
0x234: {  	s15 =	smov.u32 s22;
	v14 =	vadd.s32 $0x7, v3;
	[tilespmem:s10+$0x0] =	vst v6;
	s10 =	smov.u32 s12;
	s12 =	sld [smem:$0x7AD];
	v10 =	vadd.s32 $0x1, v2;
	v11 =	vadd.s32 $0x2, v2;
	v34 =	vld.idx.msk [tilespmem:v34+s30+$0x0], $0xffff  }
0x235: {  	s23 =	smov.u32 s29;
	[dreg:$0x8] =	wrdreg s15;
	s15 =	simm.s32 $0x2280;
	v8 =	vadd.s32 $0x3, v2;
	v9 =	vadd.s32 $0x4, v2;
	v7 =	vadd.s32 $0x5, v2;
	v6 =	vld.idx.msk [tilespmem:v36+s30+$0x0], $0xffff  }
0x236: {  	s5 =	sadd.s32 $0xE480, s26;
	[dreg:$0xa] =	wrdreg s23;
	s23 =	simm.s32 $0x2280;
	v13 =	vadd.s32 $0x6, v2;
	v4 =	vadd.s32 $0x7, v2;
	v37 =	vld.idx.msk [tilespmem:v37+s15+$0x0], $0xffff;
	v47 =	vshll.u32 v45, $0x10  }
0x237: {  	s17 =	sadd.s32 $0x10480, s26;
	s29 =	smov.u32 s24;
	v26 =	vld.idx.msk [tilespmem:v38+s23+$0x0], $0xffff;
	[tilespmem:s12+$0x0] =	vst v5;
	s12 =	sld [smem:$0x7AE];
	v28 =	vand.u32 $0xFFFF0000, v45;
	v39 =	vshll.u32 v32, $0x10;
	v32 =	vand.u32 $0xFFFF0000, v32  }
0x238: {  	s24 =	sadd.s32 $0x14C80, s26;
	s26 =	simm.s32 $0x2280;
	s23 =	sld [smem:$0x7B0];
	v5 =	vld.idx.msk [tilespmem:v25+s30+$0x0], $0xffff;
	v25 =	vadd.s32 $0x5, v27;
	v27 =	vadd.s32 $0x6, v27;
	v40 =	vshll.u32 v20, $0x10  }
0x239: {  	v36 =	vld.idx.msk [tilespmem:v48+s26+$0x0], $0xffff;
	v20 =	vand.u32 $0xFFFF0000, v20;
	v41 =	vshll.u32 v35, $0x10;
	v35 =	vand.u32 $0xFFFF0000, v35  }
0x23a: {  	s1 =	sor.u32 s9, s1;
	s6 =	sor.u32 s9, s6;
	s22 =	simm.s32 $0x2280;
	[tilespmem:s12+$0xD480] =	vst v18;
	v42 =	vshll.u32 v24, $0x10;
	v24 =	vand.u32 $0xFFFF0000, v24;
	v43 =	vshll.u32 v31, $0x10  }
0x23b: {  	s11 =	sor.u32 s9, s11;
	s19 =	sor.u32 s9, s19;
	s20 =	sor.u32 s8, s5;
	v22 =	vld.idx.msk [tilespmem:v22+s22+$0x0], $0xffff;
	v49 =	vshll.u32 v46, $0x10;
	v31 =	vand.u32 $0xFFFF0000, v31;
	v29 =	vand.u32 $0xFFFF0000, v46;
	[tilespmem:s23+$0x0] =	vst v19  }
0x23c: {  	s5 =	sor.u32 s9, s5;
	[smem:$0x7AB] =	sst s20;
	s20 =	sor.u32 s8, s17;
	v50 =	vshll.u32 v34, $0x10;
	v34 =	vand.u32 $0xFFFF0000, v34;
	v29 =	vadd.f32 v29, v31;
	v55 =	vld.idx.msk [tilespmem:v17+s30+$0x0], $0xffff  }
0x23d: {  	s17 =	sor.u32 s9, s17;
	s2 =	sor.u32 s9, s24;
	s9 =	sld [smem:$0x7B3];
	v53 =	vshll.u32 v37, $0x10;
	v54 =	vand.u32 $0xFFFF0000, v37;
	v30 =	vadd.f32 v49, v43;
	v18 =	vld.idx.msk [tilespmem:v25+s26+$0x0], $0xffff  }
0x23e: {  	s15 =	sld [smem:$0x7AF];
	v57 =	vand.u32 $0xFFFF0000, v36;
	v17 =	vadd.f32 v53, v40;
	v20 =	vadd.f32 v54, v20;
	v19 =	vld.idx.msk [tilespmem:v27+s26+$0x0], $0xffff;
	[tilespmem:s2+$0x0] =	vst v29  }
0x23f: {  	v27 =	vadd.f32 v39, v47;
	v51 =	vshll.u32 v5, $0x10;
	v52 =	vand.u32 $0xFFFF0000, v5;
	v5 =	vld.idx.msk [tilespmem:v21+s30+$0x0], $0xffff;
	[tilespmem:s0+$0x0] =	vst v30  }
0x240: {  	s8 =	sor.u32 s8, s24;
	s24 =	sld [smem:$0x7B1];
	v56 =	vld.idx.msk [tilespmem:v23+s30+$0x0], $0xffff;
	v23 =	vand.u32 $0xFFFF0000, v26;
	v25 =	vshll.u32 v6, $0x10;
	v21 =	vadd.f32 v32, v28;
	[tilespmem:s5+$0x0] =	vst v17  }
0x241: {  	s22 =	smov.u32 s15;
	s15 =	sld [smem:$0x7B5];
	v58 =	vld.idx.msk [tilespmem:v16+s30+$0x0], $0xffff;
	v6 =	vand.u32 $0xFFFF0000, v6;
	[tilespmem:s9+$0xD480] =	vst v27;
	v27 =	vshll.u32 v22, $0x10;
	v22 =	vand.u32 $0xFFFF0000, v22  }
0x242: {  	s12 =	simm.s32 $0x2180;
	[tilespmem:s1+$0x0] =	vst v21;
	v21 =	vshll.u32 v26, $0x10;
	v26 =	vld.idx.msk [tilespmem:v15+s30+$0x0], $0xffff;
	v15 =	vadd.f32 v27, v41;
	v27 =	vshll.u32 v36, $0x10  }
0x243: {  	v60 =	vld.idx.msk [tilespmem:v12+s12+$0x0], $0xffff;
	[tilespmem:s6+$0x0] =	vst v20;
	v16 =	vadd.f32 v22, v35;
	v12 =	vadd.f32 v21, v42;
	v20 =	vshll.u32 v18, $0x10  }
0x244: {  	s23 =	smov.u32 s24;
	s24 =	sld [smem:$0x7B7];
	v63 =	vld.idx.msk [tilespmem:v14+s12+$0x0], $0xffff;
	[tilespmem:s15+$0x0] =	vst v15;
	v61 =	vshll.u32 v19, $0x10;
	v62 =	vand.u32 $0xFFFF0000, v19;
	v19 =	vshll.u32 v5, $0x10  }
0x245: {  	v17 =	vand.u32 $0xFFFF0000, v5;
	[tilespmem:s11+$0x0] =	vst v16;
	v5 =	vadd.f32 v23, v24;
	v24 =	vld.idx.msk [tilespmem:v10+s26+$0x0], $0xffff;
	v10 =	vadd.f32 v27, v50  }
0x246: {  	v14 =	vand.u32 $0xFFFF0000, v56;
	v21 =	vld.idx.msk [tilespmem:v9+s26+$0x0], $0xffff;
	v9 =	vand.u32 $0xFFFF0000, v58;
	[tilespmem:s17+$0x0] =	vst v12;
	s17 =	sld [smem:$0x7B6];
	v25 =	vadd.f32 v20, v25  }
.Ltmp5:
0x247: {  	v59 =	vand.u32 $0xFFFF0000, v18;
	v18 =	vshll.u32 v55, $0x10;
	v15 =	vand.u32 $0xFFFF0000, v55;
	[tilespmem:s24+$0x0] =	vst v10;
	(pc) =	sbr.rel @p0 .LBB2_13-.Ltmp5, $4  }
0x248: {  	s28 =	smov.u32 s31;
	s31 =	smov.u32 s25;
	s25 =	sld [smem:$0x7AB];
	v23 =	vld.idx.msk [tilespmem:v11+s26+$0x0], $0xffff;
	v16 =	vshll.u32 v56, $0x10;
	v11 =	vshll.u32 v60, $0x10;
	v27 =	vadd.f32 v59, v6;
	[tilespmem:s7+$0x0] =	vst v25  }
0x249: {  	s2 =	sld [smem:$0x7B2];
	v20 =	vld.idx.msk [tilespmem:v7+s26+$0x0], $0xffff;
	v7 =	vand.u32 $0xFFFF0000, v60;
	v6 =	vshll.u32 v63, $0x10;
	[tilespmem:s17+$0x0] =	vst v5;
	v5 =	vadd.f32 v57, v34  }
0x24a: {  	s16 =	sadd.s32 $0x20, s16;
	s13 =	sadd.s32 $0x100, s13;
	s30 =	sld [smem:$0x7B4];
	v22 =	vld.idx.msk [tilespmem:v8+s26+$0x0], $0xffff;
	v10 =	vshll.u32 v58, $0x10;
	v12 =	vshll.u32 v26, $0x10;
	v8 =	vand.u32 $0xFFFF0000, v26;
	[tilespmem:s3+$0x0] =	vst v27  }
0x24b: {  	s14 =	sadd.s32 $0x10, s14;
	v13 =	vld.idx.msk [tilespmem:v13+s26+$0x0], $0xffff;
	s15 =	simm.s32 $0x2180;
	v26 =	vadd.f32 v61, v51;
	v25 =	vadd.f32 v62, v52;
	[tilespmem:s19+$0x0] =	vst v5;
	s19 =	sld [smem:$0x7B8];
	v5 =	vand.u32 $0xFFFF0000, v63  }
0x24c: {  	_ =	sdelay $0x2  }
0x24d: {  	v27 =	vshll.u32 v24, $0x10  }
0x24e: {  	v4 =	vld.idx.msk [tilespmem:v4+s26+$0x0], $0xffff;
	v49 =	vand.u32 $0xFFFF0000, v24;
	[tilespmem:s18+$0x0] =	vst v26;
	v19 =	vadd.f32 v27, v19  }
0x24f: {  	v3 =	vld.idx.msk [tilespmem:v3+s15+$0x0], $0xffff;
	v50 =	vshll.u32 v23, $0x10;
	v17 =	vadd.f32 v49, v17;
	[tilespmem:s21+$0x0] =	vst v25  }
0x250: {  	v2 =	vld.idx.msk [tilespmem:v2+s26+$0x0], $0xffff;
	v51 =	vand.u32 $0xFFFF0000, v23;
	v18 =	vadd.f32 v50, v18;
	[tilespmem:s25+$0x0] =	vst v19  }
0x251: {  	v15 =	vadd.f32 v51, v15;
	v52 =	vshll.u32 v22, $0x10;
	[tilespmem:s19+$0x0] =	vst v17  }
0x252: {  	v53 =	vand.u32 $0xFFFF0000, v22;
	v16 =	vadd.f32 v52, v16;
	[tilespmem:s31+$0x0] =	vst v18  }
0x253: {  	v54 =	vshll.u32 v21, $0x10;
	v14 =	vadd.f32 v53, v14;
	[tilespmem:s30+$0x0] =	vst v15  }
0x254: {  	v12 =	vadd.f32 v54, v12;
	[tilespmem:s20+$0x0] =	vst v16  }
0x255: {  	v55 =	vand.u32 $0xFFFF0000, v21;
	[tilespmem:s28+$0x0] =	vst v14  }
0x256: {  	v8 =	vadd.f32 v55, v8;
	[tilespmem:s2+$0x0] =	vst v12  }
0x257: {  	v56 =	vshll.u32 v20, $0x10;
	s0 =	rddreg [dreg:$0x14]  }
0x258: {  	v10 =	vadd.f32 v56, v10;
	[tilespmem:s0+$0x0] =	vst v8  }
0x259: {  	v57 =	vand.u32 $0xFFFF0000, v20;
	s0 =	rddreg [dreg:$0xf]  }
0x25a: {  	v9 =	vadd.f32 v57, v9;
	[tilespmem:s0+$0x0] =	vst v10  }
0x25b: {  	v58 =	vshll.u32 v13, $0x10;
	s0 =	rddreg [dreg:$0xb]  }
0x25c: {  	v8 =	vadd.f32 v58, v11;
	[tilespmem:s0+$0x0] =	vst v9  }
0x25d: {  	s0 =	rddreg [dreg:$0x8]  }
0x25e: {  	v59 =	vand.u32 $0xFFFF0000, v13;
	[tilespmem:s0+$0x0] =	vst v8  }
0x25f: {  	v60 =	vshll.u32 v4, $0x10;
	v7 =	vadd.f32 v59, v7;
	s0 =	sld [smem:$0x7F8]  }
0x260: {  	v6 =	vadd.f32 v60, v6;
	s1 =	rddreg [dreg:$0xa]  }
0x261: {  	s4 =	sld [smem:$0x7B9];
	[tilespmem:s1+$0x0] =	vst v7  }
0x262: {  	v4 =	vand.u32 $0xFFFF0000, v4;
	[tilespmem:s10+$0x0] =	vst v6  }
0x263: {  	v61 =	vshll.u32 v3, $0x10;
	v62 =	vshll.u32 v2, $0x10;
	v4 =	vadd.f32 v4, v5;
	s1 =	sld [smem:$0x7F2]  }
0x264: {  	v3 =	vand.u32 $0xFFFF0000, v3;
	v2 =	vand.u32 $0xFFFF0000, v2;
	v63 =	vadd.f32 v62, v61;
	s0 =	sadd.s32 s4, s0  }
0x265: {  	v2 =	vadd.f32 v2, v3;
	[tilespmem:s8+$0x0] =	vst v4;
	s0 =	sshll.u32 s0, $0x8  }
0x266: {  	[tilespmem:s22+$0xD480] =	vst v63;
	s0 =	sadd.s32 s1, s0  }
0x267: {  	s3 =	simm.s32 $0xD480;
	s19 =	rddreg [dreg:$0x3];
	[tilespmem:s23+$0x0] =	vst v2;
	s0 =	sadd.s32 $0x800, s0  }
0x268: {  	s21 =	simm.s32 $0x10000;
	s22 =	sld [smem:$0x7F9];
	s0 =	sshrl.u32 s0, $0x3  }
0x269: {  	s20 =	simm.s32 $0x800;
	s23 =	sld [smem:$0x7EB];
	s0 =	sadd.s32 s19, s0  }
0x26a: {  	[hbm4b:s0+s20] =	stream.strided.scatter [tilespmem:s3], [sflag:$0x4], $0x8000, s21, s20, $0x38;
	[tilespmem:$0x15480] =	vst v63  }
0x26b: {  	s0 =	sadd.s32 s4, s22  }
0x26c: {  	s0 =	sshll.u32 s0, $0x8  }
0x26d: {  	s24 =	rddreg [dreg:$0x0];
	s0 =	sadd.s32 s23, s0  }
0x26e: {  	s29 =	rddreg [dreg:$0x1];
	s25 =	simm.s32 $0x0;
	s0 =	sshrl.u32 s0, $0x3  }
0x26f: {  	s28 =	simm.s32 $0x3C80;
	s31 =	sld [smem:$0x7CB];
	s1 =	sadd.s32 s24, s0  }
0x270: {  	[tilespmem:s28], [sflag:$0x2] =	stream.linear.gather [hbm4b:s1+s25], $0x800, $0x38;
	[tilespmem:$0x15480] =	vst v63  }
0x271: {  	s30 =	simm.s32 $0x4C80;
	s0 =	sadd.s32 s29, s0  }
0x272: {  	[tilespmem:s30], [sflag:$0x2] =	stream.linear.gather [hbm4b:s0+s25], $0x800, $0x38;
	[tilespmem:$0x15480] =	vst v63  }
0x273: {  	s0 =	sadd.s32 $0x1, s31  }
0x274: {  	p0 =	sne.s32 s0, $0x7  }
.Ltmp6:
0x275: {  	_ = 	snop;
	(pc) =	sbr.rel @p0 .LBB2_10-.Ltmp6, $2  }
0x276: {  	_ =	sdelay $0x2  }
0x277: {  	[smem:$0x7CB] =	sst s0  }
0x278: {  	s0 =	simm.s32 $0x1  }
0x279: {  	_ =	swait.ge [sflag:s0], $0x800  }
0x27a: {  	[sflag:s0] =	ssyncset.done $0x0  }
0x27b: {  	[sflag:s0] =	ssyncadd.s32 $0xFFFFF800  }
0x27c: {  	_ =	swait.ge [sflag:s0], $0x800  }
0x27d: {  	s22 =	simm.s32 $0x0;
	[sflag:s0] =	ssyncset.done $0x0  }
0x27e: {  	s2 =	simm.s32 $0x3;
	s8 =	sand.u32 $0x60, s22;
	[sflag:s0] =	ssyncadd.s32 $0xFFFFF800  }
0x27f: {  	s1 =	sand.u32 $0x400, s22;
	s0 =	sand.u32 $0x380, s22;
	_ =	swait.ge [sflag:s2], $0x8000  }
0x280: {  	s4 =	sor.u32 $0x10, s8;
	s0 =	sor.u32 s0, s1;
	[sflag:s2] =	ssyncset.done $0x0  }
0x281: {  	s3 =	sor.u32 s4, s0;
	[sflag:s2] =	ssyncadd.s32 $0xFFFF8000  }
0x282: {  	v2 =	vld [tilespmem:s3+$0x3480]  }
0x283: {  	v3 =	vld [tilespmem:s3+$0x4480];
	_ =	sdelay $0x2  }
0x284: {  	s22 =	sor.u32 s8, s0  }
0x285: {  	v4 =	vld [tilespmem:s22+$0x3480];
	v5 =	vmul.u32 $0x9, v2  }
0x286: {  	v9 =	vmul.u32 $0x9, v3;
	_ =	sdelay $0x1  }
0x287: {  	v6 =	vadd.s32 $0x1, v5  }
0x288: {  	v7 =	vadd.s32 $0x2, v5  }
0x289: {  	s15 =	simm.s32 $0x2180;
	v2 =	vld [tilespmem:s22+$0x4480];
	v3 =	vmul.u32 $0x9, v4;
	v4 =	vadd.s32 $0x3, v5  }
0x28a: {  	v8 =	vadd.s32 $0x7, v5;
	v10 =	vld.idx.msk [tilespmem:v5+s15+$0x0], $0xffff  }
0x28b: {  	v13 =	vadd.s32 $0x7, v9;
	v12 =	vld.idx.msk [tilespmem:v9+s26+$0x0], $0xffff  }
0x28c: {  	v17 =	vadd.s32 $0x4, v5;
	v16 =	vld.idx.msk [tilespmem:v6+s15+$0x0], $0xffff  }
0x28d: {  	v21 =	vadd.s32 $0x5, v5;
	v20 =	vld.idx.msk [tilespmem:v7+s15+$0x0], $0xffff  }
0x28e: {  	v25 =	vadd.s32 $0x6, v5;
	v24 =	vld.idx.msk [tilespmem:v4+s15+$0x0], $0xffff  }
0x28f: {  	v11 =	vadd.s32 $0x1, v3;
	v29 =	vadd.s32 $0x1, v9;
	v28 =	vld.idx.msk [tilespmem:v8+s15+$0x0], $0xffff  }
0x290: {  	v14 =	vadd.s32 $0x2, v3;
	v15 =	vadd.s32 $0x3, v3;
	v30 =	vadd.s32 $0x2, v9;
	v13 =	vld.idx.msk [tilespmem:v13+s26+$0x0], $0xffff  }
0x291: {  	v18 =	vadd.s32 $0x4, v3;
	v19 =	vadd.s32 $0x5, v3;
	v31 =	vadd.s32 $0x3, v9;
	v17 =	vld.idx.msk [tilespmem:v17+s15+$0x0], $0xffff  }
0x292: {  	v22 =	vadd.s32 $0x6, v3;
	v33 =	vadd.s32 $0x4, v9;
	v2 =	vmul.u32 $0x9, v2;
	v21 =	vld.idx.msk [tilespmem:v21+s15+$0x0], $0xffff  }
0x293: {  	v23 =	vadd.s32 $0x7, v3;
	v35 =	vadd.s32 $0x5, v9;
	v9 =	vadd.s32 $0x6, v9;
	v25 =	vld.idx.msk [tilespmem:v25+s15+$0x0], $0xffff  }
0x294: {  	v26 =	vadd.s32 $0x1, v2;
	v27 =	vadd.s32 $0x2, v2;
	v7 =	vadd.s32 $0x3, v2;
	v29 =	vld.idx.msk [tilespmem:v29+s26+$0x0], $0xffff  }
0x295: {  	v30 =	vld.idx.msk [tilespmem:v30+s26+$0x0], $0xffff;
	v32 =	vshll.u32 v10, $0x10;
	v10 =	vand.u32 $0xFFFF0000, v10;
	v39 =	vshll.u32 v28, $0x10  }
0x296: {  	v31 =	vld.idx.msk [tilespmem:v31+s26+$0x0], $0xffff;
	v40 =	vshll.u32 v13, $0x10;
	v28 =	vand.u32 $0xFFFF0000, v28;
	v13 =	vand.u32 $0xFFFF0000, v13  }
0x297: {  	s1 =	sadd.s32 $0xCC80, s0;
	v33 =	vld.idx.msk [tilespmem:v33+s26+$0x0], $0xffff;
	v34 =	vshll.u32 v12, $0x10;
	v12 =	vand.u32 $0xFFFF0000, v12;
	v13 =	vadd.f32 v13, v28  }
0x298: {  	s5 =	sadd.s32 $0xC480, s0;
	s23 =	sor.u32 s4, s1;
	v9 =	vld.idx.msk [tilespmem:v9+s26+$0x0], $0xffff;
	v53 =	vshll.u32 v21, $0x10;
	v54 =	vand.u32 $0xFFFF0000, v21;
	v21 =	vadd.f32 v40, v39  }
0x299: {  	s9 =	sor.u32 s4, s5;
	v41 =	vshll.u32 v17, $0x10;
	v42 =	vand.u32 $0xFFFF0000, v17;
	v17 =	vld.idx.msk [tilespmem:v35+s26+$0x0], $0xffff;
	v32 =	vadd.f32 v34, v32;
	[tilespmem:s23+$0x0] =	vst v13  }
0x29a: {  	s11 =	sadd.s32 $0x5C80, s0;
	v36 =	vshll.u32 v16, $0x10;
	v10 =	vadd.f32 v12, v10;
	v12 =	vshll.u32 v29, $0x10;
	[tilespmem:s9+$0x0] =	vst v21  }
0x29b: {  	s25 =	simm.s32 $0x0;
	s12 =	sadd.s32 $0x6480, s0;
	s18 =	sor.u32 s4, s11;
	v8 =	vadd.s32 $0x4, v2;
	v6 =	vadd.s32 $0x5, v2;
	v11 =	vld.idx.msk [tilespmem:v11+s15+$0x0], $0xffff;
	v12 =	vadd.f32 v12, v36;
	[tilespmem:s3+$0x5480] =	vst v32  }
0x29c: {  	s28 =	simm.s32 $0x2180;
	s13 =	sadd.s32 $0x6C80, s0;
	s19 =	sor.u32 s4, s12;
	v5 =	vadd.s32 $0x6, v2;
	v14 =	vld.idx.msk [tilespmem:v14+s15+$0x0], $0xffff;
	v16 =	vand.u32 $0xFFFF0000, v16;
	v13 =	vand.u32 $0xFFFF0000, v29;
	[tilespmem:s18+$0x0] =	vst v10  }
0x29d: {  	s14 =	sadd.s32 $0x7480, s0;
	s20 =	sadd.s32 $0x7C80, s0;
	s12 =	sor.u32 s8, s12;
	v57 =	vld.idx.msk [tilespmem:v15+s15+$0x0], $0xffff;
	v37 =	vshll.u32 v20, $0x10;
	v21 =	vshll.u32 v30, $0x10;
	v10 =	vadd.f32 v13, v16;
	[tilespmem:s19+$0x0] =	vst v12  }
0x29e: {  	s16 =	sadd.s32 $0x8480, s0;
	s24 =	sor.u32 s4, s13;
	v58 =	vld.idx.msk [tilespmem:v18+s15+$0x0], $0xffff;
	v20 =	vand.u32 $0xFFFF0000, v20;
	v56 =	vand.u32 $0xFFFF0000, v30;
	v12 =	vadd.f32 v21, v37;
	[dreg:$0x6] =	wrdreg s12  }
0x29f: {  	s17 =	sadd.s32 $0x8C80, s0;
	v4 =	vadd.s32 $0x7, v2;
	v38 =	vshll.u32 v24, $0x10;
	s19 =	sor.u32 s8, s13;
	s13 =	sor.u32 s4, s14;
	[tilespmem:s24+$0x0] =	vst v10;
	v10 =	vadd.f32 v56, v20  }
0x2a0: {  	s7 =	sadd.s32 $0x9480, s0;
	s6 =	sadd.s32 $0x9C80, s0;
	s21 =	sor.u32 s4, s20;
	v24 =	vand.u32 $0xFFFF0000, v24;
	v55 =	vshll.u32 v25, $0x10;
	v13 =	vshll.u32 v31, $0x10;
	v59 =	vld.idx.msk [tilespmem:v19+s15+$0x0], $0xffff;
	[tilespmem:s13+$0x0] =	vst v12  }
0x2a1: {  	s10 =	sadd.s32 $0xB480, s0;
	s30 =	sor.u32 s8, s14;
	v25 =	vand.u32 $0xFFFF0000, v25;
	v15 =	vand.u32 $0xFFFF0000, v31;
	s14 =	sor.u32 s8, s6;
	v61 =	vld.idx.msk [tilespmem:v22+s15+$0x0], $0xffff;
	v12 =	vadd.f32 v13, v38;
	[tilespmem:s21+$0x0] =	vst v10  }
0x2a2: {  	s31 =	sor.u32 s8, s20;
	v62 =	vand.u32 $0xFFFF0000, v9;
	s24 =	sor.u32 s4, s16;
	v63 =	vld.idx.msk [tilespmem:v23+s15+$0x0], $0xffff;
	v13 =	vshll.u32 v9, $0x10;
	v9 =	vadd.f32 v15, v24;
	[dreg:$0x12] =	wrdreg s14  }
0x2a3: {  	s2 =	sor.u32 s8, s7;
	v18 =	vshll.u32 v14, $0x10;
	s3 =	sadd.s32 $0xAC80, s0;
	v60 =	vand.u32 $0xFFFF0000, v17;
	v25 =	vadd.f32 v62, v25;
	s15 =	sor.u32 s4, s17;
	[tilespmem:s24+$0x0] =	vst v12  }
0x2a4: {  	s7 =	sor.u32 s4, s7;
	s23 =	sor.u32 s8, s16;
	v16 =	vshll.u32 v33, $0x10;
	v21 =	vand.u32 $0xFFFF0000, v33;
	v20 =	vshll.u32 v17, $0x10;
	s16 =	sor.u32 s8, s3;
	[tilespmem:s15+$0x0] =	vst v9  }
0x2a5: {  	s20 =	sor.u32 s8, s10;
	s9 =	sadd.s32 $0xA480, s0;
	v19 =	vshll.u32 v11, $0x10;
	v17 =	vand.u32 $0xFFFF0000, v11;
	v10 =	vadd.f32 v16, v41;
	v24 =	vld.idx.msk [tilespmem:v26+s26+$0x0], $0xffff;
	[dreg:$0x9] =	wrdreg s16  }
0x2a6: {  	s0 =	sadd.s32 $0xBC80, s0;
	s29 =	sor.u32 s8, s9;
	s18 =	sor.u32 s8, s11;
	v15 =	vand.u32 $0xFFFF0000, v14;
	v14 =	vand.u32 $0xFFFF0000, v57;
	v9 =	vadd.f32 v21, v42;
	v23 =	vld.idx.msk [tilespmem:v27+s26+$0x0], $0xffff  }
0x2a7: {  	s6 =	sor.u32 s4, s6;
	s12 =	sor.u32 s8, s17;
	s17 =	sor.u32 s4, s9;
	v16 =	vshll.u32 v57, $0x10;
	v12 =	vshll.u32 v58, $0x10;
	v26 =	vadd.f32 v20, v53;
	[tilespmem:s7+$0x0] =	vst v10;
	v22 =	vld.idx.msk [tilespmem:v7+s26+$0x0], $0xffff  }
0x2a8: {  	s3 =	sor.u32 s4, s3;
	s21 =	sor.u32 s4, s10;
	s10 =	sor.u32 s8, s0;
	v11 =	vshll.u32 v61, $0x10;
	v7 =	vand.u32 $0xFFFF0000, v58;
	v21 =	vld.idx.msk [tilespmem:v8+s26+$0x0], $0xffff;
	v27 =	vadd.f32 v60, v54;
	[tilespmem:s6+$0x0] =	vst v9  }
0x2a9: {  	s14 =	simm.s32 $0x10;
	s24 =	sor.u32 s4, s0;
	s4 =	sor.u32 s8, s5;
	v10 =	vshll.u32 v59, $0x10;
	v20 =	vld.idx.msk [tilespmem:v6+s26+$0x0], $0xffff;
	v8 =	vand.u32 $0xFFFF0000, v61;
	v6 =	vshll.u32 v63, $0x10;
	[tilespmem:s17+$0x0] =	vst v26  }
0x2aa: {  	s8 =	sor.u32 s8, s1;
	s0 =	simm.s32 $0x20;
	s1 =	simm.s32 $0x100;
	v9 =	vand.u32 $0xFFFF0000, v59;
	v26 =	vadd.f32 v13, v55;
	v13 =	vld.idx.msk [tilespmem:v5+s26+$0x0], $0xffff;
	v5 =	vand.u32 $0xFFFF0000, v63;
	[tilespmem:s3+$0x0] =	vst v27  }
.LBB2_16:
0x2ab: {  	[smem:$0x7A2] =	sst s22  }
0x2ac: {  	[smem:$0x7A0] =	sst s4  }
0x2ad: {  	[smem:$0x7A1] =	sst s8  }
0x2ae: {  	[smem:$0x7A4] =	sst s18  }
0x2af: {  	[dreg:$0x1d] =	wrdreg s1  }
0x2b0: {  	[dreg:$0x18] =	wrdreg s0;
	s8 =	sand.u32 $0x60, s0  }
0x2b1: {  	s18 =	sand.u32 $0x400, s1;
	s22 =	sand.u32 $0x380, s14;
	v3 =	vld.idx.msk [tilespmem:v3+s28+$0x0], $0xffff;
	s28 =	simm.s32 $0x2180  }
0x2b2: {  	s25 =	sadd.s32 $0x2, s25;
	s18 =	sor.u32 s22, s18;
	s9 =	sor.u32 $0x10, s8  }
0x2b3: {  	[tilespmem:s24+$0x0] =	vst v25;
	s24 =	rddreg [dreg:$0x6];
	p0 =	slt.u32 s25, $0x7E;
	s13 =	sor.u32 s8, s18  }
0x2b4: {  	s1 =	sadd.s32 $0x5C80, s18;
	s3 =	sor.u32 s9, s18;
	s5 =	sadd.s32 $0x6480, s18  }
0x2b5: {  	v4 =	vld.idx.msk [tilespmem:v4+s26+$0x0], $0xffff;
	s6 =	sadd.s32 $0x6C80, s18;
	s7 =	sadd.s32 $0x7480, s18;
	[smem:$0x7A7] =	sst s3  }
0x2b6: {  	v2 =	vld.idx.msk [tilespmem:v2+s26+$0x0], $0xffff;
	[tilespmem:s21+$0x0] =	vst v26;
	v27 =	vshll.u32 v24, $0x10;
	v24 =	vand.u32 $0xFFFF0000, v24;
	s11 =	sadd.s32 $0x7C80, s18;
	[smem:$0x7A3] =	sst s13;
	s15 =	sor.u32 s8, s1  }
0x2b7: {  	s17 =	sadd.s32 $0x8480, s18;
	v19 =	vadd.f32 v27, v19;
	v17 =	vadd.f32 v24, v17;
	v25 =	vld [tilespmem:s3+$0x3480];
	s26 =	sor.u32 s8, s5;
	v26 =	vshll.u32 v23, $0x10;
	[smem:$0x7A5] =	sst s15  }
0x2b8: {  	s21 =	sadd.s32 $0x8C80, s18;
	v27 =	vld [tilespmem:s3+$0x4480];
	s22 =	sor.u32 s8, s6;
	v23 =	vand.u32 $0xFFFF0000, v23;
	v24 =	vshll.u32 v22, $0x10;
	v22 =	vand.u32 $0xFFFF0000, v22;
	[dreg:$0x6] =	wrdreg s26  }
0x2b9: {  	s16 =	sadd.s32 $0x9C80, s18;
	s4 =	sadd.s32 $0xB480, s18;
	[smem:$0x7AA] =	sst s22;
	v18 =	vadd.f32 v26, v18;
	v26 =	vshll.u32 v21, $0x10;
	v21 =	vand.u32 $0xFFFF0000, v21  }
0x2ba: {  	s0 =	sadd.s32 $0xC480, s18;
	s1 =	sor.u32 s9, s1;
	s22 =	rddreg [dreg:$0x12];
	[tilespmem:s19+$0x0] =	vst v17;
	v15 =	vadd.f32 v23, v15;
	v17 =	vshll.u32 v20, $0x10;
	v20 =	vand.u32 $0xFFFF0000, v20  }
0x2bb: {  	s3 =	sadd.s32 $0xA480, s18;
	s26 =	sor.u32 s8, s17;
	[smem:$0x7A8] =	sst s1;
	v16 =	vadd.f32 v24, v16;
	v24 =	vshll.u32 v13, $0x10;
	v13 =	vand.u32 $0xFFFF0000, v13  }
0x2bc: {  	s1 =	sor.u32 s9, s5;
	s5 =	sor.u32 s9, s6;
	s6 =	sor.u32 s9, s7;
	[tilespmem:s24+$0x0] =	vst v19;
	v14 =	vadd.f32 v22, v14;
	v22 =	vshll.u32 v4, $0x10;
	v25 =	vmul.u32 $0x9, v25  }
0x2bd: {  	s24 =	sadd.s32 $0x9480, s18;
	s19 =	sadd.s32 $0xAC80, s18;
	v29 =	vand.u32 $0xFFFF0000, v4;
	v19 =	vand.u32 $0xFFFF0000, v3;
	[smem:$0x79E] =	sst s26;
	v23 =	vld [tilespmem:s13+$0x3480];
	[tilespmem:s30+$0x0] =	vst v18;
	v27 =	vmul.u32 $0x9, v27  }
0x2be: {  	v30 =	vand.u32 $0xFFFF0000, v2;
	s26 =	sor.u32 s8, s4;
	v4 =	vadd.f32 v21, v7;
	v7 =	vadd.f32 v17, v10;
	s15 =	sor.u32 s8, s24;
	s30 =	sor.u32 s8, s21;
	v28 =	vld [tilespmem:s13+$0x4480];
	[tilespmem:s31+$0x0] =	vst v15  }
0x2bf: {  	v9 =	vadd.f32 v20, v9;
	v10 =	vadd.f32 v24, v11;
	[smem:$0x7A6] =	sst s15;
	s15 =	sor.u32 s8, s0;
	s21 =	sor.u32 s9, s21;
	[tilespmem:s23+$0x0] =	vst v16;
	v20 =	vadd.s32 $0x1, v25  }
0x2c0: {  	v6 =	vadd.f32 v22, v6;
	s13 =	smov.u32 s10;
	s10 =	sadd.s32 $0xBC80, s18;
	s31 =	sor.u32 s8, s7;
	[tilespmem:s22+$0x0] =	vst v4;
	v4 =	vadd.f32 v13, v8;
	v13 =	vadd.s32 $0x2, v25  }
0x2c1: {  	v18 =	vshll.u32 v3, $0x10;
	v3 =	vadd.f32 v26, v12;
	[tilespmem:s12+$0x0] =	vst v14;
	s23 =	sor.u32 s8, s11;
	s12 =	sor.u32 s8, s16;
	s7 =	rddreg [dreg:$0x9];
	v24 =	vadd.s32 $0x3, v25  }
0x2c2: {  	v5 =	vadd.f32 v29, v5;
	v26 =	vshll.u32 v2, $0x10;
	[smem:$0x7A9] =	sst s21;
	s21 =	simm.s32 $0x2280;
	s18 =	sadd.s32 $0xCC80, s18;
	v31 =	vadd.s32 $0x7, v25;
	v45 =	vld.idx.msk [tilespmem:v25+s28+$0x0], $0xffff  }
0x2c3: {  	v19 =	vadd.f32 v30, v19;
	v18 =	vadd.f32 v26, v18;
	[smem:$0x79F] =	sst s23;
	[tilespmem:s2+$0x0] =	vst v3;
	s2 =	sor.u32 s8, s3;
	s23 =	smov.u32 s25;
	v33 =	vadd.s32 $0x7, v27;
	v32 =	vld.idx.msk [tilespmem:v27+s21+$0x0], $0xffff  }
0x2c4: {  	s25 =	sor.u32 s8, s19;
	s22 =	sor.u32 s8, s10;
	[tilespmem:s7+$0x0] =	vst v9;
	s7 =	sor.u32 s9, s11;
	v34 =	vadd.s32 $0x4, v25;
	v36 =	vadd.s32 $0x5, v25;
	v3 =	vmul.u32 $0x9, v23;
	v20 =	vld.idx.msk [tilespmem:v20+s28+$0x0], $0xffff  }
0x2c5: {  	[tilespmem:s20+$0x0] =	vst v10;
	s11 =	sor.u32 s9, s24;
	s24 =	sor.u32 s9, s10;
	s20 =	smov.u32 s12;
	v37 =	vadd.s32 $0x1, v27;
	v22 =	vadd.s32 $0x2, v27;
	v38 =	vadd.s32 $0x3, v27;
	v35 =	vld.idx.msk [tilespmem:v13+s28+$0x0], $0xffff  }
0x2c6: {  	[tilespmem:s29+$0x0] =	vst v7;
	s8 =	sor.u32 s8, s18;
	[dreg:$0x12] =	wrdreg s20;
	s29 =	smov.u32 s2;
	v48 =	vadd.s32 $0x4, v27;
	v2 =	vmul.u32 $0x9, v28;
	v21 =	vadd.s32 $0x1, v3;
	v24 =	vld.idx.msk [tilespmem:v24+s28+$0x0], $0xffff  }
0x2c7: {  	[tilespmem:s13+$0x0] =	vst v4;
	s20 =	smov.u32 s26;
	s26 =	simm.s32 $0x2280;
	s13 =	sld [smem:$0x7A0];
	v17 =	vadd.s32 $0x2, v3;
	v23 =	vadd.s32 $0x3, v3;
	v15 =	vadd.s32 $0x4, v3;
	v31 =	vld.idx.msk [tilespmem:v31+s28+$0x0], $0xffff  }
0x2c8: {  	s10 =	smov.u32 s25;
	s2 =	sor.u32 s9, s18;
	s18 =	sld [smem:$0x7A4];
	v16 =	vadd.s32 $0x5, v3;
	v12 =	vadd.s32 $0x6, v3;
	v25 =	vadd.s32 $0x6, v25;
	v46 =	vld.idx.msk [tilespmem:v33+s26+$0x0], $0xffff  }
0x2c9: {  	v14 =	vadd.s32 $0x7, v3;
	s21 =	sor.u32 s9, s4;
	s4 =	smov.u32 s15;
	s15 =	sld [smem:$0x7A1];
	v10 =	vadd.s32 $0x1, v2;
	v11 =	vadd.s32 $0x2, v2;
	v34 =	vld.idx.msk [tilespmem:v34+s28+$0x0], $0xffff  }
0x2ca: {  	[dreg:$0x9] =	wrdreg s10;
	[tilespmem:s13+$0x0] =	vst v6;
	v7 =	vadd.s32 $0x3, v2;
	v9 =	vadd.s32 $0x4, v2;
	v8 =	vadd.s32 $0x5, v2;
	v6 =	vld.idx.msk [tilespmem:v36+s28+$0x0], $0xffff  }
0x2cb: {  	s10 =	smov.u32 s22;
	s22 =	sld [smem:$0x7A2];
	v13 =	vadd.s32 $0x6, v2;
	v4 =	vadd.s32 $0x7, v2;
	v37 =	vld.idx.msk [tilespmem:v37+s26+$0x0], $0xffff;
	v47 =	vshll.u32 v45, $0x10  }
0x2cc: {  	v22 =	vld.idx.msk [tilespmem:v22+s26+$0x0], $0xffff;
	[tilespmem:s15+$0x0] =	vst v5;
	s15 =	sld [smem:$0x7A3];
	v28 =	vand.u32 $0xFFFF0000, v45;
	v39 =	vshll.u32 v32, $0x10;
	v32 =	vand.u32 $0xFFFF0000, v32  }
0x2cd: {  	v5 =	vld.idx.msk [tilespmem:v25+s28+$0x0], $0xffff;
	v25 =	vadd.s32 $0x5, v27;
	v27 =	vadd.s32 $0x6, v27;
	v40 =	vshll.u32 v20, $0x10  }
0x2ce: {  	s13 =	sld [smem:$0x7A5];
	[tilespmem:s22+$0x5480] =	vst v18;
	v36 =	vld.idx.msk [tilespmem:v48+s26+$0x0], $0xffff;
	v20 =	vand.u32 $0xFFFF0000, v20;
	v41 =	vshll.u32 v35, $0x10;
	v35 =	vand.u32 $0xFFFF0000, v35  }
0x2cf: {  	v26 =	vld.idx.msk [tilespmem:v38+s26+$0x0], $0xffff;
	[tilespmem:s18+$0x0] =	vst v19;
	v42 =	vshll.u32 v24, $0x10;
	v24 =	vand.u32 $0xFFFF0000, v24;
	v43 =	vshll.u32 v31, $0x10;
	s22 =	smov.u32 s15;
	s15 =	simm.s32 $0x2180  }
0x2d0: {  	v49 =	vshll.u32 v46, $0x10;
	v31 =	vand.u32 $0xFFFF0000, v31;
	v29 =	vand.u32 $0xFFFF0000, v46;
	v55 =	vld.idx.msk [tilespmem:v17+s15+$0x0], $0xffff  }
0x2d1: {  	s18 =	smov.u32 s13;
	s13 =	sld [smem:$0x7A7];
	v50 =	vshll.u32 v34, $0x10;
	v34 =	vand.u32 $0xFFFF0000, v34;
	v29 =	vadd.f32 v29, v31;
	v56 =	vld.idx.msk [tilespmem:v23+s15+$0x0], $0xffff  }
0x2d2: {  	v53 =	vshll.u32 v37, $0x10;
	v54 =	vand.u32 $0xFFFF0000, v37;
	v19 =	vld.idx.msk [tilespmem:v27+s26+$0x0], $0xffff;
	v27 =	vadd.f32 v39, v47  }
0x2d3: {  	v57 =	vand.u32 $0xFFFF0000, v36;
	v30 =	vadd.f32 v49, v43;
	v17 =	vadd.f32 v53, v40;
	v18 =	vld.idx.msk [tilespmem:v25+s26+$0x0], $0xffff;
	[tilespmem:s2+$0x0] =	vst v29  }
0x2d4: {  	s0 =	sor.u32 s9, s0;
	v20 =	vadd.f32 v54, v20;
	v51 =	vshll.u32 v5, $0x10;
	v52 =	vand.u32 $0xFFFF0000, v5;
	v5 =	vld.idx.msk [tilespmem:v21+s15+$0x0], $0xffff;
	[tilespmem:s13+$0x5480] =	vst v27;
	s13 =	sld [smem:$0x7A8]  }
0x2d5: {  	v23 =	vand.u32 $0xFFFF0000, v26;
	v58 =	vld.idx.msk [tilespmem:v16+s15+$0x0], $0xffff;
	v25 =	vshll.u32 v6, $0x10;
	v21 =	vadd.f32 v32, v28;
	[tilespmem:s0+$0x0] =	vst v30  }
0x2d6: {  	v60 =	vld.idx.msk [tilespmem:v12+s15+$0x0], $0xffff;
	v6 =	vand.u32 $0xFFFF0000, v6;
	[tilespmem:s1+$0x0] =	vst v17;
	v27 =	vshll.u32 v22, $0x10;
	v22 =	vand.u32 $0xFFFF0000, v22  }
0x2d7: {  	v16 =	vadd.f32 v22, v35;
	[tilespmem:s13+$0x0] =	vst v21;
	v21 =	vshll.u32 v26, $0x10;
	v26 =	vld.idx.msk [tilespmem:v15+s15+$0x0], $0xffff;
	v15 =	vadd.f32 v27, v41  }
0x2d8: {  	[tilespmem:s5+$0x0] =	vst v20;
	v27 =	vshll.u32 v36, $0x10;
	v20 =	vshll.u32 v18, $0x10;
	v61 =	vshll.u32 v19, $0x10  }
0x2d9: {  	v63 =	vld.idx.msk [tilespmem:v14+s15+$0x0], $0xffff;
	v62 =	vand.u32 $0xFFFF0000, v19;
	v19 =	vshll.u32 v5, $0x10;
	[tilespmem:s7+$0x0] =	vst v16;
	v12 =	vadd.f32 v21, v42  }
0x2da: {  	s17 =	sor.u32 s9, s17;
	s25 =	smov.u32 s23;
	s23 =	sld [smem:$0x79E];
	v17 =	vand.u32 $0xFFFF0000, v5;
	v5 =	vadd.f32 v23, v24;
	v24 =	vld.idx.msk [tilespmem:v10+s26+$0x0], $0xffff;
	v10 =	vadd.f32 v27, v50;
	[tilespmem:s6+$0x0] =	vst v15  }
0x2db: {  	s3 =	sor.u32 s9, s3;
	s12 =	smov.u32 s30;
	v14 =	vand.u32 $0xFFFF0000, v56;
	v59 =	vand.u32 $0xFFFF0000, v18;
	v23 =	vld.idx.msk [tilespmem:v11+s26+$0x0], $0xffff;
	v25 =	vadd.f32 v20, v25;
	[tilespmem:s17+$0x0] =	vst v12;
	s17 =	sld [smem:$0x7A9]  }
.Ltmp7:
0x2dc: {  	s30 =	smov.u32 s31;
	s31 =	sld [smem:$0x79F];
	v18 =	vshll.u32 v55, $0x10;
	v16 =	vshll.u32 v56, $0x10;
	v11 =	vshll.u32 v60, $0x10;
	v21 =	vld.idx.msk [tilespmem:v9+s26+$0x0], $0xffff;
	[tilespmem:s11+$0x0] =	vst v10;
	(pc) =	sbr.rel @p0 .LBB2_16-.Ltmp7, $4  }
0x2dd: {  	s2 =	sld [smem:$0x7A6];
	v9 =	vand.u32 $0xFFFF0000, v58;
	v27 =	vadd.f32 v59, v6;
	v20 =	vld.idx.msk [tilespmem:v8+s26+$0x0], $0xffff;
	v8 =	vand.u32 $0xFFFF0000, v60;
	[tilespmem:s3+$0x0] =	vst v25  }
0x2de: {  	s14 =	sadd.s32 $0x10, s14;
	s19 =	sor.u32 s9, s19;
	s0 =	rddreg [dreg:$0x18];
	v6 =	vshll.u32 v63, $0x10;
	v15 =	vand.u32 $0xFFFF0000, v55;
	[tilespmem:s17+$0x0] =	vst v5;
	v5 =	vadd.f32 v57, v34  }
0x2df: {  	s16 =	sor.u32 s9, s16;
	s28 =	simm.s32 $0x2180;
	v13 =	vld.idx.msk [tilespmem:v13+s26+$0x0], $0xffff;
	s13 =	rddreg [dreg:$0x1d];
	v10 =	vshll.u32 v58, $0x10;
	[tilespmem:s19+$0x0] =	vst v27;
	v25 =	vadd.f32 v62, v52;
	v12 =	vshll.u32 v26, $0x10  }
0x2e0: {  	s0 =	sadd.s32 $0x20, s0;
	v22 =	vld.idx.msk [tilespmem:v7+s26+$0x0], $0xffff;
	s1 =	sadd.s32 $0x100, s13;
	s19 =	sld [smem:$0x7AA];
	v7 =	vand.u32 $0xFFFF0000, v26;
	v26 =	vadd.f32 v61, v51;
	[tilespmem:s16+$0x0] =	vst v5;
	v5 =	vand.u32 $0xFFFF0000, v63  }
0x2e1: {  	_ =	sdelay $0x2  }
0x2e2: {  	v27 =	vshll.u32 v24, $0x10;
	[tilespmem:s21+$0x0] =	vst v26  }
0x2e3: {  	v4 =	vld.idx.msk [tilespmem:v4+s26+$0x0], $0xffff;
	v24 =	vand.u32 $0xFFFF0000, v24;
	v19 =	vadd.f32 v27, v19;
	[tilespmem:s24+$0x0] =	vst v25  }
0x2e4: {  	s15 =	simm.s32 $0x2180;
	v2 =	vld.idx.msk [tilespmem:v2+s26+$0x0], $0xffff;
	v26 =	vshll.u32 v23, $0x10;
	v17 =	vadd.f32 v24, v17;
	s0 =	rddreg [dreg:$0x6]  }
0x2e5: {  	v3 =	vld.idx.msk [tilespmem:v3+s15+$0x0], $0xffff;
	v23 =	vand.u32 $0xFFFF0000, v23;
	v18 =	vadd.f32 v26, v18;
	[tilespmem:s0+$0x0] =	vst v19  }
0x2e6: {  	v15 =	vadd.f32 v23, v15;
	v19 =	vshll.u32 v22, $0x10;
	[tilespmem:s19+$0x0] =	vst v17  }
0x2e7: {  	v17 =	vand.u32 $0xFFFF0000, v22;
	v16 =	vadd.f32 v19, v16;
	[tilespmem:s30+$0x0] =	vst v18  }
0x2e8: {  	v18 =	vshll.u32 v21, $0x10;
	v14 =	vadd.f32 v17, v14;
	[tilespmem:s31+$0x0] =	vst v15  }
0x2e9: {  	v12 =	vadd.f32 v18, v12;
	[tilespmem:s23+$0x0] =	vst v16  }
0x2ea: {  	v15 =	vand.u32 $0xFFFF0000, v21;
	[tilespmem:s12+$0x0] =	vst v14  }
0x2eb: {  	v16 =	vshll.u32 v20, $0x10;
	v7 =	vadd.f32 v15, v7;
	[tilespmem:s2+$0x0] =	vst v12  }
0x2ec: {  	v10 =	vadd.f32 v16, v10;
	s0 =	rddreg [dreg:$0x12]  }
0x2ed: {  	v14 =	vand.u32 $0xFFFF0000, v20;
	[tilespmem:s0+$0x0] =	vst v7  }
0x2ee: {  	v12 =	vshll.u32 v13, $0x10;
	v9 =	vadd.f32 v14, v9;
	[tilespmem:s29+$0x0] =	vst v10  }
0x2ef: {  	v11 =	vadd.f32 v12, v11;
	v7 =	vand.u32 $0xFFFF0000, v13;
	s0 =	rddreg [dreg:$0x9]  }
0x2f0: {  	v10 =	vshll.u32 v4, $0x10;
	v7 =	vadd.f32 v7, v8;
	[tilespmem:s0+$0x0] =	vst v9  }
0x2f1: {  	v4 =	vand.u32 $0xFFFF0000, v4;
	v6 =	vadd.f32 v10, v6;
	[tilespmem:s20+$0x0] =	vst v11  }
0x2f2: {  	v8 =	vshll.u32 v3, $0x10;
	v4 =	vadd.f32 v4, v5;
	v9 =	vshll.u32 v2, $0x10;
	[tilespmem:s10+$0x0] =	vst v7  }
0x2f3: {  	v3 =	vand.u32 $0xFFFF0000, v3;
	v2 =	vand.u32 $0xFFFF0000, v2;
	v5 =	vadd.f32 v9, v8;
	[tilespmem:s4+$0x0] =	vst v6  }
0x2f4: {  	v2 =	vadd.f32 v2, v3;
	[tilespmem:s8+$0x0] =	vst v4  }
0x2f5: {  	[tilespmem:s22+$0x5480] =	vst v5  }
0x2f6: {  	[tilespmem:s18+$0x0] =	vst v2  }
0x2f7: {  	s0 =	sld [smem:$0x7FB]  }
0x2f8: {  	s1 =	simm.s32 $0x800  }
0x2f9: {  	s3 =	simm.s32 $0x5480;
	s21 =	simm.s32 $0x2;
	s20 =	simm.s32 $0x10000  }
0x2fa: {  	[hbm4b:s0+s1] =	stream.strided.scatter [tilespmem:s3], [sflag:$0x3], $0x8000, s20, s1, $0x38;
	[tilespmem:$0x15480] =	vst v63  }
0x2fb: {  	_ =	swait.ge [sflag:s21], $0x800  }
0x2fc: {  	[sflag:s21] =	ssyncset.done $0x0  }
0x2fd: {  	[sflag:s21] =	ssyncadd.s32 $0xFFFFF800  }
0x2fe: {  	_ =	swait.ge [sflag:s21], $0x800  }
0x2ff: {  	s23 =	simm.s32 $0x0;
	[sflag:s21] =	ssyncset.done $0x0  }
0x300: {  	s24 =	sand.u32 $0x400, s23;
	s22 =	simm.s32 $0x4;
	[sflag:s21] =	ssyncadd.s32 $0xFFFFF800  }
0x301: {  	s8 =	sand.u32 $0x60, s23;
	s0 =	sand.u32 $0x380, s23;
	_ =	swait.ge [sflag:s22], $0x8000  }
0x302: {  	s9 =	sor.u32 $0x10, s8;
	s0 =	sor.u32 s0, s24;
	[sflag:s22] =	ssyncset.done $0x0  }
0x303: {  	s25 =	sor.u32 s9, s0;
	[sflag:s22] =	ssyncadd.s32 $0xFFFF8000  }
0x304: {  	v2 =	vld [tilespmem:s25+$0x3C80]  }
0x305: {  	v3 =	vld [tilespmem:s25+$0x4C80];
	_ =	sdelay $0x2  }
0x306: {  	s22 =	sor.u32 s8, s0  }
0x307: {  	v4 =	vld [tilespmem:s22+$0x3C80];
	v5 =	vmul.u32 $0x9, v2  }
0x308: {  	v9 =	vmul.u32 $0x9, v3;
	_ =	sdelay $0x1  }
0x309: {  	v6 =	vadd.s32 $0x1, v5  }
0x30a: {  	v7 =	vadd.s32 $0x2, v5  }
0x30b: {  	v2 =	vld [tilespmem:s22+$0x4C80];
	v3 =	vmul.u32 $0x9, v4;
	v4 =	vadd.s32 $0x3, v5  }
0x30c: {  	v8 =	vadd.s32 $0x7, v5;
	v10 =	vld.idx.msk [tilespmem:v5+s15+$0x0], $0xffff  }
0x30d: {  	v13 =	vadd.s32 $0x7, v9;
	v12 =	vld.idx.msk [tilespmem:v9+s26+$0x0], $0xffff  }
0x30e: {  	v17 =	vadd.s32 $0x4, v5;
	v16 =	vld.idx.msk [tilespmem:v6+s15+$0x0], $0xffff  }
0x30f: {  	v21 =	vadd.s32 $0x5, v5;
	v20 =	vld.idx.msk [tilespmem:v7+s15+$0x0], $0xffff  }
0x310: {  	v25 =	vadd.s32 $0x6, v5;
	v24 =	vld.idx.msk [tilespmem:v4+s15+$0x0], $0xffff  }
0x311: {  	v11 =	vadd.s32 $0x1, v3;
	v29 =	vadd.s32 $0x1, v9;
	v28 =	vld.idx.msk [tilespmem:v8+s15+$0x0], $0xffff  }
0x312: {  	v14 =	vadd.s32 $0x2, v3;
	v15 =	vadd.s32 $0x3, v3;
	v30 =	vadd.s32 $0x2, v9;
	v13 =	vld.idx.msk [tilespmem:v13+s26+$0x0], $0xffff  }
0x313: {  	v18 =	vadd.s32 $0x4, v3;
	v19 =	vadd.s32 $0x5, v3;
	v31 =	vadd.s32 $0x3, v9;
	v17 =	vld.idx.msk [tilespmem:v17+s15+$0x0], $0xffff  }
0x314: {  	v22 =	vadd.s32 $0x6, v3;
	v33 =	vadd.s32 $0x4, v9;
	v2 =	vmul.u32 $0x9, v2;
	v21 =	vld.idx.msk [tilespmem:v21+s15+$0x0], $0xffff  }
0x315: {  	v23 =	vadd.s32 $0x7, v3;
	v35 =	vadd.s32 $0x5, v9;
	v9 =	vadd.s32 $0x6, v9;
	v25 =	vld.idx.msk [tilespmem:v25+s15+$0x0], $0xffff  }
0x316: {  	v26 =	vadd.s32 $0x1, v2;
	v27 =	vadd.s32 $0x2, v2;
	v8 =	vadd.s32 $0x3, v2;
	v29 =	vld.idx.msk [tilespmem:v29+s26+$0x0], $0xffff  }
0x317: {  	v30 =	vld.idx.msk [tilespmem:v30+s26+$0x0], $0xffff;
	v32 =	vshll.u32 v10, $0x10;
	v10 =	vand.u32 $0xFFFF0000, v10;
	v39 =	vshll.u32 v28, $0x10  }
0x318: {  	v31 =	vld.idx.msk [tilespmem:v31+s26+$0x0], $0xffff;
	v40 =	vshll.u32 v13, $0x10;
	v28 =	vand.u32 $0xFFFF0000, v28;
	v13 =	vand.u32 $0xFFFF0000, v13  }
0x319: {  	s1 =	sadd.s32 $0x14C80, s0;
	v33 =	vld.idx.msk [tilespmem:v33+s26+$0x0], $0xffff;
	v34 =	vshll.u32 v12, $0x10;
	v12 =	vand.u32 $0xFFFF0000, v12;
	v13 =	vadd.f32 v13, v28  }
0x31a: {  	s5 =	sadd.s32 $0x14480, s0;
	s18 =	sor.u32 s9, s1;
	v9 =	vld.idx.msk [tilespmem:v9+s26+$0x0], $0xffff;
	v53 =	vshll.u32 v21, $0x10;
	v54 =	vand.u32 $0xFFFF0000, v21;
	v21 =	vadd.f32 v40, v39  }
0x31b: {  	s7 =	sor.u32 s9, s5;
	v41 =	vshll.u32 v17, $0x10;
	v42 =	vand.u32 $0xFFFF0000, v17;
	v17 =	vld.idx.msk [tilespmem:v35+s26+$0x0], $0xffff;
	v32 =	vadd.f32 v34, v32;
	[tilespmem:s18+$0x0] =	vst v13  }
0x31c: {  	s11 =	sadd.s32 $0xDC80, s0;
	v36 =	vshll.u32 v16, $0x10;
	v10 =	vadd.f32 v12, v10;
	v12 =	vshll.u32 v29, $0x10;
	[tilespmem:s7+$0x0] =	vst v21  }
0x31d: {  	s28 =	simm.s32 $0x2180;
	s30 =	sadd.s32 $0xE480, s0;
	s19 =	sor.u32 s9, s11;
	v7 =	vadd.s32 $0x4, v2;
	v6 =	vadd.s32 $0x5, v2;
	v11 =	vld.idx.msk [tilespmem:v11+s15+$0x0], $0xffff;
	v12 =	vadd.f32 v12, v36;
	[tilespmem:s25+$0xD480] =	vst v32  }
0x31e: {  	s29 =	simm.s32 $0x0;
	s13 =	sadd.s32 $0xEC80, s0;
	s21 =	sor.u32 s9, s30;
	v5 =	vadd.s32 $0x6, v2;
	v14 =	vld.idx.msk [tilespmem:v14+s15+$0x0], $0xffff;
	v16 =	vand.u32 $0xFFFF0000, v16;
	v13 =	vand.u32 $0xFFFF0000, v29;
	[tilespmem:s19+$0x0] =	vst v10  }
0x31f: {  	s14 =	sadd.s32 $0xF480, s0;
	s20 =	sadd.s32 $0xFC80, s0;
	v4 =	vadd.s32 $0x7, v2;
	v57 =	vld.idx.msk [tilespmem:v15+s15+$0x0], $0xffff;
	v37 =	vshll.u32 v20, $0x10;
	s25 =	sor.u32 s8, s30;
	v10 =	vadd.f32 v13, v16;
	[tilespmem:s21+$0x0] =	vst v12  }
0x320: {  	s16 =	sadd.s32 $0x10480, s0;
	s24 =	sor.u32 s9, s13;
	v58 =	vld.idx.msk [tilespmem:v18+s15+$0x0], $0xffff;
	v20 =	vand.u32 $0xFFFF0000, v20;
	v38 =	vshll.u32 v24, $0x10;
	v21 =	vshll.u32 v30, $0x10;
	[dreg:$0x7] =	wrdreg s25  }
0x321: {  	s17 =	sadd.s32 $0x10C80, s0;
	v24 =	vand.u32 $0xFFFF0000, v24;
	v56 =	vand.u32 $0xFFFF0000, v30;
	s19 =	sor.u32 s8, s13;
	s13 =	sor.u32 s8, s14;
	v12 =	vadd.f32 v21, v37;
	[tilespmem:s24+$0x0] =	vst v10  }
0x322: {  	s6 =	sadd.s32 $0x11480, s0;
	v55 =	vshll.u32 v25, $0x10;
	s30 =	sor.u32 s9, s14;
	v13 =	vshll.u32 v31, $0x10;
	v59 =	vld.idx.msk [tilespmem:v19+s15+$0x0], $0xffff;
	v10 =	vadd.f32 v56, v20;
	[dreg:$0x5] =	wrdreg s13  }
0x323: {  	s4 =	sadd.s32 $0x11C80, s0;
	s3 =	sadd.s32 $0x12C80, s0;
	v25 =	vand.u32 $0xFFFF0000, v25;
	v15 =	vand.u32 $0xFFFF0000, v31;
	s14 =	sor.u32 s9, s20;
	[tilespmem:s30+$0x0] =	vst v12;
	v12 =	vadd.f32 v13, v38  }
0x324: {  	s10 =	sadd.s32 $0x13480, s0;
	v62 =	vand.u32 $0xFFFF0000, v9;
	s24 =	sor.u32 s8, s16;
	s16 =	sor.u32 s9, s16;
	v13 =	vshll.u32 v9, $0x10;
	v9 =	vadd.f32 v15, v24;
	[tilespmem:s14+$0x0] =	vst v10  }
0x325: {  	s23 =	sor.u32 s8, s11;
	s31 =	sor.u32 s8, s20;
	v18 =	vshll.u32 v14, $0x10;
	s18 =	sor.u32 s9, s17;
	v60 =	vand.u32 $0xFFFF0000, v17;
	v25 =	vadd.f32 v62, v25;
	v61 =	vld.idx.msk [tilespmem:v22+s15+$0x0], $0xffff;
	[tilespmem:s16+$0x0] =	vst v12  }
0x326: {  	s2 =	sor.u32 s8, s6;
	s6 =	sor.u32 s9, s6;
	v16 =	vshll.u32 v33, $0x10;
	v21 =	vand.u32 $0xFFFF0000, v33;
	s21 =	sor.u32 s8, s3;
	v20 =	vshll.u32 v17, $0x10;
	v63 =	vld.idx.msk [tilespmem:v23+s15+$0x0], $0xffff;
	[tilespmem:s18+$0x0] =	vst v9  }
0x327: {  	s7 =	sadd.s32 $0x12480, s0;
	s0 =	sadd.s32 $0x13C80, s0;
	v19 =	vshll.u32 v11, $0x10;
	v17 =	vand.u32 $0xFFFF0000, v11;
	v24 =	vld.idx.msk [tilespmem:v26+s26+$0x0], $0xffff;
	v10 =	vadd.f32 v16, v41;
	[dreg:$0xc] =	wrdreg s21  }
0x328: {  	s20 =	sor.u32 s8, s4;
	s4 =	sor.u32 s9, s4;
	s3 =	sor.u32 s9, s3;
	v15 =	vand.u32 $0xFFFF0000, v14;
	v14 =	vand.u32 $0xFFFF0000, v57;
	v9 =	vadd.f32 v21, v42;
	v23 =	vld.idx.msk [tilespmem:v27+s26+$0x0], $0xffff  }
0x329: {  	s25 =	sor.u32 s8, s17;
	s13 =	simm.s32 $0x100;
	s15 =	sor.u32 s8, s7;
	v26 =	vadd.f32 v20, v53;
	v16 =	vshll.u32 v57, $0x10;
	v12 =	vshll.u32 v58, $0x10;
	[tilespmem:s6+$0x0] =	vst v10;
	v22 =	vld.idx.msk [tilespmem:v8+s26+$0x0], $0xffff  }
0x32a: {  	s30 =	sor.u32 s9, s7;
	s7 =	sor.u32 s8, s0;
	s14 =	simm.s32 $0x10;
	v8 =	vand.u32 $0xFFFF0000, v58;
	v21 =	vld.idx.msk [tilespmem:v7+s26+$0x0], $0xffff;
	v10 =	vshll.u32 v59, $0x10;
	v27 =	vadd.f32 v60, v54;
	[tilespmem:s4+$0x0] =	vst v9  }
0x32b: {  	s16 =	sor.u32 s8, s10;
	s18 =	sor.u32 s9, s10;
	s21 =	sor.u32 s9, s0;
	v20 =	vld.idx.msk [tilespmem:v6+s26+$0x0], $0xffff;
	v11 =	vshll.u32 v61, $0x10;
	v7 =	vand.u32 $0xFFFF0000, v61;
	v6 =	vshll.u32 v63, $0x10;
	[tilespmem:s30+$0x0] =	vst v26  }
0x32c: {  	s0 =	simm.s32 $0x20;
	v9 =	vand.u32 $0xFFFF0000, v59;
	s4 =	sor.u32 s8, s5;
	s8 =	sor.u32 s8, s1;
	v26 =	vadd.f32 v13, v55;
	v13 =	vld.idx.msk [tilespmem:v5+s26+$0x0], $0xffff;
	v5 =	vand.u32 $0xFFFF0000, v63;
	[tilespmem:s3+$0x0] =	vst v27  }
.LBB2_18:
0x32d: {  	[smem:$0x78F] =	sst s7  }
0x32e: {  	[smem:$0x791] =	sst s4  }
0x32f: {  	[smem:$0x792] =	sst s8  }
0x330: {  	s8 =	sand.u32 $0x60, s0;
	s10 =	sand.u32 $0x400, s13;
	s1 =	sand.u32 $0x380, s14  }
0x331: {  	[smem:$0x793] =	sst s22;
	v4 =	vld.idx.msk [tilespmem:v4+s26+$0x0], $0xffff;
	[tilespmem:s18+$0x0] =	vst v26;
	s30 =	sor.u32 s1, s10;
	s9 =	sor.u32 $0x10, s8  }
0x332: {  	[smem:$0x795] =	sst s23;
	v3 =	vld.idx.msk [tilespmem:v3+s28+$0x0], $0xffff;
	[tilespmem:s21+$0x0] =	vst v25;
	v27 =	vshll.u32 v24, $0x10;
	v24 =	vand.u32 $0xFFFF0000, v24;
	s3 =	sor.u32 s9, s30  }
0x333: {  	[dreg:$0x19] =	wrdreg s0;
	v19 =	vadd.f32 v27, v19;
	v17 =	vadd.f32 v24, v17;
	v25 =	vld [tilespmem:s3+$0x3C80];
	v26 =	vshll.u32 v23, $0x10  }
0x334: {  	s28 =	simm.s32 $0x2180;
	s11 =	rddreg [dreg:$0x7];
	s29 =	sadd.s32 $0x2, s29;
	v27 =	vld [tilespmem:s3+$0x4C80];
	v23 =	vand.u32 $0xFFFF0000, v23;
	v24 =	vshll.u32 v22, $0x10;
	v22 =	vand.u32 $0xFFFF0000, v22  }
0x335: {  	v2 =	vld.idx.msk [tilespmem:v2+s26+$0x0], $0xffff;
	s12 =	rddreg [dreg:$0x5];
	s26 =	smov.u32 s20;
	s20 =	smov.u32 s15;
	v18 =	vadd.f32 v26, v18;
	v26 =	vshll.u32 v21, $0x10;
	v21 =	vand.u32 $0xFFFF0000, v21  }
0x336: {  	p0 =	slt.u32 s29, $0x7E;
	s10 =	sor.u32 s8, s30;
	s1 =	sadd.s32 $0xDC80, s30;
	[tilespmem:s19+$0x0] =	vst v17;
	v15 =	vadd.f32 v23, v15;
	v17 =	vshll.u32 v20, $0x10;
	v20 =	vand.u32 $0xFFFF0000, v20  }
0x337: {  	s5 =	sadd.s32 $0xE480, s30;
	s6 =	sadd.s32 $0xEC80, s30;
	s7 =	sadd.s32 $0xF480, s30;
	v16 =	vadd.f32 v24, v16;
	v24 =	vshll.u32 v13, $0x10;
	v13 =	vand.u32 $0xFFFF0000, v13  }
0x338: {  	s17 =	sadd.s32 $0x10480, s30;
	s18 =	sadd.s32 $0x10C80, s30;
	s21 =	sadd.s32 $0x11480, s30;
	[tilespmem:s11+$0x0] =	vst v19;
	v14 =	vadd.f32 v22, v14;
	v22 =	vshll.u32 v4, $0x10;
	v25 =	vmul.u32 $0x9, v25  }
0x339: {  	s0 =	sadd.s32 $0x12C80, s30;
	s15 =	sadd.s32 $0x13C80, s30;
	[smem:$0x798] =	sst s3;
	v29 =	vand.u32 $0xFFFF0000, v4;
	v19 =	vand.u32 $0xFFFF0000, v3;
	v23 =	vld [tilespmem:s10+$0x3C80];
	[tilespmem:s12+$0x0] =	vst v18;
	v27 =	vmul.u32 $0x9, v27  }
0x33a: {  	s4 =	sadd.s32 $0x14480, s30;
	[smem:$0x794] =	sst s10;
	s22 =	sor.u32 s8, s5;
	v30 =	vand.u32 $0xFFFF0000, v2;
	v4 =	vadd.f32 v21, v8;
	v8 =	vadd.f32 v17, v10;
	v28 =	vld [tilespmem:s10+$0x4C80];
	[tilespmem:s24+$0x0] =	vst v16  }
0x33b: {  	s3 =	sadd.s32 $0x12480, s30;
	[dreg:$0x7] =	wrdreg s22;
	v9 =	vadd.f32 v20, v9;
	v10 =	vadd.f32 v24, v11;
	s12 =	sor.u32 s8, s1;
	[tilespmem:s25+$0x0] =	vst v14;
	v20 =	vadd.s32 $0x1, v25  }
0x33c: {  	s11 =	sadd.s32 $0xFC80, s30;
	v6 =	vadd.f32 v22, v6;
	[smem:$0x796] =	sst s12;
	s24 =	sor.u32 s8, s7;
	[tilespmem:s26+$0x0] =	vst v4;
	v4 =	vadd.f32 v13, v7;
	v13 =	vadd.s32 $0x2, v25  }
0x33d: {  	v18 =	vshll.u32 v3, $0x10;
	v3 =	vadd.f32 v26, v12;
	s25 =	sor.u32 s8, s17;
	s12 =	sor.u32 s8, s21;
	[tilespmem:s20+$0x0] =	vst v8;
	s20 =	rddreg [dreg:$0xc];
	v24 =	vadd.s32 $0x3, v25  }
0x33e: {  	v5 =	vadd.f32 v29, v5;
	v26 =	vshll.u32 v2, $0x10;
	s26 =	sor.u32 s8, s15;
	[tilespmem:s16+$0x0] =	vst v10;
	s16 =	simm.s32 $0x2280;
	[smem:$0x790] =	sst s25;
	v31 =	vadd.s32 $0x7, v25;
	v45 =	vld.idx.msk [tilespmem:v25+s28+$0x0], $0xffff  }
0x33f: {  	v19 =	vadd.f32 v30, v19;
	s7 =	sor.u32 s9, s7;
	v18 =	vadd.f32 v26, v18;
	[tilespmem:s2+$0x0] =	vst v3;
	[smem:$0x797] =	sst s12;
	s2 =	sor.u32 s8, s3;
	v33 =	vadd.s32 $0x7, v27;
	v32 =	vld.idx.msk [tilespmem:v27+s16+$0x0], $0xffff  }
0x340: {  	s25 =	sor.u32 s8, s0;
	[smem:$0x799] =	sst s7;
	[tilespmem:s20+$0x0] =	vst v9;
	s20 =	sor.u32 s9, s18;
	v34 =	vadd.s32 $0x4, v25;
	v36 =	vadd.s32 $0x5, v25;
	v3 =	vmul.u32 $0x9, v23;
	v20 =	vld.idx.msk [tilespmem:v20+s28+$0x0], $0xffff  }
0x341: {  	s12 =	sor.u32 s8, s4;
	s3 =	sor.u32 s9, s3;
	[smem:$0x79A] =	sst s20;
	v37 =	vadd.s32 $0x1, v27;
	v22 =	vadd.s32 $0x2, v27;
	v38 =	vadd.s32 $0x3, v27;
	v35 =	vld.idx.msk [tilespmem:v13+s28+$0x0], $0xffff  }
0x342: {  	s7 =	smov.u32 s26;
	s26 =	simm.s32 $0x2280;
	[smem:$0x79D] =	sst s3;
	v48 =	vadd.s32 $0x4, v27;
	v2 =	vmul.u32 $0x9, v28;
	v21 =	vadd.s32 $0x1, v3;
	v24 =	vld.idx.msk [tilespmem:v24+s28+$0x0], $0xffff  }
0x343: {  	[tilespmem:s31+$0x0] =	vst v15;
	s3 =	sor.u32 s9, s0;
	s0 =	sor.u32 s9, s4;
	s4 =	sld [smem:$0x791];
	v17 =	vadd.s32 $0x2, v3;
	v23 =	vadd.s32 $0x3, v3;
	v15 =	vadd.s32 $0x4, v3;
	v31 =	vld.idx.msk [tilespmem:v31+s28+$0x0], $0xffff  }
0x344: {  	s10 =	sadd.s32 $0x13480, s30;
	s20 =	sor.u32 s9, s21;
	s21 =	sld [smem:$0x78F];
	v16 =	vadd.s32 $0x5, v3;
	v12 =	vadd.s32 $0x6, v3;
	v25 =	vadd.s32 $0x6, v25;
	v46 =	vld.idx.msk [tilespmem:v33+s26+$0x0], $0xffff  }
0x345: {  	[dreg:$0x5] =	wrdreg s24;
	s24 =	smov.u32 s29;
	s29 =	sor.u32 s8, s18;
	v14 =	vadd.s32 $0x7, v3;
	v10 =	vadd.s32 $0x1, v2;
	v11 =	vadd.s32 $0x2, v2;
	v34 =	vld.idx.msk [tilespmem:v34+s28+$0x0], $0xffff  }
0x346: {  	s22 =	sor.u32 s8, s10;
	s18 =	sor.u32 s9, s10;
	s10 =	sld [smem:$0x792];
	[tilespmem:s4+$0x0] =	vst v6;
	v8 =	vadd.s32 $0x3, v2;
	v9 =	vadd.s32 $0x4, v2;
	v7 =	vadd.s32 $0x5, v2;
	v6 =	vld.idx.msk [tilespmem:v36+s28+$0x0], $0xffff  }
0x347: {  	s19 =	sadd.s32 $0x11C80, s30;
	[tilespmem:s21+$0x0] =	vst v4;
	s16 =	smov.u32 s22;
	s22 =	sld [smem:$0x793];
	v13 =	vadd.s32 $0x6, v2;
	v4 =	vadd.s32 $0x7, v2;
	v37 =	vld.idx.msk [tilespmem:v37+s26+$0x0], $0xffff;
	v47 =	vshll.u32 v45, $0x10  }
0x348: {  	s4 =	smov.u32 s12;
	s12 =	sadd.s32 $0x14C80, s30;
	s30 =	sld [smem:$0x795];
	v26 =	vld.idx.msk [tilespmem:v38+s26+$0x0], $0xffff;
	v28 =	vand.u32 $0xFFFF0000, v45;
	v39 =	vshll.u32 v32, $0x10;
	v32 =	vand.u32 $0xFFFF0000, v32  }
0x349: {  	[tilespmem:s10+$0x0] =	vst v5;
	v5 =	vld.idx.msk [tilespmem:v25+s28+$0x0], $0xffff;
	v25 =	vadd.s32 $0x5, v27;
	v27 =	vadd.s32 $0x6, v27;
	v40 =	vshll.u32 v20, $0x10  }
0x34a: {  	s23 =	sor.u32 s8, s6;
	v36 =	vld.idx.msk [tilespmem:v48+s26+$0x0], $0xffff;
	[tilespmem:s22+$0xD480] =	vst v18;
	v20 =	vand.u32 $0xFFFF0000, v20;
	v41 =	vshll.u32 v35, $0x10;
	v35 =	vand.u32 $0xFFFF0000, v35  }
0x34b: {  	[smem:$0x79C] =	sst s23;
	s23 =	sor.u32 s8, s19;
	s10 =	simm.s32 $0x2180;
	v22 =	vld.idx.msk [tilespmem:v22+s26+$0x0], $0xffff;
	[tilespmem:s30+$0x0] =	vst v19;
	v42 =	vshll.u32 v24, $0x10;
	v24 =	vand.u32 $0xFFFF0000, v24;
	v43 =	vshll.u32 v31, $0x10  }
0x34c: {  	[smem:$0x79B] =	sst s20;
	s20 =	smov.u32 s23;
	s23 =	smov.u32 s25;
	v55 =	vld.idx.msk [tilespmem:v17+s10+$0x0], $0xffff;
	v49 =	vshll.u32 v46, $0x10;
	v31 =	vand.u32 $0xFFFF0000, v31;
	v29 =	vand.u32 $0xFFFF0000, v46  }
0x34d: {  	[dreg:$0xc] =	wrdreg s23;
	v56 =	vld.idx.msk [tilespmem:v23+s10+$0x0], $0xffff;
	v50 =	vshll.u32 v34, $0x10;
	v34 =	vand.u32 $0xFFFF0000, v34;
	v29 =	vadd.f32 v29, v31  }
0x34e: {  	s21 =	sor.u32 s9, s15;
	s15 =	smov.u32 s2;
	s2 =	sor.u32 s9, s12;
	v53 =	vshll.u32 v37, $0x10;
	v54 =	vand.u32 $0xFFFF0000, v37;
	v30 =	vadd.f32 v49, v43;
	v18 =	vld.idx.msk [tilespmem:v25+s26+$0x0], $0xffff  }
0x34f: {  	s5 =	sor.u32 s9, s5;
	s6 =	sor.u32 s9, s6;
	s30 =	sld [smem:$0x798];
	v23 =	vand.u32 $0xFFFF0000, v26;
	v57 =	vand.u32 $0xFFFF0000, v36;
	v17 =	vadd.f32 v53, v40;
	v19 =	vld.idx.msk [tilespmem:v27+s26+$0x0], $0xffff;
	[tilespmem:s2+$0x0] =	vst v29  }
0x350: {  	s19 =	sor.u32 s9, s19;
	s1 =	sor.u32 s9, s1;
	s23 =	sld [smem:$0x794];
	v58 =	vld.idx.msk [tilespmem:v16+s10+$0x0], $0xffff;
	v20 =	vadd.f32 v54, v20;
	v25 =	vshll.u32 v6, $0x10;
	v27 =	vadd.f32 v39, v47;
	[tilespmem:s0+$0x0] =	vst v30  }
0x351: {  	s31 =	sor.u32 s8, s11;
	s8 =	sor.u32 s8, s12;
	s12 =	sld [smem:$0x796];
	v51 =	vshll.u32 v5, $0x10;
	v52 =	vand.u32 $0xFFFF0000, v5;
	v5 =	vld.idx.msk [tilespmem:v21+s10+$0x0], $0xffff;
	v21 =	vadd.f32 v32, v28;
	[tilespmem:s5+$0x0] =	vst v17  }
0x352: {  	s11 =	sor.u32 s9, s11;
	s17 =	sor.u32 s9, s17;
	s9 =	sld [smem:$0x799];
	v63 =	vld.idx.msk [tilespmem:v14+s10+$0x0], $0xffff;
	v6 =	vand.u32 $0xFFFF0000, v6;
	v14 =	vand.u32 $0xFFFF0000, v56;
	[tilespmem:s30+$0xD480] =	vst v27;
	v27 =	vshll.u32 v22, $0x10  }
0x353: {  	v22 =	vand.u32 $0xFFFF0000, v22;
	[tilespmem:s1+$0x0] =	vst v21;
	v21 =	vshll.u32 v26, $0x10;
	v26 =	vld.idx.msk [tilespmem:v15+s10+$0x0], $0xffff;
	v15 =	vadd.f32 v27, v41  }
0x354: {  	v60 =	vld.idx.msk [tilespmem:v12+s10+$0x0], $0xffff;
	[tilespmem:s6+$0x0] =	vst v20;
	v27 =	vshll.u32 v36, $0x10;
	v16 =	vadd.f32 v22, v35;
	v12 =	vadd.f32 v21, v42  }
0x355: {  	s22 =	smov.u32 s23;
	s23 =	smov.u32 s12;
	s12 =	sld [smem:$0x79A];
	v20 =	vshll.u32 v18, $0x10;
	[tilespmem:s9+$0x0] =	vst v15;
	v61 =	vshll.u32 v19, $0x10;
	v62 =	vand.u32 $0xFFFF0000, v19  }
0x356: {  	s30 =	sld [smem:$0x79D];
	v19 =	vshll.u32 v5, $0x10;
	v17 =	vand.u32 $0xFFFF0000, v5;
	[tilespmem:s11+$0x0] =	vst v16;
	v5 =	vadd.f32 v23, v24  }
0x357: {  	v21 =	vld.idx.msk [tilespmem:v9+s26+$0x0], $0xffff;
	v9 =	vand.u32 $0xFFFF0000, v58;
	v59 =	vand.u32 $0xFFFF0000, v18;
	[tilespmem:s17+$0x0] =	vst v12;
	v25 =	vadd.f32 v20, v25  }
.Ltmp8:
0x358: {  	v24 =	vld.idx.msk [tilespmem:v10+s26+$0x0], $0xffff;
	v18 =	vshll.u32 v55, $0x10;
	v10 =	vadd.f32 v27, v50;
	s17 =	sld [smem:$0x79B];
	v27 =	vadd.f32 v59, v6;
	[tilespmem:s12+$0x0] =	vst v5;
	(pc) =	sbr.rel @p0 .LBB2_18-.Ltmp8, $4  }
0x359: {  	s25 =	smov.u32 s29;
	s29 =	smov.u32 s24;
	s24 =	sld [smem:$0x790];
	v15 =	vand.u32 $0xFFFF0000, v55;
	v23 =	vld.idx.msk [tilespmem:v11+s26+$0x0], $0xffff;
	v16 =	vshll.u32 v56, $0x10;
	v11 =	vshll.u32 v60, $0x10;
	[tilespmem:s30+$0x0] =	vst v25  }
0x35a: {  	s2 =	sld [smem:$0x797];
	v20 =	vld.idx.msk [tilespmem:v7+s26+$0x0], $0xffff;
	v7 =	vand.u32 $0xFFFF0000, v60;
	v6 =	vshll.u32 v63, $0x10;
	v5 =	vadd.f32 v57, v34;
	[tilespmem:s3+$0x0] =	vst v27  }
0x35b: {  	s13 =	sadd.s32 $0x100, s13;
	s14 =	sadd.s32 $0x10, s14;
	s0 =	rddreg [dreg:$0x19];
	v22 =	vld.idx.msk [tilespmem:v8+s26+$0x0], $0xffff;
	v12 =	vshll.u32 v26, $0x10;
	v8 =	vand.u32 $0xFFFF0000, v26;
	v26 =	vadd.f32 v61, v51;
	[tilespmem:s17+$0x0] =	vst v10  }
0x35c: {  	s28 =	simm.s32 $0x2180;
	v13 =	vld.idx.msk [tilespmem:v13+s26+$0x0], $0xffff;
	s0 =	sadd.s32 $0x20, s0;
	v25 =	vadd.f32 v62, v52;
	v10 =	vshll.u32 v58, $0x10;
	[tilespmem:s19+$0x0] =	vst v5;
	s19 =	sld [smem:$0x79C];
	v5 =	vand.u32 $0xFFFF0000, v63  }
0x35d: {  	_ =	sdelay $0x2  }
0x35e: {  	v27 =	vshll.u32 v24, $0x10;
	[tilespmem:s18+$0x0] =	vst v26  }
0x35f: {  	v4 =	vld.idx.msk [tilespmem:v4+s26+$0x0], $0xffff;
	v49 =	vand.u32 $0xFFFF0000, v24;
	v19 =	vadd.f32 v27, v19;
	[tilespmem:s21+$0x0] =	vst v25  }
0x360: {  	v3 =	vld.idx.msk [tilespmem:v3+s28+$0x0], $0xffff;
	v17 =	vadd.f32 v49, v17;
	s0 =	rddreg [dreg:$0x7]  }
0x361: {  	v2 =	vld.idx.msk [tilespmem:v2+s26+$0x0], $0xffff;
	v50 =	vshll.u32 v23, $0x10;
	[tilespmem:s0+$0x0] =	vst v19  }
0x362: {  	v51 =	vand.u32 $0xFFFF0000, v23;
	v18 =	vadd.f32 v50, v18;
	[tilespmem:s19+$0x0] =	vst v17  }
0x363: {  	v15 =	vadd.f32 v51, v15;
	v52 =	vshll.u32 v22, $0x10;
	s0 =	rddreg [dreg:$0x5]  }
0x364: {  	v53 =	vand.u32 $0xFFFF0000, v22;
	v16 =	vadd.f32 v52, v16;
	[tilespmem:s0+$0x0] =	vst v18  }
0x365: {  	v54 =	vshll.u32 v21, $0x10;
	v14 =	vadd.f32 v53, v14;
	[tilespmem:s31+$0x0] =	vst v15  }
0x366: {  	v55 =	vand.u32 $0xFFFF0000, v21;
	v12 =	vadd.f32 v54, v12;
	[tilespmem:s24+$0x0] =	vst v16  }
0x367: {  	v8 =	vadd.f32 v55, v8;
	v56 =	vshll.u32 v20, $0x10;
	[tilespmem:s25+$0x0] =	vst v14  }
0x368: {  	v10 =	vadd.f32 v56, v10;
	[tilespmem:s2+$0x0] =	vst v12  }
0x369: {  	v57 =	vand.u32 $0xFFFF0000, v20;
	[tilespmem:s20+$0x0] =	vst v8  }
0x36a: {  	v9 =	vadd.f32 v57, v9;
	v58 =	vshll.u32 v13, $0x10;
	[tilespmem:s15+$0x0] =	vst v10  }
0x36b: {  	v59 =	vand.u32 $0xFFFF0000, v13;
	v8 =	vadd.f32 v58, v11;
	s0 =	rddreg [dreg:$0xc]  }
0x36c: {  	v60 =	vshll.u32 v4, $0x10;
	v7 =	vadd.f32 v59, v7;
	[tilespmem:s0+$0x0] =	vst v9  }
0x36d: {  	v4 =	vand.u32 $0xFFFF0000, v4;
	v6 =	vadd.f32 v60, v6;
	[tilespmem:s16+$0x0] =	vst v8  }
0x36e: {  	v61 =	vshll.u32 v3, $0x10;
	v62 =	vshll.u32 v2, $0x10;
	v4 =	vadd.f32 v4, v5;
	[tilespmem:s7+$0x0] =	vst v7  }
0x36f: {  	v3 =	vand.u32 $0xFFFF0000, v3;
	v2 =	vand.u32 $0xFFFF0000, v2;
	v63 =	vadd.f32 v62, v61;
	[tilespmem:s4+$0x0] =	vst v6  }
0x370: {  	v2 =	vadd.f32 v2, v3;
	[tilespmem:s8+$0x0] =	vst v4  }
0x371: {  	[tilespmem:s22+$0xD480] =	vst v63  }
0x372: {  	[tilespmem:s23+$0x0] =	vst v2  }
0x373: {  	s0 =	sld [smem:$0x7FD]  }
0x374: {  	s1 =	simm.s32 $0x800  }
0x375: {  	s3 =	simm.s32 $0xD480;
	s28 =	simm.s32 $0x3;
	s25 =	simm.s32 $0x10000  }
0x376: {  	[hbm4b:s0+s1] =	stream.strided.scatter [tilespmem:s3], [sflag:$0x4], $0x8000, s25, s1, $0x38;
	[tilespmem:$0x15480] =	vst v63  }
0x377: {  	_ =	swait.ge [sflag:s28], $0x8000  }
0x378: {  	[sflag:s28] =	ssyncset.done $0x0  }
0x379: {  	s29 =	simm.s32 $0x4;
	[sflag:s28] =	ssyncadd.s32 $0xFFFF8000  }
0x37a: {  	_ =	swait.ge [sflag:s29], $0x8000  }
0x37b: {  	s30 =	sld [smem:$0x7E8]  }
0x37c: {  	s31 =	sld [smem:$0x7FA];
	_ =	sdelay $0x1  }
0x37d: {  	s2 =	sadd.s32 $0x1, s30  }
0x37e: {  	p0 =	sne.s32 s2, s31  }
.Ltmp9:
0x37f: {  	_ = 	snop;
	(pc) =	sbr.rel @p0 .LBB2_1-.Ltmp9, $3  }
0x380: {  	_ =	sdelay $0x1  }
0x381: {  	[sflag:s29] =	ssyncset.done $0x0  }
0x382: {  	s9 =	simm.s32 $0x0;
	s3 =	simm.s32 $0x180;
	[sflag:s29] =	ssyncadd.s32 $0xFFFF8000  }
0x383: {  	_ =	sfence.sel $0x180000  }
0x384: {  	[bflag:$0x0] =	sbarrier.arrive $0xFFFF  }
0x385: {  	_ =	strace $0x90000047  }
0x386: {  	s0 =	stileid.u32;
	[bflag:$0x2] =	sbarrier.arrive $0xFFFF  }
0x387: {  	p0 =	sne.s32 s0, $0x0;
	s0 =	rddreg [dreg:$0x4]  }
0x388: {  	s0 =	sadd.s32 @!p0 $0x100000, s0  }
0x389: {  	[sflag:s0] =	ssyncadd.tile.s32 @!p0 $0x1;
	_ =	shalt  }
.Lfunc_end2:
_tile_overlayer_lowered:
.L_overlay_start_2:
0x38a: {  	(tag) =	ssettag $0x2  }
0x38b: {  	s0 =	rddreg [dreg:$0x0];
	s2 =	stileid.u32  }
0x38c: {  	s1 =	rddreg [dreg:$0x1];
	p0 =	sne.s32 s2, $0x0  }
0x38d: {  	s3 =	rddreg [dreg:$0x2];
	[bflag:$0x3] =	sbarrier.arrive $0xFFFF;
	s2 =	simm.s32 @!p0 $0x1C05  }
0x38e: {  	[timem:s3], [sflag:s2] =	dma.local @!p0 [hbm:s0], s1  }
0x38f: {  	s0 =	simm.s32 @!p0 $0x5  }
0x390: {  	_ =	swait.ge @!p0 [sflag:s0], s1  }
0x391: {  	s1 =	ssub.s32 @!p0 $0x0, s1;
	[sflag:s0] =	ssyncset.done @!p0 $0x0  }
0x392: {  	[sflag:s0] =	ssyncadd.s32 @!p0 s1  }
0x393: {  	[bflag:$0x3] =	sbarrier.arrive $0xFFFF  }
0x394: {  	_ =	shalt  }

</sc_bundles>
